<compile_context>
chip_gen: v7x
topology: tpu7x:2x2x1
jax: 0.10.2.dev20260603
libtpu: 0.0.44.dev20260713+nightly
codegen_flags: <defaults>
</compile_context>

<pallas_src>
import functools
import jax
import jax.numpy as jnp
import numpy as np
from jax import lax
from jax.experimental import pallas as pl
from jax.experimental.pallas import tpu as pltpu
from jax.experimental.pallas import tpu_sc as plsc

_B = 4096
_NS = 26
_ND = 13
_V = 100000
_D = 4
_NF = _NS + _ND
_EPS = 0.001
_PAD = 128

_fi, _fj = np.triu_indices(_NF, k=1)
_P = _fi.shape[0]
_BPAD = 768
_BIDX = np.full((_BPAD,), 127 * 128 + 127, np.int32)
_BIDX[:_P] = (_fi * 128 + _fj).astype(np.int32)
_BIDX = _BIDX.reshape(6, 128)

_NW = 32
_NWORDS = _B * _NS * _D
_CHUNK = 128
_WPW = _NWORDS // _NW
_CPW = _WPW // _CHUNK
_FIRE = 13


@functools.lru_cache(maxsize=None)
def _make_sc_gather():
    return functools.partial(
        pl.kernel,
        out_type=(
            jax.ShapeDtypeStruct((_NWORDS,), jnp.float32),
            jax.ShapeDtypeStruct((_PAD * _PAD,), jnp.float32),
        ),
        mesh=plsc.VectorSubcoreMesh(core_axis_name="c", subcore_axis_name="s"),
        scratch_types=[
            pltpu.VMEM((_CPW, _CHUNK), jnp.int32),
            pltpu.VMEM((_WPW,), jnp.float32),
            pltpu.VMEM((6, 128), jnp.float32),
            pltpu.VMEM((6, 128), jnp.int32),
            pltpu.SemaphoreType.DMA,
        ],
        compiler_params=pltpu.CompilerParams(use_tc_tiling_on_sc=False),
    )(_sc_gather_body)


def _sc_gather_body(table_hbm, idx_hbm, beta_hbm, bidx_hbm,
                    out_hbm, bmat_hbm, idx_v, rows_v, beta_v, bidx_v, sem):
    wid = lax.axis_index("s") * 2 + lax.axis_index("c")
    pltpu.sync_copy(idx_hbm.at[wid], idx_v)

    @pl.when(wid == 0)
    def _():
        pltpu.sync_copy(beta_hbm, beta_v)
        pltpu.sync_copy(bidx_hbm, bidx_v)
        scps = []
        for j in range(6):
            scps.append(
                pltpu.async_copy(
                    beta_v.at[j], bmat_hbm.at[bidx_v.at[j]], sem,
                )
            )
        for cp in scps:
            cp.wait()

    for g in range(_CPW // _FIRE):
        cps = []
        for j in range(_FIRE):
            jj = g * _FIRE + j
            cps.append(
                pltpu.async_copy(
                    table_hbm.at[idx_v.at[jj]],
                    rows_v.at[pl.ds(jj * _CHUNK, _CHUNK)],
                    sem,
                )
            )
        for cp in cps:
            cp.wait()
    pltpu.sync_copy(rows_v, out_hbm.at[pl.ds(wid * _WPW, _WPW)])


def _dotNT(a, b):
    return lax.dot_general(
        a, b, (((1,), (1,)), ((), ())),
        preferred_element_type=jnp.float32,
        precision=lax.Precision.HIGHEST,
    )


def _tc_body(es_ref, xdt_ref, w_ref, bmat_ref, out_ref):
    dpt = xdt_ref[...] * w_ref[...]
    zpad = jnp.zeros((_PAD - _NF, _B), jnp.float32)
    f = [jnp.concatenate([es_ref[d], dpt, zpad], axis=0) for d in range(_D)]
    s = _dotNT(f[0], f[0])
    for d in range(1, _D):
        s = s + _dotNT(f[d], f[d])
    m2 = s * (1.0 / _B)
    q = None
    for d in range(_D):
        for d2 in range(d, _D):
            g = f[d] * f[d2]
            t = _dotNT(g, g)
            t = t if d == d2 else t * 2.0
            q = t if q is None else q + t
    var = q * (1.0 / _B) - m2 * m2
    ii = lax.broadcasted_iota(jnp.int32, (_PAD, _PAD), 0)
    jj = lax.broadcasted_iota(jnp.int32, (_PAD, _PAD), 1)
    pair_mask = (ii < jj) & (jj < _NF)
    bm = jnp.where(pair_mask, bmat_ref[...], 0.0)
    w = jnp.tanh(bm) * lax.rsqrt(var + _EPS)
    c = jnp.sum(w * m2)
    acc = None
    for d in range(_D):
        a = lax.dot_general(
            w, f[d], (((0,), (0,)), ((), ())),
            preferred_element_type=jnp.float32,
            precision=lax.Precision.HIGHEST,
        ) * f[d]
        acc = a if acc is None else acc + a
    out_ref[...] = jnp.sum(acc, axis=0, keepdims=True) - c


_tc_call = pl.pallas_call(
    _tc_body,
    out_shape=jax.ShapeDtypeStruct((1, _B), jnp.float32),
    compiler_params=pltpu.CompilerParams(vmem_limit_bytes=100 * 1024 * 1024),
)


def kernel(X, emb_tables, weight, beta):
    sparse_idx_t = X[:, :_NS].astype(jnp.int32).T
    table_flat = emb_tables.transpose(0, 2, 1).reshape(_NS * _D * _V)
    widx = (sparse_idx_t[None, :, :]
            + (jnp.arange(_D, dtype=jnp.int32) * _V)[:, None, None]
            + (jnp.arange(_NS, dtype=jnp.int32) * (_D * _V))[None, :, None]
            ).reshape(_NW, _CPW, _CHUNK)
    beta_pad = jnp.pad(beta, (0, _BPAD - _P)).reshape(6, 128)
    es_flat, bmat_flat = _make_sc_gather()(
        table_flat, widx, beta_pad, jnp.asarray(_BIDX))
    es = es_flat.reshape(_D, _NS, _B)
    xdt = X[:, _NS:].T
    out = _tc_call(es, xdt, weight, bmat_flat.reshape(_PAD, _PAD))
    return out.reshape(_B, 1)

# --- scband reference (transcript-rebuilt; emitter-appended) ---
"""Pipeline reference for scband-normalized-weighted-fmlayer-35734127902748 (READ-ONLY COPY).

The authoritative reference and input builder live on the scoring server;
editing this copy changes nothing except your own understanding.
"""

import jax, jax.numpy as jnp
import numpy as np

B = 4096
NS = 26   # sparse fields
ND = 13   # dense fields
V = 100000
D = 4     # embedding dim (hardcoded by expand(...,4) in the torch module)
NF = NS + ND
EPS = 0.001

# all unordered pairs (i < j) over the NF fields, matching generate_pair_index(NF, 2)
_fi, _fj = np.triu_indices(NF, k=1)
FEAT_I = jnp.asarray(_fi, dtype=jnp.int32)
FEAT_J = jnp.asarray(_fj, dtype=jnp.int32)
P = FEAT_I.shape[0]  # 741


def setup_inputs(seed: int = 0) -> dict:
    key = jax.random.key(seed)
    k1, k2, k3, k4, k5 = jax.random.split(key, 5)
    sparse_idx = jax.random.randint(k1, (B, NS), 0, V)
    dense_vals = jax.random.uniform(k2, (B, ND), dtype=jnp.float32)
    X = jnp.concatenate([sparse_idx.astype(jnp.float32), dense_vals], axis=1)
    # one embedding table per sparse field, init std = 1e-4
    emb_tables = jax.random.normal(k3, (NS, V, D), dtype=jnp.float32) * 1e-4
    # dense linear weight [sum(dense dims), 1]
    weight = jax.random.normal(k4, (ND, 1), dtype=jnp.float32) * 1e-4
    # beta ~ Uniform(mean - radius, mean + radius)
    beta = 0.5 + (jax.random.uniform(k5, (P,), dtype=jnp.float32) * 2.0 - 1.0) * 0.001
    return {"X": X, "emb_tables": emb_tables, "weight": weight, "beta": beta}


def reference(X, emb_tables, weight, beta):
    sparse_idx = X[:, :NS].astype(jnp.int32)               # [B, NS]
    # per-field embedding lookup (each field has its own table)
    sparse_emb = jnp.stack(
        [jnp.take(emb_tables[f], sparse_idx[:, f], axis=0) for f in range(NS)],
        axis=1,
    )                                                       # [B, NS, D]
    dense = X[:, NS:]                                       # [B, ND]
    weight_dense = dense[:, :, None] * weight               # [B, ND, 1]
    weight_dense_pad = jnp.broadcast_to(weight_dense, (X.shape[0], ND, D))  # [B, ND, D]
    embed_matrix = jnp.concatenate([sparse_emb, weight_dense_pad], axis=1)  # [B, NF, D]
    embed_i = jnp.take(embed_matrix, FEAT_I, axis=1)        # [B, P, D]
    embed_j = jnp.take(embed_matrix, FEAT_J, axis=1)        # [B, P, D]
    embed_product = jnp.sum(embed_i * embed_j, axis=2)      # [B, P]
    # BatchNorm1d(affine=False), training mode: batch stats, biased variance
    mean = jnp.mean(embed_product, axis=0, keepdims=True)
    var = jnp.var(embed_product, axis=0, keepdims=True)
    normed = (embed_product - mean) / jnp.sqrt(var + EPS)
    weighted = normed * jnp.tanh(beta)[None, :]
    return jnp.sum(weighted, axis=1, keepdims=True)         # [B, 1]

if __name__ == "__main__":
    import jax
    _d = setup_inputs()
    print(jax.jit(kernel)(*tuple(_d.values())))

</pallas_src>

<mosaic_0001>
#map = affine_map<(d0, d1) -> (0)>
#map1 = affine_map<(d0, d1) -> (0, 0, 0)>
#map2 = affine_map<(d0, d1) -> (0, 0)>
module attributes {stable_mosaic.version = 14 : i64} {
  func.func @_sc_gather_body(%arg0: i32, %arg1: i32, %arg2: memref<10400000xf32, #tpu.memory_space<hbm>>, %arg3: memref<32x104x128xi32, #tpu.memory_space<hbm>>, %arg4: memref<6x128xf32, #tpu.memory_space<hbm>>, %arg5: memref<6x128xi32, #tpu.memory_space<hbm>>, %arg6: memref<425984xf32, #tpu.memory_space<hbm>>, %arg7: memref<16384xf32, #tpu.memory_space<hbm>>, %arg8: memref<104x128xi32, #tpu.memory_space<vmem>>, %arg9: memref<13312xf32, #tpu.memory_space<vmem>>, %arg10: memref<6x128xf32, #tpu.memory_space<vmem>>, %arg11: memref<6x128xi32, #tpu.memory_space<vmem>>, %arg12: memref<!tpu.dma_semaphore, #tpu.memory_space<semaphore_mem>>) attributes {dimension_semantics = [#tpu.dimension_semantics<core_parallel>, #tpu.dimension_semantics<subcore_parallel>], iteration_bounds = array<i64: 2, 16>, scalar_prefetch = 0 : i64, scratch_operands = 5 : i64, tpu.core_type = #tpu.core_type<sc_vector_subcore>, window_params = [{transform_indices = #map}, {transform_indices = #map1}, {transform_indices = #map2}, {transform_indices = #map2}, {transform_indices = #map}, {transform_indices = #map}]} {
    %mul3A = arith.constant 2 : i32
    %mul3A_0 = arith.muli %arg1, %mul3A : i32
    %add3A = arith.addi %mul3A_0, %arg0 : i32
    "tpu.region"() ({
      %run_scoped3A = tpu.sem_alloc : memref<!tpu.dma_semaphore, #tpu.memory_space<semaphore_mem>>
      %dma_start3A_1667 = arith.constant 0 : i32
      %dma_start3A_1668 = arith.constant 0 : i32
      %dma_start3A_1669 = tpu.memref_slice %arg3[%add3A, %dma_start3A_1667, %dma_start3A_1668] : memref<32x104x128xi32, #tpu.memory_space<hbm>> -> memref<1x104x128xi32, #tpu.memory_space<hbm>>
      %dma_start3A_1670 = tpu.memref_squeeze %dma_start3A_1669 : memref<1x104x128xi32, #tpu.memory_space<hbm>> -> memref<104x128xi32, #tpu.memory_space<hbm>>
      %dma_start3A_1671 = arith.constant 0 : i32
      %dma_start3A_1672 = arith.constant 0 : i32
      %dma_start3A_1673 = tpu.memref_slice %arg3[%add3A, %dma_start3A_1671, %dma_start3A_1672] : memref<32x104x128xi32, #tpu.memory_space<hbm>> -> memref<1x104x128xi32, #tpu.memory_space<hbm>>
      %dma_start3A_1674 = tpu.memref_squeeze %dma_start3A_1673 : memref<1x104x128xi32, #tpu.memory_space<hbm>> -> memref<104x128xi32, #tpu.memory_space<hbm>>
      tpu.enqueue_dma source(%dma_start3A_1674 : memref<104x128xi32, #tpu.memory_space<hbm>>) target(%arg8 : memref<104x128xi32, #tpu.memory_space<vmem>>) target_semaphore(%run_scoped3A : memref<!tpu.dma_semaphore, #tpu.memory_space<semaphore_mem>>)
      %dma_wait3A_1675 = arith.constant 0 : i32
      %dma_wait3A_1676 = arith.constant 0 : i32
      %dma_wait3A_1677 = tpu.memref_slice %arg3[%add3A, %dma_wait3A_1675, %dma_wait3A_1676] : memref<32x104x128xi32, #tpu.memory_space<hbm>> -> memref<1x104x128xi32, #tpu.memory_space<hbm>>
      %dma_wait3A_1678 = tpu.memref_squeeze %dma_wait3A_1677 : memref<1x104x128xi32, #tpu.memory_space<hbm>> -> memref<104x128xi32, #tpu.memory_space<hbm>>
      %dma_wait3A_1679 = arith.constant 0 : i32
      %dma_wait3A_1680 = arith.constant 0 : i32
      %dma_wait3A_1681 = tpu.memref_slice %arg3[%add3A, %dma_wait3A_1679, %dma_wait3A_1680] : memref<32x104x128xi32, #tpu.memory_space<hbm>> -> memref<1x104x128xi32, #tpu.memory_space<hbm>>
      %dma_wait3A_1682 = tpu.memref_squeeze %dma_wait3A_1681 : memref<1x104x128xi32, #tpu.memory_space<hbm>> -> memref<104x128xi32, #tpu.memory_space<hbm>>
      tpu.wait_dma2 semaphore(%run_scoped3A : memref<!tpu.dma_semaphore, #tpu.memory_space<semaphore_mem>>) src(%dma_wait3A_1682 : memref<104x128xi32, #tpu.memory_space<hbm>>) dst(%arg8 : memref<104x128xi32, #tpu.memory_space<vmem>>)
      tpu.yield
    }) : () -> ()
    %eq3A = arith.constant 0 : i32
    %eq3A_1 = arith.cmpi eq, %add3A, %eq3A : i32
    %convert_element_type3A = arith.extui %eq3A_1 : i1 to i32
    %cond3A = arith.constant 0 : i32
    %cond3A_2 = arith.cmpi ne, %convert_element_type3A, %cond3A : i32
    scf.if %cond3A_2 {
      "tpu.region"() ({
        %run_scoped3A = tpu.sem_alloc : memref<!tpu.dma_semaphore, #tpu.memory_space<semaphore_mem>>
        tpu.enqueue_dma source(%arg4 : memref<6x128xf32, #tpu.memory_space<hbm>>) target(%arg10 : memref<6x128xf32, #tpu.memory_space<vmem>>) target_semaphore(%run_scoped3A : memref<!tpu.dma_semaphore, #tpu.memory_space<semaphore_mem>>)
        tpu.wait_dma2 semaphore(%run_scoped3A : memref<!tpu.dma_semaphore, #tpu.memory_space<semaphore_mem>>) src(%arg4 : memref<6x128xf32, #tpu.memory_space<hbm>>) dst(%arg10 : memref<6x128xf32, #tpu.memory_space<vmem>>)
        tpu.yield
      }) : () -> ()
      "tpu.region"() ({
        %run_scoped3A = tpu.sem_alloc : memref<!tpu.dma_semaphore, #tpu.memory_space<semaphore_mem>>
        tpu.enqueue_dma source(%arg5 : memref<6x128xi32, #tpu.memory_space<hbm>>) target(%arg11 : memref<6x128xi32, #tpu.memory_space<vmem>>) target_semaphore(%run_scoped3A : memref<!tpu.dma_semaphore, #tpu.memory_space<semaphore_mem>>)
        tpu.wait_dma2 semaphore(%run_scoped3A : memref<!tpu.dma_semaphore, #tpu.memory_space<semaphore_mem>>) src(%arg5 : memref<6x128xi32, #tpu.memory_space<hbm>>) dst(%arg11 : memref<6x128xi32, #tpu.memory_space<vmem>>)
        tpu.yield
      }) : () -> ()
      %dma_start3A_1667 = arith.constant 0 : i32
      %dma_start3A_1668 = arith.constant 0 : i32
      %dma_start3A_1669 = arith.constant 0 : i32
      %dma_start3A_1670 = tpu.memref_slice %arg10[%dma_start3A_1667, %dma_start3A_1669] : memref<6x128xf32, #tpu.memory_space<vmem>> -> memref<1x128xf32, #tpu.memory_space<vmem>>
      %dma_start3A_1671 = tpu.memref_squeeze %dma_start3A_1670 : memref<1x128xf32, #tpu.memory_space<vmem>> -> memref<128xf32, #tpu.memory_space<vmem>>
      %dma_start3A_1672 = arith.constant 0 : i32
      %dma_start3A_1673 = tpu.memref_slice %arg11[%dma_start3A_1668, %dma_start3A_1672] : memref<6x128xi32, #tpu.memory_space<vmem>> -> memref<1x128xi32, #tpu.memory_space<vmem>>
      %dma_start3A_1674 = tpu.memref_squeeze %dma_start3A_1673 : memref<1x128xi32, #tpu.memory_space<vmem>> -> memref<128xi32, #tpu.memory_space<vmem>>
      %dma_start3A_1675 = arith.constant 0 : i32
      %dma_start3A_1676 = tpu.memref_slice %arg7[%dma_start3A_1675] : memref<16384xf32, #tpu.memory_space<hbm>> -> memref<16384xf32, #tpu.memory_space<hbm>>
      tpu.enqueue_indirect_dma source(%dma_start3A_1671 : memref<128xf32, #tpu.memory_space<vmem>>) target(%dma_start3A_1676 : memref<16384xf32, #tpu.memory_space<hbm>>) offsets(%dma_start3A_1674 : memref<128xi32, #tpu.memory_space<vmem>>) semaphore(%arg12 : memref<!tpu.dma_semaphore, #tpu.memory_space<semaphore_mem>>)
      %dma_start3A_1677 = arith.constant 1 : i32
      %dma_start3A_1678 = arith.constant 1 : i32
      %dma_start3A_1679 = arith.constant 0 : i32
      %dma_start3A_1680 = tpu.memref_slice %arg10[%dma_start3A_1677, %dma_start3A_1679] : memref<6x128xf32, #tpu.memory_space<vmem>> -> memref<1x128xf32, #tpu.memory_space<vmem>>
      %dma_start3A_1681 = tpu.memref_squeeze %dma_start3A_1680 : memref<1x128xf32, #tpu.memory_space<vmem>> -> memref<128xf32, #tpu.memory_space<vmem>>
      %dma_start3A_1682 = arith.constant 0 : i32
      %dma_start3A_1683 = tpu.memref_slice %arg11[%dma_start3A_1678, %dma_start3A_1682] : memref<6x128xi32, #tpu.memory_space<vmem>> -> memref<1x128xi32, #tpu.memory_space<vmem>>
      %dma_start3A_1684 = tpu.memref_squeeze %dma_start3A_1683 : memref<1x128xi32, #tpu.memory_space<vmem>> -> memref<128xi32, #tpu.memory_space<vmem>>
      %dma_start3A_1685 = arith.constant 0 : i32
      %dma_start3A_1686 = tpu.memref_slice %arg7[%dma_start3A_1685] : memref<16384xf32, #tpu.memory_space<hbm>> -> memref<16384xf32, #tpu.memory_space<hbm>>
      tpu.enqueue_indirect_dma source(%dma_start3A_1681 : memref<128xf32, #tpu.memory_space<vmem>>) target(%dma_start3A_1686 : memref<16384xf32, #tpu.memory_space<hbm>>) offsets(%dma_start3A_1684 : memref<128xi32, #tpu.memory_space<vmem>>) semaphore(%arg12 : memref<!tpu.dma_semaphore, #tpu.memory_space<semaphore_mem>>)
      %dma_start3A_1687 = arith.constant 2 : i32
      %dma_start3A_1688 = arith.constant 2 : i32
      %dma_start3A_1689 = arith.constant 0 : i32
      %dma_start3A_1690 = tpu.memref_slice %arg10[%dma_start3A_1687, %dma_start3A_1689] : memref<6x128xf32, #tpu.memory_space<vmem>> -> memref<1x128xf32, #tpu.memory_space<vmem>>
      %dma_start3A_1691 = tpu.memref_squeeze %dma_start3A_1690 : memref<1x128xf32, #tpu.memory_space<vmem>> -> memref<128xf32, #tpu.memory_space<vmem>>
      %dma_start3A_1692 = arith.constant 0 : i32
      %dma_start3A_1693 = tpu.memref_slice %arg11[%dma_start3A_1688, %dma_start3A_1692] : memref<6x128xi32, #tpu.memory_space<vmem>> -> memref<1x128xi32, #tpu.memory_space<vmem>>
      %dma_start3A_1694 = tpu.memref_squeeze %dma_start3A_1693 : memref<1x128xi32, #tpu.memory_space<vmem>> -> memref<128xi32, #tpu.memory_space<vmem>>
      %dma_start3A_1695 = arith.constant 0 : i32
      %dma_start3A_1696 = tpu.memref_slice %arg7[%dma_start3A_1695] : memref<16384xf32, #tpu.memory_space<hbm>> -> memref<16384xf32, #tpu.memory_space<hbm>>
      tpu.enqueue_indirect_dma source(%dma_start3A_1691 : memref<128xf32, #tpu.memory_space<vmem>>) target(%dma_start3A_1696 : memref<16384xf32, #tpu.memory_space<hbm>>) offsets(%dma_start3A_1694 : memref<128xi32, #tpu.memory_space<vmem>>) semaphore(%arg12 : memref<!tpu.dma_semaphore, #tpu.memory_space<semaphore_mem>>)
      %dma_start3A_1697 = arith.constant 3 : i32
      %dma_start3A_1698 = arith.constant 3 : i32
      %dma_start3A_1699 = arith.constant 0 : i32
      %dma_start3A_1700 = tpu.memref_slice %arg10[%dma_start3A_1697, %dma_start3A_1699] : memref<6x128xf32, #tpu.memory_space<vmem>> -> memref<1x128xf32, #tpu.memory_space<vmem>>
      %dma_start3A_1701 = tpu.memref_squeeze %dma_start3A_1700 : memref<1x128xf32, #tpu.memory_space<vmem>> -> memref<128xf32, #tpu.memory_space<vmem>>
      %dma_start3A_1702 = arith.constant 0 : i32
      %dma_start3A_1703 = tpu.memref_slice %arg11[%dma_start3A_1698, %dma_start3A_1702] : memref<6x128xi32, #tpu.memory_space<vmem>> -> memref<1x128xi32, #tpu.memory_space<vmem>>
      %dma_start3A_1704 = tpu.memref_squeeze %dma_start3A_1703 : memref<1x128xi32, #tpu.memory_space<vmem>> -> memref<128xi32, #tpu.memory_space<vmem>>
      %dma_start3A_1705 = arith.constant 0 : i32
      %dma_start3A_1706 = tpu.memref_slice %arg7[%dma_start3A_1705] : memref<16384xf32, #tpu.memory_space<hbm>> -> memref<16384xf32, #tpu.memory_space<hbm>>
      tpu.enqueue_indirect_dma source(%dma_start3A_1701 : memref<128xf32, #tpu.memory_space<vmem>>) target(%dma_start3A_1706 : memref<16384xf32, #tpu.memory_space<hbm>>) offsets(%dma_start3A_1704 : memref<128xi32, #tpu.memory_space<vmem>>) semaphore(%arg12 : memref<!tpu.dma_semaphore, #tpu.memory_space<semaphore_mem>>)
      %dma_start3A_1707 = arith.constant 4 : i32
      %dma_start3A_1708 = arith.constant 4 : i32
      %dma_start3A_1709 = arith.constant 0 : i32
      %dma_start3A_1710 = tpu.memref_slice %arg10[%dma_start3A_1707, %dma_start3A_1709] : memref<6x128xf32, #tpu.memory_space<vmem>> -> memref<1x128xf32, #tpu.memory_space<vmem>>
      %dma_start3A_1711 = tpu.memref_squeeze %dma_start3A_1710 : memref<1x128xf32, #tpu.memory_space<vmem>> -> memref<128xf32, #tpu.memory_space<vmem>>
      %dma_start3A_1712 = arith.constant 0 : i32
      %dma_start3A_1713 = tpu.memref_slice %arg11[%dma_start3A_1708, %dma_start3A_1712] : memref<6x128xi32, #tpu.memory_space<vmem>> -> memref<1x128xi32, #tpu.memory_space<vmem>>
      %dma_start3A_1714 = tpu.memref_squeeze %dma_start3A_1713 : memref<1x128xi32, #tpu.memory_space<vmem>> -> memref<128xi32, #tpu.memory_space<vmem>>
      %dma_start3A_1715 = arith.constant 0 : i32
      %dma_start3A_1716 = tpu.memref_slice %arg7[%dma_start3A_1715] : memref<16384xf32, #tpu.memory_space<hbm>> -> memref<16384xf32, #tpu.memory_space<hbm>>
      tpu.enqueue_indirect_dma source(%dma_start3A_1711 : memref<128xf32, #tpu.memory_space<vmem>>) target(%dma_start3A_1716 : memref<16384xf32, #tpu.memory_space<hbm>>) offsets(%dma_start3A_1714 : memref<128xi32, #tpu.memory_space<vmem>>) semaphore(%arg12 : memref<!tpu.dma_semaphore, #tpu.memory_space<semaphore_mem>>)
      %dma_start3A_1717 = arith.constant 5 : i32
      %dma_start3A_1718 = arith.constant 5 : i32
      %dma_start3A_1719 = arith.constant 0 : i32
      %dma_start3A_1720 = tpu.memref_slice %arg10[%dma_start3A_1717, %dma_start3A_1719] : memref<6x128xf32, #tpu.memory_space<vmem>> -> memref<1x128xf32, #tpu.memory_space<vmem>>
      %dma_start3A_1721 = tpu.memref_squeeze %dma_start3A_1720 : memref<1x128xf32, #tpu.memory_space<vmem>> -> memref<128xf32, #tpu.memory_space<vmem>>
      %dma_start3A_1722 = arith.constant 0 : i32
      %dma_start3A_1723 = tpu.memref_slice %arg11[%dma_start3A_1718, %dma_start3A_1722] : memref<6x128xi32, #tpu.memory_space<vmem>> -> memref<1x128xi32, #tpu.memory_space<vmem>>
      %dma_start3A_1724 = tpu.memref_squeeze %dma_start3A_1723 : memref<1x128xi32, #tpu.memory_space<vmem>> -> memref<128xi32, #tpu.memory_space<vmem>>
      %dma_start3A_1725 = arith.constant 0 : i32
      %dma_start3A_1726 = tpu.memref_slice %arg7[%dma_start3A_1725] : memref<16384xf32, #tpu.memory_space<hbm>> -> memref<16384xf32, #tpu.memory_space<hbm>>
      tpu.enqueue_indirect_dma source(%dma_start3A_1721 : memref<128xf32, #tpu.memory_space<vmem>>) target(%dma_start3A_1726 : memref<16384xf32, #tpu.memory_space<hbm>>) offsets(%dma_start3A_1724 : memref<128xi32, #tpu.memory_space<vmem>>) semaphore(%arg12 : memref<!tpu.dma_semaphore, #tpu.memory_space<semaphore_mem>>)
      %dma_wait3A_1727 = arith.constant 0 : i32
      %dma_wait3A_1728 = arith.constant 0 : i32
      %dma_wait3A_1729 = arith.constant 0 : i32
      %dma_wait3A_1730 = tpu.memref_slice %arg10[%dma_wait3A_1727, %dma_wait3A_1729] : memref<6x128xf32, #tpu.memory_space<vmem>> -> memref<1x128xf32, #tpu.memory_space<vmem>>
      %dma_wait3A_1731 = tpu.memref_squeeze %dma_wait3A_1730 : memref<1x128xf32, #tpu.memory_space<vmem>> -> memref<128xf32, #tpu.memory_space<vmem>>
      %dma_wait3A_1732 = arith.constant 0 : i32
      %dma_wait3A_1733 = tpu.memref_slice %arg11[%dma_wait3A_1728, %dma_wait3A_1732] : memref<6x128xi32, #tpu.memory_space<vmem>> -> memref<1x128xi32, #tpu.memory_space<vmem>>
      %dma_wait3A_1734 = tpu.memref_squeeze %dma_wait3A_1733 : memref<1x128xi32, #tpu.memory_space<vmem>> -> memref<128xi32, #tpu.memory_space<vmem>>
      %dma_wait3A_1735 = arith.constant 0 : i32
      %dma_wait3A_1736 = tpu.memref_slice %arg7[%dma_wait3A_1735] : memref<16384xf32, #tpu.memory_space<hbm>> -> memref<16384xf32, #tpu.memory_space<hbm>>
      tpu.wait_indirect_dma semaphore(%arg12 : memref<!tpu.dma_semaphore, #tpu.memory_space<semaphore_mem>>) src(%dma_wait3A_1731 : memref<128xf32, #tpu.memory_space<vmem>>) dst(%dma_wait3A_1736 : memref<16384xf32, #tpu.memory_space<hbm>>)
      %dma_wait3A_1737 = arith.constant 1 : i32
      %dma_wait3A_1738 = arith.constant 1 : i32
      %dma_wait3A_1739 = arith.constant 0 : i32
      %dma_wait3A_1740 = tpu.memref_slice %arg10[%dma_wait3A_1737, %dma_wait3A_1739] : memref<6x128xf32, #tpu.memory_space<vmem>> -> memref<1x128xf32, #tpu.memory_space<vmem>>
      %dma_wait3A_1741 = tpu.memref_squeeze %dma_wait3A_1740 : memref<1x128xf32, #tpu.memory_space<vmem>> -> memref<128xf32, #tpu.memory_space<vmem>>
      %dma_wait3A_1742 = arith.constant 0 : i32
      %dma_wait3A_1743 = tpu.memref_slice %arg11[%dma_wait3A_1738, %dma_wait3A_1742] : memref<6x128xi32, #tpu.memory_space<vmem>> -> memref<1x128xi32, #tpu.memory_space<vmem>>
      %dma_wait3A_1744 = tpu.memref_squeeze %dma_wait3A_1743 : memref<1x128xi32, #tpu.memory_space<vmem>> -> memref<128xi32, #tpu.memory_space<vmem>>
      %dma_wait3A_1745 = arith.constant 0 : i32
      %dma_wait3A_1746 = tpu.memref_slice %arg7[%dma_wait3A_1745] : memref<16384xf32, #tpu.memory_space<hbm>> -> memref<16384xf32, #tpu.memory_space<hbm>>
      tpu.wait_indirect_dma semaphore(%arg12 : memref<!tpu.dma_semaphore, #tpu.memory_space<semaphore_mem>>) src(%dma_wait3A_1741 : memref<128xf32, #tpu.memory_space<vmem>>) dst(%dma_wait3A_1746 : memref<16384xf32, #tpu.memory_space<hbm>>)
      %dma_wait3A_1747 = arith.constant 2 : i32
      %dma_wait3A_1748 = arith.constant 2 : i32
      %dma_wait3A_1749 = arith.constant 0 : i32
      %dma_wait3A_1750 = tpu.memref_slice %arg10[%dma_wait3A_1747, %dma_wait3A_1749] : memref<6x128xf32, #tpu.memory_space<vmem>> -> memref<1x128xf32, #tpu.memory_space<vmem>>
      %dma_wait3A_1751 = tpu.memref_squeeze %dma_wait3A_1750 : memref<1x128xf32, #tpu.memory_space<vmem>> -> memref<128xf32, #tpu.memory_space<vmem>>
      %dma_wait3A_1752 = arith.constant 0 : i32
      %dma_wait3A_1753 = tpu.memref_slice %arg11[%dma_wait3A_1748, %dma_wait3A_1752] : memref<6x128xi32, #tpu.memory_space<vmem>> -> memref<1x128xi32, #tpu.memory_space<vmem>>
      %dma_wait3A_1754 = tpu.memref_squeeze %dma_wait3A_1753 : memref<1x128xi32, #tpu.memory_space<vmem>> -> memref<128xi32, #tpu.memory_space<vmem>>
      %dma_wait3A_1755 = arith.constant 0 : i32
      %dma_wait3A_1756 = tpu.memref_slice %arg7[%dma_wait3A_1755] : memref<16384xf32, #tpu.memory_space<hbm>> -> memref<16384xf32, #tpu.memory_space<hbm>>
      tpu.wait_indirect_dma semaphore(%arg12 : memref<!tpu.dma_semaphore, #tpu.memory_space<semaphore_mem>>) src(%dma_wait3A_1751 : memref<128xf32, #tpu.memory_space<vmem>>) dst(%dma_wait3A_1756 : memref<16384xf32, #tpu.memory_space<hbm>>)
      %dma_wait3A_1757 = arith.constant 3 : i32
      %dma_wait3A_1758 = arith.constant 3 : i32
      %dma_wait3A_1759 = arith.constant 0 : i32
      %dma_wait3A_1760 = tpu.memref_slice %arg10[%dma_wait3A_1757, %dma_wait3A_1759] : memref<6x128xf32, #tpu.memory_space<vmem>> -> memref<1x128xf32, #tpu.memory_space<vmem>>
      %dma_wait3A_1761 = tpu.memref_squeeze %dma_wait3A_1760 : memref<1x128xf32, #tpu.memory_space<vmem>> -> memref<128xf32, #tpu.memory_space<vmem>>
      %dma_wait3A_1762 = arith.constant 0 : i32
      %dma_wait3A_1763 = tpu.memref_slice %arg11[%dma_wait3A_1758, %dma_wait3A_1762] : memref<6x128xi32, #tpu.memory_space<vmem>> -> memref<1x128xi32, #tpu.memory_space<vmem>>
      %dma_wait3A_1764 = tpu.memref_squeeze %dma_wait3A_1763 : memref<1x128xi32, #tpu.memory_space<vmem>> -> memref<128xi32, #tpu.memory_space<vmem>>
      %dma_wait3A_1765 = arith.constant 0 : i32
      %dma_wait3A_1766 = tpu.memref_slice %arg7[%dma_wait3A_1765] : memref<16384xf32, #tpu.memory_space<hbm>> -> memref<16384xf32, #tpu.memory_space<hbm>>
      tpu.wait_indirect_dma semaphore(%arg12 : memref<!tpu.dma_semaphore, #tpu.memory_space<semaphore_mem>>) src(%dma_wait3A_1761 : memref<128xf32, #tpu.memory_space<vmem>>) dst(%dma_wait3A_1766 : memref<16384xf32, #tpu.memory_space<hbm>>)
      %dma_wait3A_1767 = arith.constant 4 : i32
      %dma_wait3A_1768 = arith.constant 4 : i32
      %dma_wait3A_1769 = arith.constant 0 : i32
      %dma_wait3A_1770 = tpu.memref_slice %arg10[%dma_wait3A_1767, %dma_wait3A_1769] : memref<6x128xf32, #tpu.memory_space<vmem>> -> memref<1x128xf32, #tpu.memory_space<vmem>>
      %dma_wait3A_1771 = tpu.memref_squeeze %dma_wait3A_1770 : memref<1x128xf32, #tpu.memory_space<vmem>> -> memref<128xf32, #tpu.memory_space<vmem>>
      %dma_wait3A_1772 = arith.constant 0 : i32
      %dma_wait3A_1773 = tpu.memref_slice %arg11[%dma_wait3A_1768, %dma_wait3A_1772] : memref<6x128xi32, #tpu.memory_space<vmem>> -> memref<1x128xi32, #tpu.memory_space<vmem>>
      %dma_wait3A_1774 = tpu.memref_squeeze %dma_wait3A_1773 : memref<1x128xi32, #tpu.memory_space<vmem>> -> memref<128xi32, #tpu.memory_space<vmem>>
      %dma_wait3A_1775 = arith.constant 0 : i32
      %dma_wait3A_1776 = tpu.memref_slice %arg7[%dma_wait3A_1775] : memref<16384xf32, #tpu.memory_space<hbm>> -> memref<16384xf32, #tpu.memory_space<hbm>>
      tpu.wait_indirect_dma semaphore(%arg12 : memref<!tpu.dma_semaphore, #tpu.memory_space<semaphore_mem>>) src(%dma_wait3A_1771 : memref<128xf32, #tpu.memory_space<vmem>>) dst(%dma_wait3A_1776 : memref<16384xf32, #tpu.memory_space<hbm>>)
      %dma_wait3A_1777 = arith.constant 5 : i32
      %dma_wait3A_1778 = arith.constant 5 : i32
      %dma_wait3A_1779 = arith.constant 0 : i32
      %dma_wait3A_1780 = tpu.memref_slice %arg10[%dma_wait3A_1777, %dma_wait3A_1779] : memref<6x128xf32, #tpu.memory_space<vmem>> -> memref<1x128xf32, #tpu.memory_space<vmem>>
      %dma_wait3A_1781 = tpu.memref_squeeze %dma_wait3A_1780 : memref<1x128xf32, #tpu.memory_space<vmem>> -> memref<128xf32, #tpu.memory_space<vmem>>
      %dma_wait3A_1782 = arith.constant 0 : i32
      %dma_wait3A_1783 = tpu.memref_slice %arg11[%dma_wait3A_1778, %dma_wait3A_1782] : memref<6x128xi32, #tpu.memory_space<vmem>> -> memref<1x128xi32, #tpu.memory_space<vmem>>
      %dma_wait3A_1784 = tpu.memref_squeeze %dma_wait3A_1783 : memref<1x128xi32, #tpu.memory_space<vmem>> -> memref<128xi32, #tpu.memory_space<vmem>>
      %dma_wait3A_1785 = arith.constant 0 : i32
      %dma_wait3A_1786 = tpu.memref_slice %arg7[%dma_wait3A_1785] : memref<16384xf32, #tpu.memory_space<hbm>> -> memref<16384xf32, #tpu.memory_space<hbm>>
      tpu.wait_indirect_dma semaphore(%arg12 : memref<!tpu.dma_semaphore, #tpu.memory_space<semaphore_mem>>) src(%dma_wait3A_1781 : memref<128xf32, #tpu.memory_space<vmem>>) dst(%dma_wait3A_1786 : memref<16384xf32, #tpu.memory_space<hbm>>)
    } else {
    }
    %dma_start3A = arith.constant 0 : i32
    %dma_start3A_3 = arith.constant 0 : i32
    %dma_start3A_4 = tpu.memref_slice %arg9[%dma_start3A_3] : memref<13312xf32, #tpu.memory_space<vmem>> -> memref<128xf32, #tpu.memory_space<vmem>>
    %dma_start3A_5 = arith.constant 0 : i32
    %dma_start3A_6 = tpu.memref_slice %arg8[%dma_start3A, %dma_start3A_5] : memref<104x128xi32, #tpu.memory_space<vmem>> -> memref<1x128xi32, #tpu.memory_space<vmem>>
    %dma_start3A_7 = tpu.memref_squeeze %dma_start3A_6 : memref<1x128xi32, #tpu.memory_space<vmem>> -> memref<128xi32, #tpu.memory_space<vmem>>
    %dma_start3A_8 = arith.constant 0 : i32
    %dma_start3A_9 = tpu.memref_slice %arg2[%dma_start3A_8] : memref<10400000xf32, #tpu.memory_space<hbm>> -> memref<10400000xf32, #tpu.memory_space<hbm>>
    tpu.enqueue_indirect_dma source(%dma_start3A_9 : memref<10400000xf32, #tpu.memory_space<hbm>>) target(%dma_start3A_4 : memref<128xf32, #tpu.memory_space<vmem>>) offsets(%dma_start3A_7 : memref<128xi32, #tpu.memory_space<vmem>>) semaphore(%arg12 : memref<!tpu.dma_semaphore, #tpu.memory_space<semaphore_mem>>)
    %dma_start3A_10 = arith.constant 1 : i32
    %dma_start3A_11 = arith.constant 128 : i32
    %dma_start3A_12 = tpu.memref_slice %arg9[%dma_start3A_11] : memref<13312xf32, #tpu.memory_space<vmem>> -> memref<128xf32, #tpu.memory_space<vmem>>
    %dma_start3A_13 = arith.constant 0 : i32
    %dma_start3A_14 = tpu.memref_slice %arg8[%dma_start3A_10, %dma_start3A_13] : memref<104x128xi32, #tpu.memory_space<vmem>> -> memref<1x128xi32, #tpu.memory_space<vmem>>
    %dma_start3A_15 = tpu.memref_squeeze %dma_start3A_14 : memref<1x128xi32, #tpu.memory_space<vmem>> -> memref<128xi32, #tpu.memory_space<vmem>>
    %dma_start3A_16 = arith.constant 0 : i32
    %dma_start3A_17 = tpu.memref_slice %arg2[%dma_start3A_16] : memref<10400000xf32, #tpu.memory_space<hbm>> -> memref<10400000xf32, #tpu.memory_space<hbm>>
    tpu.enqueue_indirect_dma source(%dma_start3A_17 : memref<10400000xf32, #tpu.memory_space<hbm>>) target(%dma_start3A_12 : memref<128xf32, #tpu.memory_space<vmem>>) offsets(%dma_start3A_15 : memref<128xi32, #tpu.memory_space<vmem>>) semaphore(%arg12 : memref<!tpu.dma_semaphore, #tpu.memory_space<semaphore_mem>>)
    %dma_start3A_18 = arith.constant 2 : i32
    %dma_start3A_19 = arith.constant 256 : i32
    %dma_start3A_20 = tpu.memref_slice %arg9[%dma_start3A_19] : memref<13312xf32, #tpu.memory_space<vmem>> -> memref<128xf32, #tpu.memory_space<vmem>>
    %dma_start3A_21 = arith.constant 0 : i32
    %dma_start3A_22 = tpu.memref_slice %arg8[%dma_start3A_18, %dma_start3A_21] : memref<104x128xi32, #tpu.memory_space<vmem>> -> memref<1x128xi32, #tpu.memory_space<vmem>>
    %dma_start3A_23 = tpu.memref_squeeze %dma_start3A_22 : memref<1x128xi32, #tpu.memory_space<vmem>> -> memref<128xi32, #tpu.memory_space<vmem>>
    %dma_start3A_24 = arith.constant 0 : i32
    %dma_start3A_25 = tpu.memref_slice %arg2[%dma_start3A_24] : memref<10400000xf32, #tpu.memory_space<hbm>> -> memref<10400000xf32, #tpu.memory_space<hbm>>
    tpu.enqueue_indirect_dma source(%dma_start3A_25 : memref<10400000xf32, #tpu.memory_space<hbm>>) target(%dma_start3A_20 : memref<128xf32, #tpu.memory_space<vmem>>) offsets(%dma_start3A_23 : memref<128xi32, #tpu.memory_space<vmem>>) semaphore(%arg12 : memref<!tpu.dma_semaphore, #tpu.memory_space<semaphore_mem>>)
    %dma_start3A_26 = arith.constant 3 : i32
    %dma_start3A_27 = arith.constant 384 : i32
    %dma_start3A_28 = tpu.memref_slice %arg9[%dma_start3A_27] : memref<13312xf32, #tpu.memory_space<vmem>> -> memref<128xf32, #tpu.memory_space<vmem>>
    %dma_start3A_29 = arith.constant 0 : i32
    %dma_start3A_30 = tpu.memref_slice %arg8[%dma_start3A_26, %dma_start3A_29] : memref<104x128xi32, #tpu.memory_space<vmem>> -> memref<1x128xi32, #tpu.memory_space<vmem>>
    %dma_start3A_31 = tpu.memref_squeeze %dma_start3A_30 : memref<1x128xi32, #tpu.memory_space<vmem>> -> memref<128xi32, #tpu.memory_space<vmem>>
    %dma_start3A_32 = arith.constant 0 : i32
    %dma_start3A_33 = tpu.memref_slice %arg2[%dma_start3A_32] : memref<10400000xf32, #tpu.memory_space<hbm>> -> memref<10400000xf32, #tpu.memory_space<hbm>>
    tpu.enqueue_indirect_dma source(%dma_start3A_33 : memref<10400000xf32, #tpu.memory_space<hbm>>) target(%dma_start3A_28 : memref<128xf32, #tpu.memory_space<vmem>>) offsets(%dma_start3A_31 : memref<128xi32, #tpu.memory_space<vmem>>) semaphore(%arg12 : memref<!tpu.dma_semaphore, #tpu.memory_space<semaphore_mem>>)
    %dma_start3A_34 = arith.constant 4 : i32
    %dma_start3A_35 = arith.constant 512 : i32
    %dma_start3A_36 = tpu.memref_slice %arg9[%dma_start3A_35] : memref<13312xf32, #tpu.memory_space<vmem>> -> memref<128xf32, #tpu.memory_space<vmem>>
    %dma_start3A_37 = arith.constant 0 : i32
    %dma_start3A_38 = tpu.memref_slice %arg8[%dma_start3A_34, %dma_start3A_37] : memref<104x128xi32, #tpu.memory_space<vmem>> -> memref<1x128xi32, #tpu.memory_space<vmem>>
    %dma_start3A_39 = tpu.memref_squeeze %dma_start3A_38 : memref<1x128xi32, #tpu.memory_space<vmem>> -> memref<128xi32, #tpu.memory_space<vmem>>
    %dma_start3A_40 = arith.constant 0 : i32
    %dma_start3A_41 = tpu.memref_slice %arg2[%dma_start3A_40] : memref<10400000xf32, #tpu.memory_space<hbm>> -> memref<10400000xf32, #tpu.memory_space<hbm>>
    tpu.enqueue_indirect_dma source(%dma_start3A_41 : memref<10400000xf32, #tpu.memory_space<hbm>>) target(%dma_start3A_36 : memref<128xf32, #tpu.memory_space<vmem>>) offsets(%dma_start3A_39 : memref<128xi32, #tpu.memory_space<vmem>>) semaphore(%arg12 : memref<!tpu.dma_semaphore, #tpu.memory_space<semaphore_mem>>)
    %dma_start3A_42 = arith.constant 5 : i32
    %dma_start3A_43 = arith.constant 640 : i32
    %dma_start3A_44 = tpu.memref_slice %arg9[%dma_start3A_43] : memref<13312xf32, #tpu.memory_space<vmem>> -> memref<128xf32, #tpu.memory_space<vmem>>
    %dma_start3A_45 = arith.constant 0 : i32
    %dma_start3A_46 = tpu.memref_slice %arg8[%dma_start3A_42, %dma_start3A_45] : memref<104x128xi32, #tpu.memory_space<vmem>> -> memref<1x128xi32, #tpu.memory_space<vmem>>
    %dma_start3A_47 = tpu.memref_squeeze %dma_start3A_46 : memref<1x128xi32, #tpu.memory_space<vmem>> -> memref<128xi32, #tpu.memory_space<vmem>>
    %dma_start3A_48 = arith.constant 0 : i32
    %dma_start3A_49 = tpu.memref_slice %arg2[%dma_start3A_48] : memref<10400000xf32, #tpu.memory_space<hbm>> -> memref<10400000xf32, #tpu.memory_space<hbm>>
    tpu.enqueue_indirect_dma source(%dma_start3A_49 : memref<10400000xf32, #tpu.memory_space<hbm>>) target(%dma_start3A_44 : memref<128xf32, #tpu.memory_space<vmem>>) offsets(%dma_start3A_47 : memref<128xi32, #tpu.memory_space<vmem>>) semaphore(%arg12 : memref<!tpu.dma_semaphore, #tpu.memory_space<semaphore_mem>>)
    %dma_start3A_50 = arith.constant 6 : i32
    %dma_start3A_51 = arith.constant 768 : i32
    %dma_start3A_52 = tpu.memref_slice %arg9[%dma_start3A_51] : memref<13312xf32, #tpu.memory_space<vmem>> -> memref<128xf32, #tpu.memory_space<vmem>>
    %dma_start3A_53 = arith.constant 0 : i32
    %dma_start3A_54 = tpu.memref_slice %arg8[%dma_start3A_50, %dma_start3A_53] : memref<104x128xi32, #tpu.memory_space<vmem>> -> memref<1x128xi32, #tpu.memory_space<vmem>>
    %dma_start3A_55 = tpu.memref_squeeze %dma_start3A_54 : memref<1x128xi32, #tpu.memory_space<vmem>> -> memref<128xi32, #tpu.memory_space<vmem>>
    %dma_start3A_56 = arith.constant 0 : i32
    %dma_start3A_57 = tpu.memref_slice %arg2[%dma_start3A_56] : memref<10400000xf32, #tpu.memory_space<hbm>> -> memref<10400000xf32, #tpu.memory_space<hbm>>
    tpu.enqueue_indirect_dma source(%dma_start3A_57 : memref<10400000xf32, #tpu.memory_space<hbm>>) target(%dma_start3A_52 : memref<128xf32, #tpu.memory_space<vmem>>) offsets(%dma_start3A_55 : memref<128xi32, #tpu.memory_space<vmem>>) semaphore(%arg12 : memref<!tpu.dma_semaphore, #tpu.memory_space<semaphore_mem>>)
    %dma_start3A_58 = arith.constant 7 : i32
    %dma_start3A_59 = arith.constant 896 : i32
    %dma_start3A_60 = tpu.memref_slice %arg9[%dma_start3A_59] : memref<13312xf32, #tpu.memory_space<vmem>> -> memref<128xf32, #tpu.memory_space<vmem>>
    %dma_start3A_61 = arith.constant 0 : i32
    %dma_start3A_62 = tpu.memref_slice %arg8[%dma_start3A_58, %dma_start3A_61] : memref<104x128xi32, #tpu.memory_space<vmem>> -> memref<1x128xi32, #tpu.memory_space<vmem>>
    %dma_start3A_63 = tpu.memref_squeeze %dma_start3A_62 : memref<1x128xi32, #tpu.memory_space<vmem>> -> memref<128xi32, #tpu.memory_space<vmem>>
    %dma_start3A_64 = arith.constant 0 : i32
    %dma_start3A_65 = tpu.memref_slice %arg2[%dma_start3A_64] : memref<10400000xf32, #tpu.memory_space<hbm>> -> memref<10400000xf32, #tpu.memory_space<hbm>>
    tpu.enqueue_indirect_dma source(%dma_start3A_65 : memref<10400000xf32, #tpu.memory_space<hbm>>) target(%dma_start3A_60 : memref<128xf32, #tpu.memory_space<vmem>>) offsets(%dma_start3A_63 : memref<128xi32, #tpu.memory_space<vmem>>) semaphore(%arg12 : memref<!tpu.dma_semaphore, #tpu.memory_space<semaphore_mem>>)
    %dma_start3A_66 = arith.constant 8 : i32
    %dma_start3A_67 = arith.constant 1024 : i32
    %dma_start3A_68 = tpu.memref_slice %arg9[%dma_start3A_67] : memref<13312xf32, #tpu.memory_space<vmem>> -> memref<128xf32, #tpu.memory_space<vmem>>
    %dma_start3A_69 = arith.constant 0 : i32
    %dma_start3A_70 = tpu.memref_slice %arg8[%dma_start3A_66, %dma_start3A_69] : memref<104x128xi32, #tpu.memory_space<vmem>> -> memref<1x128xi32, #tpu.memory_space<vmem>>
    %dma_start3A_71 = tpu.memref_squeeze %dma_start3A_70 : memref<1x128xi32, #tpu.memory_space<vmem>> -> memref<128xi32, #tpu.memory_space<vmem>>
    %dma_start3A_72 = arith.constant 0 : i32
    %dma_start3A_73 = tpu.memref_slice %arg2[%dma_start3A_72] : memref<10400000xf32, #tpu.memory_space<hbm>> -> memref<10400000xf32, #tpu.memory_space<hbm>>
    tpu.enqueue_indirect_dma source(%dma_start3A_73 : memref<10400000xf32, #tpu.memory_space<hbm>>) target(%dma_start3A_68 : memref<128xf32, #tpu.memory_space<vmem>>) offsets(%dma_start3A_71 : memref<128xi32, #tpu.memory_space<vmem>>) semaphore(%arg12 : memref<!tpu.dma_semaphore, #tpu.memory_space<semaphore_mem>>)
    %dma_start3A_74 = arith.constant 9 : i32
    %dma_start3A_75 = arith.constant 1152 : i32
    %dma_start3A_76 = tpu.memref_slice %arg9[%dma_start3A_75] : memref<13312xf32, #tpu.memory_space<vmem>> -> memref<128xf32, #tpu.memory_space<vmem>>
    %dma_start3A_77 = arith.constant 0 : i32
    %dma_start3A_78 = tpu.memref_slice %arg8[%dma_start3A_74, %dma_start3A_77] : memref<104x128xi32, #tpu.memory_space<vmem>> -> memref<1x128xi32, #tpu.memory_space<vmem>>
    %dma_start3A_79 = tpu.memref_squeeze %dma_start3A_78 : memref<1x128xi32, #tpu.memory_space<vmem>> -> memref<128xi32, #tpu.memory_space<vmem>>
    %dma_start3A_80 = arith.constant 0 : i32
    %dma_start3A_81 = tpu.memref_slice %arg2[%dma_start3A_80] : memref<10400000xf32, #tpu.memory_space<hbm>> -> memref<10400000xf32, #tpu.memory_space<hbm>>
    tpu.enqueue_indirect_dma source(%dma_start3A_81 : memref<10400000xf32, #tpu.memory_space<hbm>>) target(%dma_start3A_76 : memref<128xf32, #tpu.memory_space<vmem>>) offsets(%dma_start3A_79 : memref<128xi32, #tpu.memory_space<vmem>>) semaphore(%arg12 : memref<!tpu.dma_semaphore, #tpu.memory_space<semaphore_mem>>)
    %dma_start3A_82 = arith.constant 10 : i32
    %dma_start3A_83 = arith.constant 1280 : i32
    %dma_start3A_84 = tpu.memref_slice %arg9[%dma_start3A_83] : memref<13312xf32, #tpu.memory_space<vmem>> -> memref<128xf32, #tpu.memory_space<vmem>>
    %dma_start3A_85 = arith.constant 0 : i32
    %dma_start3A_86 = tpu.memref_slice %arg8[%dma_start3A_82, %dma_start3A_85] : memref<104x128xi32, #tpu.memory_space<vmem>> -> memref<1x128xi32, #tpu.memory_space<vmem>>
    %dma_start3A_87 = tpu.memref_squeeze %dma_start3A_86 : memref<1x128xi32, #tpu.memory_space<vmem>> -> memref<128xi32, #tpu.memory_space<vmem>>
    %dma_start3A_88 = arith.constant 0 : i32
    %dma_start3A_89 = tpu.memref_slice %arg2[%dma_start3A_88] : memref<10400000xf32, #tpu.memory_space<hbm>> -> memref<10400000xf32, #tpu.memory_space<hbm>>
    tpu.enqueue_indirect_dma source(%dma_start3A_89 : memref<10400000xf32, #tpu.memory_space<hbm>>) target(%dma_start3A_84 : memref<128xf32, #tpu.memory_space<vmem>>) offsets(%dma_start3A_87 : memref<128xi32, #tpu.memory_space<vmem>>) semaphore(%arg12 : memref<!tpu.dma_semaphore, #tpu.memory_space<semaphore_mem>>)
    %dma_start3A_90 = arith.constant 11 : i32
    %dma_start3A_91 = arith.constant 1408 : i32
    %dma_start3A_92 = tpu.memref_slice %arg9[%dma_start3A_91] : memref<13312xf32, #tpu.memory_space<vmem>> -> memref<128xf32, #tpu.memory_space<vmem>>
    %dma_start3A_93 = arith.constant 0 : i32
    %dma_start3A_94 = tpu.memref_slice %arg8[%dma_start3A_90, %dma_start3A_93] : memref<104x128xi32, #tpu.memory_space<vmem>> -> memref<1x128xi32, #tpu.memory_space<vmem>>
    %dma_start3A_95 = tpu.memref_squeeze %dma_start3A_94 : memref<1x128xi32, #tpu.memory_space<vmem>> -> memref<128xi32, #tpu.memory_space<vmem>>
    %dma_start3A_96 = arith.constant 0 : i32
    %dma_start3A_97 = tpu.memref_slice %arg2[%dma_start3A_96] : memref<10400000xf32, #tpu.memory_space<hbm>> -> memref<10400000xf32, #tpu.memory_space<hbm>>
    tpu.enqueue_indirect_dma source(%dma_start3A_97 : memref<10400000xf32, #tpu.memory_space<hbm>>) target(%dma_start3A_92 : memref<128xf32, #tpu.memory_space<vmem>>) offsets(%dma_start3A_95 : memref<128xi32, #tpu.memory_space<vmem>>) semaphore(%arg12 : memref<!tpu.dma_semaphore, #tpu.memory_space<semaphore_mem>>)
    %dma_start3A_98 = arith.constant 12 : i32
    %dma_start3A_99 = arith.constant 1536 : i32
    %dma_start3A_100 = tpu.memref_slice %arg9[%dma_start3A_99] : memref<13312xf32, #tpu.memory_space<vmem>> -> memref<128xf32, #tpu.memory_space<vmem>>
    %dma_start3A_101 = arith.constant 0 : i32
    %dma_start3A_102 = tpu.memref_slice %arg8[%dma_start3A_98, %dma_start3A_101] : memref<104x128xi32, #tpu.memory_space<vmem>> -> memref<1x128xi32, #tpu.memory_space<vmem>>
    %dma_start3A_103 = tpu.memref_squeeze %dma_start3A_102 : memref<1x128xi32, #tpu.memory_space<vmem>> -> memref<128xi32, #tpu.memory_space<vmem>>
    %dma_start3A_104 = arith.constant 0 : i32
    %dma_start3A_105 = tpu.memref_slice %arg2[%dma_start3A_104] : memref<10400000xf32, #tpu.memory_space<hbm>> -> memref<10400000xf32, #tpu.memory_space<hbm>>
    tpu.enqueue_indirect_dma source(%dma_start3A_105 : memref<10400000xf32, #tpu.memory_space<hbm>>) target(%dma_start3A_100 : memref<128xf32, #tpu.memory_space<vmem>>) offsets(%dma_start3A_103 : memref<128xi32, #tpu.memory_space<vmem>>) semaphore(%arg12 : memref<!tpu.dma_semaphore, #tpu.memory_space<semaphore_mem>>)
    %dma_wait3A = arith.constant 0 : i32
    %dma_wait3A_106 = arith.constant 0 : i32
    %dma_wait3A_107 = tpu.memref_slice %arg9[%dma_wait3A_106] : memref<13312xf32, #tpu.memory_space<vmem>> -> memref<128xf32, #tpu.memory_space<vmem>>
    %dma_wait3A_108 = arith.constant 0 : i32
    %dma_wait3A_109 = tpu.memref_slice %arg8[%dma_wait3A, %dma_wait3A_108] : memref<104x128xi32, #tpu.memory_space<vmem>> -> memref<1x128xi32, #tpu.memory_space<vmem>>
    %dma_wait3A_110 = tpu.memref_squeeze %dma_wait3A_109 : memref<1x128xi32, #tpu.memory_space<vmem>> -> memref<128xi32, #tpu.memory_space<vmem>>
    %dma_wait3A_111 = arith.constant 0 : i32
    %dma_wait3A_112 = tpu.memref_slice %arg2[%dma_wait3A_111] : memref<10400000xf32, #tpu.memory_space<hbm>> -> memref<10400000xf32, #tpu.memory_space<hbm>>
    tpu.wait_indirect_dma semaphore(%arg12 : memref<!tpu.dma_semaphore, #tpu.memory_space<semaphore_mem>>) src(%dma_wait3A_112 : memref<10400000xf32, #tpu.memory_space<hbm>>) dst(%dma_wait3A_107 : memref<128xf32, #tpu.memory_space<vmem>>)
    %dma_wait3A_113 = arith.constant 1 : i32
    %dma_wait3A_114 = arith.constant 128 : i32
    %dma_wait3A_115 = tpu.memref_slice %arg9[%dma_wait3A_114] : memref<13312xf32, #tpu.memory_space<vmem>> -> memref<128xf32, #tpu.memory_space<vmem>>
    %dma_wait3A_116 = arith.constant 0 : i32
    %dma_wait3A_117 = tpu.memref_slice %arg8[%dma_wait3A_113, %dma_wait3A_116] : memref<104x128xi32, #tpu.memory_space<vmem>> -> memref<1x128xi32, #tpu.memory_space<vmem>>
    %dma_wait3A_118 = tpu.memref_squeeze %dma_wait3A_117 : memref<1x128xi32, #tpu.memory_space<vmem>> -> memref<128xi32, #tpu.memory_space<vmem>>
    %dma_wait3A_119 = arith.constant 0 : i32
    %dma_wait3A_120 = tpu.memref_slice %arg2[%dma_wait3A_119] : memref<10400000xf32, #tpu.memory_space<hbm>> -> memref<10400000xf32, #tpu.memory_space<hbm>>
    tpu.wait_indirect_dma semaphore(%arg12 : memref<!tpu.dma_semaphore, #tpu.memory_space<semaphore_mem>>) src(%dma_wait3A_120 : memref<10400000xf32, #tpu.memory_space<hbm>>) dst(%dma_wait3A_115 : memref<128xf32, #tpu.memory_space<vmem>>)
    %dma_wait3A_121 = arith.constant 2 : i32
    %dma_wait3A_122 = arith.constant 256 : i32
    %dma_wait3A_123 = tpu.memref_slice %arg9[%dma_wait3A_122] : memref<13312xf32, #tpu.memory_space<vmem>> -> memref<128xf32, #tpu.memory_space<vmem>>
    %dma_wait3A_124 = arith.constant 0 : i32
    %dma_wait3A_125 = tpu.memref_slice %arg8[%dma_wait3A_121, %dma_wait3A_124] : memref<104x128xi32, #tpu.memory_space<vmem>> -> memref<1x128xi32, #tpu.memory_space<vmem>>
    %dma_wait3A_126 = tpu.memref_squeeze %dma_wait3A_125 : memref<1x128xi32, #tpu.memory_space<vmem>> -> memref<128xi32, #tpu.memory_space<vmem>>
    %dma_wait3A_127 = arith.constant 0 : i32
    %dma_wait3A_128 = tpu.memref_slice %arg2[%dma_wait3A_127] : memref<10400000xf32, #tpu.memory_space<hbm>> -> memref<10400000xf32, #tpu.memory_space<hbm>>
    tpu.wait_indirect_dma semaphore(%arg12 : memref<!tpu.dma_semaphore, #tpu.memory_space<semaphore_mem>>) src(%dma_wait3A_128 : memref<10400000xf32, #tpu.memory_space<hbm>>) dst(%dma_wait3A_123 : memref<128xf32, #tpu.memory_space<vmem>>)
    %dma_wait3A_129 = arith.constant 3 : i32
    %dma_wait3A_130 = arith.constant 384 : i32
    %dma_wait3A_131 = tpu.memref_slice %arg9[%dma_wait3A_130] : memref<13312xf32, #tpu.memory_space<vmem>> -> memref<128xf32, #tpu.memory_space<vmem>>
    %dma_wait3A_132 = arith.constant 0 : i32
    %dma_wait3A_133 = tpu.memref_slice %arg8[%dma_wait3A_129, %dma_wait3A_132] : memref<104x128xi32, #tpu.memory_space<vmem>> -> memref<1x128xi32, #tpu.memory_space<vmem>>
    %dma_wait3A_134 = tpu.memref_squeeze %dma_wait3A_133 : memref<1x128xi32, #tpu.memory_space<vmem>> -> memref<128xi32, #tpu.memory_space<vmem>>
    %dma_wait3A_135 = arith.constant 0 : i32
    %dma_wait3A_136 = tpu.memref_slice %arg2[%dma_wait3A_135] : memref<10400000xf32, #tpu.memory_space<hbm>> -> memref<10400000xf32, #tpu.memory_space<hbm>>
    tpu.wait_indirect_dma semaphore(%arg12 : memref<!tpu.dma_semaphore, #tpu.memory_space<semaphore_mem>>) src(%dma_wait3A_136 : memref<10400000xf32, #tpu.memory_space<hbm>>) dst(%dma_wait3A_131 : memref<128xf32, #tpu.memory_space<vmem>>)
    %dma_wait3A_137 = arith.constant 4 : i32
    %dma_wait3A_138 = arith.constant 512 : i32
    %dma_wait3A_139 = tpu.memref_slice %arg9[%dma_wait3A_138] : memref<13312xf32, #tpu.memory_space<vmem>> -> memref<128xf32, #tpu.memory_space<vmem>>
    %dma_wait3A_140 = arith.constant 0 : i32
    %dma_wait3A_141 = tpu.memref_slice %arg8[%dma_wait3A_137, %dma_wait3A_140] : memref<104x128xi32, #tpu.memory_space<vmem>> -> memref<1x128xi32, #tpu.memory_space<vmem>>
    %dma_wait3A_142 = tpu.memref_squeeze %dma_wait3A_141 : memref<1x128xi32, #tpu.memory_space<vmem>> -> memref<128xi32, #tpu.memory_space<vmem>>
    %dma_wait3A_143 = arith.constant 0 : i32
    %dma_wait3A_144 = tpu.memref_slice %arg2[%dma_wait3A_143] : memref<10400000xf32, #tpu.memory_space<hbm>> -> memref<10400000xf32, #tpu.memory_space<hbm>>
    tpu.wait_indirect_dma semaphore(%arg12 : memref<!tpu.dma_semaphore, #tpu.memory_space<semaphore_mem>>) src(%dma_wait3A_144 : memref<10400000xf32, #tpu.memory_space<hbm>>) dst(%dma_wait3A_139 : memref<128xf32, #tpu.memory_space<vmem>>)
    %dma_wait3A_145 = arith.constant 5 : i32
    %dma_wait3A_146 = arith.constant 640 : i32
    %dma_wait3A_147 = tpu.memref_slice %arg9[%dma_wait3A_146] : memref<13312xf32, #tpu.memory_space<vmem>> -> memref<128xf32, #tpu.memory_space<vmem>>
    %dma_wait3A_148 = arith.constant 0 : i32
    %dma_wait3A_149 = tpu.memref_slice %arg8[%dma_wait3A_145, %dma_wait3A_148] : memref<104x128xi32, #tpu.memory_space<vmem>> -> memref<1x128xi32, #tpu.memory_space<vmem>>
    %dma_wait3A_150 = tpu.memref_squeeze %dma_wait3A_149 : memref<1x128xi32, #tpu.memory_space<vmem>> -> memref<128xi32, #tpu.memory_space<vmem>>
    %dma_wait3A_151 = arith.constant 0 : i32
    %dma_wait3A_152 = tpu.memref_slice %arg2[%dma_wait3A_151] : memref<10400000xf32, #tpu.memory_space<hbm>> -> memref<10400000xf32, #tpu.memory_space<hbm>>
    tpu.wait_indirect_dma semaphore(%arg12 : memref<!tpu.dma_semaphore, #tpu.memory_space<semaphore_mem>>) src(%dma_wait3A_152 : memref<10400000xf32, #tpu.memory_space<hbm>>) dst(%dma_wait3A_147 : memref<128xf32, #tpu.memory_space<vmem>>)
    %dma_wait3A_153 = arith.constant 6 : i32
    %dma_wait3A_154 = arith.constant 768 : i32
    %dma_wait3A_155 = tpu.memref_slice %arg9[%dma_wait3A_154] : memref<13312xf32, #tpu.memory_space<vmem>> -> memref<128xf32, #tpu.memory_space<vmem>>
    %dma_wait3A_156 = arith.constant 0 : i32
    %dma_wait3A_157 = tpu.memref_slice %arg8[%dma_wait3A_153, %dma_wait3A_156] : memref<104x128xi32, #tpu.memory_space<vmem>> -> memref<1x128xi32, #tpu.memory_space<vmem>>
    %dma_wait3A_158 = tpu.memref_squeeze %dma_wait3A_157 : memref<1x128xi32, #tpu.memory_space<vmem>> -> memref<128xi32, #tpu.memory_space<vmem>>
    %dma_wait3A_159 = arith.constant 0 : i32
    %dma_wait3A_160 = tpu.memref_slice %arg2[%dma_wait3A_159] : memref<10400000xf32, #tpu.memory_space<hbm>> -> memref<10400000xf32, #tpu.memory_space<hbm>>
    tpu.wait_indirect_dma semaphore(%arg12 : memref<!tpu.dma_semaphore, #tpu.memory_space<semaphore_mem>>) src(%dma_wait3A_160 : memref<10400000xf32, #tpu.memory_space<hbm>>) dst(%dma_wait3A_155 : memref<128xf32, #tpu.memory_space<vmem>>)
    %dma_wait3A_161 = arith.constant 7 : i32
    %dma_wait3A_162 = arith.constant 896 : i32
    %dma_wait3A_163 = tpu.memref_slice %arg9[%dma_wait3A_162] : memref<13312xf32, #tpu.memory_space<vmem>> -> memref<128xf32, #tpu.memory_space<vmem>>
    %dma_wait3A_164 = arith.constant 0 : i32
    %dma_wait3A_165 = tpu.memref_slice %arg8[%dma_wait3A_161, %dma_wait3A_164] : memref<104x128xi32, #tpu.memory_space<vmem>> -> memref<1x128xi32, #tpu.memory_space<vmem>>
    %dma_wait3A_166 = tpu.memref_squeeze %dma_wait3A_165 : memref<1x128xi32, #tpu.memory_space<vmem>> -> memref<128xi32, #tpu.memory_space<vmem>>
    %dma_wait3A_167 = arith.constant 0 : i32
    %dma_wait3A_168 = tpu.memref_slice %arg2[%dma_wait3A_167] : memref<10400000xf32, #tpu.memory_space<hbm>> -> memref<10400000xf32, #tpu.memory_space<hbm>>
    tpu.wait_indirect_dma semaphore(%arg12 : memref<!tpu.dma_semaphore, #tpu.memory_space<semaphore_mem>>) src(%dma_wait3A_168 : memref<10400000xf32, #tpu.memory_space<hbm>>) dst(%dma_wait3A_163 : memref<128xf32, #tpu.memory_space<vmem>>)
    %dma_wait3A_169 = arith.constant 8 : i32
    %dma_wait3A_170 = arith.constant 1024 : i32
    %dma_wait3A_171 = tpu.memref_slice %arg9[%dma_wait3A_170] : memref<13312xf32, #tpu.memory_space<vmem>> -> memref<128xf32, #tpu.memory_space<vmem>>
    %dma_wait3A_172 = arith.constant 0 : i32
    %dma_wait3A_173 = tpu.memref_slice %arg8[%dma_wait3A_169, %dma_wait3A_172] : memref<104x128xi32, #tpu.memory_space<vmem>> -> memref<1x128xi32, #tpu.memory_space<vmem>>
    %dma_wait3A_174 = tpu.memref_squeeze %dma_wait3A_173 : memref<1x128xi32, #tpu.memory_space<vmem>> -> memref<128xi32, #tpu.memory_space<vmem>>
    %dma_wait3A_175 = arith.constant 0 : i32
    %dma_wait3A_176 = tpu.memref_slice %arg2[%dma_wait3A_175] : memref<10400000xf32, #tpu.memory_space<hbm>> -> memref<10400000xf32, #tpu.memory_space<hbm>>
    tpu.wait_indirect_dma semaphore(%arg12 : memref<!tpu.dma_semaphore, #tpu.memory_space<semaphore_mem>>) src(%dma_wait3A_176 : memref<10400000xf32, #tpu.memory_space<hbm>>) dst(%dma_wait3A_171 : memref<128xf32, #tpu.memory_space<vmem>>)
    %dma_wait3A_177 = arith.constant 9 : i32
    %dma_wait3A_178 = arith.constant 1152 : i32
    %dma_wait3A_179 = tpu.memref_slice %arg9[%dma_wait3A_178] : memref<13312xf32, #tpu.memory_space<vmem>> -> memref<128xf32, #tpu.memory_space<vmem>>
    %dma_wait3A_180 = arith.constant 0 : i32
    %dma_wait3A_181 = tpu.memref_slice %arg8[%dma_wait3A_177, %dma_wait3A_180] : memref<104x128xi32, #tpu.memory_space<vmem>> -> memref<1x128xi32, #tpu.memory_space<vmem>>
    %dma_wait3A_182 = tpu.memref_squeeze %dma_wait3A_181 : memref<1x128xi32, #tpu.memory_space<vmem>> -> memref<128xi32, #tpu.memory_space<vmem>>
    %dma_wait3A_183 = arith.constant 0 : i32
    %dma_wait3A_184 = tpu.memref_slice %arg2[%dma_wait3A_183] : memref<10400000xf32, #tpu.memory_space<hbm>> -> memref<10400000xf32, #tpu.memory_space<hbm>>
    tpu.wait_indirect_dma semaphore(%arg12 : memref<!tpu.dma_semaphore, #tpu.memory_space<semaphore_mem>>) src(%dma_wait3A_184 : memref<10400000xf32, #tpu.memory_space<hbm>>) dst(%dma_wait3A_179 : memref<128xf32, #tpu.memory_space<vmem>>)
    %dma_wait3A_185 = arith.constant 10 : i32
    %dma_wait3A_186 = arith.constant 1280 : i32
    %dma_wait3A_187 = tpu.memref_slice %arg9[%dma_wait3A_186] : memref<13312xf32, #tpu.memory_space<vmem>> -> memref<128xf32, #tpu.memory_space<vmem>>
    %dma_wait3A_188 = arith.constant 0 : i32
    %dma_wait3A_189 = tpu.memref_slice %arg8[%dma_wait3A_185, %dma_wait3A_188] : memref<104x128xi32, #tpu.memory_space<vmem>> -> memref<1x128xi32, #tpu.memory_space<vmem>>
    %dma_wait3A_190 = tpu.memref_squeeze %dma_wait3A_189 : memref<1x128xi32, #tpu.memory_space<vmem>> -> memref<128xi32, #tpu.memory_space<vmem>>
    %dma_wait3A_191 = arith.constant 0 : i32
    %dma_wait3A_192 = tpu.memref_slice %arg2[%dma_wait3A_191] : memref<10400000xf32, #tpu.memory_space<hbm>> -> memref<10400000xf32, #tpu.memory_space<hbm>>
    tpu.wait_indirect_dma semaphore(%arg12 : memref<!tpu.dma_semaphore, #tpu.memory_space<semaphore_mem>>) src(%dma_wait3A_192 : memref<10400000xf32, #tpu.memory_space<hbm>>) dst(%dma_wait3A_187 : memref<128xf32, #tpu.memory_space<vmem>>)
    %dma_wait3A_193 = arith.constant 11 : i32
    %dma_wait3A_194 = arith.constant 1408 : i32
    %dma_wait3A_195 = tpu.memref_slice %arg9[%dma_wait3A_194] : memref<13312xf32, #tpu.memory_space<vmem>> -> memref<128xf32, #tpu.memory_space<vmem>>
    %dma_wait3A_196 = arith.constant 0 : i32
    %dma_wait3A_197 = tpu.memref_slice %arg8[%dma_wait3A_193, %dma_wait3A_196] : memref<104x128xi32, #tpu.memory_space<vmem>> -> memref<1x128xi32, #tpu.memory_space<vmem>>
    %dma_wait3A_198 = tpu.memref_squeeze %dma_wait3A_197 : memref<1x128xi32, #tpu.memory_space<vmem>> -> memref<128xi32, #tpu.memory_space<vmem>>
    %dma_wait3A_199 = arith.constant 0 : i32
    %dma_wait3A_200 = tpu.memref_slice %arg2[%dma_wait3A_199] : memref<10400000xf32, #tpu.memory_space<hbm>> -> memref<10400000xf32, #tpu.memory_space<hbm>>
    tpu.wait_indirect_dma semaphore(%arg12 : memref<!tpu.dma_semaphore, #tpu.memory_space<semaphore_mem>>) src(%dma_wait3A_200 : memref<10400000xf32, #tpu.memory_space<hbm>>) dst(%dma_wait3A_195 : memref<128xf32, #tpu.memory_space<vmem>>)
    %dma_wait3A_201 = arith.constant 12 : i32
    %dma_wait3A_202 = arith.constant 1536 : i32
    %dma_wait3A_203 = tpu.memref_slice %arg9[%dma_wait3A_202] : memref<13312xf32, #tpu.memory_space<vmem>> -> memref<128xf32, #tpu.memory_space<vmem>>
    %dma_wait3A_204 = arith.constant 0 : i32
    %dma_wait3A_205 = tpu.memref_slice %arg8[%dma_wait3A_201, %dma_wait3A_204] : memref<104x128xi32, #tpu.memory_space<vmem>> -> memref<1x128xi32, #tpu.memory_space<vmem>>
    %dma_wait3A_206 = tpu.memref_squeeze %dma_wait3A_205 : memref<1x128xi32, #tpu.memory_space<vmem>> -> memref<128xi32, #tpu.memory_space<vmem>>
    %dma_wait3A_207 = arith.constant 0 : i32
    %dma_wait3A_208 = tpu.memref_slice %arg2[%dma_wait3A_207] : memref<10400000xf32, #tpu.memory_space<hbm>> -> memref<10400000xf32, #tpu.memory_space<hbm>>
    tpu.wait_indirect_dma semaphore(%arg12 : memref<!tpu.dma_semaphore, #tpu.memory_space<semaphore_mem>>) src(%dma_wait3A_208 : memref<10400000xf32, #tpu.memory_space<hbm>>) dst(%dma_wait3A_203 : memref<128xf32, #tpu.memory_space<vmem>>)
    %dma_start3A_209 = arith.constant 13 : i32
    %dma_start3A_210 = arith.constant 1664 : i32
    %dma_start3A_211 = tpu.memref_slice %arg9[%dma_start3A_210] : memref<13312xf32, #tpu.memory_space<vmem>> -> memref<128xf32, #tpu.memory_space<vmem>>
    %dma_start3A_212 = arith.constant 0 : i32
    %dma_start3A_213 = tpu.memref_slice %arg8[%dma_start3A_209, %dma_start3A_212] : memref<104x128xi32, #tpu.memory_space<vmem>> -> memref<1x128xi32, #tpu.memory_space<vmem>>
    %dma_start3A_214 = tpu.memref_squeeze %dma_start3A_213 : memref<1x128xi32, #tpu.memory_space<vmem>> -> memref<128xi32, #tpu.memory_space<vmem>>
    %dma_start3A_215 = arith.constant 0 : i32
    %dma_start3A_216 = tpu.memref_slice %arg2[%dma_start3A_215] : memref<10400000xf32, #tpu.memory_space<hbm>> -> memref<10400000xf32, #tpu.memory_space<hbm>>
    tpu.enqueue_indirect_dma source(%dma_start3A_216 : memref<10400000xf32, #tpu.memory_space<hbm>>) target(%dma_start3A_211 : memref<128xf32, #tpu.memory_space<vmem>>) offsets(%dma_start3A_214 : memref<128xi32, #tpu.memory_space<vmem>>) semaphore(%arg12 : memref<!tpu.dma_semaphore, #tpu.memory_space<semaphore_mem>>)
    %dma_start3A_217 = arith.constant 14 : i32
    %dma_start3A_218 = arith.constant 1792 : i32
    %dma_start3A_219 = tpu.memref_slice %arg9[%dma_start3A_218] : memref<13312xf32, #tpu.memory_space<vmem>> -> memref<128xf32, #tpu.memory_space<vmem>>
    %dma_start3A_220 = arith.constant 0 : i32
    %dma_start3A_221 = tpu.memref_slice %arg8[%dma_start3A_217, %dma_start3A_220] : memref<104x128xi32, #tpu.memory_space<vmem>> -> memref<1x128xi32, #tpu.memory_space<vmem>>
    %dma_start3A_222 = tpu.memref_squeeze %dma_start3A_221 : memref<1x128xi32, #tpu.memory_space<vmem>> -> memref<128xi32, #tpu.memory_space<vmem>>
    %dma_start3A_223 = arith.constant 0 : i32
    %dma_start3A_224 = tpu.memref_slice %arg2[%dma_start3A_223] : memref<10400000xf32, #tpu.memory_space<hbm>> -> memref<10400000xf32, #tpu.memory_space<hbm>>
    tpu.enqueue_indirect_dma source(%dma_start3A_224 : memref<10400000xf32, #tpu.memory_space<hbm>>) target(%dma_start3A_219 : memref<128xf32, #tpu.memory_space<vmem>>) offsets(%dma_start3A_222 : memref<128xi32, #tpu.memory_space<vmem>>) semaphore(%arg12 : memref<!tpu.dma_semaphore, #tpu.memory_space<semaphore_mem>>)
    %dma_start3A_225 = arith.constant 15 : i32
    %dma_start3A_226 = arith.constant 1920 : i32
    %dma_start3A_227 = tpu.memref_slice %arg9[%dma_start3A_226] : memref<13312xf32, #tpu.memory_space<vmem>> -> memref<128xf32, #tpu.memory_space<vmem>>
    %dma_start3A_228 = arith.constant 0 : i32
    %dma_start3A_229 = tpu.memref_slice %arg8[%dma_start3A_225, %dma_start3A_228] : memref<104x128xi32, #tpu.memory_space<vmem>> -> memref<1x128xi32, #tpu.memory_space<vmem>>
    %dma_start3A_230 = tpu.memref_squeeze %dma_start3A_229 : memref<1x128xi32, #tpu.memory_space<vmem>> -> memref<128xi32, #tpu.memory_space<vmem>>
    %dma_start3A_231 = arith.constant 0 : i32
    %dma_start3A_232 = tpu.memref_slice %arg2[%dma_start3A_231] : memref<10400000xf32, #tpu.memory_space<hbm>> -> memref<10400000xf32, #tpu.memory_space<hbm>>
    tpu.enqueue_indirect_dma source(%dma_start3A_232 : memref<10400000xf32, #tpu.memory_space<hbm>>) target(%dma_start3A_227 : memref<128xf32, #tpu.memory_space<vmem>>) offsets(%dma_start3A_230 : memref<128xi32, #tpu.memory_space<vmem>>) semaphore(%arg12 : memref<!tpu.dma_semaphore, #tpu.memory_space<semaphore_mem>>)
    %dma_start3A_233 = arith.constant 16 : i32
    %dma_start3A_234 = arith.constant 2048 : i32
    %dma_start3A_235 = tpu.memref_slice %arg9[%dma_start3A_234] : memref<13312xf32, #tpu.memory_space<vmem>> -> memref<128xf32, #tpu.memory_space<vmem>>
    %dma_start3A_236 = arith.constant 0 : i32
    %dma_start3A_237 = tpu.memref_slice %arg8[%dma_start3A_233, %dma_start3A_236] : memref<104x128xi32, #tpu.memory_space<vmem>> -> memref<1x128xi32, #tpu.memory_space<vmem>>
    %dma_start3A_238 = tpu.memref_squeeze %dma_start3A_237 : memref<1x128xi32, #tpu.memory_space<vmem>> -> memref<128xi32, #tpu.memory_space<vmem>>
    %dma_start3A_239 = arith.constant 0 : i32
    %dma_start3A_240 = tpu.memref_slice %arg2[%dma_start3A_239] : memref<10400000xf32, #tpu.memory_space<hbm>> -> memref<10400000xf32, #tpu.memory_space<hbm>>
    tpu.enqueue_indirect_dma source(%dma_start3A_240 : memref<10400000xf32, #tpu.memory_space<hbm>>) target(%dma_start3A_235 : memref<128xf32, #tpu.memory_space<vmem>>) offsets(%dma_start3A_238 : memref<128xi32, #tpu.memory_space<vmem>>) semaphore(%arg12 : memref<!tpu.dma_semaphore, #tpu.memory_space<semaphore_mem>>)
    %dma_start3A_241 = arith.constant 17 : i32
    %dma_start3A_242 = arith.constant 2176 : i32
    %dma_start3A_243 = tpu.memref_slice %arg9[%dma_start3A_242] : memref<13312xf32, #tpu.memory_space<vmem>> -> memref<128xf32, #tpu.memory_space<vmem>>
    %dma_start3A_244 = arith.constant 0 : i32
    %dma_start3A_245 = tpu.memref_slice %arg8[%dma_start3A_241, %dma_start3A_244] : memref<104x128xi32, #tpu.memory_space<vmem>> -> memref<1x128xi32, #tpu.memory_space<vmem>>
    %dma_start3A_246 = tpu.memref_squeeze %dma_start3A_245 : memref<1x128xi32, #tpu.memory_space<vmem>> -> memref<128xi32, #tpu.memory_space<vmem>>
    %dma_start3A_247 = arith.constant 0 : i32
    %dma_start3A_248 = tpu.memref_slice %arg2[%dma_start3A_247] : memref<10400000xf32, #tpu.memory_space<hbm>> -> memref<10400000xf32, #tpu.memory_space<hbm>>
    tpu.enqueue_indirect_dma source(%dma_start3A_248 : memref<10400000xf32, #tpu.memory_space<hbm>>) target(%dma_start3A_243 : memref<128xf32, #tpu.memory_space<vmem>>) offsets(%dma_start3A_246 : memref<128xi32, #tpu.memory_space<vmem>>) semaphore(%arg12 : memref<!tpu.dma_semaphore, #tpu.memory_space<semaphore_mem>>)
    %dma_start3A_249 = arith.constant 18 : i32
    %dma_start3A_250 = arith.constant 2304 : i32
    %dma_start3A_251 = tpu.memref_slice %arg9[%dma_start3A_250] : memref<13312xf32, #tpu.memory_space<vmem>> -> memref<128xf32, #tpu.memory_space<vmem>>
    %dma_start3A_252 = arith.constant 0 : i32
    %dma_start3A_253 = tpu.memref_slice %arg8[%dma_start3A_249, %dma_start3A_252] : memref<104x128xi32, #tpu.memory_space<vmem>> -> memref<1x128xi32, #tpu.memory_space<vmem>>
    %dma_start3A_254 = tpu.memref_squeeze %dma_start3A_253 : memref<1x128xi32, #tpu.memory_space<vmem>> -> memref<128xi32, #tpu.memory_space<vmem>>
    %dma_start3A_255 = arith.constant 0 : i32
    %dma_start3A_256 = tpu.memref_slice %arg2[%dma_start3A_255] : memref<10400000xf32, #tpu.memory_space<hbm>> -> memref<10400000xf32, #tpu.memory_space<hbm>>
    tpu.enqueue_indirect_dma source(%dma_start3A_256 : memref<10400000xf32, #tpu.memory_space<hbm>>) target(%dma_start3A_251 : memref<128xf32, #tpu.memory_space<vmem>>) offsets(%dma_start3A_254 : memref<128xi32, #tpu.memory_space<vmem>>) semaphore(%arg12 : memref<!tpu.dma_semaphore, #tpu.memory_space<semaphore_mem>>)
    %dma_start3A_257 = arith.constant 19 : i32
    %dma_start3A_258 = arith.constant 2432 : i32
    %dma_start3A_259 = tpu.memref_slice %arg9[%dma_start3A_258] : memref<13312xf32, #tpu.memory_space<vmem>> -> memref<128xf32, #tpu.memory_space<vmem>>
    %dma_start3A_260 = arith.constant 0 : i32
    %dma_start3A_261 = tpu.memref_slice %arg8[%dma_start3A_257, %dma_start3A_260] : memref<104x128xi32, #tpu.memory_space<vmem>> -> memref<1x128xi32, #tpu.memory_space<vmem>>
    %dma_start3A_262 = tpu.memref_squeeze %dma_start3A_261 : memref<1x128xi32, #tpu.memory_space<vmem>> -> memref<128xi32, #tpu.memory_space<vmem>>
    %dma_start3A_263 = arith.constant 0 : i32
    %dma_start3A_264 = tpu.memref_slice %arg2[%dma_start3A_263] : memref<10400000xf32, #tpu.memory_space<hbm>> -> memref<10400000xf32, #tpu.memory_space<hbm>>
    tpu.enqueue_indirect_dma source(%dma_start3A_264 : memref<10400000xf32, #tpu.memory_space<hbm>>) target(%dma_start3A_259 : memref<128xf32, #tpu.memory_space<vmem>>) offsets(%dma_start3A_262 : memref<128xi32, #tpu.memory_space<vmem>>) semaphore(%arg12 : memref<!tpu.dma_semaphore, #tpu.memory_space<semaphore_mem>>)
    %dma_start3A_265 = arith.constant 20 : i32
    %dma_start3A_266 = arith.constant 2560 : i32
    %dma_start3A_267 = tpu.memref_slice %arg9[%dma_start3A_266] : memref<13312xf32, #tpu.memory_space<vmem>> -> memref<128xf32, #tpu.memory_space<vmem>>
    %dma_start3A_268 = arith.constant 0 : i32
    %dma_start3A_269 = tpu.memref_slice %arg8[%dma_start3A_265, %dma_start3A_268] : memref<104x128xi32, #tpu.memory_space<vmem>> -> memref<1x128xi32, #tpu.memory_space<vmem>>
    %dma_start3A_270 = tpu.memref_squeeze %dma_start3A_269 : memref<1x128xi32, #tpu.memory_space<vmem>> -> memref<128xi32, #tpu.memory_space<vmem>>
    %dma_start3A_271 = arith.constant 0 : i32
    %dma_start3A_272 = tpu.memref_slice %arg2[%dma_start3A_271] : memref<10400000xf32, #tpu.memory_space<hbm>> -> memref<10400000xf32, #tpu.memory_space<hbm>>
    tpu.enqueue_indirect_dma source(%dma_start3A_272 : memref<10400000xf32, #tpu.memory_space<hbm>>) target(%dma_start3A_267 : memref<128xf32, #tpu.memory_space<vmem>>) offsets(%dma_start3A_270 : memref<128xi32, #tpu.memory_space<vmem>>) semaphore(%arg12 : memref<!tpu.dma_semaphore, #tpu.memory_space<semaphore_mem>>)
    %dma_start3A_273 = arith.constant 21 : i32
    %dma_start3A_274 = arith.constant 2688 : i32
    %dma_start3A_275 = tpu.memref_slice %arg9[%dma_start3A_274] : memref<13312xf32, #tpu.memory_space<vmem>> -> memref<128xf32, #tpu.memory_space<vmem>>
    %dma_start3A_276 = arith.constant 0 : i32
    %dma_start3A_277 = tpu.memref_slice %arg8[%dma_start3A_273, %dma_start3A_276] : memref<104x128xi32, #tpu.memory_space<vmem>> -> memref<1x128xi32, #tpu.memory_space<vmem>>
    %dma_start3A_278 = tpu.memref_squeeze %dma_start3A_277 : memref<1x128xi32, #tpu.memory_space<vmem>> -> memref<128xi32, #tpu.memory_space<vmem>>
    %dma_start3A_279 = arith.constant 0 : i32
    %dma_start3A_280 = tpu.memref_slice %arg2[%dma_start3A_279] : memref<10400000xf32, #tpu.memory_space<hbm>> -> memref<10400000xf32, #tpu.memory_space<hbm>>
    tpu.enqueue_indirect_dma source(%dma_start3A_280 : memref<10400000xf32, #tpu.memory_space<hbm>>) target(%dma_start3A_275 : memref<128xf32, #tpu.memory_space<vmem>>) offsets(%dma_start3A_278 : memref<128xi32, #tpu.memory_space<vmem>>) semaphore(%arg12 : memref<!tpu.dma_semaphore, #tpu.memory_space<semaphore_mem>>)
    %dma_start3A_281 = arith.constant 22 : i32
    %dma_start3A_282 = arith.constant 2816 : i32
    %dma_start3A_283 = tpu.memref_slice %arg9[%dma_start3A_282] : memref<13312xf32, #tpu.memory_space<vmem>> -> memref<128xf32, #tpu.memory_space<vmem>>
    %dma_start3A_284 = arith.constant 0 : i32
    %dma_start3A_285 = tpu.memref_slice %arg8[%dma_start3A_281, %dma_start3A_284] : memref<104x128xi32, #tpu.memory_space<vmem>> -> memref<1x128xi32, #tpu.memory_space<vmem>>
    %dma_start3A_286 = tpu.memref_squeeze %dma_start3A_285 : memref<1x128xi32, #tpu.memory_space<vmem>> -> memref<128xi32, #tpu.memory_space<vmem>>
    %dma_start3A_287 = arith.constant 0 : i32
    %dma_start3A_288 = tpu.memref_slice %arg2[%dma_start3A_287] : memref<10400000xf32, #tpu.memory_space<hbm>> -> memref<10400000xf32, #tpu.memory_space<hbm>>
    tpu.enqueue_indirect_dma source(%dma_start3A_288 : memref<10400000xf32, #tpu.memory_space<hbm>>) target(%dma_start3A_283 : memref<128xf32, #tpu.memory_space<vmem>>) offsets(%dma_start3A_286 : memref<128xi32, #tpu.memory_space<vmem>>) semaphore(%arg12 : memref<!tpu.dma_semaphore, #tpu.memory_space<semaphore_mem>>)
    %dma_start3A_289 = arith.constant 23 : i32
    %dma_start3A_290 = arith.constant 2944 : i32
    %dma_start3A_291 = tpu.memref_slice %arg9[%dma_start3A_290] : memref<13312xf32, #tpu.memory_space<vmem>> -> memref<128xf32, #tpu.memory_space<vmem>>
    %dma_start3A_292 = arith.constant 0 : i32
    %dma_start3A_293 = tpu.memref_slice %arg8[%dma_start3A_289, %dma_start3A_292] : memref<104x128xi32, #tpu.memory_space<vmem>> -> memref<1x128xi32, #tpu.memory_space<vmem>>
    %dma_start3A_294 = tpu.memref_squeeze %dma_start3A_293 : memref<1x128xi32, #tpu.memory_space<vmem>> -> memref<128xi32, #tpu.memory_space<vmem>>
    %dma_start3A_295 = arith.constant 0 : i32
    %dma_start3A_296 = tpu.memref_slice %arg2[%dma_start3A_295] : memref<10400000xf32, #tpu.memory_space<hbm>> -> memref<10400000xf32, #tpu.memory_space<hbm>>
    tpu.enqueue_indirect_dma source(%dma_start3A_296 : memref<10400000xf32, #tpu.memory_space<hbm>>) target(%dma_start3A_291 : memref<128xf32, #tpu.memory_space<vmem>>) offsets(%dma_start3A_294 : memref<128xi32, #tpu.memory_space<vmem>>) semaphore(%arg12 : memref<!tpu.dma_semaphore, #tpu.memory_space<semaphore_mem>>)
    %dma_start3A_297 = arith.constant 24 : i32
    %dma_start3A_298 = arith.constant 3072 : i32
    %dma_start3A_299 = tpu.memref_slice %arg9[%dma_start3A_298] : memref<13312xf32, #tpu.memory_space<vmem>> -> memref<128xf32, #tpu.memory_space<vmem>>
    %dma_start3A_300 = arith.constant 0 : i32
    %dma_start3A_301 = tpu.memref_slice %arg8[%dma_start3A_297, %dma_start3A_300] : memref<104x128xi32, #tpu.memory_space<vmem>> -> memref<1x128xi32, #tpu.memory_space<vmem>>
    %dma_start3A_302 = tpu.memref_squeeze %dma_start3A_301 : memref<1x128xi32, #tpu.memory_space<vmem>> -> memref<128xi32, #tpu.memory_space<vmem>>
    %dma_start3A_303 = arith.constant 0 : i32
    %dma_start3A_304 = tpu.memref_slice %arg2[%dma_start3A_303] : memref<10400000xf32, #tpu.memory_space<hbm>> -> memref<10400000xf32, #tpu.memory_space<hbm>>
    tpu.enqueue_indirect_dma source(%dma_start3A_304 : memref<10400000xf32, #tpu.memory_space<hbm>>) target(%dma_start3A_299 : memref<128xf32, #tpu.memory_space<vmem>>) offsets(%dma_start3A_302 : memref<128xi32, #tpu.memory_space<vmem>>) semaphore(%arg12 : memref<!tpu.dma_semaphore, #tpu.memory_space<semaphore_mem>>)
    %dma_start3A_305 = arith.constant 25 : i32
    %dma_start3A_306 = arith.constant 3200 : i32
    %dma_start3A_307 = tpu.memref_slice %arg9[%dma_start3A_306] : memref<13312xf32, #tpu.memory_space<vmem>> -> memref<128xf32, #tpu.memory_space<vmem>>
    %dma_start3A_308 = arith.constant 0 : i32
    %dma_start3A_309 = tpu.memref_slice %arg8[%dma_start3A_305, %dma_start3A_308] : memref<104x128xi32, #tpu.memory_space<vmem>> -> memref<1x128xi32, #tpu.memory_space<vmem>>
    %dma_start3A_310 = tpu.memref_squeeze %dma_start3A_309 : memref<1x128xi32, #tpu.memory_space<vmem>> -> memref<128xi32, #tpu.memory_space<vmem>>
    %dma_start3A_311 = arith.constant 0 : i32
    %dma_start3A_312 = tpu.memref_slice %arg2[%dma_start3A_311] : memref<10400000xf32, #tpu.memory_space<hbm>> -> memref<10400000xf32, #tpu.memory_space<hbm>>
    tpu.enqueue_indirect_dma source(%dma_start3A_312 : memref<10400000xf32, #tpu.memory_space<hbm>>) target(%dma_start3A_307 : memref<128xf32, #tpu.memory_space<vmem>>) offsets(%dma_start3A_310 : memref<128xi32, #tpu.memory_space<vmem>>) semaphore(%arg12 : memref<!tpu.dma_semaphore, #tpu.memory_space<semaphore_mem>>)
    %dma_wait3A_313 = arith.constant 13 : i32
    %dma_wait3A_314 = arith.constant 1664 : i32
    %dma_wait3A_315 = tpu.memref_slice %arg9[%dma_wait3A_314] : memref<13312xf32, #tpu.memory_space<vmem>> -> memref<128xf32, #tpu.memory_space<vmem>>
    %dma_wait3A_316 = arith.constant 0 : i32
    %dma_wait3A_317 = tpu.memref_slice %arg8[%dma_wait3A_313, %dma_wait3A_316] : memref<104x128xi32, #tpu.memory_space<vmem>> -> memref<1x128xi32, #tpu.memory_space<vmem>>
    %dma_wait3A_318 = tpu.memref_squeeze %dma_wait3A_317 : memref<1x128xi32, #tpu.memory_space<vmem>> -> memref<128xi32, #tpu.memory_space<vmem>>
    %dma_wait3A_319 = arith.constant 0 : i32
    %dma_wait3A_320 = tpu.memref_slice %arg2[%dma_wait3A_319] : memref<10400000xf32, #tpu.memory_space<hbm>> -> memref<10400000xf32, #tpu.memory_space<hbm>>
    tpu.wait_indirect_dma semaphore(%arg12 : memref<!tpu.dma_semaphore, #tpu.memory_space<semaphore_mem>>) src(%dma_wait3A_320 : memref<10400000xf32, #tpu.memory_space<hbm>>) dst(%dma_wait3A_315 : memref<128xf32, #tpu.memory_space<vmem>>)
    %dma_wait3A_321 = arith.constant 14 : i32
    %dma_wait3A_322 = arith.constant 1792 : i32
    %dma_wait3A_323 = tpu.memref_slice %arg9[%dma_wait3A_322] : memref<13312xf32, #tpu.memory_space<vmem>> -> memref<128xf32, #tpu.memory_space<vmem>>
    %dma_wait3A_324 = arith.constant 0 : i32
    %dma_wait3A_325 = tpu.memref_slice %arg8[%dma_wait3A_321, %dma_wait3A_324] : memref<104x128xi32, #tpu.memory_space<vmem>> -> memref<1x128xi32, #tpu.memory_space<vmem>>
    %dma_wait3A_326 = tpu.memref_squeeze %dma_wait3A_325 : memref<1x128xi32, #tpu.memory_space<vmem>> -> memref<128xi32, #tpu.memory_space<vmem>>
    %dma_wait3A_327 = arith.constant 0 : i32
    %dma_wait3A_328 = tpu.memref_slice %arg2[%dma_wait3A_327] : memref<10400000xf32, #tpu.memory_space<hbm>> -> memref<10400000xf32, #tpu.memory_space<hbm>>
    tpu.wait_indirect_dma semaphore(%arg12 : memref<!tpu.dma_semaphore, #tpu.memory_space<semaphore_mem>>) src(%dma_wait3A_328 : memref<10400000xf32, #tpu.memory_space<hbm>>) dst(%dma_wait3A_323 : memref<128xf32, #tpu.memory_space<vmem>>)
    %dma_wait3A_329 = arith.constant 15 : i32
    %dma_wait3A_330 = arith.constant 1920 : i32
    %dma_wait3A_331 = tpu.memref_slice %arg9[%dma_wait3A_330] : memref<13312xf32, #tpu.memory_space<vmem>> -> memref<128xf32, #tpu.memory_space<vmem>>
    %dma_wait3A_332 = arith.constant 0 : i32
    %dma_wait3A_333 = tpu.memref_slice %arg8[%dma_wait3A_329, %dma_wait3A_332] : memref<104x128xi32, #tpu.memory_space<vmem>> -> memref<1x128xi32, #tpu.memory_space<vmem>>
    %dma_wait3A_334 = tpu.memref_squeeze %dma_wait3A_333 : memref<1x128xi32, #tpu.memory_space<vmem>> -> memref<128xi32, #tpu.memory_space<vmem>>
    %dma_wait3A_335 = arith.constant 0 : i32
    %dma_wait3A_336 = tpu.memref_slice %arg2[%dma_wait3A_335] : memref<10400000xf32, #tpu.memory_space<hbm>> -> memref<10400000xf32, #tpu.memory_space<hbm>>
    tpu.wait_indirect_dma semaphore(%arg12 : memref<!tpu.dma_semaphore, #tpu.memory_space<semaphore_mem>>) src(%dma_wait3A_336 : memref<10400000xf32, #tpu.memory_space<hbm>>) dst(%dma_wait3A_331 : memref<128xf32, #tpu.memory_space<vmem>>)
    %dma_wait3A_337 = arith.constant 16 : i32
    %dma_wait3A_338 = arith.constant 2048 : i32
    %dma_wait3A_339 = tpu.memref_slice %arg9[%dma_wait3A_338] : memref<13312xf32, #tpu.memory_space<vmem>> -> memref<128xf32, #tpu.memory_space<vmem>>
    %dma_wait3A_340 = arith.constant 0 : i32
    %dma_wait3A_341 = tpu.memref_slice %arg8[%dma_wait3A_337, %dma_wait3A_340] : memref<104x128xi32, #tpu.memory_space<vmem>> -> memref<1x128xi32, #tpu.memory_space<vmem>>
    %dma_wait3A_342 = tpu.memref_squeeze %dma_wait3A_341 : memref<1x128xi32, #tpu.memory_space<vmem>> -> memref<128xi32, #tpu.memory_space<vmem>>
    %dma_wait3A_343 = arith.constant 0 : i32
    %dma_wait3A_344 = tpu.memref_slice %arg2[%dma_wait3A_343] : memref<10400000xf32, #tpu.memory_space<hbm>> -> memref<10400000xf32, #tpu.memory_space<hbm>>
    tpu.wait_indirect_dma semaphore(%arg12 : memref<!tpu.dma_semaphore, #tpu.memory_space<semaphore_mem>>) src(%dma_wait3A_344 : memref<10400000xf32, #tpu.memory_space<hbm>>) dst(%dma_wait3A_339 : memref<128xf32, #tpu.memory_space<vmem>>)
    %dma_wait3A_345 = arith.constant 17 : i32
    %dma_wait3A_346 = arith.constant 2176 : i32
    %dma_wait3A_347 = tpu.memref_slice %arg9[%dma_wait3A_346] : memref<13312xf32, #tpu.memory_space<vmem>> -> memref<128xf32, #tpu.memory_space<vmem>>
    %dma_wait3A_348 = arith.constant 0 : i32
    %dma_wait3A_349 = tpu.memref_slice %arg8[%dma_wait3A_345, %dma_wait3A_348] : memref<104x128xi32, #tpu.memory_space<vmem>> -> memref<1x128xi32, #tpu.memory_space<vmem>>
    %dma_wait3A_350 = tpu.memref_squeeze %dma_wait3A_349 : memref<1x128xi32, #tpu.memory_space<vmem>> -> memref<128xi32, #tpu.memory_space<vmem>>
    %dma_wait3A_351 = arith.constant 0 : i32
    %dma_wait3A_352 = tpu.memref_slice %arg2[%dma_wait3A_351] : memref<10400000xf32, #tpu.memory_space<hbm>> -> memref<10400000xf32, #tpu.memory_space<hbm>>
    tpu.wait_indirect_dma semaphore(%arg12 : memref<!tpu.dma_semaphore, #tpu.memory_space<semaphore_mem>>) src(%dma_wait3A_352 : memref<10400000xf32, #tpu.memory_space<hbm>>) dst(%dma_wait3A_347 : memref<128xf32, #tpu.memory_space<vmem>>)
    %dma_wait3A_353 = arith.constant 18 : i32
    %dma_wait3A_354 = arith.constant 2304 : i32
    %dma_wait3A_355 = tpu.memref_slice %arg9[%dma_wait3A_354] : memref<13312xf32, #tpu.memory_space<vmem>> -> memref<128xf32, #tpu.memory_space<vmem>>
    %dma_wait3A_356 = arith.constant 0 : i32
    %dma_wait3A_357 = tpu.memref_slice %arg8[%dma_wait3A_353, %dma_wait3A_356] : memref<104x128xi32, #tpu.memory_space<vmem>> -> memref<1x128xi32, #tpu.memory_space<vmem>>
    %dma_wait3A_358 = tpu.memref_squeeze %dma_wait3A_357 : memref<1x128xi32, #tpu.memory_space<vmem>> -> memref<128xi32, #tpu.memory_space<vmem>>
    %dma_wait3A_359 = arith.constant 0 : i32
    %dma_wait3A_360 = tpu.memref_slice %arg2[%dma_wait3A_359] : memref<10400000xf32, #tpu.memory_space<hbm>> -> memref<10400000xf32, #tpu.memory_space<hbm>>
    tpu.wait_indirect_dma semaphore(%arg12 : memref<!tpu.dma_semaphore, #tpu.memory_space<semaphore_mem>>) src(%dma_wait3A_360 : memref<10400000xf32, #tpu.memory_space<hbm>>) dst(%dma_wait3A_355 : memref<128xf32, #tpu.memory_space<vmem>>)
    %dma_wait3A_361 = arith.constant 19 : i32
    %dma_wait3A_362 = arith.constant 2432 : i32
    %dma_wait3A_363 = tpu.memref_slice %arg9[%dma_wait3A_362] : memref<13312xf32, #tpu.memory_space<vmem>> -> memref<128xf32, #tpu.memory_space<vmem>>
    %dma_wait3A_364 = arith.constant 0 : i32
    %dma_wait3A_365 = tpu.memref_slice %arg8[%dma_wait3A_361, %dma_wait3A_364] : memref<104x128xi32, #tpu.memory_space<vmem>> -> memref<1x128xi32, #tpu.memory_space<vmem>>
    %dma_wait3A_366 = tpu.memref_squeeze %dma_wait3A_365 : memref<1x128xi32, #tpu.memory_space<vmem>> -> memref<128xi32, #tpu.memory_space<vmem>>
    %dma_wait3A_367 = arith.constant 0 : i32
    %dma_wait3A_368 = tpu.memref_slice %arg2[%dma_wait3A_367] : memref<10400000xf32, #tpu.memory_space<hbm>> -> memref<10400000xf32, #tpu.memory_space<hbm>>
    tpu.wait_indirect_dma semaphore(%arg12 : memref<!tpu.dma_semaphore, #tpu.memory_space<semaphore_mem>>) src(%dma_wait3A_368 : memref<10400000xf32, #tpu.memory_space<hbm>>) dst(%dma_wait3A_363 : memref<128xf32, #tpu.memory_space<vmem>>)
    %dma_wait3A_369 = arith.constant 20 : i32
    %dma_wait3A_370 = arith.constant 2560 : i32
    %dma_wait3A_371 = tpu.memref_slice %arg9[%dma_wait3A_370] : memref<13312xf32, #tpu.memory_space<vmem>> -> memref<128xf32, #tpu.memory_space<vmem>>
    %dma_wait3A_372 = arith.constant 0 : i32
    %dma_wait3A_373 = tpu.memref_slice %arg8[%dma_wait3A_369, %dma_wait3A_372] : memref<104x128xi32, #tpu.memory_space<vmem>> -> memref<1x128xi32, #tpu.memory_space<vmem>>
    %dma_wait3A_374 = tpu.memref_squeeze %dma_wait3A_373 : memref<1x128xi32, #tpu.memory_space<vmem>> -> memref<128xi32, #tpu.memory_space<vmem>>
    %dma_wait3A_375 = arith.constant 0 : i32
    %dma_wait3A_376 = tpu.memref_slice %arg2[%dma_wait3A_375] : memref<10400000xf32, #tpu.memory_space<hbm>> -> memref<10400000xf32, #tpu.memory_space<hbm>>
    tpu.wait_indirect_dma semaphore(%arg12 : memref<!tpu.dma_semaphore, #tpu.memory_space<semaphore_mem>>) src(%dma_wait3A_376 : memref<10400000xf32, #tpu.memory_space<hbm>>) dst(%dma_wait3A_371 : memref<128xf32, #tpu.memory_space<vmem>>)
    %dma_wait3A_377 = arith.constant 21 : i32
    %dma_wait3A_378 = arith.constant 2688 : i32
    %dma_wait3A_379 = tpu.memref_slice %arg9[%dma_wait3A_378] : memref<13312xf32, #tpu.memory_space<vmem>> -> memref<128xf32, #tpu.memory_space<vmem>>
    %dma_wait3A_380 = arith.constant 0 : i32
    %dma_wait3A_381 = tpu.memref_slice %arg8[%dma_wait3A_377, %dma_wait3A_380] : memref<104x128xi32, #tpu.memory_space<vmem>> -> memref<1x128xi32, #tpu.memory_space<vmem>>
    %dma_wait3A_382 = tpu.memref_squeeze %dma_wait3A_381 : memref<1x128xi32, #tpu.memory_space<vmem>> -> memref<128xi32, #tpu.memory_space<vmem>>
    %dma_wait3A_383 = arith.constant 0 : i32
    %dma_wait3A_384 = tpu.memref_slice %arg2[%dma_wait3A_383] : memref<10400000xf32, #tpu.memory_space<hbm>> -> memref<10400000xf32, #tpu.memory_space<hbm>>
    tpu.wait_indirect_dma semaphore(%arg12 : memref<!tpu.dma_semaphore, #tpu.memory_space<semaphore_mem>>) src(%dma_wait3A_384 : memref<10400000xf32, #tpu.memory_space<hbm>>) dst(%dma_wait3A_379 : memref<128xf32, #tpu.memory_space<vmem>>)
    %dma_wait3A_385 = arith.constant 22 : i32
    %dma_wait3A_386 = arith.constant 2816 : i32
    %dma_wait3A_387 = tpu.memref_slice %arg9[%dma_wait3A_386] : memref<13312xf32, #tpu.memory_space<vmem>> -> memref<128xf32, #tpu.memory_space<vmem>>
    %dma_wait3A_388 = arith.constant 0 : i32
    %dma_wait3A_389 = tpu.memref_slice %arg8[%dma_wait3A_385, %dma_wait3A_388] : memref<104x128xi32, #tpu.memory_space<vmem>> -> memref<1x128xi32, #tpu.memory_space<vmem>>
    %dma_wait3A_390 = tpu.memref_squeeze %dma_wait3A_389 : memref<1x128xi32, #tpu.memory_space<vmem>> -> memref<128xi32, #tpu.memory_space<vmem>>
    %dma_wait3A_391 = arith.constant 0 : i32
    %dma_wait3A_392 = tpu.memref_slice %arg2[%dma_wait3A_391] : memref<10400000xf32, #tpu.memory_space<hbm>> -> memref<10400000xf32, #tpu.memory_space<hbm>>
    tpu.wait_indirect_dma semaphore(%arg12 : memref<!tpu.dma_semaphore, #tpu.memory_space<semaphore_mem>>) src(%dma_wait3A_392 : memref<10400000xf32, #tpu.memory_space<hbm>>) dst(%dma_wait3A_387 : memref<128xf32, #tpu.memory_space<vmem>>)
    %dma_wait3A_393 = arith.constant 23 : i32
    %dma_wait3A_394 = arith.constant 2944 : i32
    %dma_wait3A_395 = tpu.memref_slice %arg9[%dma_wait3A_394] : memref<13312xf32, #tpu.memory_space<vmem>> -> memref<128xf32, #tpu.memory_space<vmem>>
    %dma_wait3A_396 = arith.constant 0 : i32
    %dma_wait3A_397 = tpu.memref_slice %arg8[%dma_wait3A_393, %dma_wait3A_396] : memref<104x128xi32, #tpu.memory_space<vmem>> -> memref<1x128xi32, #tpu.memory_space<vmem>>
    %dma_wait3A_398 = tpu.memref_squeeze %dma_wait3A_397 : memref<1x128xi32, #tpu.memory_space<vmem>> -> memref<128xi32, #tpu.memory_space<vmem>>
    %dma_wait3A_399 = arith.constant 0 : i32
    %dma_wait3A_400 = tpu.memref_slice %arg2[%dma_wait3A_399] : memref<10400000xf32, #tpu.memory_space<hbm>> -> memref<10400000xf32, #tpu.memory_space<hbm>>
    tpu.wait_indirect_dma semaphore(%arg12 : memref<!tpu.dma_semaphore, #tpu.memory_space<semaphore_mem>>) src(%dma_wait3A_400 : memref<10400000xf32, #tpu.memory_space<hbm>>) dst(%dma_wait3A_395 : memref<128xf32, #tpu.memory_space<vmem>>)
    %dma_wait3A_401 = arith.constant 24 : i32
    %dma_wait3A_402 = arith.constant 3072 : i32
    %dma_wait3A_403 = tpu.memref_slice %arg9[%dma_wait3A_402] : memref<13312xf32, #tpu.memory_space<vmem>> -> memref<128xf32, #tpu.memory_space<vmem>>
    %dma_wait3A_404 = arith.constant 0 : i32
    %dma_wait3A_405 = tpu.memref_slice %arg8[%dma_wait3A_401, %dma_wait3A_404] : memref<104x128xi32, #tpu.memory_space<vmem>> -> memref<1x128xi32, #tpu.memory_space<vmem>>
    %dma_wait3A_406 = tpu.memref_squeeze %dma_wait3A_405 : memref<1x128xi32, #tpu.memory_space<vmem>> -> memref<128xi32, #tpu.memory_space<vmem>>
    %dma_wait3A_407 = arith.constant 0 : i32
    %dma_wait3A_408 = tpu.memref_slice %arg2[%dma_wait3A_407] : memref<10400000xf32, #tpu.memory_space<hbm>> -> memref<10400000xf32, #tpu.memory_space<hbm>>
    tpu.wait_indirect_dma semaphore(%arg12 : memref<!tpu.dma_semaphore, #tpu.memory_space<semaphore_mem>>) src(%dma_wait3A_408 : memref<10400000xf32, #tpu.memory_space<hbm>>) dst(%dma_wait3A_403 : memref<128xf32, #tpu.memory_space<vmem>>)
    %dma_wait3A_409 = arith.constant 25 : i32
    %dma_wait3A_410 = arith.constant 3200 : i32
    %dma_wait3A_411 = tpu.memref_slice %arg9[%dma_wait3A_410] : memref<13312xf32, #tpu.memory_space<vmem>> -> memref<128xf32, #tpu.memory_space<vmem>>
    %dma_wait3A_412 = arith.constant 0 : i32
    %dma_wait3A_413 = tpu.memref_slice %arg8[%dma_wait3A_409, %dma_wait3A_412] : memref<104x128xi32, #tpu.memory_space<vmem>> -> memref<1x128xi32, #tpu.memory_space<vmem>>
    %dma_wait3A_414 = tpu.memref_squeeze %dma_wait3A_413 : memref<1x128xi32, #tpu.memory_space<vmem>> -> memref<128xi32, #tpu.memory_space<vmem>>
    %dma_wait3A_415 = arith.constant 0 : i32
    %dma_wait3A_416 = tpu.memref_slice %arg2[%dma_wait3A_415] : memref<10400000xf32, #tpu.memory_space<hbm>> -> memref<10400000xf32, #tpu.memory_space<hbm>>
    tpu.wait_indirect_dma semaphore(%arg12 : memref<!tpu.dma_semaphore, #tpu.memory_space<semaphore_mem>>) src(%dma_wait3A_416 : memref<10400000xf32, #tpu.memory_space<hbm>>) dst(%dma_wait3A_411 : memref<128xf32, #tpu.memory_space<vmem>>)
    %dma_start3A_417 = arith.constant 26 : i32
    %dma_start3A_418 = arith.constant 3328 : i32
    %dma_start3A_419 = tpu.memref_slice %arg9[%dma_start3A_418] : memref<13312xf32, #tpu.memory_space<vmem>> -> memref<128xf32, #tpu.memory_space<vmem>>
    %dma_start3A_420 = arith.constant 0 : i32
    %dma_start3A_421 = tpu.memref_slice %arg8[%dma_start3A_417, %dma_start3A_420] : memref<104x128xi32, #tpu.memory_space<vmem>> -> memref<1x128xi32, #tpu.memory_space<vmem>>
    %dma_start3A_422 = tpu.memref_squeeze %dma_start3A_421 : memref<1x128xi32, #tpu.memory_space<vmem>> -> memref<128xi32, #tpu.memory_space<vmem>>
    %dma_start3A_423 = arith.constant 0 : i32
    %dma_start3A_424 = tpu.memref_slice %arg2[%dma_start3A_423] : memref<10400000xf32, #tpu.memory_space<hbm>> -> memref<10400000xf32, #tpu.memory_space<hbm>>
    tpu.enqueue_indirect_dma source(%dma_start3A_424 : memref<10400000xf32, #tpu.memory_space<hbm>>) target(%dma_start3A_419 : memref<128xf32, #tpu.memory_space<vmem>>) offsets(%dma_start3A_422 : memref<128xi32, #tpu.memory_space<vmem>>) semaphore(%arg12 : memref<!tpu.dma_semaphore, #tpu.memory_space<semaphore_mem>>)
    %dma_start3A_425 = arith.constant 27 : i32
    %dma_start3A_426 = arith.constant 3456 : i32
    %dma_start3A_427 = tpu.memref_slice %arg9[%dma_start3A_426] : memref<13312xf32, #tpu.memory_space<vmem>> -> memref<128xf32, #tpu.memory_space<vmem>>
    %dma_start3A_428 = arith.constant 0 : i32
    %dma_start3A_429 = tpu.memref_slice %arg8[%dma_start3A_425, %dma_start3A_428] : memref<104x128xi32, #tpu.memory_space<vmem>> -> memref<1x128xi32, #tpu.memory_space<vmem>>
    %dma_start3A_430 = tpu.memref_squeeze %dma_start3A_429 : memref<1x128xi32, #tpu.memory_space<vmem>> -> memref<128xi32, #tpu.memory_space<vmem>>
    %dma_start3A_431 = arith.constant 0 : i32
    %dma_start3A_432 = tpu.memref_slice %arg2[%dma_start3A_431] : memref<10400000xf32, #tpu.memory_space<hbm>> -> memref<10400000xf32, #tpu.memory_space<hbm>>
    tpu.enqueue_indirect_dma source(%dma_start3A_432 : memref<10400000xf32, #tpu.memory_space<hbm>>) target(%dma_start3A_427 : memref<128xf32, #tpu.memory_space<vmem>>) offsets(%dma_start3A_430 : memref<128xi32, #tpu.memory_space<vmem>>) semaphore(%arg12 : memref<!tpu.dma_semaphore, #tpu.memory_space<semaphore_mem>>)
    %dma_start3A_433 = arith.constant 28 : i32
    %dma_start3A_434 = arith.constant 3584 : i32
    %dma_start3A_435 = tpu.memref_slice %arg9[%dma_start3A_434] : memref<13312xf32, #tpu.memory_space<vmem>> -> memref<128xf32, #tpu.memory_space<vmem>>
    %dma_start3A_436 = arith.constant 0 : i32
    %dma_start3A_437 = tpu.memref_slice %arg8[%dma_start3A_433, %dma_start3A_436] : memref<104x128xi32, #tpu.memory_space<vmem>> -> memref<1x128xi32, #tpu.memory_space<vmem>>
    %dma_start3A_438 = tpu.memref_squeeze %dma_start3A_437 : memref<1x128xi32, #tpu.memory_space<vmem>> -> memref<128xi32, #tpu.memory_space<vmem>>
    %dma_start3A_439 = arith.constant 0 : i32
    %dma_start3A_440 = tpu.memref_slice %arg2[%dma_start3A_439] : memref<10400000xf32, #tpu.memory_space<hbm>> -> memref<10400000xf32, #tpu.memory_space<hbm>>
    tpu.enqueue_indirect_dma source(%dma_start3A_440 : memref<10400000xf32, #tpu.memory_space<hbm>>) target(%dma_start3A_435 : memref<128xf32, #tpu.memory_space<vmem>>) offsets(%dma_start3A_438 : memref<128xi32, #tpu.memory_space<vmem>>) semaphore(%arg12 : memref<!tpu.dma_semaphore, #tpu.memory_space<semaphore_mem>>)
    %dma_start3A_441 = arith.constant 29 : i32
    %dma_start3A_442 = arith.constant 3712 : i32
    %dma_start3A_443 = tpu.memref_slice %arg9[%dma_start3A_442] : memref<13312xf32, #tpu.memory_space<vmem>> -> memref<128xf32, #tpu.memory_space<vmem>>
    %dma_start3A_444 = arith.constant 0 : i32
    %dma_start3A_445 = tpu.memref_slice %arg8[%dma_start3A_441, %dma_start3A_444] : memref<104x128xi32, #tpu.memory_space<vmem>> -> memref<1x128xi32, #tpu.memory_space<vmem>>
    %dma_start3A_446 = tpu.memref_squeeze %dma_start3A_445 : memref<1x128xi32, #tpu.memory_space<vmem>> -> memref<128xi32, #tpu.memory_space<vmem>>
    %dma_start3A_447 = arith.constant 0 : i32
    %dma_start3A_448 = tpu.memref_slice %arg2[%dma_start3A_447] : memref<10400000xf32, #tpu.memory_space<hbm>> -> memref<10400000xf32, #tpu.memory_space<hbm>>
    tpu.enqueue_indirect_dma source(%dma_start3A_448 : memref<10400000xf32, #tpu.memory_space<hbm>>) target(%dma_start3A_443 : memref<128xf32, #tpu.memory_space<vmem>>) offsets(%dma_start3A_446 : memref<128xi32, #tpu.memory_space<vmem>>) semaphore(%arg12 : memref<!tpu.dma_semaphore, #tpu.memory_space<semaphore_mem>>)
    %dma_start3A_449 = arith.constant 30 : i32
    %dma_start3A_450 = arith.constant 3840 : i32
    %dma_start3A_451 = tpu.memref_slice %arg9[%dma_start3A_450] : memref<13312xf32, #tpu.memory_space<vmem>> -> memref<128xf32, #tpu.memory_space<vmem>>
    %dma_start3A_452 = arith.constant 0 : i32
    %dma_start3A_453 = tpu.memref_slice %arg8[%dma_start3A_449, %dma_start3A_452] : memref<104x128xi32, #tpu.memory_space<vmem>> -> memref<1x128xi32, #tpu.memory_space<vmem>>
    %dma_start3A_454 = tpu.memref_squeeze %dma_start3A_453 : memref<1x128xi32, #tpu.memory_space<vmem>> -> memref<128xi32, #tpu.memory_space<vmem>>
    %dma_start3A_455 = arith.constant 0 : i32
    %dma_start3A_456 = tpu.memref_slice %arg2[%dma_start3A_455] : memref<10400000xf32, #tpu.memory_space<hbm>> -> memref<10400000xf32, #tpu.memory_space<hbm>>
    tpu.enqueue_indirect_dma source(%dma_start3A_456 : memref<10400000xf32, #tpu.memory_space<hbm>>) target(%dma_start3A_451 : memref<128xf32, #tpu.memory_space<vmem>>) offsets(%dma_start3A_454 : memref<128xi32, #tpu.memory_space<vmem>>) semaphore(%arg12 : memref<!tpu.dma_semaphore, #tpu.memory_space<semaphore_mem>>)
    %dma_start3A_457 = arith.constant 31 : i32
    %dma_start3A_458 = arith.constant 3968 : i32
    %dma_start3A_459 = tpu.memref_slice %arg9[%dma_start3A_458] : memref<13312xf32, #tpu.memory_space<vmem>> -> memref<128xf32, #tpu.memory_space<vmem>>
    %dma_start3A_460 = arith.constant 0 : i32
    %dma_start3A_461 = tpu.memref_slice %arg8[%dma_start3A_457, %dma_start3A_460] : memref<104x128xi32, #tpu.memory_space<vmem>> -> memref<1x128xi32, #tpu.memory_space<vmem>>
    %dma_start3A_462 = tpu.memref_squeeze %dma_start3A_461 : memref<1x128xi32, #tpu.memory_space<vmem>> -> memref<128xi32, #tpu.memory_space<vmem>>
    %dma_start3A_463 = arith.constant 0 : i32
    %dma_start3A_464 = tpu.memref_slice %arg2[%dma_start3A_463] : memref<10400000xf32, #tpu.memory_space<hbm>> -> memref<10400000xf32, #tpu.memory_space<hbm>>
    tpu.enqueue_indirect_dma source(%dma_start3A_464 : memref<10400000xf32, #tpu.memory_space<hbm>>) target(%dma_start3A_459 : memref<128xf32, #tpu.memory_space<vmem>>) offsets(%dma_start3A_462 : memref<128xi32, #tpu.memory_space<vmem>>) semaphore(%arg12 : memref<!tpu.dma_semaphore, #tpu.memory_space<semaphore_mem>>)
    %dma_start3A_465 = arith.constant 32 : i32
    %dma_start3A_466 = arith.constant 4096 : i32
    %dma_start3A_467 = tpu.memref_slice %arg9[%dma_start3A_466] : memref<13312xf32, #tpu.memory_space<vmem>> -> memref<128xf32, #tpu.memory_space<vmem>>
    %dma_start3A_468 = arith.constant 0 : i32
    %dma_start3A_469 = tpu.memref_slice %arg8[%dma_start3A_465, %dma_start3A_468] : memref<104x128xi32, #tpu.memory_space<vmem>> -> memref<1x128xi32, #tpu.memory_space<vmem>>
    %dma_start3A_470 = tpu.memref_squeeze %dma_start3A_469 : memref<1x128xi32, #tpu.memory_space<vmem>> -> memref<128xi32, #tpu.memory_space<vmem>>
    %dma_start3A_471 = arith.constant 0 : i32
    %dma_start3A_472 = tpu.memref_slice %arg2[%dma_start3A_471] : memref<10400000xf32, #tpu.memory_space<hbm>> -> memref<10400000xf32, #tpu.memory_space<hbm>>
    tpu.enqueue_indirect_dma source(%dma_start3A_472 : memref<10400000xf32, #tpu.memory_space<hbm>>) target(%dma_start3A_467 : memref<128xf32, #tpu.memory_space<vmem>>) offsets(%dma_start3A_470 : memref<128xi32, #tpu.memory_space<vmem>>) semaphore(%arg12 : memref<!tpu.dma_semaphore, #tpu.memory_space<semaphore_mem>>)
    %dma_start3A_473 = arith.constant 33 : i32
    %dma_start3A_474 = arith.constant 4224 : i32
    %dma_start3A_475 = tpu.memref_slice %arg9[%dma_start3A_474] : memref<13312xf32, #tpu.memory_space<vmem>> -> memref<128xf32, #tpu.memory_space<vmem>>
    %dma_start3A_476 = arith.constant 0 : i32
    %dma_start3A_477 = tpu.memref_slice %arg8[%dma_start3A_473, %dma_start3A_476] : memref<104x128xi32, #tpu.memory_space<vmem>> -> memref<1x128xi32, #tpu.memory_space<vmem>>
    %dma_start3A_478 = tpu.memref_squeeze %dma_start3A_477 : memref<1x128xi32, #tpu.memory_space<vmem>> -> memref<128xi32, #tpu.memory_space<vmem>>
    %dma_start3A_479 = arith.constant 0 : i32
    %dma_start3A_480 = tpu.memref_slice %arg2[%dma_start3A_479] : memref<10400000xf32, #tpu.memory_space<hbm>> -> memref<10400000xf32, #tpu.memory_space<hbm>>
    tpu.enqueue_indirect_dma source(%dma_start3A_480 : memref<10400000xf32, #tpu.memory_space<hbm>>) target(%dma_start3A_475 : memref<128xf32, #tpu.memory_space<vmem>>) offsets(%dma_start3A_478 : memref<128xi32, #tpu.memory_space<vmem>>) semaphore(%arg12 : memref<!tpu.dma_semaphore, #tpu.memory_space<semaphore_mem>>)
    %dma_start3A_481 = arith.constant 34 : i32
    %dma_start3A_482 = arith.constant 4352 : i32
    %dma_start3A_483 = tpu.memref_slice %arg9[%dma_start3A_482] : memref<13312xf32, #tpu.memory_space<vmem>> -> memref<128xf32, #tpu.memory_space<vmem>>
    %dma_start3A_484 = arith.constant 0 : i32
    %dma_start3A_485 = tpu.memref_slice %arg8[%dma_start3A_481, %dma_start3A_484] : memref<104x128xi32, #tpu.memory_space<vmem>> -> memref<1x128xi32, #tpu.memory_space<vmem>>
    %dma_start3A_486 = tpu.memref_squeeze %dma_start3A_485 : memref<1x128xi32, #tpu.memory_space<vmem>> -> memref<128xi32, #tpu.memory_space<vmem>>
    %dma_start3A_487 = arith.constant 0 : i32
    %dma_start3A_488 = tpu.memref_slice %arg2[%dma_start3A_487] : memref<10400000xf32, #tpu.memory_space<hbm>> -> memref<10400000xf32, #tpu.memory_space<hbm>>
    tpu.enqueue_indirect_dma source(%dma_start3A_488 : memref<10400000xf32, #tpu.memory_space<hbm>>) target(%dma_start3A_483 : memref<128xf32, #tpu.memory_space<vmem>>) offsets(%dma_start3A_486 : memref<128xi32, #tpu.memory_space<vmem>>) semaphore(%arg12 : memref<!tpu.dma_semaphore, #tpu.memory_space<semaphore_mem>>)
    %dma_start3A_489 = arith.constant 35 : i32
    %dma_start3A_490 = arith.constant 4480 : i32
    %dma_start3A_491 = tpu.memref_slice %arg9[%dma_start3A_490] : memref<13312xf32, #tpu.memory_space<vmem>> -> memref<128xf32, #tpu.memory_space<vmem>>
    %dma_start3A_492 = arith.constant 0 : i32
    %dma_start3A_493 = tpu.memref_slice %arg8[%dma_start3A_489, %dma_start3A_492] : memref<104x128xi32, #tpu.memory_space<vmem>> -> memref<1x128xi32, #tpu.memory_space<vmem>>
    %dma_start3A_494 = tpu.memref_squeeze %dma_start3A_493 : memref<1x128xi32, #tpu.memory_space<vmem>> -> memref<128xi32, #tpu.memory_space<vmem>>
    %dma_start3A_495 = arith.constant 0 : i32
    %dma_start3A_496 = tpu.memref_slice %arg2[%dma_start3A_495] : memref<10400000xf32, #tpu.memory_space<hbm>> -> memref<10400000xf32, #tpu.memory_space<hbm>>
    tpu.enqueue_indirect_dma source(%dma_start3A_496 : memref<10400000xf32, #tpu.memory_space<hbm>>) target(%dma_start3A_491 : memref<128xf32, #tpu.memory_space<vmem>>) offsets(%dma_start3A_494 : memref<128xi32, #tpu.memory_space<vmem>>) semaphore(%arg12 : memref<!tpu.dma_semaphore, #tpu.memory_space<semaphore_mem>>)
    %dma_start3A_497 = arith.constant 36 : i32
    %dma_start3A_498 = arith.constant 4608 : i32
    %dma_start3A_499 = tpu.memref_slice %arg9[%dma_start3A_498] : memref<13312xf32, #tpu.memory_space<vmem>> -> memref<128xf32, #tpu.memory_space<vmem>>
    %dma_start3A_500 = arith.constant 0 : i32
    %dma_start3A_501 = tpu.memref_slice %arg8[%dma_start3A_497, %dma_start3A_500] : memref<104x128xi32, #tpu.memory_space<vmem>> -> memref<1x128xi32, #tpu.memory_space<vmem>>
    %dma_start3A_502 = tpu.memref_squeeze %dma_start3A_501 : memref<1x128xi32, #tpu.memory_space<vmem>> -> memref<128xi32, #tpu.memory_space<vmem>>
    %dma_start3A_503 = arith.constant 0 : i32
    %dma_start3A_504 = tpu.memref_slice %arg2[%dma_start3A_503] : memref<10400000xf32, #tpu.memory_space<hbm>> -> memref<10400000xf32, #tpu.memory_space<hbm>>
    tpu.enqueue_indirect_dma source(%dma_start3A_504 : memref<10400000xf32, #tpu.memory_space<hbm>>) target(%dma_start3A_499 : memref<128xf32, #tpu.memory_space<vmem>>) offsets(%dma_start3A_502 : memref<128xi32, #tpu.memory_space<vmem>>) semaphore(%arg12 : memref<!tpu.dma_semaphore, #tpu.memory_space<semaphore_mem>>)
    %dma_start3A_505 = arith.constant 37 : i32
    %dma_start3A_506 = arith.constant 4736 : i32
    %dma_start3A_507 = tpu.memref_slice %arg9[%dma_start3A_506] : memref<13312xf32, #tpu.memory_space<vmem>> -> memref<128xf32, #tpu.memory_space<vmem>>
    %dma_start3A_508 = arith.constant 0 : i32
    %dma_start3A_509 = tpu.memref_slice %arg8[%dma_start3A_505, %dma_start3A_508] : memref<104x128xi32, #tpu.memory_space<vmem>> -> memref<1x128xi32, #tpu.memory_space<vmem>>
    %dma_start3A_510 = tpu.memref_squeeze %dma_start3A_509 : memref<1x128xi32, #tpu.memory_space<vmem>> -> memref<128xi32, #tpu.memory_space<vmem>>
    %dma_start3A_511 = arith.constant 0 : i32
    %dma_start3A_512 = tpu.memref_slice %arg2[%dma_start3A_511] : memref<10400000xf32, #tpu.memory_space<hbm>> -> memref<10400000xf32, #tpu.memory_space<hbm>>
    tpu.enqueue_indirect_dma source(%dma_start3A_512 : memref<10400000xf32, #tpu.memory_space<hbm>>) target(%dma_start3A_507 : memref<128xf32, #tpu.memory_space<vmem>>) offsets(%dma_start3A_510 : memref<128xi32, #tpu.memory_space<vmem>>) semaphore(%arg12 : memref<!tpu.dma_semaphore, #tpu.memory_space<semaphore_mem>>)
    %dma_start3A_513 = arith.constant 38 : i32
    %dma_start3A_514 = arith.constant 4864 : i32
    %dma_start3A_515 = tpu.memref_slice %arg9[%dma_start3A_514] : memref<13312xf32, #tpu.memory_space<vmem>> -> memref<128xf32, #tpu.memory_space<vmem>>
    %dma_start3A_516 = arith.constant 0 : i32
    %dma_start3A_517 = tpu.memref_slice %arg8[%dma_start3A_513, %dma_start3A_516] : memref<104x128xi32, #tpu.memory_space<vmem>> -> memref<1x128xi32, #tpu.memory_space<vmem>>
    %dma_start3A_518 = tpu.memref_squeeze %dma_start3A_517 : memref<1x128xi32, #tpu.memory_space<vmem>> -> memref<128xi32, #tpu.memory_space<vmem>>
    %dma_start3A_519 = arith.constant 0 : i32
    %dma_start3A_520 = tpu.memref_slice %arg2[%dma_start3A_519] : memref<10400000xf32, #tpu.memory_space<hbm>> -> memref<10400000xf32, #tpu.memory_space<hbm>>
    tpu.enqueue_indirect_dma source(%dma_start3A_520 : memref<10400000xf32, #tpu.memory_space<hbm>>) target(%dma_start3A_515 : memref<128xf32, #tpu.memory_space<vmem>>) offsets(%dma_start3A_518 : memref<128xi32, #tpu.memory_space<vmem>>) semaphore(%arg12 : memref<!tpu.dma_semaphore, #tpu.memory_space<semaphore_mem>>)
    %dma_wait3A_521 = arith.constant 26 : i32
    %dma_wait3A_522 = arith.constant 3328 : i32
    %dma_wait3A_523 = tpu.memref_slice %arg9[%dma_wait3A_522] : memref<13312xf32, #tpu.memory_space<vmem>> -> memref<128xf32, #tpu.memory_space<vmem>>
    %dma_wait3A_524 = arith.constant 0 : i32
    %dma_wait3A_525 = tpu.memref_slice %arg8[%dma_wait3A_521, %dma_wait3A_524] : memref<104x128xi32, #tpu.memory_space<vmem>> -> memref<1x128xi32, #tpu.memory_space<vmem>>
    %dma_wait3A_526 = tpu.memref_squeeze %dma_wait3A_525 : memref<1x128xi32, #tpu.memory_space<vmem>> -> memref<128xi32, #tpu.memory_space<vmem>>
    %dma_wait3A_527 = arith.constant 0 : i32
    %dma_wait3A_528 = tpu.memref_slice %arg2[%dma_wait3A_527] : memref<10400000xf32, #tpu.memory_space<hbm>> -> memref<10400000xf32, #tpu.memory_space<hbm>>
    tpu.wait_indirect_dma semaphore(%arg12 : memref<!tpu.dma_semaphore, #tpu.memory_space<semaphore_mem>>) src(%dma_wait3A_528 : memref<10400000xf32, #tpu.memory_space<hbm>>) dst(%dma_wait3A_523 : memref<128xf32, #tpu.memory_space<vmem>>)
    %dma_wait3A_529 = arith.constant 27 : i32
    %dma_wait3A_530 = arith.constant 3456 : i32
    %dma_wait3A_531 = tpu.memref_slice %arg9[%dma_wait3A_530] : memref<13312xf32, #tpu.memory_space<vmem>> -> memref<128xf32, #tpu.memory_space<vmem>>
    %dma_wait3A_532 = arith.constant 0 : i32
    %dma_wait3A_533 = tpu.memref_slice %arg8[%dma_wait3A_529, %dma_wait3A_532] : memref<104x128xi32, #tpu.memory_space<vmem>> -> memref<1x128xi32, #tpu.memory_space<vmem>>
    %dma_wait3A_534 = tpu.memref_squeeze %dma_wait3A_533 : memref<1x128xi32, #tpu.memory_space<vmem>> -> memref<128xi32, #tpu.memory_space<vmem>>
    %dma_wait3A_535 = arith.constant 0 : i32
    %dma_wait3A_536 = tpu.memref_slice %arg2[%dma_wait3A_535] : memref<10400000xf32, #tpu.memory_space<hbm>> -> memref<10400000xf32, #tpu.memory_space<hbm>>
    tpu.wait_indirect_dma semaphore(%arg12 : memref<!tpu.dma_semaphore, #tpu.memory_space<semaphore_mem>>) src(%dma_wait3A_536 : memref<10400000xf32, #tpu.memory_space<hbm>>) dst(%dma_wait3A_531 : memref<128xf32, #tpu.memory_space<vmem>>)
    %dma_wait3A_537 = arith.constant 28 : i32
    %dma_wait3A_538 = arith.constant 3584 : i32
    %dma_wait3A_539 = tpu.memref_slice %arg9[%dma_wait3A_538] : memref<13312xf32, #tpu.memory_space<vmem>> -> memref<128xf32, #tpu.memory_space<vmem>>
    %dma_wait3A_540 = arith.constant 0 : i32
    %dma_wait3A_541 = tpu.memref_slice %arg8[%dma_wait3A_537, %dma_wait3A_540] : memref<104x128xi32, #tpu.memory_space<vmem>> -> memref<1x128xi32, #tpu.memory_space<vmem>>
    %dma_wait3A_542 = tpu.memref_squeeze %dma_wait3A_541 : memref<1x128xi32, #tpu.memory_space<vmem>> -> memref<128xi32, #tpu.memory_space<vmem>>
    %dma_wait3A_543 = arith.constant 0 : i32
    %dma_wait3A_544 = tpu.memref_slice %arg2[%dma_wait3A_543] : memref<10400000xf32, #tpu.memory_space<hbm>> -> memref<10400000xf32, #tpu.memory_space<hbm>>
    tpu.wait_indirect_dma semaphore(%arg12 : memref<!tpu.dma_semaphore, #tpu.memory_space<semaphore_mem>>) src(%dma_wait3A_544 : memref<10400000xf32, #tpu.memory_space<hbm>>) dst(%dma_wait3A_539 : memref<128xf32, #tpu.memory_space<vmem>>)
    %dma_wait3A_545 = arith.constant 29 : i32
    %dma_wait3A_546 = arith.constant 3712 : i32
    %dma_wait3A_547 = tpu.memref_slice %arg9[%dma_wait3A_546] : memref<13312xf32, #tpu.memory_space<vmem>> -> memref<128xf32, #tpu.memory_space<vmem>>
    %dma_wait3A_548 = arith.constant 0 : i32
    %dma_wait3A_549 = tpu.memref_slice %arg8[%dma_wait3A_545, %dma_wait3A_548] : memref<104x128xi32, #tpu.memory_space<vmem>> -> memref<1x128xi32, #tpu.memory_space<vmem>>
    %dma_wait3A_550 = tpu.memref_squeeze %dma_wait3A_549 : memref<1x128xi32, #tpu.memory_space<vmem>> -> memref<128xi32, #tpu.memory_space<vmem>>
    %dma_wait3A_551 = arith.constant 0 : i32
    %dma_wait3A_552 = tpu.memref_slice %arg2[%dma_wait3A_551] : memref<10400000xf32, #tpu.memory_space<hbm>> -> memref<10400000xf32, #tpu.memory_space<hbm>>
    tpu.wait_indirect_dma semaphore(%arg12 : memref<!tpu.dma_semaphore, #tpu.memory_space<semaphore_mem>>) src(%dma_wait3A_552 : memref<10400000xf32, #tpu.memory_space<hbm>>) dst(%dma_wait3A_547 : memref<128xf32, #tpu.memory_space<vmem>>)
    %dma_wait3A_553 = arith.constant 30 : i32
    %dma_wait3A_554 = arith.constant 3840 : i32
    %dma_wait3A_555 = tpu.memref_slice %arg9[%dma_wait3A_554] : memref<13312xf32, #tpu.memory_space<vmem>> -> memref<128xf32, #tpu.memory_space<vmem>>
    %dma_wait3A_556 = arith.constant 0 : i32
    %dma_wait3A_557 = tpu.memref_slice %arg8[%dma_wait3A_553, %dma_wait3A_556] : memref<104x128xi32, #tpu.memory_space<vmem>> -> memref<1x128xi32, #tpu.memory_space<vmem>>
    %dma_wait3A_558 = tpu.memref_squeeze %dma_wait3A_557 : memref<1x128xi32, #tpu.memory_space<vmem>> -> memref<128xi32, #tpu.memory_space<vmem>>
    %dma_wait3A_559 = arith.constant 0 : i32
    %dma_wait3A_560 = tpu.memref_slice %arg2[%dma_wait3A_559] : memref<10400000xf32, #tpu.memory_space<hbm>> -> memref<10400000xf32, #tpu.memory_space<hbm>>
    tpu.wait_indirect_dma semaphore(%arg12 : memref<!tpu.dma_semaphore, #tpu.memory_space<semaphore_mem>>) src(%dma_wait3A_560 : memref<10400000xf32, #tpu.memory_space<hbm>>) dst(%dma_wait3A_555 : memref<128xf32, #tpu.memory_space<vmem>>)
    %dma_wait3A_561 = arith.constant 31 : i32
    %dma_wait3A_562 = arith.constant 3968 : i32
    %dma_wait3A_563 = tpu.memref_slice %arg9[%dma_wait3A_562] : memref<13312xf32, #tpu.memory_space<vmem>> -> memref<128xf32, #tpu.memory_space<vmem>>
    %dma_wait3A_564 = arith.constant 0 : i32
    %dma_wait3A_565 = tpu.memref_slice %arg8[%dma_wait3A_561, %dma_wait3A_564] : memref<104x128xi32, #tpu.memory_space<vmem>> -> memref<1x128xi32, #tpu.memory_space<vmem>>
    %dma_wait3A_566 = tpu.memref_squeeze %dma_wait3A_565 : memref<1x128xi32, #tpu.memory_space<vmem>> -> memref<128xi32, #tpu.memory_space<vmem>>
    %dma_wait3A_567 = arith.constant 0 : i32
    %dma_wait3A_568 = tpu.memref_slice %arg2[%dma_wait3A_567] : memref<10400000xf32, #tpu.memory_space<hbm>> -> memref<10400000xf32, #tpu.memory_space<hbm>>
    tpu.wait_indirect_dma semaphore(%arg12 : memref<!tpu.dma_semaphore, #tpu.memory_space<semaphore_mem>>) src(%dma_wait3A_568 : memref<10400000xf32, #tpu.memory_space<hbm>>) dst(%dma_wait3A_563 : memref<128xf32, #tpu.memory_space<vmem>>)
    %dma_wait3A_569 = arith.constant 32 : i32
    %dma_wait3A_570 = arith.constant 4096 : i32
    %dma_wait3A_571 = tpu.memref_slice %arg9[%dma_wait3A_570] : memref<13312xf32, #tpu.memory_space<vmem>> -> memref<128xf32, #tpu.memory_space<vmem>>
    %dma_wait3A_572 = arith.constant 0 : i32
    %dma_wait3A_573 = tpu.memref_slice %arg8[%dma_wait3A_569, %dma_wait3A_572] : memref<104x128xi32, #tpu.memory_space<vmem>> -> memref<1x128xi32, #tpu.memory_space<vmem>>
    %dma_wait3A_574 = tpu.memref_squeeze %dma_wait3A_573 : memref<1x128xi32, #tpu.memory_space<vmem>> -> memref<128xi32, #tpu.memory_space<vmem>>
    %dma_wait3A_575 = arith.constant 0 : i32
    %dma_wait3A_576 = tpu.memref_slice %arg2[%dma_wait3A_575] : memref<10400000xf32, #tpu.memory_space<hbm>> -> memref<10400000xf32, #tpu.memory_space<hbm>>
    tpu.wait_indirect_dma semaphore(%arg12 : memref<!tpu.dma_semaphore, #tpu.memory_space<semaphore_mem>>) src(%dma_wait3A_576 : memref<10400000xf32, #tpu.memory_space<hbm>>) dst(%dma_wait3A_571 : memref<128xf32, #tpu.memory_space<vmem>>)
    %dma_wait3A_577 = arith.constant 33 : i32
    %dma_wait3A_578 = arith.constant 4224 : i32
    %dma_wait3A_579 = tpu.memref_slice %arg9[%dma_wait3A_578] : memref<13312xf32, #tpu.memory_space<vmem>> -> memref<128xf32, #tpu.memory_space<vmem>>
    %dma_wait3A_580 = arith.constant 0 : i32
    %dma_wait3A_581 = tpu.memref_slice %arg8[%dma_wait3A_577, %dma_wait3A_580] : memref<104x128xi32, #tpu.memory_space<vmem>> -> memref<1x128xi32, #tpu.memory_space<vmem>>
    %dma_wait3A_582 = tpu.memref_squeeze %dma_wait3A_581 : memref<1x128xi32, #tpu.memory_space<vmem>> -> memref<128xi32, #tpu.memory_space<vmem>>
    %dma_wait3A_583 = arith.constant 0 : i32
    %dma_wait3A_584 = tpu.memref_slice %arg2[%dma_wait3A_583] : memref<10400000xf32, #tpu.memory_space<hbm>> -> memref<10400000xf32, #tpu.memory_space<hbm>>
    tpu.wait_indirect_dma semaphore(%arg12 : memref<!tpu.dma_semaphore, #tpu.memory_space<semaphore_mem>>) src(%dma_wait3A_584 : memref<10400000xf32, #tpu.memory_space<hbm>>) dst(%dma_wait3A_579 : memref<128xf32, #tpu.memory_space<vmem>>)
    %dma_wait3A_585 = arith.constant 34 : i32
    %dma_wait3A_586 = arith.constant 4352 : i32
    %dma_wait3A_587 = tpu.memref_slice %arg9[%dma_wait3A_586] : memref<13312xf32, #tpu.memory_space<vmem>> -> memref<128xf32, #tpu.memory_space<vmem>>
    %dma_wait3A_588 = arith.constant 0 : i32
    %dma_wait3A_589 = tpu.memref_slice %arg8[%dma_wait3A_585, %dma_wait3A_588] : memref<104x128xi32, #tpu.memory_space<vmem>> -> memref<1x128xi32, #tpu.memory_space<vmem>>
    %dma_wait3A_590 = tpu.memref_squeeze %dma_wait3A_589 : memref<1x128xi32, #tpu.memory_space<vmem>> -> memref<128xi32, #tpu.memory_space<vmem>>
    %dma_wait3A_591 = arith.constant 0 : i32
    %dma_wait3A_592 = tpu.memref_slice %arg2[%dma_wait3A_591] : memref<10400000xf32, #tpu.memory_space<hbm>> -> memref<10400000xf32, #tpu.memory_space<hbm>>
    tpu.wait_indirect_dma semaphore(%arg12 : memref<!tpu.dma_semaphore, #tpu.memory_space<semaphore_mem>>) src(%dma_wait3A_592 : memref<10400000xf32, #tpu.memory_space<hbm>>) dst(%dma_wait3A_587 : memref<128xf32, #tpu.memory_space<vmem>>)
    %dma_wait3A_593 = arith.constant 35 : i32
    %dma_wait3A_594 = arith.constant 4480 : i32
    %dma_wait3A_595 = tpu.memref_slice %arg9[%dma_wait3A_594] : memref<13312xf32, #tpu.memory_space<vmem>> -> memref<128xf32, #tpu.memory_space<vmem>>
    %dma_wait3A_596 = arith.constant 0 : i32
    %dma_wait3A_597 = tpu.memref_slice %arg8[%dma_wait3A_593, %dma_wait3A_596] : memref<104x128xi32, #tpu.memory_space<vmem>> -> memref<1x128xi32, #tpu.memory_space<vmem>>
    %dma_wait3A_598 = tpu.memref_squeeze %dma_wait3A_597 : memref<1x128xi32, #tpu.memory_space<vmem>> -> memref<128xi32, #tpu.memory_space<vmem>>
    %dma_wait3A_599 = arith.constant 0 : i32
    %dma_wait3A_600 = tpu.memref_slice %arg2[%dma_wait3A_599] : memref<10400000xf32, #tpu.memory_space<hbm>> -> memref<10400000xf32, #tpu.memory_space<hbm>>
    tpu.wait_indirect_dma semaphore(%arg12 : memref<!tpu.dma_semaphore, #tpu.memory_space<semaphore_mem>>) src(%dma_wait3A_600 : memref<10400000xf32, #tpu.memory_space<hbm>>) dst(%dma_wait3A_595 : memref<128xf32, #tpu.memory_space<vmem>>)
    %dma_wait3A_601 = arith.constant 36 : i32
    %dma_wait3A_602 = arith.constant 4608 : i32
    %dma_wait3A_603 = tpu.memref_slice %arg9[%dma_wait3A_602] : memref<13312xf32, #tpu.memory_space<vmem>> -> memref<128xf32, #tpu.memory_space<vmem>>
    %dma_wait3A_604 = arith.constant 0 : i32
    %dma_wait3A_605 = tpu.memref_slice %arg8[%dma_wait3A_601, %dma_wait3A_604] : memref<104x128xi32, #tpu.memory_space<vmem>> -> memref<1x128xi32, #tpu.memory_space<vmem>>
    %dma_wait3A_606 = tpu.memref_squeeze %dma_wait3A_605 : memref<1x128xi32, #tpu.memory_space<vmem>> -> memref<128xi32, #tpu.memory_space<vmem>>
    %dma_wait3A_607 = arith.constant 0 : i32
    %dma_wait3A_608 = tpu.memref_slice %arg2[%dma_wait3A_607] : memref<10400000xf32, #tpu.memory_space<hbm>> -> memref<10400000xf32, #tpu.memory_space<hbm>>
    tpu.wait_indirect_dma semaphore(%arg12 : memref<!tpu.dma_semaphore, #tpu.memory_space<semaphore_mem>>) src(%dma_wait3A_608 : memref<10400000xf32, #tpu.memory_space<hbm>>) dst(%dma_wait3A_603 : memref<128xf32, #tpu.memory_space<vmem>>)
    %dma_wait3A_609 = arith.constant 37 : i32
    %dma_wait3A_610 = arith.constant 4736 : i32
    %dma_wait3A_611 = tpu.memref_slice %arg9[%dma_wait3A_610] : memref<13312xf32, #tpu.memory_space<vmem>> -> memref<128xf32, #tpu.memory_space<vmem>>
    %dma_wait3A_612 = arith.constant 0 : i32
    %dma_wait3A_613 = tpu.memref_slice %arg8[%dma_wait3A_609, %dma_wait3A_612] : memref<104x128xi32, #tpu.memory_space<vmem>> -> memref<1x128xi32, #tpu.memory_space<vmem>>
    %dma_wait3A_614 = tpu.memref_squeeze %dma_wait3A_613 : memref<1x128xi32, #tpu.memory_space<vmem>> -> memref<128xi32, #tpu.memory_space<vmem>>
    %dma_wait3A_615 = arith.constant 0 : i32
    %dma_wait3A_616 = tpu.memref_slice %arg2[%dma_wait3A_615] : memref<10400000xf32, #tpu.memory_space<hbm>> -> memref<10400000xf32, #tpu.memory_space<hbm>>
    tpu.wait_indirect_dma semaphore(%arg12 : memref<!tpu.dma_semaphore, #tpu.memory_space<semaphore_mem>>) src(%dma_wait3A_616 : memref<10400000xf32, #tpu.memory_space<hbm>>) dst(%dma_wait3A_611 : memref<128xf32, #tpu.memory_space<vmem>>)
    %dma_wait3A_617 = arith.constant 38 : i32
    %dma_wait3A_618 = arith.constant 4864 : i32
    %dma_wait3A_619 = tpu.memref_slice %arg9[%dma_wait3A_618] : memref<13312xf32, #tpu.memory_space<vmem>> -> memref<128xf32, #tpu.memory_space<vmem>>
    %dma_wait3A_620 = arith.constant 0 : i32
    %dma_wait3A_621 = tpu.memref_slice %arg8[%dma_wait3A_617, %dma_wait3A_620] : memref<104x128xi32, #tpu.memory_space<vmem>> -> memref<1x128xi32, #tpu.memory_space<vmem>>
    %dma_wait3A_622 = tpu.memref_squeeze %dma_wait3A_621 : memref<1x128xi32, #tpu.memory_space<vmem>> -> memref<128xi32, #tpu.memory_space<vmem>>
    %dma_wait3A_623 = arith.constant 0 : i32
    %dma_wait3A_624 = tpu.memref_slice %arg2[%dma_wait3A_623] : memref<10400000xf32, #tpu.memory_space<hbm>> -> memref<10400000xf32, #tpu.memory_space<hbm>>
    tpu.wait_indirect_dma semaphore(%arg12 : memref<!tpu.dma_semaphore, #tpu.memory_space<semaphore_mem>>) src(%dma_wait3A_624 : memref<10400000xf32, #tpu.memory_space<hbm>>) dst(%dma_wait3A_619 : memref<128xf32, #tpu.memory_space<vmem>>)
    %dma_start3A_625 = arith.constant 39 : i32
    %dma_start3A_626 = arith.constant 4992 : i32
    %dma_start3A_627 = tpu.memref_slice %arg9[%dma_start3A_626] : memref<13312xf32, #tpu.memory_space<vmem>> -> memref<128xf32, #tpu.memory_space<vmem>>
    %dma_start3A_628 = arith.constant 0 : i32
    %dma_start3A_629 = tpu.memref_slice %arg8[%dma_start3A_625, %dma_start3A_628] : memref<104x128xi32, #tpu.memory_space<vmem>> -> memref<1x128xi32, #tpu.memory_space<vmem>>
    %dma_start3A_630 = tpu.memref_squeeze %dma_start3A_629 : memref<1x128xi32, #tpu.memory_space<vmem>> -> memref<128xi32, #tpu.memory_space<vmem>>
    %dma_start3A_631 = arith.constant 0 : i32
    %dma_start3A_632 = tpu.memref_slice %arg2[%dma_start3A_631] : memref<10400000xf32, #tpu.memory_space<hbm>> -> memref<10400000xf32, #tpu.memory_space<hbm>>
    tpu.enqueue_indirect_dma source(%dma_start3A_632 : memref<10400000xf32, #tpu.memory_space<hbm>>) target(%dma_start3A_627 : memref<128xf32, #tpu.memory_space<vmem>>) offsets(%dma_start3A_630 : memref<128xi32, #tpu.memory_space<vmem>>) semaphore(%arg12 : memref<!tpu.dma_semaphore, #tpu.memory_space<semaphore_mem>>)
    %dma_start3A_633 = arith.constant 40 : i32
    %dma_start3A_634 = arith.constant 5120 : i32
    %dma_start3A_635 = tpu.memref_slice %arg9[%dma_start3A_634] : memref<13312xf32, #tpu.memory_space<vmem>> -> memref<128xf32, #tpu.memory_space<vmem>>
    %dma_start3A_636 = arith.constant 0 : i32
    %dma_start3A_637 = tpu.memref_slice %arg8[%dma_start3A_633, %dma_start3A_636] : memref<104x128xi32, #tpu.memory_space<vmem>> -> memref<1x128xi32, #tpu.memory_space<vmem>>
    %dma_start3A_638 = tpu.memref_squeeze %dma_start3A_637 : memref<1x128xi32, #tpu.memory_space<vmem>> -> memref<128xi32, #tpu.memory_space<vmem>>
    %dma_start3A_639 = arith.constant 0 : i32
    %dma_start3A_640 = tpu.memref_slice %arg2[%dma_start3A_639] : memref<10400000xf32, #tpu.memory_space<hbm>> -> memref<10400000xf32, #tpu.memory_space<hbm>>
    tpu.enqueue_indirect_dma source(%dma_start3A_640 : memref<10400000xf32, #tpu.memory_space<hbm>>) target(%dma_start3A_635 : memref<128xf32, #tpu.memory_space<vmem>>) offsets(%dma_start3A_638 : memref<128xi32, #tpu.memory_space<vmem>>) semaphore(%arg12 : memref<!tpu.dma_semaphore, #tpu.memory_space<semaphore_mem>>)
    %dma_start3A_641 = arith.constant 41 : i32
    %dma_start3A_642 = arith.constant 5248 : i32
    %dma_start3A_643 = tpu.memref_slice %arg9[%dma_start3A_642] : memref<13312xf32, #tpu.memory_space<vmem>> -> memref<128xf32, #tpu.memory_space<vmem>>
    %dma_start3A_644 = arith.constant 0 : i32
    %dma_start3A_645 = tpu.memref_slice %arg8[%dma_start3A_641, %dma_start3A_644] : memref<104x128xi32, #tpu.memory_space<vmem>> -> memref<1x128xi32, #tpu.memory_space<vmem>>
    %dma_start3A_646 = tpu.memref_squeeze %dma_start3A_645 : memref<1x128xi32, #tpu.memory_space<vmem>> -> memref<128xi32, #tpu.memory_space<vmem>>
    %dma_start3A_647 = arith.constant 0 : i32
    %dma_start3A_648 = tpu.memref_slice %arg2[%dma_start3A_647] : memref<10400000xf32, #tpu.memory_space<hbm>> -> memref<10400000xf32, #tpu.memory_space<hbm>>
    tpu.enqueue_indirect_dma source(%dma_start3A_648 : memref<10400000xf32, #tpu.memory_space<hbm>>) target(%dma_start3A_643 : memref<128xf32, #tpu.memory_space<vmem>>) offsets(%dma_start3A_646 : memref<128xi32, #tpu.memory_space<vmem>>) semaphore(%arg12 : memref<!tpu.dma_semaphore, #tpu.memory_space<semaphore_mem>>)
    %dma_start3A_649 = arith.constant 42 : i32
    %dma_start3A_650 = arith.constant 5376 : i32
    %dma_start3A_651 = tpu.memref_slice %arg9[%dma_start3A_650] : memref<13312xf32, #tpu.memory_space<vmem>> -> memref<128xf32, #tpu.memory_space<vmem>>
    %dma_start3A_652 = arith.constant 0 : i32
    %dma_start3A_653 = tpu.memref_slice %arg8[%dma_start3A_649, %dma_start3A_652] : memref<104x128xi32, #tpu.memory_space<vmem>> -> memref<1x128xi32, #tpu.memory_space<vmem>>
    %dma_start3A_654 = tpu.memref_squeeze %dma_start3A_653 : memref<1x128xi32, #tpu.memory_space<vmem>> -> memref<128xi32, #tpu.memory_space<vmem>>
    %dma_start3A_655 = arith.constant 0 : i32
    %dma_start3A_656 = tpu.memref_slice %arg2[%dma_start3A_655] : memref<10400000xf32, #tpu.memory_space<hbm>> -> memref<10400000xf32, #tpu.memory_space<hbm>>
    tpu.enqueue_indirect_dma source(%dma_start3A_656 : memref<10400000xf32, #tpu.memory_space<hbm>>) target(%dma_start3A_651 : memref<128xf32, #tpu.memory_space<vmem>>) offsets(%dma_start3A_654 : memref<128xi32, #tpu.memory_space<vmem>>) semaphore(%arg12 : memref<!tpu.dma_semaphore, #tpu.memory_space<semaphore_mem>>)
    %dma_start3A_657 = arith.constant 43 : i32
    %dma_start3A_658 = arith.constant 5504 : i32
    %dma_start3A_659 = tpu.memref_slice %arg9[%dma_start3A_658] : memref<13312xf32, #tpu.memory_space<vmem>> -> memref<128xf32, #tpu.memory_space<vmem>>
    %dma_start3A_660 = arith.constant 0 : i32
    %dma_start3A_661 = tpu.memref_slice %arg8[%dma_start3A_657, %dma_start3A_660] : memref<104x128xi32, #tpu.memory_space<vmem>> -> memref<1x128xi32, #tpu.memory_space<vmem>>
    %dma_start3A_662 = tpu.memref_squeeze %dma_start3A_661 : memref<1x128xi32, #tpu.memory_space<vmem>> -> memref<128xi32, #tpu.memory_space<vmem>>
    %dma_start3A_663 = arith.constant 0 : i32
    %dma_start3A_664 = tpu.memref_slice %arg2[%dma_start3A_663] : memref<10400000xf32, #tpu.memory_space<hbm>> -> memref<10400000xf32, #tpu.memory_space<hbm>>
    tpu.enqueue_indirect_dma source(%dma_start3A_664 : memref<10400000xf32, #tpu.memory_space<hbm>>) target(%dma_start3A_659 : memref<128xf32, #tpu.memory_space<vmem>>) offsets(%dma_start3A_662 : memref<128xi32, #tpu.memory_space<vmem>>) semaphore(%arg12 : memref<!tpu.dma_semaphore, #tpu.memory_space<semaphore_mem>>)
    %dma_start3A_665 = arith.constant 44 : i32
    %dma_start3A_666 = arith.constant 5632 : i32
    %dma_start3A_667 = tpu.memref_slice %arg9[%dma_start3A_666] : memref<13312xf32, #tpu.memory_space<vmem>> -> memref<128xf32, #tpu.memory_space<vmem>>
    %dma_start3A_668 = arith.constant 0 : i32
    %dma_start3A_669 = tpu.memref_slice %arg8[%dma_start3A_665, %dma_start3A_668] : memref<104x128xi32, #tpu.memory_space<vmem>> -> memref<1x128xi32, #tpu.memory_space<vmem>>
    %dma_start3A_670 = tpu.memref_squeeze %dma_start3A_669 : memref<1x128xi32, #tpu.memory_space<vmem>> -> memref<128xi32, #tpu.memory_space<vmem>>
    %dma_start3A_671 = arith.constant 0 : i32
    %dma_start3A_672 = tpu.memref_slice %arg2[%dma_start3A_671] : memref<10400000xf32, #tpu.memory_space<hbm>> -> memref<10400000xf32, #tpu.memory_space<hbm>>
    tpu.enqueue_indirect_dma source(%dma_start3A_672 : memref<10400000xf32, #tpu.memory_space<hbm>>) target(%dma_start3A_667 : memref<128xf32, #tpu.memory_space<vmem>>) offsets(%dma_start3A_670 : memref<128xi32, #tpu.memory_space<vmem>>) semaphore(%arg12 : memref<!tpu.dma_semaphore, #tpu.memory_space<semaphore_mem>>)
    %dma_start3A_673 = arith.constant 45 : i32
    %dma_start3A_674 = arith.constant 5760 : i32
    %dma_start3A_675 = tpu.memref_slice %arg9[%dma_start3A_674] : memref<13312xf32, #tpu.memory_space<vmem>> -> memref<128xf32, #tpu.memory_space<vmem>>
    %dma_start3A_676 = arith.constant 0 : i32
    %dma_start3A_677 = tpu.memref_slice %arg8[%dma_start3A_673, %dma_start3A_676] : memref<104x128xi32, #tpu.memory_space<vmem>> -> memref<1x128xi32, #tpu.memory_space<vmem>>
    %dma_start3A_678 = tpu.memref_squeeze %dma_start3A_677 : memref<1x128xi32, #tpu.memory_space<vmem>> -> memref<128xi32, #tpu.memory_space<vmem>>
    %dma_start3A_679 = arith.constant 0 : i32
    %dma_start3A_680 = tpu.memref_slice %arg2[%dma_start3A_679] : memref<10400000xf32, #tpu.memory_space<hbm>> -> memref<10400000xf32, #tpu.memory_space<hbm>>
    tpu.enqueue_indirect_dma source(%dma_start3A_680 : memref<10400000xf32, #tpu.memory_space<hbm>>) target(%dma_start3A_675 : memref<128xf32, #tpu.memory_space<vmem>>) offsets(%dma_start3A_678 : memref<128xi32, #tpu.memory_space<vmem>>) semaphore(%arg12 : memref<!tpu.dma_semaphore, #tpu.memory_space<semaphore_mem>>)
    %dma_start3A_681 = arith.constant 46 : i32
    %dma_start3A_682 = arith.constant 5888 : i32
    %dma_start3A_683 = tpu.memref_slice %arg9[%dma_start3A_682] : memref<13312xf32, #tpu.memory_space<vmem>> -> memref<128xf32, #tpu.memory_space<vmem>>
    %dma_start3A_684 = arith.constant 0 : i32
    %dma_start3A_685 = tpu.memref_slice %arg8[%dma_start3A_681, %dma_start3A_684] : memref<104x128xi32, #tpu.memory_space<vmem>> -> memref<1x128xi32, #tpu.memory_space<vmem>>
    %dma_start3A_686 = tpu.memref_squeeze %dma_start3A_685 : memref<1x128xi32, #tpu.memory_space<vmem>> -> memref<128xi32, #tpu.memory_space<vmem>>
    %dma_start3A_687 = arith.constant 0 : i32
    %dma_start3A_688 = tpu.memref_slice %arg2[%dma_start3A_687] : memref<10400000xf32, #tpu.memory_space<hbm>> -> memref<10400000xf32, #tpu.memory_space<hbm>>
    tpu.enqueue_indirect_dma source(%dma_start3A_688 : memref<10400000xf32, #tpu.memory_space<hbm>>) target(%dma_start3A_683 : memref<128xf32, #tpu.memory_space<vmem>>) offsets(%dma_start3A_686 : memref<128xi32, #tpu.memory_space<vmem>>) semaphore(%arg12 : memref<!tpu.dma_semaphore, #tpu.memory_space<semaphore_mem>>)
    %dma_start3A_689 = arith.constant 47 : i32
    %dma_start3A_690 = arith.constant 6016 : i32
    %dma_start3A_691 = tpu.memref_slice %arg9[%dma_start3A_690] : memref<13312xf32, #tpu.memory_space<vmem>> -> memref<128xf32, #tpu.memory_space<vmem>>
    %dma_start3A_692 = arith.constant 0 : i32
    %dma_start3A_693 = tpu.memref_slice %arg8[%dma_start3A_689, %dma_start3A_692] : memref<104x128xi32, #tpu.memory_space<vmem>> -> memref<1x128xi32, #tpu.memory_space<vmem>>
    %dma_start3A_694 = tpu.memref_squeeze %dma_start3A_693 : memref<1x128xi32, #tpu.memory_space<vmem>> -> memref<128xi32, #tpu.memory_space<vmem>>
    %dma_start3A_695 = arith.constant 0 : i32
    %dma_start3A_696 = tpu.memref_slice %arg2[%dma_start3A_695] : memref<10400000xf32, #tpu.memory_space<hbm>> -> memref<10400000xf32, #tpu.memory_space<hbm>>
    tpu.enqueue_indirect_dma source(%dma_start3A_696 : memref<10400000xf32, #tpu.memory_space<hbm>>) target(%dma_start3A_691 : memref<128xf32, #tpu.memory_space<vmem>>) offsets(%dma_start3A_694 : memref<128xi32, #tpu.memory_space<vmem>>) semaphore(%arg12 : memref<!tpu.dma_semaphore, #tpu.memory_space<semaphore_mem>>)
    %dma_start3A_697 = arith.constant 48 : i32
    %dma_start3A_698 = arith.constant 6144 : i32
    %dma_start3A_699 = tpu.memref_slice %arg9[%dma_start3A_698] : memref<13312xf32, #tpu.memory_space<vmem>> -> memref<128xf32, #tpu.memory_space<vmem>>
    %dma_start3A_700 = arith.constant 0 : i32
    %dma_start3A_701 = tpu.memref_slice %arg8[%dma_start3A_697, %dma_start3A_700] : memref<104x128xi32, #tpu.memory_space<vmem>> -> memref<1x128xi32, #tpu.memory_space<vmem>>
    %dma_start3A_702 = tpu.memref_squeeze %dma_start3A_701 : memref<1x128xi32, #tpu.memory_space<vmem>> -> memref<128xi32, #tpu.memory_space<vmem>>
    %dma_start3A_703 = arith.constant 0 : i32
    %dma_start3A_704 = tpu.memref_slice %arg2[%dma_start3A_703] : memref<10400000xf32, #tpu.memory_space<hbm>> -> memref<10400000xf32, #tpu.memory_space<hbm>>
    tpu.enqueue_indirect_dma source(%dma_start3A_704 : memref<10400000xf32, #tpu.memory_space<hbm>>) target(%dma_start3A_699 : memref<128xf32, #tpu.memory_space<vmem>>) offsets(%dma_start3A_702 : memref<128xi32, #tpu.memory_space<vmem>>) semaphore(%arg12 : memref<!tpu.dma_semaphore, #tpu.memory_space<semaphore_mem>>)
    %dma_start3A_705 = arith.constant 49 : i32
    %dma_start3A_706 = arith.constant 6272 : i32
    %dma_start3A_707 = tpu.memref_slice %arg9[%dma_start3A_706] : memref<13312xf32, #tpu.memory_space<vmem>> -> memref<128xf32, #tpu.memory_space<vmem>>
    %dma_start3A_708 = arith.constant 0 : i32
    %dma_start3A_709 = tpu.memref_slice %arg8[%dma_start3A_705, %dma_start3A_708] : memref<104x128xi32, #tpu.memory_space<vmem>> -> memref<1x128xi32, #tpu.memory_space<vmem>>
    %dma_start3A_710 = tpu.memref_squeeze %dma_start3A_709 : memref<1x128xi32, #tpu.memory_space<vmem>> -> memref<128xi32, #tpu.memory_space<vmem>>
    %dma_start3A_711 = arith.constant 0 : i32
    %dma_start3A_712 = tpu.memref_slice %arg2[%dma_start3A_711] : memref<10400000xf32, #tpu.memory_space<hbm>> -> memref<10400000xf32, #tpu.memory_space<hbm>>
    tpu.enqueue_indirect_dma source(%dma_start3A_712 : memref<10400000xf32, #tpu.memory_space<hbm>>) target(%dma_start3A_707 : memref<128xf32, #tpu.memory_space<vmem>>) offsets(%dma_start3A_710 : memref<128xi32, #tpu.memory_space<vmem>>) semaphore(%arg12 : memref<!tpu.dma_semaphore, #tpu.memory_space<semaphore_mem>>)
    %dma_start3A_713 = arith.constant 50 : i32
    %dma_start3A_714 = arith.constant 6400 : i32
    %dma_start3A_715 = tpu.memref_slice %arg9[%dma_start3A_714] : memref<13312xf32, #tpu.memory_space<vmem>> -> memref<128xf32, #tpu.memory_space<vmem>>
    %dma_start3A_716 = arith.constant 0 : i32
    %dma_start3A_717 = tpu.memref_slice %arg8[%dma_start3A_713, %dma_start3A_716] : memref<104x128xi32, #tpu.memory_space<vmem>> -> memref<1x128xi32, #tpu.memory_space<vmem>>
    %dma_start3A_718 = tpu.memref_squeeze %dma_start3A_717 : memref<1x128xi32, #tpu.memory_space<vmem>> -> memref<128xi32, #tpu.memory_space<vmem>>
    %dma_start3A_719 = arith.constant 0 : i32
    %dma_start3A_720 = tpu.memref_slice %arg2[%dma_start3A_719] : memref<10400000xf32, #tpu.memory_space<hbm>> -> memref<10400000xf32, #tpu.memory_space<hbm>>
    tpu.enqueue_indirect_dma source(%dma_start3A_720 : memref<10400000xf32, #tpu.memory_space<hbm>>) target(%dma_start3A_715 : memref<128xf32, #tpu.memory_space<vmem>>) offsets(%dma_start3A_718 : memref<128xi32, #tpu.memory_space<vmem>>) semaphore(%arg12 : memref<!tpu.dma_semaphore, #tpu.memory_space<semaphore_mem>>)
    %dma_start3A_721 = arith.constant 51 : i32
    %dma_start3A_722 = arith.constant 6528 : i32
    %dma_start3A_723 = tpu.memref_slice %arg9[%dma_start3A_722] : memref<13312xf32, #tpu.memory_space<vmem>> -> memref<128xf32, #tpu.memory_space<vmem>>
    %dma_start3A_724 = arith.constant 0 : i32
    %dma_start3A_725 = tpu.memref_slice %arg8[%dma_start3A_721, %dma_start3A_724] : memref<104x128xi32, #tpu.memory_space<vmem>> -> memref<1x128xi32, #tpu.memory_space<vmem>>
    %dma_start3A_726 = tpu.memref_squeeze %dma_start3A_725 : memref<1x128xi32, #tpu.memory_space<vmem>> -> memref<128xi32, #tpu.memory_space<vmem>>
    %dma_start3A_727 = arith.constant 0 : i32
    %dma_start3A_728 = tpu.memref_slice %arg2[%dma_start3A_727] : memref<10400000xf32, #tpu.memory_space<hbm>> -> memref<10400000xf32, #tpu.memory_space<hbm>>
    tpu.enqueue_indirect_dma source(%dma_start3A_728 : memref<10400000xf32, #tpu.memory_space<hbm>>) target(%dma_start3A_723 : memref<128xf32, #tpu.memory_space<vmem>>) offsets(%dma_start3A_726 : memref<128xi32, #tpu.memory_space<vmem>>) semaphore(%arg12 : memref<!tpu.dma_semaphore, #tpu.memory_space<semaphore_mem>>)
    %dma_wait3A_729 = arith.constant 39 : i32
    %dma_wait3A_730 = arith.constant 4992 : i32
    %dma_wait3A_731 = tpu.memref_slice %arg9[%dma_wait3A_730] : memref<13312xf32, #tpu.memory_space<vmem>> -> memref<128xf32, #tpu.memory_space<vmem>>
    %dma_wait3A_732 = arith.constant 0 : i32
    %dma_wait3A_733 = tpu.memref_slice %arg8[%dma_wait3A_729, %dma_wait3A_732] : memref<104x128xi32, #tpu.memory_space<vmem>> -> memref<1x128xi32, #tpu.memory_space<vmem>>
    %dma_wait3A_734 = tpu.memref_squeeze %dma_wait3A_733 : memref<1x128xi32, #tpu.memory_space<vmem>> -> memref<128xi32, #tpu.memory_space<vmem>>
    %dma_wait3A_735 = arith.constant 0 : i32
    %dma_wait3A_736 = tpu.memref_slice %arg2[%dma_wait3A_735] : memref<10400000xf32, #tpu.memory_space<hbm>> -> memref<10400000xf32, #tpu.memory_space<hbm>>
    tpu.wait_indirect_dma semaphore(%arg12 : memref<!tpu.dma_semaphore, #tpu.memory_space<semaphore_mem>>) src(%dma_wait3A_736 : memref<10400000xf32, #tpu.memory_space<hbm>>) dst(%dma_wait3A_731 : memref<128xf32, #tpu.memory_space<vmem>>)
    %dma_wait3A_737 = arith.constant 40 : i32
    %dma_wait3A_738 = arith.constant 5120 : i32
    %dma_wait3A_739 = tpu.memref_slice %arg9[%dma_wait3A_738] : memref<13312xf32, #tpu.memory_space<vmem>> -> memref<128xf32, #tpu.memory_space<vmem>>
    %dma_wait3A_740 = arith.constant 0 : i32
    %dma_wait3A_741 = tpu.memref_slice %arg8[%dma_wait3A_737, %dma_wait3A_740] : memref<104x128xi32, #tpu.memory_space<vmem>> -> memref<1x128xi32, #tpu.memory_space<vmem>>
    %dma_wait3A_742 = tpu.memref_squeeze %dma_wait3A_741 : memref<1x128xi32, #tpu.memory_space<vmem>> -> memref<128xi32, #tpu.memory_space<vmem>>
    %dma_wait3A_743 = arith.constant 0 : i32
    %dma_wait3A_744 = tpu.memref_slice %arg2[%dma_wait3A_743] : memref<10400000xf32, #tpu.memory_space<hbm>> -> memref<10400000xf32, #tpu.memory_space<hbm>>
    tpu.wait_indirect_dma semaphore(%arg12 : memref<!tpu.dma_semaphore, #tpu.memory_space<semaphore_mem>>) src(%dma_wait3A_744 : memref<10400000xf32, #tpu.memory_space<hbm>>) dst(%dma_wait3A_739 : memref<128xf32, #tpu.memory_space<vmem>>)
    %dma_wait3A_745 = arith.constant 41 : i32
    %dma_wait3A_746 = arith.constant 5248 : i32
    %dma_wait3A_747 = tpu.memref_slice %arg9[%dma_wait3A_746] : memref<13312xf32, #tpu.memory_space<vmem>> -> memref<128xf32, #tpu.memory_space<vmem>>
    %dma_wait3A_748 = arith.constant 0 : i32
    %dma_wait3A_749 = tpu.memref_slice %arg8[%dma_wait3A_745, %dma_wait3A_748] : memref<104x128xi32, #tpu.memory_space<vmem>> -> memref<1x128xi32, #tpu.memory_space<vmem>>
    %dma_wait3A_750 = tpu.memref_squeeze %dma_wait3A_749 : memref<1x128xi32, #tpu.memory_space<vmem>> -> memref<128xi32, #tpu.memory_space<vmem>>
    %dma_wait3A_751 = arith.constant 0 : i32
    %dma_wait3A_752 = tpu.memref_slice %arg2[%dma_wait3A_751] : memref<10400000xf32, #tpu.memory_space<hbm>> -> memref<10400000xf32, #tpu.memory_space<hbm>>
    tpu.wait_indirect_dma semaphore(%arg12 : memref<!tpu.dma_semaphore, #tpu.memory_space<semaphore_mem>>) src(%dma_wait3A_752 : memref<10400000xf32, #tpu.memory_space<hbm>>) dst(%dma_wait3A_747 : memref<128xf32, #tpu.memory_space<vmem>>)
    %dma_wait3A_753 = arith.constant 42 : i32
    %dma_wait3A_754 = arith.constant 5376 : i32
    %dma_wait3A_755 = tpu.memref_slice %arg9[%dma_wait3A_754] : memref<13312xf32, #tpu.memory_space<vmem>> -> memref<128xf32, #tpu.memory_space<vmem>>
    %dma_wait3A_756 = arith.constant 0 : i32
    %dma_wait3A_757 = tpu.memref_slice %arg8[%dma_wait3A_753, %dma_wait3A_756] : memref<104x128xi32, #tpu.memory_space<vmem>> -> memref<1x128xi32, #tpu.memory_space<vmem>>
    %dma_wait3A_758 = tpu.memref_squeeze %dma_wait3A_757 : memref<1x128xi32, #tpu.memory_space<vmem>> -> memref<128xi32, #tpu.memory_space<vmem>>
    %dma_wait3A_759 = arith.constant 0 : i32
    %dma_wait3A_760 = tpu.memref_slice %arg2[%dma_wait3A_759] : memref<10400000xf32, #tpu.memory_space<hbm>> -> memref<10400000xf32, #tpu.memory_space<hbm>>
    tpu.wait_indirect_dma semaphore(%arg12 : memref<!tpu.dma_semaphore, #tpu.memory_space<semaphore_mem>>) src(%dma_wait3A_760 : memref<10400000xf32, #tpu.memory_space<hbm>>) dst(%dma_wait3A_755 : memref<128xf32, #tpu.memory_space<vmem>>)
    %dma_wait3A_761 = arith.constant 43 : i32
    %dma_wait3A_762 = arith.constant 5504 : i32
    %dma_wait3A_763 = tpu.memref_slice %arg9[%dma_wait3A_762] : memref<13312xf32, #tpu.memory_space<vmem>> -> memref<128xf32, #tpu.memory_space<vmem>>
    %dma_wait3A_764 = arith.constant 0 : i32
    %dma_wait3A_765 = tpu.memref_slice %arg8[%dma_wait3A_761, %dma_wait3A_764] : memref<104x128xi32, #tpu.memory_space<vmem>> -> memref<1x128xi32, #tpu.memory_space<vmem>>
    %dma_wait3A_766 = tpu.memref_squeeze %dma_wait3A_765 : memref<1x128xi32, #tpu.memory_space<vmem>> -> memref<128xi32, #tpu.memory_space<vmem>>
    %dma_wait3A_767 = arith.constant 0 : i32
    %dma_wait3A_768 = tpu.memref_slice %arg2[%dma_wait3A_767] : memref<10400000xf32, #tpu.memory_space<hbm>> -> memref<10400000xf32, #tpu.memory_space<hbm>>
    tpu.wait_indirect_dma semaphore(%arg12 : memref<!tpu.dma_semaphore, #tpu.memory_space<semaphore_mem>>) src(%dma_wait3A_768 : memref<10400000xf32, #tpu.memory_space<hbm>>) dst(%dma_wait3A_763 : memref<128xf32, #tpu.memory_space<vmem>>)
    %dma_wait3A_769 = arith.constant 44 : i32
    %dma_wait3A_770 = arith.constant 5632 : i32
    %dma_wait3A_771 = tpu.memref_slice %arg9[%dma_wait3A_770] : memref<13312xf32, #tpu.memory_space<vmem>> -> memref<128xf32, #tpu.memory_space<vmem>>
    %dma_wait3A_772 = arith.constant 0 : i32
    %dma_wait3A_773 = tpu.memref_slice %arg8[%dma_wait3A_769, %dma_wait3A_772] : memref<104x128xi32, #tpu.memory_space<vmem>> -> memref<1x128xi32, #tpu.memory_space<vmem>>
    %dma_wait3A_774 = tpu.memref_squeeze %dma_wait3A_773 : memref<1x128xi32, #tpu.memory_space<vmem>> -> memref<128xi32, #tpu.memory_space<vmem>>
    %dma_wait3A_775 = arith.constant 0 : i32
    %dma_wait3A_776 = tpu.memref_slice %arg2[%dma_wait3A_775] : memref<10400000xf32, #tpu.memory_space<hbm>> -> memref<10400000xf32, #tpu.memory_space<hbm>>
    tpu.wait_indirect_dma semaphore(%arg12 : memref<!tpu.dma_semaphore, #tpu.memory_space<semaphore_mem>>) src(%dma_wait3A_776 : memref<10400000xf32, #tpu.memory_space<hbm>>) dst(%dma_wait3A_771 : memref<128xf32, #tpu.memory_space<vmem>>)
    %dma_wait3A_777 = arith.constant 45 : i32
    %dma_wait3A_778 = arith.constant 5760 : i32
    %dma_wait3A_779 = tpu.memref_slice %arg9[%dma_wait3A_778] : memref<13312xf32, #tpu.memory_space<vmem>> -> memref<128xf32, #tpu.memory_space<vmem>>
    %dma_wait3A_780 = arith.constant 0 : i32
    %dma_wait3A_781 = tpu.memref_slice %arg8[%dma_wait3A_777, %dma_wait3A_780] : memref<104x128xi32, #tpu.memory_space<vmem>> -> memref<1x128xi32, #tpu.memory_space<vmem>>
    %dma_wait3A_782 = tpu.memref_squeeze %dma_wait3A_781 : memref<1x128xi32, #tpu.memory_space<vmem>> -> memref<128xi32, #tpu.memory_space<vmem>>
    %dma_wait3A_783 = arith.constant 0 : i32
    %dma_wait3A_784 = tpu.memref_slice %arg2[%dma_wait3A_783] : memref<10400000xf32, #tpu.memory_space<hbm>> -> memref<10400000xf32, #tpu.memory_space<hbm>>
    tpu.wait_indirect_dma semaphore(%arg12 : memref<!tpu.dma_semaphore, #tpu.memory_space<semaphore_mem>>) src(%dma_wait3A_784 : memref<10400000xf32, #tpu.memory_space<hbm>>) dst(%dma_wait3A_779 : memref<128xf32, #tpu.memory_space<vmem>>)
    %dma_wait3A_785 = arith.constant 46 : i32
    %dma_wait3A_786 = arith.constant 5888 : i32
    %dma_wait3A_787 = tpu.memref_slice %arg9[%dma_wait3A_786] : memref<13312xf32, #tpu.memory_space<vmem>> -> memref<128xf32, #tpu.memory_space<vmem>>
    %dma_wait3A_788 = arith.constant 0 : i32
    %dma_wait3A_789 = tpu.memref_slice %arg8[%dma_wait3A_785, %dma_wait3A_788] : memref<104x128xi32, #tpu.memory_space<vmem>> -> memref<1x128xi32, #tpu.memory_space<vmem>>
    %dma_wait3A_790 = tpu.memref_squeeze %dma_wait3A_789 : memref<1x128xi32, #tpu.memory_space<vmem>> -> memref<128xi32, #tpu.memory_space<vmem>>
    %dma_wait3A_791 = arith.constant 0 : i32
    %dma_wait3A_792 = tpu.memref_slice %arg2[%dma_wait3A_791] : memref<10400000xf32, #tpu.memory_space<hbm>> -> memref<10400000xf32, #tpu.memory_space<hbm>>
    tpu.wait_indirect_dma semaphore(%arg12 : memref<!tpu.dma_semaphore, #tpu.memory_space<semaphore_mem>>) src(%dma_wait3A_792 : memref<10400000xf32, #tpu.memory_space<hbm>>) dst(%dma_wait3A_787 : memref<128xf32, #tpu.memory_space<vmem>>)
    %dma_wait3A_793 = arith.constant 47 : i32
    %dma_wait3A_794 = arith.constant 6016 : i32
    %dma_wait3A_795 = tpu.memref_slice %arg9[%dma_wait3A_794] : memref<13312xf32, #tpu.memory_space<vmem>> -> memref<128xf32, #tpu.memory_space<vmem>>
    %dma_wait3A_796 = arith.constant 0 : i32
    %dma_wait3A_797 = tpu.memref_slice %arg8[%dma_wait3A_793, %dma_wait3A_796] : memref<104x128xi32, #tpu.memory_space<vmem>> -> memref<1x128xi32, #tpu.memory_space<vmem>>
    %dma_wait3A_798 = tpu.memref_squeeze %dma_wait3A_797 : memref<1x128xi32, #tpu.memory_space<vmem>> -> memref<128xi32, #tpu.memory_space<vmem>>
    %dma_wait3A_799 = arith.constant 0 : i32
    %dma_wait3A_800 = tpu.memref_slice %arg2[%dma_wait3A_799] : memref<10400000xf32, #tpu.memory_space<hbm>> -> memref<10400000xf32, #tpu.memory_space<hbm>>
    tpu.wait_indirect_dma semaphore(%arg12 : memref<!tpu.dma_semaphore, #tpu.memory_space<semaphore_mem>>) src(%dma_wait3A_800 : memref<10400000xf32, #tpu.memory_space<hbm>>) dst(%dma_wait3A_795 : memref<128xf32, #tpu.memory_space<vmem>>)
    %dma_wait3A_801 = arith.constant 48 : i32
    %dma_wait3A_802 = arith.constant 6144 : i32
    %dma_wait3A_803 = tpu.memref_slice %arg9[%dma_wait3A_802] : memref<13312xf32, #tpu.memory_space<vmem>> -> memref<128xf32, #tpu.memory_space<vmem>>
    %dma_wait3A_804 = arith.constant 0 : i32
    %dma_wait3A_805 = tpu.memref_slice %arg8[%dma_wait3A_801, %dma_wait3A_804] : memref<104x128xi32, #tpu.memory_space<vmem>> -> memref<1x128xi32, #tpu.memory_space<vmem>>
    %dma_wait3A_806 = tpu.memref_squeeze %dma_wait3A_805 : memref<1x128xi32, #tpu.memory_space<vmem>> -> memref<128xi32, #tpu.memory_space<vmem>>
    %dma_wait3A_807 = arith.constant 0 : i32
    %dma_wait3A_808 = tpu.memref_slice %arg2[%dma_wait3A_807] : memref<10400000xf32, #tpu.memory_space<hbm>> -> memref<10400000xf32, #tpu.memory_space<hbm>>
    tpu.wait_indirect_dma semaphore(%arg12 : memref<!tpu.dma_semaphore, #tpu.memory_space<semaphore_mem>>) src(%dma_wait3A_808 : memref<10400000xf32, #tpu.memory_space<hbm>>) dst(%dma_wait3A_803 : memref<128xf32, #tpu.memory_space<vmem>>)
    %dma_wait3A_809 = arith.constant 49 : i32
    %dma_wait3A_810 = arith.constant 6272 : i32
    %dma_wait3A_811 = tpu.memref_slice %arg9[%dma_wait3A_810] : memref<13312xf32, #tpu.memory_space<vmem>> -> memref<128xf32, #tpu.memory_space<vmem>>
    %dma_wait3A_812 = arith.constant 0 : i32
    %dma_wait3A_813 = tpu.memref_slice %arg8[%dma_wait3A_809, %dma_wait3A_812] : memref<104x128xi32, #tpu.memory_space<vmem>> -> memref<1x128xi32, #tpu.memory_space<vmem>>
    %dma_wait3A_814 = tpu.memref_squeeze %dma_wait3A_813 : memref<1x128xi32, #tpu.memory_space<vmem>> -> memref<128xi32, #tpu.memory_space<vmem>>
    %dma_wait3A_815 = arith.constant 0 : i32
    %dma_wait3A_816 = tpu.memref_slice %arg2[%dma_wait3A_815] : memref<10400000xf32, #tpu.memory_space<hbm>> -> memref<10400000xf32, #tpu.memory_space<hbm>>
    tpu.wait_indirect_dma semaphore(%arg12 : memref<!tpu.dma_semaphore, #tpu.memory_space<semaphore_mem>>) src(%dma_wait3A_816 : memref<10400000xf32, #tpu.memory_space<hbm>>) dst(%dma_wait3A_811 : memref<128xf32, #tpu.memory_space<vmem>>)
    %dma_wait3A_817 = arith.constant 50 : i32
    %dma_wait3A_818 = arith.constant 6400 : i32
    %dma_wait3A_819 = tpu.memref_slice %arg9[%dma_wait3A_818] : memref<13312xf32, #tpu.memory_space<vmem>> -> memref<128xf32, #tpu.memory_space<vmem>>
    %dma_wait3A_820 = arith.constant 0 : i32
    %dma_wait3A_821 = tpu.memref_slice %arg8[%dma_wait3A_817, %dma_wait3A_820] : memref<104x128xi32, #tpu.memory_space<vmem>> -> memref<1x128xi32, #tpu.memory_space<vmem>>
    %dma_wait3A_822 = tpu.memref_squeeze %dma_wait3A_821 : memref<1x128xi32, #tpu.memory_space<vmem>> -> memref<128xi32, #tpu.memory_space<vmem>>
    %dma_wait3A_823 = arith.constant 0 : i32
    %dma_wait3A_824 = tpu.memref_slice %arg2[%dma_wait3A_823] : memref<10400000xf32, #tpu.memory_space<hbm>> -> memref<10400000xf32, #tpu.memory_space<hbm>>
    tpu.wait_indirect_dma semaphore(%arg12 : memref<!tpu.dma_semaphore, #tpu.memory_space<semaphore_mem>>) src(%dma_wait3A_824 : memref<10400000xf32, #tpu.memory_space<hbm>>) dst(%dma_wait3A_819 : memref<128xf32, #tpu.memory_space<vmem>>)
    %dma_wait3A_825 = arith.constant 51 : i32
    %dma_wait3A_826 = arith.constant 6528 : i32
    %dma_wait3A_827 = tpu.memref_slice %arg9[%dma_wait3A_826] : memref<13312xf32, #tpu.memory_space<vmem>> -> memref<128xf32, #tpu.memory_space<vmem>>
    %dma_wait3A_828 = arith.constant 0 : i32
    %dma_wait3A_829 = tpu.memref_slice %arg8[%dma_wait3A_825, %dma_wait3A_828] : memref<104x128xi32, #tpu.memory_space<vmem>> -> memref<1x128xi32, #tpu.memory_space<vmem>>
    %dma_wait3A_830 = tpu.memref_squeeze %dma_wait3A_829 : memref<1x128xi32, #tpu.memory_space<vmem>> -> memref<128xi32, #tpu.memory_space<vmem>>
    %dma_wait3A_831 = arith.constant 0 : i32
    %dma_wait3A_832 = tpu.memref_slice %arg2[%dma_wait3A_831] : memref<10400000xf32, #tpu.memory_space<hbm>> -> memref<10400000xf32, #tpu.memory_space<hbm>>
    tpu.wait_indirect_dma semaphore(%arg12 : memref<!tpu.dma_semaphore, #tpu.memory_space<semaphore_mem>>) src(%dma_wait3A_832 : memref<10400000xf32, #tpu.memory_space<hbm>>) dst(%dma_wait3A_827 : memref<128xf32, #tpu.memory_space<vmem>>)
    %dma_start3A_833 = arith.constant 52 : i32
    %dma_start3A_834 = arith.constant 6656 : i32
    %dma_start3A_835 = tpu.memref_slice %arg9[%dma_start3A_834] : memref<13312xf32, #tpu.memory_space<vmem>> -> memref<128xf32, #tpu.memory_space<vmem>>
    %dma_start3A_836 = arith.constant 0 : i32
    %dma_start3A_837 = tpu.memref_slice %arg8[%dma_start3A_833, %dma_start3A_836] : memref<104x128xi32, #tpu.memory_space<vmem>> -> memref<1x128xi32, #tpu.memory_space<vmem>>
    %dma_start3A_838 = tpu.memref_squeeze %dma_start3A_837 : memref<1x128xi32, #tpu.memory_space<vmem>> -> memref<128xi32, #tpu.memory_space<vmem>>
    %dma_start3A_839 = arith.constant 0 : i32
    %dma_start3A_840 = tpu.memref_slice %arg2[%dma_start3A_839] : memref<10400000xf32, #tpu.memory_space<hbm>> -> memref<10400000xf32, #tpu.memory_space<hbm>>
    tpu.enqueue_indirect_dma source(%dma_start3A_840 : memref<10400000xf32, #tpu.memory_space<hbm>>) target(%dma_start3A_835 : memref<128xf32, #tpu.memory_space<vmem>>) offsets(%dma_start3A_838 : memref<128xi32, #tpu.memory_space<vmem>>) semaphore(%arg12 : memref<!tpu.dma_semaphore, #tpu.memory_space<semaphore_mem>>)
    %dma_start3A_841 = arith.constant 53 : i32
    %dma_start3A_842 = arith.constant 6784 : i32
    %dma_start3A_843 = tpu.memref_slice %arg9[%dma_start3A_842] : memref<13312xf32, #tpu.memory_space<vmem>> -> memref<128xf32, #tpu.memory_space<vmem>>
    %dma_start3A_844 = arith.constant 0 : i32
    %dma_start3A_845 = tpu.memref_slice %arg8[%dma_start3A_841, %dma_start3A_844] : memref<104x128xi32, #tpu.memory_space<vmem>> -> memref<1x128xi32, #tpu.memory_space<vmem>>
    %dma_start3A_846 = tpu.memref_squeeze %dma_start3A_845 : memref<1x128xi32, #tpu.memory_space<vmem>> -> memref<128xi32, #tpu.memory_space<vmem>>
    %dma_start3A_847 = arith.constant 0 : i32
    %dma_start3A_848 = tpu.memref_slice %arg2[%dma_start3A_847] : memref<10400000xf32, #tpu.memory_space<hbm>> -> memref<10400000xf32, #tpu.memory_space<hbm>>
    tpu.enqueue_indirect_dma source(%dma_start3A_848 : memref<10400000xf32, #tpu.memory_space<hbm>>) target(%dma_start3A_843 : memref<128xf32, #tpu.memory_space<vmem>>) offsets(%dma_start3A_846 : memref<128xi32, #tpu.memory_space<vmem>>) semaphore(%arg12 : memref<!tpu.dma_semaphore, #tpu.memory_space<semaphore_mem>>)
    %dma_start3A_849 = arith.constant 54 : i32
    %dma_start3A_850 = arith.constant 6912 : i32
    %dma_start3A_851 = tpu.memref_slice %arg9[%dma_start3A_850] : memref<13312xf32, #tpu.memory_space<vmem>> -> memref<128xf32, #tpu.memory_space<vmem>>
    %dma_start3A_852 = arith.constant 0 : i32
    %dma_start3A_853 = tpu.memref_slice %arg8[%dma_start3A_849, %dma_start3A_852] : memref<104x128xi32, #tpu.memory_space<vmem>> -> memref<1x128xi32, #tpu.memory_space<vmem>>
    %dma_start3A_854 = tpu.memref_squeeze %dma_start3A_853 : memref<1x128xi32, #tpu.memory_space<vmem>> -> memref<128xi32, #tpu.memory_space<vmem>>
    %dma_start3A_855 = arith.constant 0 : i32
    %dma_start3A_856 = tpu.memref_slice %arg2[%dma_start3A_855] : memref<10400000xf32, #tpu.memory_space<hbm>> -> memref<10400000xf32, #tpu.memory_space<hbm>>
    tpu.enqueue_indirect_dma source(%dma_start3A_856 : memref<10400000xf32, #tpu.memory_space<hbm>>) target(%dma_start3A_851 : memref<128xf32, #tpu.memory_space<vmem>>) offsets(%dma_start3A_854 : memref<128xi32, #tpu.memory_space<vmem>>) semaphore(%arg12 : memref<!tpu.dma_semaphore, #tpu.memory_space<semaphore_mem>>)
    %dma_start3A_857 = arith.constant 55 : i32
    %dma_start3A_858 = arith.constant 7040 : i32
    %dma_start3A_859 = tpu.memref_slice %arg9[%dma_start3A_858] : memref<13312xf32, #tpu.memory_space<vmem>> -> memref<128xf32, #tpu.memory_space<vmem>>
    %dma_start3A_860 = arith.constant 0 : i32
    %dma_start3A_861 = tpu.memref_slice %arg8[%dma_start3A_857, %dma_start3A_860] : memref<104x128xi32, #tpu.memory_space<vmem>> -> memref<1x128xi32, #tpu.memory_space<vmem>>
    %dma_start3A_862 = tpu.memref_squeeze %dma_start3A_861 : memref<1x128xi32, #tpu.memory_space<vmem>> -> memref<128xi32, #tpu.memory_space<vmem>>
    %dma_start3A_863 = arith.constant 0 : i32
    %dma_start3A_864 = tpu.memref_slice %arg2[%dma_start3A_863] : memref<10400000xf32, #tpu.memory_space<hbm>> -> memref<10400000xf32, #tpu.memory_space<hbm>>
    tpu.enqueue_indirect_dma source(%dma_start3A_864 : memref<10400000xf32, #tpu.memory_space<hbm>>) target(%dma_start3A_859 : memref<128xf32, #tpu.memory_space<vmem>>) offsets(%dma_start3A_862 : memref<128xi32, #tpu.memory_space<vmem>>) semaphore(%arg12 : memref<!tpu.dma_semaphore, #tpu.memory_space<semaphore_mem>>)
    %dma_start3A_865 = arith.constant 56 : i32
    %dma_start3A_866 = arith.constant 7168 : i32
    %dma_start3A_867 = tpu.memref_slice %arg9[%dma_start3A_866] : memref<13312xf32, #tpu.memory_space<vmem>> -> memref<128xf32, #tpu.memory_space<vmem>>
    %dma_start3A_868 = arith.constant 0 : i32
    %dma_start3A_869 = tpu.memref_slice %arg8[%dma_start3A_865, %dma_start3A_868] : memref<104x128xi32, #tpu.memory_space<vmem>> -> memref<1x128xi32, #tpu.memory_space<vmem>>
    %dma_start3A_870 = tpu.memref_squeeze %dma_start3A_869 : memref<1x128xi32, #tpu.memory_space<vmem>> -> memref<128xi32, #tpu.memory_space<vmem>>
    %dma_start3A_871 = arith.constant 0 : i32
    %dma_start3A_872 = tpu.memref_slice %arg2[%dma_start3A_871] : memref<10400000xf32, #tpu.memory_space<hbm>> -> memref<10400000xf32, #tpu.memory_space<hbm>>
    tpu.enqueue_indirect_dma source(%dma_start3A_872 : memref<10400000xf32, #tpu.memory_space<hbm>>) target(%dma_start3A_867 : memref<128xf32, #tpu.memory_space<vmem>>) offsets(%dma_start3A_870 : memref<128xi32, #tpu.memory_space<vmem>>) semaphore(%arg12 : memref<!tpu.dma_semaphore, #tpu.memory_space<semaphore_mem>>)
    %dma_start3A_873 = arith.constant 57 : i32
    %dma_start3A_874 = arith.constant 7296 : i32
    %dma_start3A_875 = tpu.memref_slice %arg9[%dma_start3A_874] : memref<13312xf32, #tpu.memory_space<vmem>> -> memref<128xf32, #tpu.memory_space<vmem>>
    %dma_start3A_876 = arith.constant 0 : i32
    %dma_start3A_877 = tpu.memref_slice %arg8[%dma_start3A_873, %dma_start3A_876] : memref<104x128xi32, #tpu.memory_space<vmem>> -> memref<1x128xi32, #tpu.memory_space<vmem>>
    %dma_start3A_878 = tpu.memref_squeeze %dma_start3A_877 : memref<1x128xi32, #tpu.memory_space<vmem>> -> memref<128xi32, #tpu.memory_space<vmem>>
    %dma_start3A_879 = arith.constant 0 : i32
    %dma_start3A_880 = tpu.memref_slice %arg2[%dma_start3A_879] : memref<10400000xf32, #tpu.memory_space<hbm>> -> memref<10400000xf32, #tpu.memory_space<hbm>>
    tpu.enqueue_indirect_dma source(%dma_start3A_880 : memref<10400000xf32, #tpu.memory_space<hbm>>) target(%dma_start3A_875 : memref<128xf32, #tpu.memory_space<vmem>>) offsets(%dma_start3A_878 : memref<128xi32, #tpu.memory_space<vmem>>) semaphore(%arg12 : memref<!tpu.dma_semaphore, #tpu.memory_space<semaphore_mem>>)
    %dma_start3A_881 = arith.constant 58 : i32
    %dma_start3A_882 = arith.constant 7424 : i32
    %dma_start3A_883 = tpu.memref_slice %arg9[%dma_start3A_882] : memref<13312xf32, #tpu.memory_space<vmem>> -> memref<128xf32, #tpu.memory_space<vmem>>
    %dma_start3A_884 = arith.constant 0 : i32
    %dma_start3A_885 = tpu.memref_slice %arg8[%dma_start3A_881, %dma_start3A_884] : memref<104x128xi32, #tpu.memory_space<vmem>> -> memref<1x128xi32, #tpu.memory_space<vmem>>
    %dma_start3A_886 = tpu.memref_squeeze %dma_start3A_885 : memref<1x128xi32, #tpu.memory_space<vmem>> -> memref<128xi32, #tpu.memory_space<vmem>>
    %dma_start3A_887 = arith.constant 0 : i32
    %dma_start3A_888 = tpu.memref_slice %arg2[%dma_start3A_887] : memref<10400000xf32, #tpu.memory_space<hbm>> -> memref<10400000xf32, #tpu.memory_space<hbm>>
    tpu.enqueue_indirect_dma source(%dma_start3A_888 : memref<10400000xf32, #tpu.memory_space<hbm>>) target(%dma_start3A_883 : memref<128xf32, #tpu.memory_space<vmem>>) offsets(%dma_start3A_886 : memref<128xi32, #tpu.memory_space<vmem>>) semaphore(%arg12 : memref<!tpu.dma_semaphore, #tpu.memory_space<semaphore_mem>>)
    %dma_start3A_889 = arith.constant 59 : i32
    %dma_start3A_890 = arith.constant 7552 : i32
    %dma_start3A_891 = tpu.memref_slice %arg9[%dma_start3A_890] : memref<13312xf32, #tpu.memory_space<vmem>> -> memref<128xf32, #tpu.memory_space<vmem>>
    %dma_start3A_892 = arith.constant 0 : i32
    %dma_start3A_893 = tpu.memref_slice %arg8[%dma_start3A_889, %dma_start3A_892] : memref<104x128xi32, #tpu.memory_space<vmem>> -> memref<1x128xi32, #tpu.memory_space<vmem>>
    %dma_start3A_894 = tpu.memref_squeeze %dma_start3A_893 : memref<1x128xi32, #tpu.memory_space<vmem>> -> memref<128xi32, #tpu.memory_space<vmem>>
    %dma_start3A_895 = arith.constant 0 : i32
    %dma_start3A_896 = tpu.memref_slice %arg2[%dma_start3A_895] : memref<10400000xf32, #tpu.memory_space<hbm>> -> memref<10400000xf32, #tpu.memory_space<hbm>>
    tpu.enqueue_indirect_dma source(%dma_start3A_896 : memref<10400000xf32, #tpu.memory_space<hbm>>) target(%dma_start3A_891 : memref<128xf32, #tpu.memory_space<vmem>>) offsets(%dma_start3A_894 : memref<128xi32, #tpu.memory_space<vmem>>) semaphore(%arg12 : memref<!tpu.dma_semaphore, #tpu.memory_space<semaphore_mem>>)
    %dma_start3A_897 = arith.constant 60 : i32
    %dma_start3A_898 = arith.constant 7680 : i32
    %dma_start3A_899 = tpu.memref_slice %arg9[%dma_start3A_898] : memref<13312xf32, #tpu.memory_space<vmem>> -> memref<128xf32, #tpu.memory_space<vmem>>
    %dma_start3A_900 = arith.constant 0 : i32
    %dma_start3A_901 = tpu.memref_slice %arg8[%dma_start3A_897, %dma_start3A_900] : memref<104x128xi32, #tpu.memory_space<vmem>> -> memref<1x128xi32, #tpu.memory_space<vmem>>
    %dma_start3A_902 = tpu.memref_squeeze %dma_start3A_901 : memref<1x128xi32, #tpu.memory_space<vmem>> -> memref<128xi32, #tpu.memory_space<vmem>>
    %dma_start3A_903 = arith.constant 0 : i32
    %dma_start3A_904 = tpu.memref_slice %arg2[%dma_start3A_903] : memref<10400000xf32, #tpu.memory_space<hbm>> -> memref<10400000xf32, #tpu.memory_space<hbm>>
    tpu.enqueue_indirect_dma source(%dma_start3A_904 : memref<10400000xf32, #tpu.memory_space<hbm>>) target(%dma_start3A_899 : memref<128xf32, #tpu.memory_space<vmem>>) offsets(%dma_start3A_902 : memref<128xi32, #tpu.memory_space<vmem>>) semaphore(%arg12 : memref<!tpu.dma_semaphore, #tpu.memory_space<semaphore_mem>>)
    %dma_start3A_905 = arith.constant 61 : i32
    %dma_start3A_906 = arith.constant 7808 : i32
    %dma_start3A_907 = tpu.memref_slice %arg9[%dma_start3A_906] : memref<13312xf32, #tpu.memory_space<vmem>> -> memref<128xf32, #tpu.memory_space<vmem>>
    %dma_start3A_908 = arith.constant 0 : i32
    %dma_start3A_909 = tpu.memref_slice %arg8[%dma_start3A_905, %dma_start3A_908] : memref<104x128xi32, #tpu.memory_space<vmem>> -> memref<1x128xi32, #tpu.memory_space<vmem>>
    %dma_start3A_910 = tpu.memref_squeeze %dma_start3A_909 : memref<1x128xi32, #tpu.memory_space<vmem>> -> memref<128xi32, #tpu.memory_space<vmem>>
    %dma_start3A_911 = arith.constant 0 : i32
    %dma_start3A_912 = tpu.memref_slice %arg2[%dma_start3A_911] : memref<10400000xf32, #tpu.memory_space<hbm>> -> memref<10400000xf32, #tpu.memory_space<hbm>>
    tpu.enqueue_indirect_dma source(%dma_start3A_912 : memref<10400000xf32, #tpu.memory_space<hbm>>) target(%dma_start3A_907 : memref<128xf32, #tpu.memory_space<vmem>>) offsets(%dma_start3A_910 : memref<128xi32, #tpu.memory_space<vmem>>) semaphore(%arg12 : memref<!tpu.dma_semaphore, #tpu.memory_space<semaphore_mem>>)
    %dma_start3A_913 = arith.constant 62 : i32
    %dma_start3A_914 = arith.constant 7936 : i32
    %dma_start3A_915 = tpu.memref_slice %arg9[%dma_start3A_914] : memref<13312xf32, #tpu.memory_space<vmem>> -> memref<128xf32, #tpu.memory_space<vmem>>
    %dma_start3A_916 = arith.constant 0 : i32
    %dma_start3A_917 = tpu.memref_slice %arg8[%dma_start3A_913, %dma_start3A_916] : memref<104x128xi32, #tpu.memory_space<vmem>> -> memref<1x128xi32, #tpu.memory_space<vmem>>
    %dma_start3A_918 = tpu.memref_squeeze %dma_start3A_917 : memref<1x128xi32, #tpu.memory_space<vmem>> -> memref<128xi32, #tpu.memory_space<vmem>>
    %dma_start3A_919 = arith.constant 0 : i32
    %dma_start3A_920 = tpu.memref_slice %arg2[%dma_start3A_919] : memref<10400000xf32, #tpu.memory_space<hbm>> -> memref<10400000xf32, #tpu.memory_space<hbm>>
    tpu.enqueue_indirect_dma source(%dma_start3A_920 : memref<10400000xf32, #tpu.memory_space<hbm>>) target(%dma_start3A_915 : memref<128xf32, #tpu.memory_space<vmem>>) offsets(%dma_start3A_918 : memref<128xi32, #tpu.memory_space<vmem>>) semaphore(%arg12 : memref<!tpu.dma_semaphore, #tpu.memory_space<semaphore_mem>>)
    %dma_start3A_921 = arith.constant 63 : i32
    %dma_start3A_922 = arith.constant 8064 : i32
    %dma_start3A_923 = tpu.memref_slice %arg9[%dma_start3A_922] : memref<13312xf32, #tpu.memory_space<vmem>> -> memref<128xf32, #tpu.memory_space<vmem>>
    %dma_start3A_924 = arith.constant 0 : i32
    %dma_start3A_925 = tpu.memref_slice %arg8[%dma_start3A_921, %dma_start3A_924] : memref<104x128xi32, #tpu.memory_space<vmem>> -> memref<1x128xi32, #tpu.memory_space<vmem>>
    %dma_start3A_926 = tpu.memref_squeeze %dma_start3A_925 : memref<1x128xi32, #tpu.memory_space<vmem>> -> memref<128xi32, #tpu.memory_space<vmem>>
    %dma_start3A_927 = arith.constant 0 : i32
    %dma_start3A_928 = tpu.memref_slice %arg2[%dma_start3A_927] : memref<10400000xf32, #tpu.memory_space<hbm>> -> memref<10400000xf32, #tpu.memory_space<hbm>>
    tpu.enqueue_indirect_dma source(%dma_start3A_928 : memref<10400000xf32, #tpu.memory_space<hbm>>) target(%dma_start3A_923 : memref<128xf32, #tpu.memory_space<vmem>>) offsets(%dma_start3A_926 : memref<128xi32, #tpu.memory_space<vmem>>) semaphore(%arg12 : memref<!tpu.dma_semaphore, #tpu.memory_space<semaphore_mem>>)
    %dma_start3A_929 = arith.constant 64 : i32
    %dma_start3A_930 = arith.constant 8192 : i32
    %dma_start3A_931 = tpu.memref_slice %arg9[%dma_start3A_930] : memref<13312xf32, #tpu.memory_space<vmem>> -> memref<128xf32, #tpu.memory_space<vmem>>
    %dma_start3A_932 = arith.constant 0 : i32
    %dma_start3A_933 = tpu.memref_slice %arg8[%dma_start3A_929, %dma_start3A_932] : memref<104x128xi32, #tpu.memory_space<vmem>> -> memref<1x128xi32, #tpu.memory_space<vmem>>
    %dma_start3A_934 = tpu.memref_squeeze %dma_start3A_933 : memref<1x128xi32, #tpu.memory_space<vmem>> -> memref<128xi32, #tpu.memory_space<vmem>>
    %dma_start3A_935 = arith.constant 0 : i32
    %dma_start3A_936 = tpu.memref_slice %arg2[%dma_start3A_935] : memref<10400000xf32, #tpu.memory_space<hbm>> -> memref<10400000xf32, #tpu.memory_space<hbm>>
    tpu.enqueue_indirect_dma source(%dma_start3A_936 : memref<10400000xf32, #tpu.memory_space<hbm>>) target(%dma_start3A_931 : memref<128xf32, #tpu.memory_space<vmem>>) offsets(%dma_start3A_934 : memref<128xi32, #tpu.memory_space<vmem>>) semaphore(%arg12 : memref<!tpu.dma_semaphore, #tpu.memory_space<semaphore_mem>>)
    %dma_wait3A_937 = arith.constant 52 : i32
    %dma_wait3A_938 = arith.constant 6656 : i32
    %dma_wait3A_939 = tpu.memref_slice %arg9[%dma_wait3A_938] : memref<13312xf32, #tpu.memory_space<vmem>> -> memref<128xf32, #tpu.memory_space<vmem>>
    %dma_wait3A_940 = arith.constant 0 : i32
    %dma_wait3A_941 = tpu.memref_slice %arg8[%dma_wait3A_937, %dma_wait3A_940] : memref<104x128xi32, #tpu.memory_space<vmem>> -> memref<1x128xi32, #tpu.memory_space<vmem>>
    %dma_wait3A_942 = tpu.memref_squeeze %dma_wait3A_941 : memref<1x128xi32, #tpu.memory_space<vmem>> -> memref<128xi32, #tpu.memory_space<vmem>>
    %dma_wait3A_943 = arith.constant 0 : i32
    %dma_wait3A_944 = tpu.memref_slice %arg2[%dma_wait3A_943] : memref<10400000xf32, #tpu.memory_space<hbm>> -> memref<10400000xf32, #tpu.memory_space<hbm>>
    tpu.wait_indirect_dma semaphore(%arg12 : memref<!tpu.dma_semaphore, #tpu.memory_space<semaphore_mem>>) src(%dma_wait3A_944 : memref<10400000xf32, #tpu.memory_space<hbm>>) dst(%dma_wait3A_939 : memref<128xf32, #tpu.memory_space<vmem>>)
    %dma_wait3A_945 = arith.constant 53 : i32
    %dma_wait3A_946 = arith.constant 6784 : i32
    %dma_wait3A_947 = tpu.memref_slice %arg9[%dma_wait3A_946] : memref<13312xf32, #tpu.memory_space<vmem>> -> memref<128xf32, #tpu.memory_space<vmem>>
    %dma_wait3A_948 = arith.constant 0 : i32
    %dma_wait3A_949 = tpu.memref_slice %arg8[%dma_wait3A_945, %dma_wait3A_948] : memref<104x128xi32, #tpu.memory_space<vmem>> -> memref<1x128xi32, #tpu.memory_space<vmem>>
    %dma_wait3A_950 = tpu.memref_squeeze %dma_wait3A_949 : memref<1x128xi32, #tpu.memory_space<vmem>> -> memref<128xi32, #tpu.memory_space<vmem>>
    %dma_wait3A_951 = arith.constant 0 : i32
    %dma_wait3A_952 = tpu.memref_slice %arg2[%dma_wait3A_951] : memref<10400000xf32, #tpu.memory_space<hbm>> -> memref<10400000xf32, #tpu.memory_space<hbm>>
    tpu.wait_indirect_dma semaphore(%arg12 : memref<!tpu.dma_semaphore, #tpu.memory_space<semaphore_mem>>) src(%dma_wait3A_952 : memref<10400000xf32, #tpu.memory_space<hbm>>) dst(%dma_wait3A_947 : memref<128xf32, #tpu.memory_space<vmem>>)
    %dma_wait3A_953 = arith.constant 54 : i32
    %dma_wait3A_954 = arith.constant 6912 : i32
    %dma_wait3A_955 = tpu.memref_slice %arg9[%dma_wait3A_954] : memref<13312xf32, #tpu.memory_space<vmem>> -> memref<128xf32, #tpu.memory_space<vmem>>
    %dma_wait3A_956 = arith.constant 0 : i32
    %dma_wait3A_957 = tpu.memref_slice %arg8[%dma_wait3A_953, %dma_wait3A_956] : memref<104x128xi32, #tpu.memory_space<vmem>> -> memref<1x128xi32, #tpu.memory_space<vmem>>
    %dma_wait3A_958 = tpu.memref_squeeze %dma_wait3A_957 : memref<1x128xi32, #tpu.memory_space<vmem>> -> memref<128xi32, #tpu.memory_space<vmem>>
    %dma_wait3A_959 = arith.constant 0 : i32
    %dma_wait3A_960 = tpu.memref_slice %arg2[%dma_wait3A_959] : memref<10400000xf32, #tpu.memory_space<hbm>> -> memref<10400000xf32, #tpu.memory_space<hbm>>
    tpu.wait_indirect_dma semaphore(%arg12 : memref<!tpu.dma_semaphore, #tpu.memory_space<semaphore_mem>>) src(%dma_wait3A_960 : memref<10400000xf32, #tpu.memory_space<hbm>>) dst(%dma_wait3A_955 : memref<128xf32, #tpu.memory_space<vmem>>)
    %dma_wait3A_961 = arith.constant 55 : i32
    %dma_wait3A_962 = arith.constant 7040 : i32
    %dma_wait3A_963 = tpu.memref_slice %arg9[%dma_wait3A_962] : memref<13312xf32, #tpu.memory_space<vmem>> -> memref<128xf32, #tpu.memory_space<vmem>>
    %dma_wait3A_964 = arith.constant 0 : i32
    %dma_wait3A_965 = tpu.memref_slice %arg8[%dma_wait3A_961, %dma_wait3A_964] : memref<104x128xi32, #tpu.memory_space<vmem>> -> memref<1x128xi32, #tpu.memory_space<vmem>>
    %dma_wait3A_966 = tpu.memref_squeeze %dma_wait3A_965 : memref<1x128xi32, #tpu.memory_space<vmem>> -> memref<128xi32, #tpu.memory_space<vmem>>
    %dma_wait3A_967 = arith.constant 0 : i32
    %dma_wait3A_968 = tpu.memref_slice %arg2[%dma_wait3A_967] : memref<10400000xf32, #tpu.memory_space<hbm>> -> memref<10400000xf32, #tpu.memory_space<hbm>>
    tpu.wait_indirect_dma semaphore(%arg12 : memref<!tpu.dma_semaphore, #tpu.memory_space<semaphore_mem>>) src(%dma_wait3A_968 : memref<10400000xf32, #tpu.memory_space<hbm>>) dst(%dma_wait3A_963 : memref<128xf32, #tpu.memory_space<vmem>>)
    %dma_wait3A_969 = arith.constant 56 : i32
    %dma_wait3A_970 = arith.constant 7168 : i32
    %dma_wait3A_971 = tpu.memref_slice %arg9[%dma_wait3A_970] : memref<13312xf32, #tpu.memory_space<vmem>> -> memref<128xf32, #tpu.memory_space<vmem>>
    %dma_wait3A_972 = arith.constant 0 : i32
    %dma_wait3A_973 = tpu.memref_slice %arg8[%dma_wait3A_969, %dma_wait3A_972] : memref<104x128xi32, #tpu.memory_space<vmem>> -> memref<1x128xi32, #tpu.memory_space<vmem>>
    %dma_wait3A_974 = tpu.memref_squeeze %dma_wait3A_973 : memref<1x128xi32, #tpu.memory_space<vmem>> -> memref<128xi32, #tpu.memory_space<vmem>>
    %dma_wait3A_975 = arith.constant 0 : i32
    %dma_wait3A_976 = tpu.memref_slice %arg2[%dma_wait3A_975] : memref<10400000xf32, #tpu.memory_space<hbm>> -> memref<10400000xf32, #tpu.memory_space<hbm>>
    tpu.wait_indirect_dma semaphore(%arg12 : memref<!tpu.dma_semaphore, #tpu.memory_space<semaphore_mem>>) src(%dma_wait3A_976 : memref<10400000xf32, #tpu.memory_space<hbm>>) dst(%dma_wait3A_971 : memref<128xf32, #tpu.memory_space<vmem>>)
    %dma_wait3A_977 = arith.constant 57 : i32
    %dma_wait3A_978 = arith.constant 7296 : i32
    %dma_wait3A_979 = tpu.memref_slice %arg9[%dma_wait3A_978] : memref<13312xf32, #tpu.memory_space<vmem>> -> memref<128xf32, #tpu.memory_space<vmem>>
    %dma_wait3A_980 = arith.constant 0 : i32
    %dma_wait3A_981 = tpu.memref_slice %arg8[%dma_wait3A_977, %dma_wait3A_980] : memref<104x128xi32, #tpu.memory_space<vmem>> -> memref<1x128xi32, #tpu.memory_space<vmem>>
    %dma_wait3A_982 = tpu.memref_squeeze %dma_wait3A_981 : memref<1x128xi32, #tpu.memory_space<vmem>> -> memref<128xi32, #tpu.memory_space<vmem>>
    %dma_wait3A_983 = arith.constant 0 : i32
    %dma_wait3A_984 = tpu.memref_slice %arg2[%dma_wait3A_983] : memref<10400000xf32, #tpu.memory_space<hbm>> -> memref<10400000xf32, #tpu.memory_space<hbm>>
    tpu.wait_indirect_dma semaphore(%arg12 : memref<!tpu.dma_semaphore, #tpu.memory_space<semaphore_mem>>) src(%dma_wait3A_984 : memref<10400000xf32, #tpu.memory_space<hbm>>) dst(%dma_wait3A_979 : memref<128xf32, #tpu.memory_space<vmem>>)
    %dma_wait3A_985 = arith.constant 58 : i32
    %dma_wait3A_986 = arith.constant 7424 : i32
    %dma_wait3A_987 = tpu.memref_slice %arg9[%dma_wait3A_986] : memref<13312xf32, #tpu.memory_space<vmem>> -> memref<128xf32, #tpu.memory_space<vmem>>
    %dma_wait3A_988 = arith.constant 0 : i32
    %dma_wait3A_989 = tpu.memref_slice %arg8[%dma_wait3A_985, %dma_wait3A_988] : memref<104x128xi32, #tpu.memory_space<vmem>> -> memref<1x128xi32, #tpu.memory_space<vmem>>
    %dma_wait3A_990 = tpu.memref_squeeze %dma_wait3A_989 : memref<1x128xi32, #tpu.memory_space<vmem>> -> memref<128xi32, #tpu.memory_space<vmem>>
    %dma_wait3A_991 = arith.constant 0 : i32
    %dma_wait3A_992 = tpu.memref_slice %arg2[%dma_wait3A_991] : memref<10400000xf32, #tpu.memory_space<hbm>> -> memref<10400000xf32, #tpu.memory_space<hbm>>
    tpu.wait_indirect_dma semaphore(%arg12 : memref<!tpu.dma_semaphore, #tpu.memory_space<semaphore_mem>>) src(%dma_wait3A_992 : memref<10400000xf32, #tpu.memory_space<hbm>>) dst(%dma_wait3A_987 : memref<128xf32, #tpu.memory_space<vmem>>)
    %dma_wait3A_993 = arith.constant 59 : i32
    %dma_wait3A_994 = arith.constant 7552 : i32
    %dma_wait3A_995 = tpu.memref_slice %arg9[%dma_wait3A_994] : memref<13312xf32, #tpu.memory_space<vmem>> -> memref<128xf32, #tpu.memory_space<vmem>>
    %dma_wait3A_996 = arith.constant 0 : i32
    %dma_wait3A_997 = tpu.memref_slice %arg8[%dma_wait3A_993, %dma_wait3A_996] : memref<104x128xi32, #tpu.memory_space<vmem>> -> memref<1x128xi32, #tpu.memory_space<vmem>>
    %dma_wait3A_998 = tpu.memref_squeeze %dma_wait3A_997 : memref<1x128xi32, #tpu.memory_space<vmem>> -> memref<128xi32, #tpu.memory_space<vmem>>
    %dma_wait3A_999 = arith.constant 0 : i32
    %dma_wait3A_1000 = tpu.memref_slice %arg2[%dma_wait3A_999] : memref<10400000xf32, #tpu.memory_space<hbm>> -> memref<10400000xf32, #tpu.memory_space<hbm>>
    tpu.wait_indirect_dma semaphore(%arg12 : memref<!tpu.dma_semaphore, #tpu.memory_space<semaphore_mem>>) src(%dma_wait3A_1000 : memref<10400000xf32, #tpu.memory_space<hbm>>) dst(%dma_wait3A_995 : memref<128xf32, #tpu.memory_space<vmem>>)
    %dma_wait3A_1001 = arith.constant 60 : i32
    %dma_wait3A_1002 = arith.constant 7680 : i32
    %dma_wait3A_1003 = tpu.memref_slice %arg9[%dma_wait3A_1002] : memref<13312xf32, #tpu.memory_space<vmem>> -> memref<128xf32, #tpu.memory_space<vmem>>
    %dma_wait3A_1004 = arith.constant 0 : i32
    %dma_wait3A_1005 = tpu.memref_slice %arg8[%dma_wait3A_1001, %dma_wait3A_1004] : memref<104x128xi32, #tpu.memory_space<vmem>> -> memref<1x128xi32, #tpu.memory_space<vmem>>
    %dma_wait3A_1006 = tpu.memref_squeeze %dma_wait3A_1005 : memref<1x128xi32, #tpu.memory_space<vmem>> -> memref<128xi32, #tpu.memory_space<vmem>>
    %dma_wait3A_1007 = arith.constant 0 : i32
    %dma_wait3A_1008 = tpu.memref_slice %arg2[%dma_wait3A_1007] : memref<10400000xf32, #tpu.memory_space<hbm>> -> memref<10400000xf32, #tpu.memory_space<hbm>>
    tpu.wait_indirect_dma semaphore(%arg12 : memref<!tpu.dma_semaphore, #tpu.memory_space<semaphore_mem>>) src(%dma_wait3A_1008 : memref<10400000xf32, #tpu.memory_space<hbm>>) dst(%dma_wait3A_1003 : memref<128xf32, #tpu.memory_space<vmem>>)
    %dma_wait3A_1009 = arith.constant 61 : i32
    %dma_wait3A_1010 = arith.constant 7808 : i32
    %dma_wait3A_1011 = tpu.memref_slice %arg9[%dma_wait3A_1010] : memref<13312xf32, #tpu.memory_space<vmem>> -> memref<128xf32, #tpu.memory_space<vmem>>
    %dma_wait3A_1012 = arith.constant 0 : i32
    %dma_wait3A_1013 = tpu.memref_slice %arg8[%dma_wait3A_1009, %dma_wait3A_1012] : memref<104x128xi32, #tpu.memory_space<vmem>> -> memref<1x128xi32, #tpu.memory_space<vmem>>
    %dma_wait3A_1014 = tpu.memref_squeeze %dma_wait3A_1013 : memref<1x128xi32, #tpu.memory_space<vmem>> -> memref<128xi32, #tpu.memory_space<vmem>>
    %dma_wait3A_1015 = arith.constant 0 : i32
    %dma_wait3A_1016 = tpu.memref_slice %arg2[%dma_wait3A_1015] : memref<10400000xf32, #tpu.memory_space<hbm>> -> memref<10400000xf32, #tpu.memory_space<hbm>>
    tpu.wait_indirect_dma semaphore(%arg12 : memref<!tpu.dma_semaphore, #tpu.memory_space<semaphore_mem>>) src(%dma_wait3A_1016 : memref<10400000xf32, #tpu.memory_space<hbm>>) dst(%dma_wait3A_1011 : memref<128xf32, #tpu.memory_space<vmem>>)
    %dma_wait3A_1017 = arith.constant 62 : i32
    %dma_wait3A_1018 = arith.constant 7936 : i32
    %dma_wait3A_1019 = tpu.memref_slice %arg9[%dma_wait3A_1018] : memref<13312xf32, #tpu.memory_space<vmem>> -> memref<128xf32, #tpu.memory_space<vmem>>
    %dma_wait3A_1020 = arith.constant 0 : i32
    %dma_wait3A_1021 = tpu.memref_slice %arg8[%dma_wait3A_1017, %dma_wait3A_1020] : memref<104x128xi32, #tpu.memory_space<vmem>> -> memref<1x128xi32, #tpu.memory_space<vmem>>
    %dma_wait3A_1022 = tpu.memref_squeeze %dma_wait3A_1021 : memref<1x128xi32, #tpu.memory_space<vmem>> -> memref<128xi32, #tpu.memory_space<vmem>>
    %dma_wait3A_1023 = arith.constant 0 : i32
    %dma_wait3A_1024 = tpu.memref_slice %arg2[%dma_wait3A_1023] : memref<10400000xf32, #tpu.memory_space<hbm>> -> memref<10400000xf32, #tpu.memory_space<hbm>>
    tpu.wait_indirect_dma semaphore(%arg12 : memref<!tpu.dma_semaphore, #tpu.memory_space<semaphore_mem>>) src(%dma_wait3A_1024 : memref<10400000xf32, #tpu.memory_space<hbm>>) dst(%dma_wait3A_1019 : memref<128xf32, #tpu.memory_space<vmem>>)
    %dma_wait3A_1025 = arith.constant 63 : i32
    %dma_wait3A_1026 = arith.constant 8064 : i32
    %dma_wait3A_1027 = tpu.memref_slice %arg9[%dma_wait3A_1026] : memref<13312xf32, #tpu.memory_space<vmem>> -> memref<128xf32, #tpu.memory_space<vmem>>
    %dma_wait3A_1028 = arith.constant 0 : i32
    %dma_wait3A_1029 = tpu.memref_slice %arg8[%dma_wait3A_1025, %dma_wait3A_1028] : memref<104x128xi32, #tpu.memory_space<vmem>> -> memref<1x128xi32, #tpu.memory_space<vmem>>
    %dma_wait3A_1030 = tpu.memref_squeeze %dma_wait3A_1029 : memref<1x128xi32, #tpu.memory_space<vmem>> -> memref<128xi32, #tpu.memory_space<vmem>>
    %dma_wait3A_1031 = arith.constant 0 : i32
    %dma_wait3A_1032 = tpu.memref_slice %arg2[%dma_wait3A_1031] : memref<10400000xf32, #tpu.memory_space<hbm>> -> memref<10400000xf32, #tpu.memory_space<hbm>>
    tpu.wait_indirect_dma semaphore(%arg12 : memref<!tpu.dma_semaphore, #tpu.memory_space<semaphore_mem>>) src(%dma_wait3A_1032 : memref<10400000xf32, #tpu.memory_space<hbm>>) dst(%dma_wait3A_1027 : memref<128xf32, #tpu.memory_space<vmem>>)
    %dma_wait3A_1033 = arith.constant 64 : i32
    %dma_wait3A_1034 = arith.constant 8192 : i32
    %dma_wait3A_1035 = tpu.memref_slice %arg9[%dma_wait3A_1034] : memref<13312xf32, #tpu.memory_space<vmem>> -> memref<128xf32, #tpu.memory_space<vmem>>
    %dma_wait3A_1036 = arith.constant 0 : i32
    %dma_wait3A_1037 = tpu.memref_slice %arg8[%dma_wait3A_1033, %dma_wait3A_1036] : memref<104x128xi32, #tpu.memory_space<vmem>> -> memref<1x128xi32, #tpu.memory_space<vmem>>
    %dma_wait3A_1038 = tpu.memref_squeeze %dma_wait3A_1037 : memref<1x128xi32, #tpu.memory_space<vmem>> -> memref<128xi32, #tpu.memory_space<vmem>>
    %dma_wait3A_1039 = arith.constant 0 : i32
    %dma_wait3A_1040 = tpu.memref_slice %arg2[%dma_wait3A_1039] : memref<10400000xf32, #tpu.memory_space<hbm>> -> memref<10400000xf32, #tpu.memory_space<hbm>>
    tpu.wait_indirect_dma semaphore(%arg12 : memref<!tpu.dma_semaphore, #tpu.memory_space<semaphore_mem>>) src(%dma_wait3A_1040 : memref<10400000xf32, #tpu.memory_space<hbm>>) dst(%dma_wait3A_1035 : memref<128xf32, #tpu.memory_space<vmem>>)
    %dma_start3A_1041 = arith.constant 65 : i32
    %dma_start3A_1042 = arith.constant 8320 : i32
    %dma_start3A_1043 = tpu.memref_slice %arg9[%dma_start3A_1042] : memref<13312xf32, #tpu.memory_space<vmem>> -> memref<128xf32, #tpu.memory_space<vmem>>
    %dma_start3A_1044 = arith.constant 0 : i32
    %dma_start3A_1045 = tpu.memref_slice %arg8[%dma_start3A_1041, %dma_start3A_1044] : memref<104x128xi32, #tpu.memory_space<vmem>> -> memref<1x128xi32, #tpu.memory_space<vmem>>
    %dma_start3A_1046 = tpu.memref_squeeze %dma_start3A_1045 : memref<1x128xi32, #tpu.memory_space<vmem>> -> memref<128xi32, #tpu.memory_space<vmem>>
    %dma_start3A_1047 = arith.constant 0 : i32
    %dma_start3A_1048 = tpu.memref_slice %arg2[%dma_start3A_1047] : memref<10400000xf32, #tpu.memory_space<hbm>> -> memref<10400000xf32, #tpu.memory_space<hbm>>
    tpu.enqueue_indirect_dma source(%dma_start3A_1048 : memref<10400000xf32, #tpu.memory_space<hbm>>) target(%dma_start3A_1043 : memref<128xf32, #tpu.memory_space<vmem>>) offsets(%dma_start3A_1046 : memref<128xi32, #tpu.memory_space<vmem>>) semaphore(%arg12 : memref<!tpu.dma_semaphore, #tpu.memory_space<semaphore_mem>>)
    %dma_start3A_1049 = arith.constant 66 : i32
    %dma_start3A_1050 = arith.constant 8448 : i32
    %dma_start3A_1051 = tpu.memref_slice %arg9[%dma_start3A_1050] : memref<13312xf32, #tpu.memory_space<vmem>> -> memref<128xf32, #tpu.memory_space<vmem>>
    %dma_start3A_1052 = arith.constant 0 : i32
    %dma_start3A_1053 = tpu.memref_slice %arg8[%dma_start3A_1049, %dma_start3A_1052] : memref<104x128xi32, #tpu.memory_space<vmem>> -> memref<1x128xi32, #tpu.memory_space<vmem>>
    %dma_start3A_1054 = tpu.memref_squeeze %dma_start3A_1053 : memref<1x128xi32, #tpu.memory_space<vmem>> -> memref<128xi32, #tpu.memory_space<vmem>>
    %dma_start3A_1055 = arith.constant 0 : i32
    %dma_start3A_1056 = tpu.memref_slice %arg2[%dma_start3A_1055] : memref<10400000xf32, #tpu.memory_space<hbm>> -> memref<10400000xf32, #tpu.memory_space<hbm>>
    tpu.enqueue_indirect_dma source(%dma_start3A_1056 : memref<10400000xf32, #tpu.memory_space<hbm>>) target(%dma_start3A_1051 : memref<128xf32, #tpu.memory_space<vmem>>) offsets(%dma_start3A_1054 : memref<128xi32, #tpu.memory_space<vmem>>) semaphore(%arg12 : memref<!tpu.dma_semaphore, #tpu.memory_space<semaphore_mem>>)
    %dma_start3A_1057 = arith.constant 67 : i32
    %dma_start3A_1058 = arith.constant 8576 : i32
    %dma_start3A_1059 = tpu.memref_slice %arg9[%dma_start3A_1058] : memref<13312xf32, #tpu.memory_space<vmem>> -> memref<128xf32, #tpu.memory_space<vmem>>
    %dma_start3A_1060 = arith.constant 0 : i32
    %dma_start3A_1061 = tpu.memref_slice %arg8[%dma_start3A_1057, %dma_start3A_1060] : memref<104x128xi32, #tpu.memory_space<vmem>> -> memref<1x128xi32, #tpu.memory_space<vmem>>
    %dma_start3A_1062 = tpu.memref_squeeze %dma_start3A_1061 : memref<1x128xi32, #tpu.memory_space<vmem>> -> memref<128xi32, #tpu.memory_space<vmem>>
    %dma_start3A_1063 = arith.constant 0 : i32
    %dma_start3A_1064 = tpu.memref_slice %arg2[%dma_start3A_1063] : memref<10400000xf32, #tpu.memory_space<hbm>> -> memref<10400000xf32, #tpu.memory_space<hbm>>
    tpu.enqueue_indirect_dma source(%dma_start3A_1064 : memref<10400000xf32, #tpu.memory_space<hbm>>) target(%dma_start3A_1059 : memref<128xf32, #tpu.memory_space<vmem>>) offsets(%dma_start3A_1062 : memref<128xi32, #tpu.memory_space<vmem>>) semaphore(%arg12 : memref<!tpu.dma_semaphore, #tpu.memory_space<semaphore_mem>>)
    %dma_start3A_1065 = arith.constant 68 : i32
    %dma_start3A_1066 = arith.constant 8704 : i32
    %dma_start3A_1067 = tpu.memref_slice %arg9[%dma_start3A_1066] : memref<13312xf32, #tpu.memory_space<vmem>> -> memref<128xf32, #tpu.memory_space<vmem>>
    %dma_start3A_1068 = arith.constant 0 : i32
    %dma_start3A_1069 = tpu.memref_slice %arg8[%dma_start3A_1065, %dma_start3A_1068] : memref<104x128xi32, #tpu.memory_space<vmem>> -> memref<1x128xi32, #tpu.memory_space<vmem>>
    %dma_start3A_1070 = tpu.memref_squeeze %dma_start3A_1069 : memref<1x128xi32, #tpu.memory_space<vmem>> -> memref<128xi32, #tpu.memory_space<vmem>>
    %dma_start3A_1071 = arith.constant 0 : i32
    %dma_start3A_1072 = tpu.memref_slice %arg2[%dma_start3A_1071] : memref<10400000xf32, #tpu.memory_space<hbm>> -> memref<10400000xf32, #tpu.memory_space<hbm>>
    tpu.enqueue_indirect_dma source(%dma_start3A_1072 : memref<10400000xf32, #tpu.memory_space<hbm>>) target(%dma_start3A_1067 : memref<128xf32, #tpu.memory_space<vmem>>) offsets(%dma_start3A_1070 : memref<128xi32, #tpu.memory_space<vmem>>) semaphore(%arg12 : memref<!tpu.dma_semaphore, #tpu.memory_space<semaphore_mem>>)
    %dma_start3A_1073 = arith.constant 69 : i32
    %dma_start3A_1074 = arith.constant 8832 : i32
    %dma_start3A_1075 = tpu.memref_slice %arg9[%dma_start3A_1074] : memref<13312xf32, #tpu.memory_space<vmem>> -> memref<128xf32, #tpu.memory_space<vmem>>
    %dma_start3A_1076 = arith.constant 0 : i32
    %dma_start3A_1077 = tpu.memref_slice %arg8[%dma_start3A_1073, %dma_start3A_1076] : memref<104x128xi32, #tpu.memory_space<vmem>> -> memref<1x128xi32, #tpu.memory_space<vmem>>
    %dma_start3A_1078 = tpu.memref_squeeze %dma_start3A_1077 : memref<1x128xi32, #tpu.memory_space<vmem>> -> memref<128xi32, #tpu.memory_space<vmem>>
    %dma_start3A_1079 = arith.constant 0 : i32
    %dma_start3A_1080 = tpu.memref_slice %arg2[%dma_start3A_1079] : memref<10400000xf32, #tpu.memory_space<hbm>> -> memref<10400000xf32, #tpu.memory_space<hbm>>
    tpu.enqueue_indirect_dma source(%dma_start3A_1080 : memref<10400000xf32, #tpu.memory_space<hbm>>) target(%dma_start3A_1075 : memref<128xf32, #tpu.memory_space<vmem>>) offsets(%dma_start3A_1078 : memref<128xi32, #tpu.memory_space<vmem>>) semaphore(%arg12 : memref<!tpu.dma_semaphore, #tpu.memory_space<semaphore_mem>>)
    %dma_start3A_1081 = arith.constant 70 : i32
    %dma_start3A_1082 = arith.constant 8960 : i32
    %dma_start3A_1083 = tpu.memref_slice %arg9[%dma_start3A_1082] : memref<13312xf32, #tpu.memory_space<vmem>> -> memref<128xf32, #tpu.memory_space<vmem>>
    %dma_start3A_1084 = arith.constant 0 : i32
    %dma_start3A_1085 = tpu.memref_slice %arg8[%dma_start3A_1081, %dma_start3A_1084] : memref<104x128xi32, #tpu.memory_space<vmem>> -> memref<1x128xi32, #tpu.memory_space<vmem>>
    %dma_start3A_1086 = tpu.memref_squeeze %dma_start3A_1085 : memref<1x128xi32, #tpu.memory_space<vmem>> -> memref<128xi32, #tpu.memory_space<vmem>>
    %dma_start3A_1087 = arith.constant 0 : i32
    %dma_start3A_1088 = tpu.memref_slice %arg2[%dma_start3A_1087] : memref<10400000xf32, #tpu.memory_space<hbm>> -> memref<10400000xf32, #tpu.memory_space<hbm>>
    tpu.enqueue_indirect_dma source(%dma_start3A_1088 : memref<10400000xf32, #tpu.memory_space<hbm>>) target(%dma_start3A_1083 : memref<128xf32, #tpu.memory_space<vmem>>) offsets(%dma_start3A_1086 : memref<128xi32, #tpu.memory_space<vmem>>) semaphore(%arg12 : memref<!tpu.dma_semaphore, #tpu.memory_space<semaphore_mem>>)
    %dma_start3A_1089 = arith.constant 71 : i32
    %dma_start3A_1090 = arith.constant 9088 : i32
    %dma_start3A_1091 = tpu.memref_slice %arg9[%dma_start3A_1090] : memref<13312xf32, #tpu.memory_space<vmem>> -> memref<128xf32, #tpu.memory_space<vmem>>
    %dma_start3A_1092 = arith.constant 0 : i32
    %dma_start3A_1093 = tpu.memref_slice %arg8[%dma_start3A_1089, %dma_start3A_1092] : memref<104x128xi32, #tpu.memory_space<vmem>> -> memref<1x128xi32, #tpu.memory_space<vmem>>
    %dma_start3A_1094 = tpu.memref_squeeze %dma_start3A_1093 : memref<1x128xi32, #tpu.memory_space<vmem>> -> memref<128xi32, #tpu.memory_space<vmem>>
    %dma_start3A_1095 = arith.constant 0 : i32
    %dma_start3A_1096 = tpu.memref_slice %arg2[%dma_start3A_1095] : memref<10400000xf32, #tpu.memory_space<hbm>> -> memref<10400000xf32, #tpu.memory_space<hbm>>
    tpu.enqueue_indirect_dma source(%dma_start3A_1096 : memref<10400000xf32, #tpu.memory_space<hbm>>) target(%dma_start3A_1091 : memref<128xf32, #tpu.memory_space<vmem>>) offsets(%dma_start3A_1094 : memref<128xi32, #tpu.memory_space<vmem>>) semaphore(%arg12 : memref<!tpu.dma_semaphore, #tpu.memory_space<semaphore_mem>>)
    %dma_start3A_1097 = arith.constant 72 : i32
    %dma_start3A_1098 = arith.constant 9216 : i32
    %dma_start3A_1099 = tpu.memref_slice %arg9[%dma_start3A_1098] : memref<13312xf32, #tpu.memory_space<vmem>> -> memref<128xf32, #tpu.memory_space<vmem>>
    %dma_start3A_1100 = arith.constant 0 : i32
    %dma_start3A_1101 = tpu.memref_slice %arg8[%dma_start3A_1097, %dma_start3A_1100] : memref<104x128xi32, #tpu.memory_space<vmem>> -> memref<1x128xi32, #tpu.memory_space<vmem>>
    %dma_start3A_1102 = tpu.memref_squeeze %dma_start3A_1101 : memref<1x128xi32, #tpu.memory_space<vmem>> -> memref<128xi32, #tpu.memory_space<vmem>>
    %dma_start3A_1103 = arith.constant 0 : i32
    %dma_start3A_1104 = tpu.memref_slice %arg2[%dma_start3A_1103] : memref<10400000xf32, #tpu.memory_space<hbm>> -> memref<10400000xf32, #tpu.memory_space<hbm>>
    tpu.enqueue_indirect_dma source(%dma_start3A_1104 : memref<10400000xf32, #tpu.memory_space<hbm>>) target(%dma_start3A_1099 : memref<128xf32, #tpu.memory_space<vmem>>) offsets(%dma_start3A_1102 : memref<128xi32, #tpu.memory_space<vmem>>) semaphore(%arg12 : memref<!tpu.dma_semaphore, #tpu.memory_space<semaphore_mem>>)
    %dma_start3A_1105 = arith.constant 73 : i32
    %dma_start3A_1106 = arith.constant 9344 : i32
    %dma_start3A_1107 = tpu.memref_slice %arg9[%dma_start3A_1106] : memref<13312xf32, #tpu.memory_space<vmem>> -> memref<128xf32, #tpu.memory_space<vmem>>
    %dma_start3A_1108 = arith.constant 0 : i32
    %dma_start3A_1109 = tpu.memref_slice %arg8[%dma_start3A_1105, %dma_start3A_1108] : memref<104x128xi32, #tpu.memory_space<vmem>> -> memref<1x128xi32, #tpu.memory_space<vmem>>
    %dma_start3A_1110 = tpu.memref_squeeze %dma_start3A_1109 : memref<1x128xi32, #tpu.memory_space<vmem>> -> memref<128xi32, #tpu.memory_space<vmem>>
    %dma_start3A_1111 = arith.constant 0 : i32
    %dma_start3A_1112 = tpu.memref_slice %arg2[%dma_start3A_1111] : memref<10400000xf32, #tpu.memory_space<hbm>> -> memref<10400000xf32, #tpu.memory_space<hbm>>
    tpu.enqueue_indirect_dma source(%dma_start3A_1112 : memref<10400000xf32, #tpu.memory_space<hbm>>) target(%dma_start3A_1107 : memref<128xf32, #tpu.memory_space<vmem>>) offsets(%dma_start3A_1110 : memref<128xi32, #tpu.memory_space<vmem>>) semaphore(%arg12 : memref<!tpu.dma_semaphore, #tpu.memory_space<semaphore_mem>>)
    %dma_start3A_1113 = arith.constant 74 : i32
    %dma_start3A_1114 = arith.constant 9472 : i32
    %dma_start3A_1115 = tpu.memref_slice %arg9[%dma_start3A_1114] : memref<13312xf32, #tpu.memory_space<vmem>> -> memref<128xf32, #tpu.memory_space<vmem>>
    %dma_start3A_1116 = arith.constant 0 : i32
    %dma_start3A_1117 = tpu.memref_slice %arg8[%dma_start3A_1113, %dma_start3A_1116] : memref<104x128xi32, #tpu.memory_space<vmem>> -> memref<1x128xi32, #tpu.memory_space<vmem>>
    %dma_start3A_1118 = tpu.memref_squeeze %dma_start3A_1117 : memref<1x128xi32, #tpu.memory_space<vmem>> -> memref<128xi32, #tpu.memory_space<vmem>>
    %dma_start3A_1119 = arith.constant 0 : i32
    %dma_start3A_1120 = tpu.memref_slice %arg2[%dma_start3A_1119] : memref<10400000xf32, #tpu.memory_space<hbm>> -> memref<10400000xf32, #tpu.memory_space<hbm>>
    tpu.enqueue_indirect_dma source(%dma_start3A_1120 : memref<10400000xf32, #tpu.memory_space<hbm>>) target(%dma_start3A_1115 : memref<128xf32, #tpu.memory_space<vmem>>) offsets(%dma_start3A_1118 : memref<128xi32, #tpu.memory_space<vmem>>) semaphore(%arg12 : memref<!tpu.dma_semaphore, #tpu.memory_space<semaphore_mem>>)
    %dma_start3A_1121 = arith.constant 75 : i32
    %dma_start3A_1122 = arith.constant 9600 : i32
    %dma_start3A_1123 = tpu.memref_slice %arg9[%dma_start3A_1122] : memref<13312xf32, #tpu.memory_space<vmem>> -> memref<128xf32, #tpu.memory_space<vmem>>
    %dma_start3A_1124 = arith.constant 0 : i32
    %dma_start3A_1125 = tpu.memref_slice %arg8[%dma_start3A_1121, %dma_start3A_1124] : memref<104x128xi32, #tpu.memory_space<vmem>> -> memref<1x128xi32, #tpu.memory_space<vmem>>
    %dma_start3A_1126 = tpu.memref_squeeze %dma_start3A_1125 : memref<1x128xi32, #tpu.memory_space<vmem>> -> memref<128xi32, #tpu.memory_space<vmem>>
    %dma_start3A_1127 = arith.constant 0 : i32
    %dma_start3A_1128 = tpu.memref_slice %arg2[%dma_start3A_1127] : memref<10400000xf32, #tpu.memory_space<hbm>> -> memref<10400000xf32, #tpu.memory_space<hbm>>
    tpu.enqueue_indirect_dma source(%dma_start3A_1128 : memref<10400000xf32, #tpu.memory_space<hbm>>) target(%dma_start3A_1123 : memref<128xf32, #tpu.memory_space<vmem>>) offsets(%dma_start3A_1126 : memref<128xi32, #tpu.memory_space<vmem>>) semaphore(%arg12 : memref<!tpu.dma_semaphore, #tpu.memory_space<semaphore_mem>>)
    %dma_start3A_1129 = arith.constant 76 : i32
    %dma_start3A_1130 = arith.constant 9728 : i32
    %dma_start3A_1131 = tpu.memref_slice %arg9[%dma_start3A_1130] : memref<13312xf32, #tpu.memory_space<vmem>> -> memref<128xf32, #tpu.memory_space<vmem>>
    %dma_start3A_1132 = arith.constant 0 : i32
    %dma_start3A_1133 = tpu.memref_slice %arg8[%dma_start3A_1129, %dma_start3A_1132] : memref<104x128xi32, #tpu.memory_space<vmem>> -> memref<1x128xi32, #tpu.memory_space<vmem>>
    %dma_start3A_1134 = tpu.memref_squeeze %dma_start3A_1133 : memref<1x128xi32, #tpu.memory_space<vmem>> -> memref<128xi32, #tpu.memory_space<vmem>>
    %dma_start3A_1135 = arith.constant 0 : i32
    %dma_start3A_1136 = tpu.memref_slice %arg2[%dma_start3A_1135] : memref<10400000xf32, #tpu.memory_space<hbm>> -> memref<10400000xf32, #tpu.memory_space<hbm>>
    tpu.enqueue_indirect_dma source(%dma_start3A_1136 : memref<10400000xf32, #tpu.memory_space<hbm>>) target(%dma_start3A_1131 : memref<128xf32, #tpu.memory_space<vmem>>) offsets(%dma_start3A_1134 : memref<128xi32, #tpu.memory_space<vmem>>) semaphore(%arg12 : memref<!tpu.dma_semaphore, #tpu.memory_space<semaphore_mem>>)
    %dma_start3A_1137 = arith.constant 77 : i32
    %dma_start3A_1138 = arith.constant 9856 : i32
    %dma_start3A_1139 = tpu.memref_slice %arg9[%dma_start3A_1138] : memref<13312xf32, #tpu.memory_space<vmem>> -> memref<128xf32, #tpu.memory_space<vmem>>
    %dma_start3A_1140 = arith.constant 0 : i32
    %dma_start3A_1141 = tpu.memref_slice %arg8[%dma_start3A_1137, %dma_start3A_1140] : memref<104x128xi32, #tpu.memory_space<vmem>> -> memref<1x128xi32, #tpu.memory_space<vmem>>
    %dma_start3A_1142 = tpu.memref_squeeze %dma_start3A_1141 : memref<1x128xi32, #tpu.memory_space<vmem>> -> memref<128xi32, #tpu.memory_space<vmem>>
    %dma_start3A_1143 = arith.constant 0 : i32
    %dma_start3A_1144 = tpu.memref_slice %arg2[%dma_start3A_1143] : memref<10400000xf32, #tpu.memory_space<hbm>> -> memref<10400000xf32, #tpu.memory_space<hbm>>
    tpu.enqueue_indirect_dma source(%dma_start3A_1144 : memref<10400000xf32, #tpu.memory_space<hbm>>) target(%dma_start3A_1139 : memref<128xf32, #tpu.memory_space<vmem>>) offsets(%dma_start3A_1142 : memref<128xi32, #tpu.memory_space<vmem>>) semaphore(%arg12 : memref<!tpu.dma_semaphore, #tpu.memory_space<semaphore_mem>>)
    %dma_wait3A_1145 = arith.constant 65 : i32
    %dma_wait3A_1146 = arith.constant 8320 : i32
    %dma_wait3A_1147 = tpu.memref_slice %arg9[%dma_wait3A_1146] : memref<13312xf32, #tpu.memory_space<vmem>> -> memref<128xf32, #tpu.memory_space<vmem>>
    %dma_wait3A_1148 = arith.constant 0 : i32
    %dma_wait3A_1149 = tpu.memref_slice %arg8[%dma_wait3A_1145, %dma_wait3A_1148] : memref<104x128xi32, #tpu.memory_space<vmem>> -> memref<1x128xi32, #tpu.memory_space<vmem>>
    %dma_wait3A_1150 = tpu.memref_squeeze %dma_wait3A_1149 : memref<1x128xi32, #tpu.memory_space<vmem>> -> memref<128xi32, #tpu.memory_space<vmem>>
    %dma_wait3A_1151 = arith.constant 0 : i32
    %dma_wait3A_1152 = tpu.memref_slice %arg2[%dma_wait3A_1151] : memref<10400000xf32, #tpu.memory_space<hbm>> -> memref<10400000xf32, #tpu.memory_space<hbm>>
    tpu.wait_indirect_dma semaphore(%arg12 : memref<!tpu.dma_semaphore, #tpu.memory_space<semaphore_mem>>) src(%dma_wait3A_1152 : memref<10400000xf32, #tpu.memory_space<hbm>>) dst(%dma_wait3A_1147 : memref<128xf32, #tpu.memory_space<vmem>>)
    %dma_wait3A_1153 = arith.constant 66 : i32
    %dma_wait3A_1154 = arith.constant 8448 : i32
    %dma_wait3A_1155 = tpu.memref_slice %arg9[%dma_wait3A_1154] : memref<13312xf32, #tpu.memory_space<vmem>> -> memref<128xf32, #tpu.memory_space<vmem>>
    %dma_wait3A_1156 = arith.constant 0 : i32
    %dma_wait3A_1157 = tpu.memref_slice %arg8[%dma_wait3A_1153, %dma_wait3A_1156] : memref<104x128xi32, #tpu.memory_space<vmem>> -> memref<1x128xi32, #tpu.memory_space<vmem>>
    %dma_wait3A_1158 = tpu.memref_squeeze %dma_wait3A_1157 : memref<1x128xi32, #tpu.memory_space<vmem>> -> memref<128xi32, #tpu.memory_space<vmem>>
    %dma_wait3A_1159 = arith.constant 0 : i32
    %dma_wait3A_1160 = tpu.memref_slice %arg2[%dma_wait3A_1159] : memref<10400000xf32, #tpu.memory_space<hbm>> -> memref<10400000xf32, #tpu.memory_space<hbm>>
    tpu.wait_indirect_dma semaphore(%arg12 : memref<!tpu.dma_semaphore, #tpu.memory_space<semaphore_mem>>) src(%dma_wait3A_1160 : memref<10400000xf32, #tpu.memory_space<hbm>>) dst(%dma_wait3A_1155 : memref<128xf32, #tpu.memory_space<vmem>>)
    %dma_wait3A_1161 = arith.constant 67 : i32
    %dma_wait3A_1162 = arith.constant 8576 : i32
    %dma_wait3A_1163 = tpu.memref_slice %arg9[%dma_wait3A_1162] : memref<13312xf32, #tpu.memory_space<vmem>> -> memref<128xf32, #tpu.memory_space<vmem>>
    %dma_wait3A_1164 = arith.constant 0 : i32
    %dma_wait3A_1165 = tpu.memref_slice %arg8[%dma_wait3A_1161, %dma_wait3A_1164] : memref<104x128xi32, #tpu.memory_space<vmem>> -> memref<1x128xi32, #tpu.memory_space<vmem>>
    %dma_wait3A_1166 = tpu.memref_squeeze %dma_wait3A_1165 : memref<1x128xi32, #tpu.memory_space<vmem>> -> memref<128xi32, #tpu.memory_space<vmem>>
    %dma_wait3A_1167 = arith.constant 0 : i32
    %dma_wait3A_1168 = tpu.memref_slice %arg2[%dma_wait3A_1167] : memref<10400000xf32, #tpu.memory_space<hbm>> -> memref<10400000xf32, #tpu.memory_space<hbm>>
    tpu.wait_indirect_dma semaphore(%arg12 : memref<!tpu.dma_semaphore, #tpu.memory_space<semaphore_mem>>) src(%dma_wait3A_1168 : memref<10400000xf32, #tpu.memory_space<hbm>>) dst(%dma_wait3A_1163 : memref<128xf32, #tpu.memory_space<vmem>>)
    %dma_wait3A_1169 = arith.constant 68 : i32
    %dma_wait3A_1170 = arith.constant 8704 : i32
    %dma_wait3A_1171 = tpu.memref_slice %arg9[%dma_wait3A_1170] : memref<13312xf32, #tpu.memory_space<vmem>> -> memref<128xf32, #tpu.memory_space<vmem>>
    %dma_wait3A_1172 = arith.constant 0 : i32
    %dma_wait3A_1173 = tpu.memref_slice %arg8[%dma_wait3A_1169, %dma_wait3A_1172] : memref<104x128xi32, #tpu.memory_space<vmem>> -> memref<1x128xi32, #tpu.memory_space<vmem>>
    %dma_wait3A_1174 = tpu.memref_squeeze %dma_wait3A_1173 : memref<1x128xi32, #tpu.memory_space<vmem>> -> memref<128xi32, #tpu.memory_space<vmem>>
    %dma_wait3A_1175 = arith.constant 0 : i32
    %dma_wait3A_1176 = tpu.memref_slice %arg2[%dma_wait3A_1175] : memref<10400000xf32, #tpu.memory_space<hbm>> -> memref<10400000xf32, #tpu.memory_space<hbm>>
    tpu.wait_indirect_dma semaphore(%arg12 : memref<!tpu.dma_semaphore, #tpu.memory_space<semaphore_mem>>) src(%dma_wait3A_1176 : memref<10400000xf32, #tpu.memory_space<hbm>>) dst(%dma_wait3A_1171 : memref<128xf32, #tpu.memory_space<vmem>>)
    %dma_wait3A_1177 = arith.constant 69 : i32
    %dma_wait3A_1178 = arith.constant 8832 : i32
    %dma_wait3A_1179 = tpu.memref_slice %arg9[%dma_wait3A_1178] : memref<13312xf32, #tpu.memory_space<vmem>> -> memref<128xf32, #tpu.memory_space<vmem>>
    %dma_wait3A_1180 = arith.constant 0 : i32
    %dma_wait3A_1181 = tpu.memref_slice %arg8[%dma_wait3A_1177, %dma_wait3A_1180] : memref<104x128xi32, #tpu.memory_space<vmem>> -> memref<1x128xi32, #tpu.memory_space<vmem>>
    %dma_wait3A_1182 = tpu.memref_squeeze %dma_wait3A_1181 : memref<1x128xi32, #tpu.memory_space<vmem>> -> memref<128xi32, #tpu.memory_space<vmem>>
    %dma_wait3A_1183 = arith.constant 0 : i32
    %dma_wait3A_1184 = tpu.memref_slice %arg2[%dma_wait3A_1183] : memref<10400000xf32, #tpu.memory_space<hbm>> -> memref<10400000xf32, #tpu.memory_space<hbm>>
    tpu.wait_indirect_dma semaphore(%arg12 : memref<!tpu.dma_semaphore, #tpu.memory_space<semaphore_mem>>) src(%dma_wait3A_1184 : memref<10400000xf32, #tpu.memory_space<hbm>>) dst(%dma_wait3A_1179 : memref<128xf32, #tpu.memory_space<vmem>>)
    %dma_wait3A_1185 = arith.constant 70 : i32
    %dma_wait3A_1186 = arith.constant 8960 : i32
    %dma_wait3A_1187 = tpu.memref_slice %arg9[%dma_wait3A_1186] : memref<13312xf32, #tpu.memory_space<vmem>> -> memref<128xf32, #tpu.memory_space<vmem>>
    %dma_wait3A_1188 = arith.constant 0 : i32
    %dma_wait3A_1189 = tpu.memref_slice %arg8[%dma_wait3A_1185, %dma_wait3A_1188] : memref<104x128xi32, #tpu.memory_space<vmem>> -> memref<1x128xi32, #tpu.memory_space<vmem>>
    %dma_wait3A_1190 = tpu.memref_squeeze %dma_wait3A_1189 : memref<1x128xi32, #tpu.memory_space<vmem>> -> memref<128xi32, #tpu.memory_space<vmem>>
    %dma_wait3A_1191 = arith.constant 0 : i32
    %dma_wait3A_1192 = tpu.memref_slice %arg2[%dma_wait3A_1191] : memref<10400000xf32, #tpu.memory_space<hbm>> -> memref<10400000xf32, #tpu.memory_space<hbm>>
    tpu.wait_indirect_dma semaphore(%arg12 : memref<!tpu.dma_semaphore, #tpu.memory_space<semaphore_mem>>) src(%dma_wait3A_1192 : memref<10400000xf32, #tpu.memory_space<hbm>>) dst(%dma_wait3A_1187 : memref<128xf32, #tpu.memory_space<vmem>>)
    %dma_wait3A_1193 = arith.constant 71 : i32
    %dma_wait3A_1194 = arith.constant 9088 : i32
    %dma_wait3A_1195 = tpu.memref_slice %arg9[%dma_wait3A_1194] : memref<13312xf32, #tpu.memory_space<vmem>> -> memref<128xf32, #tpu.memory_space<vmem>>
    %dma_wait3A_1196 = arith.constant 0 : i32
    %dma_wait3A_1197 = tpu.memref_slice %arg8[%dma_wait3A_1193, %dma_wait3A_1196] : memref<104x128xi32, #tpu.memory_space<vmem>> -> memref<1x128xi32, #tpu.memory_space<vmem>>
    %dma_wait3A_1198 = tpu.memref_squeeze %dma_wait3A_1197 : memref<1x128xi32, #tpu.memory_space<vmem>> -> memref<128xi32, #tpu.memory_space<vmem>>
    %dma_wait3A_1199 = arith.constant 0 : i32
    %dma_wait3A_1200 = tpu.memref_slice %arg2[%dma_wait3A_1199] : memref<10400000xf32, #tpu.memory_space<hbm>> -> memref<10400000xf32, #tpu.memory_space<hbm>>
    tpu.wait_indirect_dma semaphore(%arg12 : memref<!tpu.dma_semaphore, #tpu.memory_space<semaphore_mem>>) src(%dma_wait3A_1200 : memref<10400000xf32, #tpu.memory_space<hbm>>) dst(%dma_wait3A_1195 : memref<128xf32, #tpu.memory_space<vmem>>)
    %dma_wait3A_1201 = arith.constant 72 : i32
    %dma_wait3A_1202 = arith.constant 9216 : i32
    %dma_wait3A_1203 = tpu.memref_slice %arg9[%dma_wait3A_1202] : memref<13312xf32, #tpu.memory_space<vmem>> -> memref<128xf32, #tpu.memory_space<vmem>>
    %dma_wait3A_1204 = arith.constant 0 : i32
    %dma_wait3A_1205 = tpu.memref_slice %arg8[%dma_wait3A_1201, %dma_wait3A_1204] : memref<104x128xi32, #tpu.memory_space<vmem>> -> memref<1x128xi32, #tpu.memory_space<vmem>>
    %dma_wait3A_1206 = tpu.memref_squeeze %dma_wait3A_1205 : memref<1x128xi32, #tpu.memory_space<vmem>> -> memref<128xi32, #tpu.memory_space<vmem>>
    %dma_wait3A_1207 = arith.constant 0 : i32
    %dma_wait3A_1208 = tpu.memref_slice %arg2[%dma_wait3A_1207] : memref<10400000xf32, #tpu.memory_space<hbm>> -> memref<10400000xf32, #tpu.memory_space<hbm>>
    tpu.wait_indirect_dma semaphore(%arg12 : memref<!tpu.dma_semaphore, #tpu.memory_space<semaphore_mem>>) src(%dma_wait3A_1208 : memref<10400000xf32, #tpu.memory_space<hbm>>) dst(%dma_wait3A_1203 : memref<128xf32, #tpu.memory_space<vmem>>)
    %dma_wait3A_1209 = arith.constant 73 : i32
    %dma_wait3A_1210 = arith.constant 9344 : i32
    %dma_wait3A_1211 = tpu.memref_slice %arg9[%dma_wait3A_1210] : memref<13312xf32, #tpu.memory_space<vmem>> -> memref<128xf32, #tpu.memory_space<vmem>>
    %dma_wait3A_1212 = arith.constant 0 : i32
    %dma_wait3A_1213 = tpu.memref_slice %arg8[%dma_wait3A_1209, %dma_wait3A_1212] : memref<104x128xi32, #tpu.memory_space<vmem>> -> memref<1x128xi32, #tpu.memory_space<vmem>>
    %dma_wait3A_1214 = tpu.memref_squeeze %dma_wait3A_1213 : memref<1x128xi32, #tpu.memory_space<vmem>> -> memref<128xi32, #tpu.memory_space<vmem>>
    %dma_wait3A_1215 = arith.constant 0 : i32
    %dma_wait3A_1216 = tpu.memref_slice %arg2[%dma_wait3A_1215] : memref<10400000xf32, #tpu.memory_space<hbm>> -> memref<10400000xf32, #tpu.memory_space<hbm>>
    tpu.wait_indirect_dma semaphore(%arg12 : memref<!tpu.dma_semaphore, #tpu.memory_space<semaphore_mem>>) src(%dma_wait3A_1216 : memref<10400000xf32, #tpu.memory_space<hbm>>) dst(%dma_wait3A_1211 : memref<128xf32, #tpu.memory_space<vmem>>)
    %dma_wait3A_1217 = arith.constant 74 : i32
    %dma_wait3A_1218 = arith.constant 9472 : i32
    %dma_wait3A_1219 = tpu.memref_slice %arg9[%dma_wait3A_1218] : memref<13312xf32, #tpu.memory_space<vmem>> -> memref<128xf32, #tpu.memory_space<vmem>>
    %dma_wait3A_1220 = arith.constant 0 : i32
    %dma_wait3A_1221 = tpu.memref_slice %arg8[%dma_wait3A_1217, %dma_wait3A_1220] : memref<104x128xi32, #tpu.memory_space<vmem>> -> memref<1x128xi32, #tpu.memory_space<vmem>>
    %dma_wait3A_1222 = tpu.memref_squeeze %dma_wait3A_1221 : memref<1x128xi32, #tpu.memory_space<vmem>> -> memref<128xi32, #tpu.memory_space<vmem>>
    %dma_wait3A_1223 = arith.constant 0 : i32
    %dma_wait3A_1224 = tpu.memref_slice %arg2[%dma_wait3A_1223] : memref<10400000xf32, #tpu.memory_space<hbm>> -> memref<10400000xf32, #tpu.memory_space<hbm>>
    tpu.wait_indirect_dma semaphore(%arg12 : memref<!tpu.dma_semaphore, #tpu.memory_space<semaphore_mem>>) src(%dma_wait3A_1224 : memref<10400000xf32, #tpu.memory_space<hbm>>) dst(%dma_wait3A_1219 : memref<128xf32, #tpu.memory_space<vmem>>)
    %dma_wait3A_1225 = arith.constant 75 : i32
    %dma_wait3A_1226 = arith.constant 9600 : i32
    %dma_wait3A_1227 = tpu.memref_slice %arg9[%dma_wait3A_1226] : memref<13312xf32, #tpu.memory_space<vmem>> -> memref<128xf32, #tpu.memory_space<vmem>>
    %dma_wait3A_1228 = arith.constant 0 : i32
    %dma_wait3A_1229 = tpu.memref_slice %arg8[%dma_wait3A_1225, %dma_wait3A_1228] : memref<104x128xi32, #tpu.memory_space<vmem>> -> memref<1x128xi32, #tpu.memory_space<vmem>>
    %dma_wait3A_1230 = tpu.memref_squeeze %dma_wait3A_1229 : memref<1x128xi32, #tpu.memory_space<vmem>> -> memref<128xi32, #tpu.memory_space<vmem>>
    %dma_wait3A_1231 = arith.constant 0 : i32
    %dma_wait3A_1232 = tpu.memref_slice %arg2[%dma_wait3A_1231] : memref<10400000xf32, #tpu.memory_space<hbm>> -> memref<10400000xf32, #tpu.memory_space<hbm>>
    tpu.wait_indirect_dma semaphore(%arg12 : memref<!tpu.dma_semaphore, #tpu.memory_space<semaphore_mem>>) src(%dma_wait3A_1232 : memref<10400000xf32, #tpu.memory_space<hbm>>) dst(%dma_wait3A_1227 : memref<128xf32, #tpu.memory_space<vmem>>)
    %dma_wait3A_1233 = arith.constant 76 : i32
    %dma_wait3A_1234 = arith.constant 9728 : i32
    %dma_wait3A_1235 = tpu.memref_slice %arg9[%dma_wait3A_1234] : memref<13312xf32, #tpu.memory_space<vmem>> -> memref<128xf32, #tpu.memory_space<vmem>>
    %dma_wait3A_1236 = arith.constant 0 : i32
    %dma_wait3A_1237 = tpu.memref_slice %arg8[%dma_wait3A_1233, %dma_wait3A_1236] : memref<104x128xi32, #tpu.memory_space<vmem>> -> memref<1x128xi32, #tpu.memory_space<vmem>>
    %dma_wait3A_1238 = tpu.memref_squeeze %dma_wait3A_1237 : memref<1x128xi32, #tpu.memory_space<vmem>> -> memref<128xi32, #tpu.memory_space<vmem>>
    %dma_wait3A_1239 = arith.constant 0 : i32
    %dma_wait3A_1240 = tpu.memref_slice %arg2[%dma_wait3A_1239] : memref<10400000xf32, #tpu.memory_space<hbm>> -> memref<10400000xf32, #tpu.memory_space<hbm>>
    tpu.wait_indirect_dma semaphore(%arg12 : memref<!tpu.dma_semaphore, #tpu.memory_space<semaphore_mem>>) src(%dma_wait3A_1240 : memref<10400000xf32, #tpu.memory_space<hbm>>) dst(%dma_wait3A_1235 : memref<128xf32, #tpu.memory_space<vmem>>)
    %dma_wait3A_1241 = arith.constant 77 : i32
    %dma_wait3A_1242 = arith.constant 9856 : i32
    %dma_wait3A_1243 = tpu.memref_slice %arg9[%dma_wait3A_1242] : memref<13312xf32, #tpu.memory_space<vmem>> -> memref<128xf32, #tpu.memory_space<vmem>>
    %dma_wait3A_1244 = arith.constant 0 : i32
    %dma_wait3A_1245 = tpu.memref_slice %arg8[%dma_wait3A_1241, %dma_wait3A_1244] : memref<104x128xi32, #tpu.memory_space<vmem>> -> memref<1x128xi32, #tpu.memory_space<vmem>>
    %dma_wait3A_1246 = tpu.memref_squeeze %dma_wait3A_1245 : memref<1x128xi32, #tpu.memory_space<vmem>> -> memref<128xi32, #tpu.memory_space<vmem>>
    %dma_wait3A_1247 = arith.constant 0 : i32
    %dma_wait3A_1248 = tpu.memref_slice %arg2[%dma_wait3A_1247] : memref<10400000xf32, #tpu.memory_space<hbm>> -> memref<10400000xf32, #tpu.memory_space<hbm>>
    tpu.wait_indirect_dma semaphore(%arg12 : memref<!tpu.dma_semaphore, #tpu.memory_space<semaphore_mem>>) src(%dma_wait3A_1248 : memref<10400000xf32, #tpu.memory_space<hbm>>) dst(%dma_wait3A_1243 : memref<128xf32, #tpu.memory_space<vmem>>)
    %dma_start3A_1249 = arith.constant 78 : i32
    %dma_start3A_1250 = arith.constant 9984 : i32
    %dma_start3A_1251 = tpu.memref_slice %arg9[%dma_start3A_1250] : memref<13312xf32, #tpu.memory_space<vmem>> -> memref<128xf32, #tpu.memory_space<vmem>>
    %dma_start3A_1252 = arith.constant 0 : i32
    %dma_start3A_1253 = tpu.memref_slice %arg8[%dma_start3A_1249, %dma_start3A_1252] : memref<104x128xi32, #tpu.memory_space<vmem>> -> memref<1x128xi32, #tpu.memory_space<vmem>>
    %dma_start3A_1254 = tpu.memref_squeeze %dma_start3A_1253 : memref<1x128xi32, #tpu.memory_space<vmem>> -> memref<128xi32, #tpu.memory_space<vmem>>
    %dma_start3A_1255 = arith.constant 0 : i32
    %dma_start3A_1256 = tpu.memref_slice %arg2[%dma_start3A_1255] : memref<10400000xf32, #tpu.memory_space<hbm>> -> memref<10400000xf32, #tpu.memory_space<hbm>>
    tpu.enqueue_indirect_dma source(%dma_start3A_1256 : memref<10400000xf32, #tpu.memory_space<hbm>>) target(%dma_start3A_1251 : memref<128xf32, #tpu.memory_space<vmem>>) offsets(%dma_start3A_1254 : memref<128xi32, #tpu.memory_space<vmem>>) semaphore(%arg12 : memref<!tpu.dma_semaphore, #tpu.memory_space<semaphore_mem>>)
    %dma_start3A_1257 = arith.constant 79 : i32
    %dma_start3A_1258 = arith.constant 10112 : i32
    %dma_start3A_1259 = tpu.memref_slice %arg9[%dma_start3A_1258] : memref<13312xf32, #tpu.memory_space<vmem>> -> memref<128xf32, #tpu.memory_space<vmem>>
    %dma_start3A_1260 = arith.constant 0 : i32
    %dma_start3A_1261 = tpu.memref_slice %arg8[%dma_start3A_1257, %dma_start3A_1260] : memref<104x128xi32, #tpu.memory_space<vmem>> -> memref<1x128xi32, #tpu.memory_space<vmem>>
    %dma_start3A_1262 = tpu.memref_squeeze %dma_start3A_1261 : memref<1x128xi32, #tpu.memory_space<vmem>> -> memref<128xi32, #tpu.memory_space<vmem>>
    %dma_start3A_1263 = arith.constant 0 : i32
    %dma_start3A_1264 = tpu.memref_slice %arg2[%dma_start3A_1263] : memref<10400000xf32, #tpu.memory_space<hbm>> -> memref<10400000xf32, #tpu.memory_space<hbm>>
    tpu.enqueue_indirect_dma source(%dma_start3A_1264 : memref<10400000xf32, #tpu.memory_space<hbm>>) target(%dma_start3A_1259 : memref<128xf32, #tpu.memory_space<vmem>>) offsets(%dma_start3A_1262 : memref<128xi32, #tpu.memory_space<vmem>>) semaphore(%arg12 : memref<!tpu.dma_semaphore, #tpu.memory_space<semaphore_mem>>)
    %dma_start3A_1265 = arith.constant 80 : i32
    %dma_start3A_1266 = arith.constant 10240 : i32
    %dma_start3A_1267 = tpu.memref_slice %arg9[%dma_start3A_1266] : memref<13312xf32, #tpu.memory_space<vmem>> -> memref<128xf32, #tpu.memory_space<vmem>>
    %dma_start3A_1268 = arith.constant 0 : i32
    %dma_start3A_1269 = tpu.memref_slice %arg8[%dma_start3A_1265, %dma_start3A_1268] : memref<104x128xi32, #tpu.memory_space<vmem>> -> memref<1x128xi32, #tpu.memory_space<vmem>>
    %dma_start3A_1270 = tpu.memref_squeeze %dma_start3A_1269 : memref<1x128xi32, #tpu.memory_space<vmem>> -> memref<128xi32, #tpu.memory_space<vmem>>
    %dma_start3A_1271 = arith.constant 0 : i32
    %dma_start3A_1272 = tpu.memref_slice %arg2[%dma_start3A_1271] : memref<10400000xf32, #tpu.memory_space<hbm>> -> memref<10400000xf32, #tpu.memory_space<hbm>>
    tpu.enqueue_indirect_dma source(%dma_start3A_1272 : memref<10400000xf32, #tpu.memory_space<hbm>>) target(%dma_start3A_1267 : memref<128xf32, #tpu.memory_space<vmem>>) offsets(%dma_start3A_1270 : memref<128xi32, #tpu.memory_space<vmem>>) semaphore(%arg12 : memref<!tpu.dma_semaphore, #tpu.memory_space<semaphore_mem>>)
    %dma_start3A_1273 = arith.constant 81 : i32
    %dma_start3A_1274 = arith.constant 10368 : i32
    %dma_start3A_1275 = tpu.memref_slice %arg9[%dma_start3A_1274] : memref<13312xf32, #tpu.memory_space<vmem>> -> memref<128xf32, #tpu.memory_space<vmem>>
    %dma_start3A_1276 = arith.constant 0 : i32
    %dma_start3A_1277 = tpu.memref_slice %arg8[%dma_start3A_1273, %dma_start3A_1276] : memref<104x128xi32, #tpu.memory_space<vmem>> -> memref<1x128xi32, #tpu.memory_space<vmem>>
    %dma_start3A_1278 = tpu.memref_squeeze %dma_start3A_1277 : memref<1x128xi32, #tpu.memory_space<vmem>> -> memref<128xi32, #tpu.memory_space<vmem>>
    %dma_start3A_1279 = arith.constant 0 : i32
    %dma_start3A_1280 = tpu.memref_slice %arg2[%dma_start3A_1279] : memref<10400000xf32, #tpu.memory_space<hbm>> -> memref<10400000xf32, #tpu.memory_space<hbm>>
    tpu.enqueue_indirect_dma source(%dma_start3A_1280 : memref<10400000xf32, #tpu.memory_space<hbm>>) target(%dma_start3A_1275 : memref<128xf32, #tpu.memory_space<vmem>>) offsets(%dma_start3A_1278 : memref<128xi32, #tpu.memory_space<vmem>>) semaphore(%arg12 : memref<!tpu.dma_semaphore, #tpu.memory_space<semaphore_mem>>)
    %dma_start3A_1281 = arith.constant 82 : i32
    %dma_start3A_1282 = arith.constant 10496 : i32
    %dma_start3A_1283 = tpu.memref_slice %arg9[%dma_start3A_1282] : memref<13312xf32, #tpu.memory_space<vmem>> -> memref<128xf32, #tpu.memory_space<vmem>>
    %dma_start3A_1284 = arith.constant 0 : i32
    %dma_start3A_1285 = tpu.memref_slice %arg8[%dma_start3A_1281, %dma_start3A_1284] : memref<104x128xi32, #tpu.memory_space<vmem>> -> memref<1x128xi32, #tpu.memory_space<vmem>>
    %dma_start3A_1286 = tpu.memref_squeeze %dma_start3A_1285 : memref<1x128xi32, #tpu.memory_space<vmem>> -> memref<128xi32, #tpu.memory_space<vmem>>
    %dma_start3A_1287 = arith.constant 0 : i32
    %dma_start3A_1288 = tpu.memref_slice %arg2[%dma_start3A_1287] : memref<10400000xf32, #tpu.memory_space<hbm>> -> memref<10400000xf32, #tpu.memory_space<hbm>>
    tpu.enqueue_indirect_dma source(%dma_start3A_1288 : memref<10400000xf32, #tpu.memory_space<hbm>>) target(%dma_start3A_1283 : memref<128xf32, #tpu.memory_space<vmem>>) offsets(%dma_start3A_1286 : memref<128xi32, #tpu.memory_space<vmem>>) semaphore(%arg12 : memref<!tpu.dma_semaphore, #tpu.memory_space<semaphore_mem>>)
    %dma_start3A_1289 = arith.constant 83 : i32
    %dma_start3A_1290 = arith.constant 10624 : i32
    %dma_start3A_1291 = tpu.memref_slice %arg9[%dma_start3A_1290] : memref<13312xf32, #tpu.memory_space<vmem>> -> memref<128xf32, #tpu.memory_space<vmem>>
    %dma_start3A_1292 = arith.constant 0 : i32
    %dma_start3A_1293 = tpu.memref_slice %arg8[%dma_start3A_1289, %dma_start3A_1292] : memref<104x128xi32, #tpu.memory_space<vmem>> -> memref<1x128xi32, #tpu.memory_space<vmem>>
    %dma_start3A_1294 = tpu.memref_squeeze %dma_start3A_1293 : memref<1x128xi32, #tpu.memory_space<vmem>> -> memref<128xi32, #tpu.memory_space<vmem>>
    %dma_start3A_1295 = arith.constant 0 : i32
    %dma_start3A_1296 = tpu.memref_slice %arg2[%dma_start3A_1295] : memref<10400000xf32, #tpu.memory_space<hbm>> -> memref<10400000xf32, #tpu.memory_space<hbm>>
    tpu.enqueue_indirect_dma source(%dma_start3A_1296 : memref<10400000xf32, #tpu.memory_space<hbm>>) target(%dma_start3A_1291 : memref<128xf32, #tpu.memory_space<vmem>>) offsets(%dma_start3A_1294 : memref<128xi32, #tpu.memory_space<vmem>>) semaphore(%arg12 : memref<!tpu.dma_semaphore, #tpu.memory_space<semaphore_mem>>)
    %dma_start3A_1297 = arith.constant 84 : i32
    %dma_start3A_1298 = arith.constant 10752 : i32
    %dma_start3A_1299 = tpu.memref_slice %arg9[%dma_start3A_1298] : memref<13312xf32, #tpu.memory_space<vmem>> -> memref<128xf32, #tpu.memory_space<vmem>>
    %dma_start3A_1300 = arith.constant 0 : i32
    %dma_start3A_1301 = tpu.memref_slice %arg8[%dma_start3A_1297, %dma_start3A_1300] : memref<104x128xi32, #tpu.memory_space<vmem>> -> memref<1x128xi32, #tpu.memory_space<vmem>>
    %dma_start3A_1302 = tpu.memref_squeeze %dma_start3A_1301 : memref<1x128xi32, #tpu.memory_space<vmem>> -> memref<128xi32, #tpu.memory_space<vmem>>
    %dma_start3A_1303 = arith.constant 0 : i32
    %dma_start3A_1304 = tpu.memref_slice %arg2[%dma_start3A_1303] : memref<10400000xf32, #tpu.memory_space<hbm>> -> memref<10400000xf32, #tpu.memory_space<hbm>>
    tpu.enqueue_indirect_dma source(%dma_start3A_1304 : memref<10400000xf32, #tpu.memory_space<hbm>>) target(%dma_start3A_1299 : memref<128xf32, #tpu.memory_space<vmem>>) offsets(%dma_start3A_1302 : memref<128xi32, #tpu.memory_space<vmem>>) semaphore(%arg12 : memref<!tpu.dma_semaphore, #tpu.memory_space<semaphore_mem>>)
    %dma_start3A_1305 = arith.constant 85 : i32
    %dma_start3A_1306 = arith.constant 10880 : i32
    %dma_start3A_1307 = tpu.memref_slice %arg9[%dma_start3A_1306] : memref<13312xf32, #tpu.memory_space<vmem>> -> memref<128xf32, #tpu.memory_space<vmem>>
    %dma_start3A_1308 = arith.constant 0 : i32
    %dma_start3A_1309 = tpu.memref_slice %arg8[%dma_start3A_1305, %dma_start3A_1308] : memref<104x128xi32, #tpu.memory_space<vmem>> -> memref<1x128xi32, #tpu.memory_space<vmem>>
    %dma_start3A_1310 = tpu.memref_squeeze %dma_start3A_1309 : memref<1x128xi32, #tpu.memory_space<vmem>> -> memref<128xi32, #tpu.memory_space<vmem>>
    %dma_start3A_1311 = arith.constant 0 : i32
    %dma_start3A_1312 = tpu.memref_slice %arg2[%dma_start3A_1311] : memref<10400000xf32, #tpu.memory_space<hbm>> -> memref<10400000xf32, #tpu.memory_space<hbm>>
    tpu.enqueue_indirect_dma source(%dma_start3A_1312 : memref<10400000xf32, #tpu.memory_space<hbm>>) target(%dma_start3A_1307 : memref<128xf32, #tpu.memory_space<vmem>>) offsets(%dma_start3A_1310 : memref<128xi32, #tpu.memory_space<vmem>>) semaphore(%arg12 : memref<!tpu.dma_semaphore, #tpu.memory_space<semaphore_mem>>)
    %dma_start3A_1313 = arith.constant 86 : i32
    %dma_start3A_1314 = arith.constant 11008 : i32
    %dma_start3A_1315 = tpu.memref_slice %arg9[%dma_start3A_1314] : memref<13312xf32, #tpu.memory_space<vmem>> -> memref<128xf32, #tpu.memory_space<vmem>>
    %dma_start3A_1316 = arith.constant 0 : i32
    %dma_start3A_1317 = tpu.memref_slice %arg8[%dma_start3A_1313, %dma_start3A_1316] : memref<104x128xi32, #tpu.memory_space<vmem>> -> memref<1x128xi32, #tpu.memory_space<vmem>>
    %dma_start3A_1318 = tpu.memref_squeeze %dma_start3A_1317 : memref<1x128xi32, #tpu.memory_space<vmem>> -> memref<128xi32, #tpu.memory_space<vmem>>
    %dma_start3A_1319 = arith.constant 0 : i32
    %dma_start3A_1320 = tpu.memref_slice %arg2[%dma_start3A_1319] : memref<10400000xf32, #tpu.memory_space<hbm>> -> memref<10400000xf32, #tpu.memory_space<hbm>>
    tpu.enqueue_indirect_dma source(%dma_start3A_1320 : memref<10400000xf32, #tpu.memory_space<hbm>>) target(%dma_start3A_1315 : memref<128xf32, #tpu.memory_space<vmem>>) offsets(%dma_start3A_1318 : memref<128xi32, #tpu.memory_space<vmem>>) semaphore(%arg12 : memref<!tpu.dma_semaphore, #tpu.memory_space<semaphore_mem>>)
    %dma_start3A_1321 = arith.constant 87 : i32
    %dma_start3A_1322 = arith.constant 11136 : i32
    %dma_start3A_1323 = tpu.memref_slice %arg9[%dma_start3A_1322] : memref<13312xf32, #tpu.memory_space<vmem>> -> memref<128xf32, #tpu.memory_space<vmem>>
    %dma_start3A_1324 = arith.constant 0 : i32
    %dma_start3A_1325 = tpu.memref_slice %arg8[%dma_start3A_1321, %dma_start3A_1324] : memref<104x128xi32, #tpu.memory_space<vmem>> -> memref<1x128xi32, #tpu.memory_space<vmem>>
    %dma_start3A_1326 = tpu.memref_squeeze %dma_start3A_1325 : memref<1x128xi32, #tpu.memory_space<vmem>> -> memref<128xi32, #tpu.memory_space<vmem>>
    %dma_start3A_1327 = arith.constant 0 : i32
    %dma_start3A_1328 = tpu.memref_slice %arg2[%dma_start3A_1327] : memref<10400000xf32, #tpu.memory_space<hbm>> -> memref<10400000xf32, #tpu.memory_space<hbm>>
    tpu.enqueue_indirect_dma source(%dma_start3A_1328 : memref<10400000xf32, #tpu.memory_space<hbm>>) target(%dma_start3A_1323 : memref<128xf32, #tpu.memory_space<vmem>>) offsets(%dma_start3A_1326 : memref<128xi32, #tpu.memory_space<vmem>>) semaphore(%arg12 : memref<!tpu.dma_semaphore, #tpu.memory_space<semaphore_mem>>)
    %dma_start3A_1329 = arith.constant 88 : i32
    %dma_start3A_1330 = arith.constant 11264 : i32
    %dma_start3A_1331 = tpu.memref_slice %arg9[%dma_start3A_1330] : memref<13312xf32, #tpu.memory_space<vmem>> -> memref<128xf32, #tpu.memory_space<vmem>>
    %dma_start3A_1332 = arith.constant 0 : i32
    %dma_start3A_1333 = tpu.memref_slice %arg8[%dma_start3A_1329, %dma_start3A_1332] : memref<104x128xi32, #tpu.memory_space<vmem>> -> memref<1x128xi32, #tpu.memory_space<vmem>>
    %dma_start3A_1334 = tpu.memref_squeeze %dma_start3A_1333 : memref<1x128xi32, #tpu.memory_space<vmem>> -> memref<128xi32, #tpu.memory_space<vmem>>
    %dma_start3A_1335 = arith.constant 0 : i32
    %dma_start3A_1336 = tpu.memref_slice %arg2[%dma_start3A_1335] : memref<10400000xf32, #tpu.memory_space<hbm>> -> memref<10400000xf32, #tpu.memory_space<hbm>>
    tpu.enqueue_indirect_dma source(%dma_start3A_1336 : memref<10400000xf32, #tpu.memory_space<hbm>>) target(%dma_start3A_1331 : memref<128xf32, #tpu.memory_space<vmem>>) offsets(%dma_start3A_1334 : memref<128xi32, #tpu.memory_space<vmem>>) semaphore(%arg12 : memref<!tpu.dma_semaphore, #tpu.memory_space<semaphore_mem>>)
    %dma_start3A_1337 = arith.constant 89 : i32
    %dma_start3A_1338 = arith.constant 11392 : i32
    %dma_start3A_1339 = tpu.memref_slice %arg9[%dma_start3A_1338] : memref<13312xf32, #tpu.memory_space<vmem>> -> memref<128xf32, #tpu.memory_space<vmem>>
    %dma_start3A_1340 = arith.constant 0 : i32
    %dma_start3A_1341 = tpu.memref_slice %arg8[%dma_start3A_1337, %dma_start3A_1340] : memref<104x128xi32, #tpu.memory_space<vmem>> -> memref<1x128xi32, #tpu.memory_space<vmem>>
    %dma_start3A_1342 = tpu.memref_squeeze %dma_start3A_1341 : memref<1x128xi32, #tpu.memory_space<vmem>> -> memref<128xi32, #tpu.memory_space<vmem>>
    %dma_start3A_1343 = arith.constant 0 : i32
    %dma_start3A_1344 = tpu.memref_slice %arg2[%dma_start3A_1343] : memref<10400000xf32, #tpu.memory_space<hbm>> -> memref<10400000xf32, #tpu.memory_space<hbm>>
    tpu.enqueue_indirect_dma source(%dma_start3A_1344 : memref<10400000xf32, #tpu.memory_space<hbm>>) target(%dma_start3A_1339 : memref<128xf32, #tpu.memory_space<vmem>>) offsets(%dma_start3A_1342 : memref<128xi32, #tpu.memory_space<vmem>>) semaphore(%arg12 : memref<!tpu.dma_semaphore, #tpu.memory_space<semaphore_mem>>)
    %dma_start3A_1345 = arith.constant 90 : i32
    %dma_start3A_1346 = arith.constant 11520 : i32
    %dma_start3A_1347 = tpu.memref_slice %arg9[%dma_start3A_1346] : memref<13312xf32, #tpu.memory_space<vmem>> -> memref<128xf32, #tpu.memory_space<vmem>>
    %dma_start3A_1348 = arith.constant 0 : i32
    %dma_start3A_1349 = tpu.memref_slice %arg8[%dma_start3A_1345, %dma_start3A_1348] : memref<104x128xi32, #tpu.memory_space<vmem>> -> memref<1x128xi32, #tpu.memory_space<vmem>>
    %dma_start3A_1350 = tpu.memref_squeeze %dma_start3A_1349 : memref<1x128xi32, #tpu.memory_space<vmem>> -> memref<128xi32, #tpu.memory_space<vmem>>
    %dma_start3A_1351 = arith.constant 0 : i32
    %dma_start3A_1352 = tpu.memref_slice %arg2[%dma_start3A_1351] : memref<10400000xf32, #tpu.memory_space<hbm>> -> memref<10400000xf32, #tpu.memory_space<hbm>>
    tpu.enqueue_indirect_dma source(%dma_start3A_1352 : memref<10400000xf32, #tpu.memory_space<hbm>>) target(%dma_start3A_1347 : memref<128xf32, #tpu.memory_space<vmem>>) offsets(%dma_start3A_1350 : memref<128xi32, #tpu.memory_space<vmem>>) semaphore(%arg12 : memref<!tpu.dma_semaphore, #tpu.memory_space<semaphore_mem>>)
    %dma_wait3A_1353 = arith.constant 78 : i32
    %dma_wait3A_1354 = arith.constant 9984 : i32
    %dma_wait3A_1355 = tpu.memref_slice %arg9[%dma_wait3A_1354] : memref<13312xf32, #tpu.memory_space<vmem>> -> memref<128xf32, #tpu.memory_space<vmem>>
    %dma_wait3A_1356 = arith.constant 0 : i32
    %dma_wait3A_1357 = tpu.memref_slice %arg8[%dma_wait3A_1353, %dma_wait3A_1356] : memref<104x128xi32, #tpu.memory_space<vmem>> -> memref<1x128xi32, #tpu.memory_space<vmem>>
    %dma_wait3A_1358 = tpu.memref_squeeze %dma_wait3A_1357 : memref<1x128xi32, #tpu.memory_space<vmem>> -> memref<128xi32, #tpu.memory_space<vmem>>
    %dma_wait3A_1359 = arith.constant 0 : i32
    %dma_wait3A_1360 = tpu.memref_slice %arg2[%dma_wait3A_1359] : memref<10400000xf32, #tpu.memory_space<hbm>> -> memref<10400000xf32, #tpu.memory_space<hbm>>
    tpu.wait_indirect_dma semaphore(%arg12 : memref<!tpu.dma_semaphore, #tpu.memory_space<semaphore_mem>>) src(%dma_wait3A_1360 : memref<10400000xf32, #tpu.memory_space<hbm>>) dst(%dma_wait3A_1355 : memref<128xf32, #tpu.memory_space<vmem>>)
    %dma_wait3A_1361 = arith.constant 79 : i32
    %dma_wait3A_1362 = arith.constant 10112 : i32
    %dma_wait3A_1363 = tpu.memref_slice %arg9[%dma_wait3A_1362] : memref<13312xf32, #tpu.memory_space<vmem>> -> memref<128xf32, #tpu.memory_space<vmem>>
    %dma_wait3A_1364 = arith.constant 0 : i32
    %dma_wait3A_1365 = tpu.memref_slice %arg8[%dma_wait3A_1361, %dma_wait3A_1364] : memref<104x128xi32, #tpu.memory_space<vmem>> -> memref<1x128xi32, #tpu.memory_space<vmem>>
    %dma_wait3A_1366 = tpu.memref_squeeze %dma_wait3A_1365 : memref<1x128xi32, #tpu.memory_space<vmem>> -> memref<128xi32, #tpu.memory_space<vmem>>
    %dma_wait3A_1367 = arith.constant 0 : i32
    %dma_wait3A_1368 = tpu.memref_slice %arg2[%dma_wait3A_1367] : memref<10400000xf32, #tpu.memory_space<hbm>> -> memref<10400000xf32, #tpu.memory_space<hbm>>
    tpu.wait_indirect_dma semaphore(%arg12 : memref<!tpu.dma_semaphore, #tpu.memory_space<semaphore_mem>>) src(%dma_wait3A_1368 : memref<10400000xf32, #tpu.memory_space<hbm>>) dst(%dma_wait3A_1363 : memref<128xf32, #tpu.memory_space<vmem>>)
    %dma_wait3A_1369 = arith.constant 80 : i32
    %dma_wait3A_1370 = arith.constant 10240 : i32
    %dma_wait3A_1371 = tpu.memref_slice %arg9[%dma_wait3A_1370] : memref<13312xf32, #tpu.memory_space<vmem>> -> memref<128xf32, #tpu.memory_space<vmem>>
    %dma_wait3A_1372 = arith.constant 0 : i32
    %dma_wait3A_1373 = tpu.memref_slice %arg8[%dma_wait3A_1369, %dma_wait3A_1372] : memref<104x128xi32, #tpu.memory_space<vmem>> -> memref<1x128xi32, #tpu.memory_space<vmem>>
    %dma_wait3A_1374 = tpu.memref_squeeze %dma_wait3A_1373 : memref<1x128xi32, #tpu.memory_space<vmem>> -> memref<128xi32, #tpu.memory_space<vmem>>
    %dma_wait3A_1375 = arith.constant 0 : i32
    %dma_wait3A_1376 = tpu.memref_slice %arg2[%dma_wait3A_1375] : memref<10400000xf32, #tpu.memory_space<hbm>> -> memref<10400000xf32, #tpu.memory_space<hbm>>
    tpu.wait_indirect_dma semaphore(%arg12 : memref<!tpu.dma_semaphore, #tpu.memory_space<semaphore_mem>>) src(%dma_wait3A_1376 : memref<10400000xf32, #tpu.memory_space<hbm>>) dst(%dma_wait3A_1371 : memref<128xf32, #tpu.memory_space<vmem>>)
    %dma_wait3A_1377 = arith.constant 81 : i32
    %dma_wait3A_1378 = arith.constant 10368 : i32
    %dma_wait3A_1379 = tpu.memref_slice %arg9[%dma_wait3A_1378] : memref<13312xf32, #tpu.memory_space<vmem>> -> memref<128xf32, #tpu.memory_space<vmem>>
    %dma_wait3A_1380 = arith.constant 0 : i32
    %dma_wait3A_1381 = tpu.memref_slice %arg8[%dma_wait3A_1377, %dma_wait3A_1380] : memref<104x128xi32, #tpu.memory_space<vmem>> -> memref<1x128xi32, #tpu.memory_space<vmem>>
    %dma_wait3A_1382 = tpu.memref_squeeze %dma_wait3A_1381 : memref<1x128xi32, #tpu.memory_space<vmem>> -> memref<128xi32, #tpu.memory_space<vmem>>
    %dma_wait3A_1383 = arith.constant 0 : i32
    %dma_wait3A_1384 = tpu.memref_slice %arg2[%dma_wait3A_1383] : memref<10400000xf32, #tpu.memory_space<hbm>> -> memref<10400000xf32, #tpu.memory_space<hbm>>
    tpu.wait_indirect_dma semaphore(%arg12 : memref<!tpu.dma_semaphore, #tpu.memory_space<semaphore_mem>>) src(%dma_wait3A_1384 : memref<10400000xf32, #tpu.memory_space<hbm>>) dst(%dma_wait3A_1379 : memref<128xf32, #tpu.memory_space<vmem>>)
    %dma_wait3A_1385 = arith.constant 82 : i32
    %dma_wait3A_1386 = arith.constant 10496 : i32
    %dma_wait3A_1387 = tpu.memref_slice %arg9[%dma_wait3A_1386] : memref<13312xf32, #tpu.memory_space<vmem>> -> memref<128xf32, #tpu.memory_space<vmem>>
    %dma_wait3A_1388 = arith.constant 0 : i32
    %dma_wait3A_1389 = tpu.memref_slice %arg8[%dma_wait3A_1385, %dma_wait3A_1388] : memref<104x128xi32, #tpu.memory_space<vmem>> -> memref<1x128xi32, #tpu.memory_space<vmem>>
    %dma_wait3A_1390 = tpu.memref_squeeze %dma_wait3A_1389 : memref<1x128xi32, #tpu.memory_space<vmem>> -> memref<128xi32, #tpu.memory_space<vmem>>
    %dma_wait3A_1391 = arith.constant 0 : i32
    %dma_wait3A_1392 = tpu.memref_slice %arg2[%dma_wait3A_1391] : memref<10400000xf32, #tpu.memory_space<hbm>> -> memref<10400000xf32, #tpu.memory_space<hbm>>
    tpu.wait_indirect_dma semaphore(%arg12 : memref<!tpu.dma_semaphore, #tpu.memory_space<semaphore_mem>>) src(%dma_wait3A_1392 : memref<10400000xf32, #tpu.memory_space<hbm>>) dst(%dma_wait3A_1387 : memref<128xf32, #tpu.memory_space<vmem>>)
    %dma_wait3A_1393 = arith.constant 83 : i32
    %dma_wait3A_1394 = arith.constant 10624 : i32
    %dma_wait3A_1395 = tpu.memref_slice %arg9[%dma_wait3A_1394] : memref<13312xf32, #tpu.memory_space<vmem>> -> memref<128xf32, #tpu.memory_space<vmem>>
    %dma_wait3A_1396 = arith.constant 0 : i32
    %dma_wait3A_1397 = tpu.memref_slice %arg8[%dma_wait3A_1393, %dma_wait3A_1396] : memref<104x128xi32, #tpu.memory_space<vmem>> -> memref<1x128xi32, #tpu.memory_space<vmem>>
    %dma_wait3A_1398 = tpu.memref_squeeze %dma_wait3A_1397 : memref<1x128xi32, #tpu.memory_space<vmem>> -> memref<128xi32, #tpu.memory_space<vmem>>
    %dma_wait3A_1399 = arith.constant 0 : i32
    %dma_wait3A_1400 = tpu.memref_slice %arg2[%dma_wait3A_1399] : memref<10400000xf32, #tpu.memory_space<hbm>> -> memref<10400000xf32, #tpu.memory_space<hbm>>
    tpu.wait_indirect_dma semaphore(%arg12 : memref<!tpu.dma_semaphore, #tpu.memory_space<semaphore_mem>>) src(%dma_wait3A_1400 : memref<10400000xf32, #tpu.memory_space<hbm>>) dst(%dma_wait3A_1395 : memref<128xf32, #tpu.memory_space<vmem>>)
    %dma_wait3A_1401 = arith.constant 84 : i32
    %dma_wait3A_1402 = arith.constant 10752 : i32
    %dma_wait3A_1403 = tpu.memref_slice %arg9[%dma_wait3A_1402] : memref<13312xf32, #tpu.memory_space<vmem>> -> memref<128xf32, #tpu.memory_space<vmem>>
    %dma_wait3A_1404 = arith.constant 0 : i32
    %dma_wait3A_1405 = tpu.memref_slice %arg8[%dma_wait3A_1401, %dma_wait3A_1404] : memref<104x128xi32, #tpu.memory_space<vmem>> -> memref<1x128xi32, #tpu.memory_space<vmem>>
    %dma_wait3A_1406 = tpu.memref_squeeze %dma_wait3A_1405 : memref<1x128xi32, #tpu.memory_space<vmem>> -> memref<128xi32, #tpu.memory_space<vmem>>
    %dma_wait3A_1407 = arith.constant 0 : i32
    %dma_wait3A_1408 = tpu.memref_slice %arg2[%dma_wait3A_1407] : memref<10400000xf32, #tpu.memory_space<hbm>> -> memref<10400000xf32, #tpu.memory_space<hbm>>
    tpu.wait_indirect_dma semaphore(%arg12 : memref<!tpu.dma_semaphore, #tpu.memory_space<semaphore_mem>>) src(%dma_wait3A_1408 : memref<10400000xf32, #tpu.memory_space<hbm>>) dst(%dma_wait3A_1403 : memref<128xf32, #tpu.memory_space<vmem>>)
    %dma_wait3A_1409 = arith.constant 85 : i32
    %dma_wait3A_1410 = arith.constant 10880 : i32
    %dma_wait3A_1411 = tpu.memref_slice %arg9[%dma_wait3A_1410] : memref<13312xf32, #tpu.memory_space<vmem>> -> memref<128xf32, #tpu.memory_space<vmem>>
    %dma_wait3A_1412 = arith.constant 0 : i32
    %dma_wait3A_1413 = tpu.memref_slice %arg8[%dma_wait3A_1409, %dma_wait3A_1412] : memref<104x128xi32, #tpu.memory_space<vmem>> -> memref<1x128xi32, #tpu.memory_space<vmem>>
    %dma_wait3A_1414 = tpu.memref_squeeze %dma_wait3A_1413 : memref<1x128xi32, #tpu.memory_space<vmem>> -> memref<128xi32, #tpu.memory_space<vmem>>
    %dma_wait3A_1415 = arith.constant 0 : i32
    %dma_wait3A_1416 = tpu.memref_slice %arg2[%dma_wait3A_1415] : memref<10400000xf32, #tpu.memory_space<hbm>> -> memref<10400000xf32, #tpu.memory_space<hbm>>
    tpu.wait_indirect_dma semaphore(%arg12 : memref<!tpu.dma_semaphore, #tpu.memory_space<semaphore_mem>>) src(%dma_wait3A_1416 : memref<10400000xf32, #tpu.memory_space<hbm>>) dst(%dma_wait3A_1411 : memref<128xf32, #tpu.memory_space<vmem>>)
    %dma_wait3A_1417 = arith.constant 86 : i32
    %dma_wait3A_1418 = arith.constant 11008 : i32
    %dma_wait3A_1419 = tpu.memref_slice %arg9[%dma_wait3A_1418] : memref<13312xf32, #tpu.memory_space<vmem>> -> memref<128xf32, #tpu.memory_space<vmem>>
    %dma_wait3A_1420 = arith.constant 0 : i32
    %dma_wait3A_1421 = tpu.memref_slice %arg8[%dma_wait3A_1417, %dma_wait3A_1420] : memref<104x128xi32, #tpu.memory_space<vmem>> -> memref<1x128xi32, #tpu.memory_space<vmem>>
    %dma_wait3A_1422 = tpu.memref_squeeze %dma_wait3A_1421 : memref<1x128xi32, #tpu.memory_space<vmem>> -> memref<128xi32, #tpu.memory_space<vmem>>
    %dma_wait3A_1423 = arith.constant 0 : i32
    %dma_wait3A_1424 = tpu.memref_slice %arg2[%dma_wait3A_1423] : memref<10400000xf32, #tpu.memory_space<hbm>> -> memref<10400000xf32, #tpu.memory_space<hbm>>
    tpu.wait_indirect_dma semaphore(%arg12 : memref<!tpu.dma_semaphore, #tpu.memory_space<semaphore_mem>>) src(%dma_wait3A_1424 : memref<10400000xf32, #tpu.memory_space<hbm>>) dst(%dma_wait3A_1419 : memref<128xf32, #tpu.memory_space<vmem>>)
    %dma_wait3A_1425 = arith.constant 87 : i32
    %dma_wait3A_1426 = arith.constant 11136 : i32
    %dma_wait3A_1427 = tpu.memref_slice %arg9[%dma_wait3A_1426] : memref<13312xf32, #tpu.memory_space<vmem>> -> memref<128xf32, #tpu.memory_space<vmem>>
    %dma_wait3A_1428 = arith.constant 0 : i32
    %dma_wait3A_1429 = tpu.memref_slice %arg8[%dma_wait3A_1425, %dma_wait3A_1428] : memref<104x128xi32, #tpu.memory_space<vmem>> -> memref<1x128xi32, #tpu.memory_space<vmem>>
    %dma_wait3A_1430 = tpu.memref_squeeze %dma_wait3A_1429 : memref<1x128xi32, #tpu.memory_space<vmem>> -> memref<128xi32, #tpu.memory_space<vmem>>
    %dma_wait3A_1431 = arith.constant 0 : i32
    %dma_wait3A_1432 = tpu.memref_slice %arg2[%dma_wait3A_1431] : memref<10400000xf32, #tpu.memory_space<hbm>> -> memref<10400000xf32, #tpu.memory_space<hbm>>
    tpu.wait_indirect_dma semaphore(%arg12 : memref<!tpu.dma_semaphore, #tpu.memory_space<semaphore_mem>>) src(%dma_wait3A_1432 : memref<10400000xf32, #tpu.memory_space<hbm>>) dst(%dma_wait3A_1427 : memref<128xf32, #tpu.memory_space<vmem>>)
    %dma_wait3A_1433 = arith.constant 88 : i32
    %dma_wait3A_1434 = arith.constant 11264 : i32
    %dma_wait3A_1435 = tpu.memref_slice %arg9[%dma_wait3A_1434] : memref<13312xf32, #tpu.memory_space<vmem>> -> memref<128xf32, #tpu.memory_space<vmem>>
    %dma_wait3A_1436 = arith.constant 0 : i32
    %dma_wait3A_1437 = tpu.memref_slice %arg8[%dma_wait3A_1433, %dma_wait3A_1436] : memref<104x128xi32, #tpu.memory_space<vmem>> -> memref<1x128xi32, #tpu.memory_space<vmem>>
    %dma_wait3A_1438 = tpu.memref_squeeze %dma_wait3A_1437 : memref<1x128xi32, #tpu.memory_space<vmem>> -> memref<128xi32, #tpu.memory_space<vmem>>
    %dma_wait3A_1439 = arith.constant 0 : i32
    %dma_wait3A_1440 = tpu.memref_slice %arg2[%dma_wait3A_1439] : memref<10400000xf32, #tpu.memory_space<hbm>> -> memref<10400000xf32, #tpu.memory_space<hbm>>
    tpu.wait_indirect_dma semaphore(%arg12 : memref<!tpu.dma_semaphore, #tpu.memory_space<semaphore_mem>>) src(%dma_wait3A_1440 : memref<10400000xf32, #tpu.memory_space<hbm>>) dst(%dma_wait3A_1435 : memref<128xf32, #tpu.memory_space<vmem>>)
    %dma_wait3A_1441 = arith.constant 89 : i32
    %dma_wait3A_1442 = arith.constant 11392 : i32
    %dma_wait3A_1443 = tpu.memref_slice %arg9[%dma_wait3A_1442] : memref<13312xf32, #tpu.memory_space<vmem>> -> memref<128xf32, #tpu.memory_space<vmem>>
    %dma_wait3A_1444 = arith.constant 0 : i32
    %dma_wait3A_1445 = tpu.memref_slice %arg8[%dma_wait3A_1441, %dma_wait3A_1444] : memref<104x128xi32, #tpu.memory_space<vmem>> -> memref<1x128xi32, #tpu.memory_space<vmem>>
    %dma_wait3A_1446 = tpu.memref_squeeze %dma_wait3A_1445 : memref<1x128xi32, #tpu.memory_space<vmem>> -> memref<128xi32, #tpu.memory_space<vmem>>
    %dma_wait3A_1447 = arith.constant 0 : i32
    %dma_wait3A_1448 = tpu.memref_slice %arg2[%dma_wait3A_1447] : memref<10400000xf32, #tpu.memory_space<hbm>> -> memref<10400000xf32, #tpu.memory_space<hbm>>
    tpu.wait_indirect_dma semaphore(%arg12 : memref<!tpu.dma_semaphore, #tpu.memory_space<semaphore_mem>>) src(%dma_wait3A_1448 : memref<10400000xf32, #tpu.memory_space<hbm>>) dst(%dma_wait3A_1443 : memref<128xf32, #tpu.memory_space<vmem>>)
    %dma_wait3A_1449 = arith.constant 90 : i32
    %dma_wait3A_1450 = arith.constant 11520 : i32
    %dma_wait3A_1451 = tpu.memref_slice %arg9[%dma_wait3A_1450] : memref<13312xf32, #tpu.memory_space<vmem>> -> memref<128xf32, #tpu.memory_space<vmem>>
    %dma_wait3A_1452 = arith.constant 0 : i32
    %dma_wait3A_1453 = tpu.memref_slice %arg8[%dma_wait3A_1449, %dma_wait3A_1452] : memref<104x128xi32, #tpu.memory_space<vmem>> -> memref<1x128xi32, #tpu.memory_space<vmem>>
    %dma_wait3A_1454 = tpu.memref_squeeze %dma_wait3A_1453 : memref<1x128xi32, #tpu.memory_space<vmem>> -> memref<128xi32, #tpu.memory_space<vmem>>
    %dma_wait3A_1455 = arith.constant 0 : i32
    %dma_wait3A_1456 = tpu.memref_slice %arg2[%dma_wait3A_1455] : memref<10400000xf32, #tpu.memory_space<hbm>> -> memref<10400000xf32, #tpu.memory_space<hbm>>
    tpu.wait_indirect_dma semaphore(%arg12 : memref<!tpu.dma_semaphore, #tpu.memory_space<semaphore_mem>>) src(%dma_wait3A_1456 : memref<10400000xf32, #tpu.memory_space<hbm>>) dst(%dma_wait3A_1451 : memref<128xf32, #tpu.memory_space<vmem>>)
    %dma_start3A_1457 = arith.constant 91 : i32
    %dma_start3A_1458 = arith.constant 11648 : i32
    %dma_start3A_1459 = tpu.memref_slice %arg9[%dma_start3A_1458] : memref<13312xf32, #tpu.memory_space<vmem>> -> memref<128xf32, #tpu.memory_space<vmem>>
    %dma_start3A_1460 = arith.constant 0 : i32
    %dma_start3A_1461 = tpu.memref_slice %arg8[%dma_start3A_1457, %dma_start3A_1460] : memref<104x128xi32, #tpu.memory_space<vmem>> -> memref<1x128xi32, #tpu.memory_space<vmem>>
    %dma_start3A_1462 = tpu.memref_squeeze %dma_start3A_1461 : memref<1x128xi32, #tpu.memory_space<vmem>> -> memref<128xi32, #tpu.memory_space<vmem>>
    %dma_start3A_1463 = arith.constant 0 : i32
    %dma_start3A_1464 = tpu.memref_slice %arg2[%dma_start3A_1463] : memref<10400000xf32, #tpu.memory_space<hbm>> -> memref<10400000xf32, #tpu.memory_space<hbm>>
    tpu.enqueue_indirect_dma source(%dma_start3A_1464 : memref<10400000xf32, #tpu.memory_space<hbm>>) target(%dma_start3A_1459 : memref<128xf32, #tpu.memory_space<vmem>>) offsets(%dma_start3A_1462 : memref<128xi32, #tpu.memory_space<vmem>>) semaphore(%arg12 : memref<!tpu.dma_semaphore, #tpu.memory_space<semaphore_mem>>)
    %dma_start3A_1465 = arith.constant 92 : i32
    %dma_start3A_1466 = arith.constant 11776 : i32
    %dma_start3A_1467 = tpu.memref_slice %arg9[%dma_start3A_1466] : memref<13312xf32, #tpu.memory_space<vmem>> -> memref<128xf32, #tpu.memory_space<vmem>>
    %dma_start3A_1468 = arith.constant 0 : i32
    %dma_start3A_1469 = tpu.memref_slice %arg8[%dma_start3A_1465, %dma_start3A_1468] : memref<104x128xi32, #tpu.memory_space<vmem>> -> memref<1x128xi32, #tpu.memory_space<vmem>>
    %dma_start3A_1470 = tpu.memref_squeeze %dma_start3A_1469 : memref<1x128xi32, #tpu.memory_space<vmem>> -> memref<128xi32, #tpu.memory_space<vmem>>
    %dma_start3A_1471 = arith.constant 0 : i32
    %dma_start3A_1472 = tpu.memref_slice %arg2[%dma_start3A_1471] : memref<10400000xf32, #tpu.memory_space<hbm>> -> memref<10400000xf32, #tpu.memory_space<hbm>>
    tpu.enqueue_indirect_dma source(%dma_start3A_1472 : memref<10400000xf32, #tpu.memory_space<hbm>>) target(%dma_start3A_1467 : memref<128xf32, #tpu.memory_space<vmem>>) offsets(%dma_start3A_1470 : memref<128xi32, #tpu.memory_space<vmem>>) semaphore(%arg12 : memref<!tpu.dma_semaphore, #tpu.memory_space<semaphore_mem>>)
    %dma_start3A_1473 = arith.constant 93 : i32
    %dma_start3A_1474 = arith.constant 11904 : i32
    %dma_start3A_1475 = tpu.memref_slice %arg9[%dma_start3A_1474] : memref<13312xf32, #tpu.memory_space<vmem>> -> memref<128xf32, #tpu.memory_space<vmem>>
    %dma_start3A_1476 = arith.constant 0 : i32
    %dma_start3A_1477 = tpu.memref_slice %arg8[%dma_start3A_1473, %dma_start3A_1476] : memref<104x128xi32, #tpu.memory_space<vmem>> -> memref<1x128xi32, #tpu.memory_space<vmem>>
    %dma_start3A_1478 = tpu.memref_squeeze %dma_start3A_1477 : memref<1x128xi32, #tpu.memory_space<vmem>> -> memref<128xi32, #tpu.memory_space<vmem>>
    %dma_start3A_1479 = arith.constant 0 : i32
    %dma_start3A_1480 = tpu.memref_slice %arg2[%dma_start3A_1479] : memref<10400000xf32, #tpu.memory_space<hbm>> -> memref<10400000xf32, #tpu.memory_space<hbm>>
    tpu.enqueue_indirect_dma source(%dma_start3A_1480 : memref<10400000xf32, #tpu.memory_space<hbm>>) target(%dma_start3A_1475 : memref<128xf32, #tpu.memory_space<vmem>>) offsets(%dma_start3A_1478 : memref<128xi32, #tpu.memory_space<vmem>>) semaphore(%arg12 : memref<!tpu.dma_semaphore, #tpu.memory_space<semaphore_mem>>)
    %dma_start3A_1481 = arith.constant 94 : i32
    %dma_start3A_1482 = arith.constant 12032 : i32
    %dma_start3A_1483 = tpu.memref_slice %arg9[%dma_start3A_1482] : memref<13312xf32, #tpu.memory_space<vmem>> -> memref<128xf32, #tpu.memory_space<vmem>>
    %dma_start3A_1484 = arith.constant 0 : i32
    %dma_start3A_1485 = tpu.memref_slice %arg8[%dma_start3A_1481, %dma_start3A_1484] : memref<104x128xi32, #tpu.memory_space<vmem>> -> memref<1x128xi32, #tpu.memory_space<vmem>>
    %dma_start3A_1486 = tpu.memref_squeeze %dma_start3A_1485 : memref<1x128xi32, #tpu.memory_space<vmem>> -> memref<128xi32, #tpu.memory_space<vmem>>
    %dma_start3A_1487 = arith.constant 0 : i32
    %dma_start3A_1488 = tpu.memref_slice %arg2[%dma_start3A_1487] : memref<10400000xf32, #tpu.memory_space<hbm>> -> memref<10400000xf32, #tpu.memory_space<hbm>>
    tpu.enqueue_indirect_dma source(%dma_start3A_1488 : memref<10400000xf32, #tpu.memory_space<hbm>>) target(%dma_start3A_1483 : memref<128xf32, #tpu.memory_space<vmem>>) offsets(%dma_start3A_1486 : memref<128xi32, #tpu.memory_space<vmem>>) semaphore(%arg12 : memref<!tpu.dma_semaphore, #tpu.memory_space<semaphore_mem>>)
    %dma_start3A_1489 = arith.constant 95 : i32
    %dma_start3A_1490 = arith.constant 12160 : i32
    %dma_start3A_1491 = tpu.memref_slice %arg9[%dma_start3A_1490] : memref<13312xf32, #tpu.memory_space<vmem>> -> memref<128xf32, #tpu.memory_space<vmem>>
    %dma_start3A_1492 = arith.constant 0 : i32
    %dma_start3A_1493 = tpu.memref_slice %arg8[%dma_start3A_1489, %dma_start3A_1492] : memref<104x128xi32, #tpu.memory_space<vmem>> -> memref<1x128xi32, #tpu.memory_space<vmem>>
    %dma_start3A_1494 = tpu.memref_squeeze %dma_start3A_1493 : memref<1x128xi32, #tpu.memory_space<vmem>> -> memref<128xi32, #tpu.memory_space<vmem>>
    %dma_start3A_1495 = arith.constant 0 : i32
    %dma_start3A_1496 = tpu.memref_slice %arg2[%dma_start3A_1495] : memref<10400000xf32, #tpu.memory_space<hbm>> -> memref<10400000xf32, #tpu.memory_space<hbm>>
    tpu.enqueue_indirect_dma source(%dma_start3A_1496 : memref<10400000xf32, #tpu.memory_space<hbm>>) target(%dma_start3A_1491 : memref<128xf32, #tpu.memory_space<vmem>>) offsets(%dma_start3A_1494 : memref<128xi32, #tpu.memory_space<vmem>>) semaphore(%arg12 : memref<!tpu.dma_semaphore, #tpu.memory_space<semaphore_mem>>)
    %dma_start3A_1497 = arith.constant 96 : i32
    %dma_start3A_1498 = arith.constant 12288 : i32
    %dma_start3A_1499 = tpu.memref_slice %arg9[%dma_start3A_1498] : memref<13312xf32, #tpu.memory_space<vmem>> -> memref<128xf32, #tpu.memory_space<vmem>>
    %dma_start3A_1500 = arith.constant 0 : i32
    %dma_start3A_1501 = tpu.memref_slice %arg8[%dma_start3A_1497, %dma_start3A_1500] : memref<104x128xi32, #tpu.memory_space<vmem>> -> memref<1x128xi32, #tpu.memory_space<vmem>>
    %dma_start3A_1502 = tpu.memref_squeeze %dma_start3A_1501 : memref<1x128xi32, #tpu.memory_space<vmem>> -> memref<128xi32, #tpu.memory_space<vmem>>
    %dma_start3A_1503 = arith.constant 0 : i32
    %dma_start3A_1504 = tpu.memref_slice %arg2[%dma_start3A_1503] : memref<10400000xf32, #tpu.memory_space<hbm>> -> memref<10400000xf32, #tpu.memory_space<hbm>>
    tpu.enqueue_indirect_dma source(%dma_start3A_1504 : memref<10400000xf32, #tpu.memory_space<hbm>>) target(%dma_start3A_1499 : memref<128xf32, #tpu.memory_space<vmem>>) offsets(%dma_start3A_1502 : memref<128xi32, #tpu.memory_space<vmem>>) semaphore(%arg12 : memref<!tpu.dma_semaphore, #tpu.memory_space<semaphore_mem>>)
    %dma_start3A_1505 = arith.constant 97 : i32
    %dma_start3A_1506 = arith.constant 12416 : i32
    %dma_start3A_1507 = tpu.memref_slice %arg9[%dma_start3A_1506] : memref<13312xf32, #tpu.memory_space<vmem>> -> memref<128xf32, #tpu.memory_space<vmem>>
    %dma_start3A_1508 = arith.constant 0 : i32
    %dma_start3A_1509 = tpu.memref_slice %arg8[%dma_start3A_1505, %dma_start3A_1508] : memref<104x128xi32, #tpu.memory_space<vmem>> -> memref<1x128xi32, #tpu.memory_space<vmem>>
    %dma_start3A_1510 = tpu.memref_squeeze %dma_start3A_1509 : memref<1x128xi32, #tpu.memory_space<vmem>> -> memref<128xi32, #tpu.memory_space<vmem>>
    %dma_start3A_1511 = arith.constant 0 : i32
    %dma_start3A_1512 = tpu.memref_slice %arg2[%dma_start3A_1511] : memref<10400000xf32, #tpu.memory_space<hbm>> -> memref<10400000xf32, #tpu.memory_space<hbm>>
    tpu.enqueue_indirect_dma source(%dma_start3A_1512 : memref<10400000xf32, #tpu.memory_space<hbm>>) target(%dma_start3A_1507 : memref<128xf32, #tpu.memory_space<vmem>>) offsets(%dma_start3A_1510 : memref<128xi32, #tpu.memory_space<vmem>>) semaphore(%arg12 : memref<!tpu.dma_semaphore, #tpu.memory_space<semaphore_mem>>)
    %dma_start3A_1513 = arith.constant 98 : i32
    %dma_start3A_1514 = arith.constant 12544 : i32
    %dma_start3A_1515 = tpu.memref_slice %arg9[%dma_start3A_1514] : memref<13312xf32, #tpu.memory_space<vmem>> -> memref<128xf32, #tpu.memory_space<vmem>>
    %dma_start3A_1516 = arith.constant 0 : i32
    %dma_start3A_1517 = tpu.memref_slice %arg8[%dma_start3A_1513, %dma_start3A_1516] : memref<104x128xi32, #tpu.memory_space<vmem>> -> memref<1x128xi32, #tpu.memory_space<vmem>>
    %dma_start3A_1518 = tpu.memref_squeeze %dma_start3A_1517 : memref<1x128xi32, #tpu.memory_space<vmem>> -> memref<128xi32, #tpu.memory_space<vmem>>
    %dma_start3A_1519 = arith.constant 0 : i32
    %dma_start3A_1520 = tpu.memref_slice %arg2[%dma_start3A_1519] : memref<10400000xf32, #tpu.memory_space<hbm>> -> memref<10400000xf32, #tpu.memory_space<hbm>>
    tpu.enqueue_indirect_dma source(%dma_start3A_1520 : memref<10400000xf32, #tpu.memory_space<hbm>>) target(%dma_start3A_1515 : memref<128xf32, #tpu.memory_space<vmem>>) offsets(%dma_start3A_1518 : memref<128xi32, #tpu.memory_space<vmem>>) semaphore(%arg12 : memref<!tpu.dma_semaphore, #tpu.memory_space<semaphore_mem>>)
    %dma_start3A_1521 = arith.constant 99 : i32
    %dma_start3A_1522 = arith.constant 12672 : i32
    %dma_start3A_1523 = tpu.memref_slice %arg9[%dma_start3A_1522] : memref<13312xf32, #tpu.memory_space<vmem>> -> memref<128xf32, #tpu.memory_space<vmem>>
    %dma_start3A_1524 = arith.constant 0 : i32
    %dma_start3A_1525 = tpu.memref_slice %arg8[%dma_start3A_1521, %dma_start3A_1524] : memref<104x128xi32, #tpu.memory_space<vmem>> -> memref<1x128xi32, #tpu.memory_space<vmem>>
    %dma_start3A_1526 = tpu.memref_squeeze %dma_start3A_1525 : memref<1x128xi32, #tpu.memory_space<vmem>> -> memref<128xi32, #tpu.memory_space<vmem>>
    %dma_start3A_1527 = arith.constant 0 : i32
    %dma_start3A_1528 = tpu.memref_slice %arg2[%dma_start3A_1527] : memref<10400000xf32, #tpu.memory_space<hbm>> -> memref<10400000xf32, #tpu.memory_space<hbm>>
    tpu.enqueue_indirect_dma source(%dma_start3A_1528 : memref<10400000xf32, #tpu.memory_space<hbm>>) target(%dma_start3A_1523 : memref<128xf32, #tpu.memory_space<vmem>>) offsets(%dma_start3A_1526 : memref<128xi32, #tpu.memory_space<vmem>>) semaphore(%arg12 : memref<!tpu.dma_semaphore, #tpu.memory_space<semaphore_mem>>)
    %dma_start3A_1529 = arith.constant 100 : i32
    %dma_start3A_1530 = arith.constant 12800 : i32
    %dma_start3A_1531 = tpu.memref_slice %arg9[%dma_start3A_1530] : memref<13312xf32, #tpu.memory_space<vmem>> -> memref<128xf32, #tpu.memory_space<vmem>>
    %dma_start3A_1532 = arith.constant 0 : i32
    %dma_start3A_1533 = tpu.memref_slice %arg8[%dma_start3A_1529, %dma_start3A_1532] : memref<104x128xi32, #tpu.memory_space<vmem>> -> memref<1x128xi32, #tpu.memory_space<vmem>>
    %dma_start3A_1534 = tpu.memref_squeeze %dma_start3A_1533 : memref<1x128xi32, #tpu.memory_space<vmem>> -> memref<128xi32, #tpu.memory_space<vmem>>
    %dma_start3A_1535 = arith.constant 0 : i32
    %dma_start3A_1536 = tpu.memref_slice %arg2[%dma_start3A_1535] : memref<10400000xf32, #tpu.memory_space<hbm>> -> memref<10400000xf32, #tpu.memory_space<hbm>>
    tpu.enqueue_indirect_dma source(%dma_start3A_1536 : memref<10400000xf32, #tpu.memory_space<hbm>>) target(%dma_start3A_1531 : memref<128xf32, #tpu.memory_space<vmem>>) offsets(%dma_start3A_1534 : memref<128xi32, #tpu.memory_space<vmem>>) semaphore(%arg12 : memref<!tpu.dma_semaphore, #tpu.memory_space<semaphore_mem>>)
    %dma_start3A_1537 = arith.constant 101 : i32
    %dma_start3A_1538 = arith.constant 12928 : i32
    %dma_start3A_1539 = tpu.memref_slice %arg9[%dma_start3A_1538] : memref<13312xf32, #tpu.memory_space<vmem>> -> memref<128xf32, #tpu.memory_space<vmem>>
    %dma_start3A_1540 = arith.constant 0 : i32
    %dma_start3A_1541 = tpu.memref_slice %arg8[%dma_start3A_1537, %dma_start3A_1540] : memref<104x128xi32, #tpu.memory_space<vmem>> -> memref<1x128xi32, #tpu.memory_space<vmem>>
    %dma_start3A_1542 = tpu.memref_squeeze %dma_start3A_1541 : memref<1x128xi32, #tpu.memory_space<vmem>> -> memref<128xi32, #tpu.memory_space<vmem>>
    %dma_start3A_1543 = arith.constant 0 : i32
    %dma_start3A_1544 = tpu.memref_slice %arg2[%dma_start3A_1543] : memref<10400000xf32, #tpu.memory_space<hbm>> -> memref<10400000xf32, #tpu.memory_space<hbm>>
    tpu.enqueue_indirect_dma source(%dma_start3A_1544 : memref<10400000xf32, #tpu.memory_space<hbm>>) target(%dma_start3A_1539 : memref<128xf32, #tpu.memory_space<vmem>>) offsets(%dma_start3A_1542 : memref<128xi32, #tpu.memory_space<vmem>>) semaphore(%arg12 : memref<!tpu.dma_semaphore, #tpu.memory_space<semaphore_mem>>)
    %dma_start3A_1545 = arith.constant 102 : i32
    %dma_start3A_1546 = arith.constant 13056 : i32
    %dma_start3A_1547 = tpu.memref_slice %arg9[%dma_start3A_1546] : memref<13312xf32, #tpu.memory_space<vmem>> -> memref<128xf32, #tpu.memory_space<vmem>>
    %dma_start3A_1548 = arith.constant 0 : i32
    %dma_start3A_1549 = tpu.memref_slice %arg8[%dma_start3A_1545, %dma_start3A_1548] : memref<104x128xi32, #tpu.memory_space<vmem>> -> memref<1x128xi32, #tpu.memory_space<vmem>>
    %dma_start3A_1550 = tpu.memref_squeeze %dma_start3A_1549 : memref<1x128xi32, #tpu.memory_space<vmem>> -> memref<128xi32, #tpu.memory_space<vmem>>
    %dma_start3A_1551 = arith.constant 0 : i32
    %dma_start3A_1552 = tpu.memref_slice %arg2[%dma_start3A_1551] : memref<10400000xf32, #tpu.memory_space<hbm>> -> memref<10400000xf32, #tpu.memory_space<hbm>>
    tpu.enqueue_indirect_dma source(%dma_start3A_1552 : memref<10400000xf32, #tpu.memory_space<hbm>>) target(%dma_start3A_1547 : memref<128xf32, #tpu.memory_space<vmem>>) offsets(%dma_start3A_1550 : memref<128xi32, #tpu.memory_space<vmem>>) semaphore(%arg12 : memref<!tpu.dma_semaphore, #tpu.memory_space<semaphore_mem>>)
    %dma_start3A_1553 = arith.constant 103 : i32
    %dma_start3A_1554 = arith.constant 13184 : i32
    %dma_start3A_1555 = tpu.memref_slice %arg9[%dma_start3A_1554] : memref<13312xf32, #tpu.memory_space<vmem>> -> memref<128xf32, #tpu.memory_space<vmem>>
    %dma_start3A_1556 = arith.constant 0 : i32
    %dma_start3A_1557 = tpu.memref_slice %arg8[%dma_start3A_1553, %dma_start3A_1556] : memref<104x128xi32, #tpu.memory_space<vmem>> -> memref<1x128xi32, #tpu.memory_space<vmem>>
    %dma_start3A_1558 = tpu.memref_squeeze %dma_start3A_1557 : memref<1x128xi32, #tpu.memory_space<vmem>> -> memref<128xi32, #tpu.memory_space<vmem>>
    %dma_start3A_1559 = arith.constant 0 : i32
    %dma_start3A_1560 = tpu.memref_slice %arg2[%dma_start3A_1559] : memref<10400000xf32, #tpu.memory_space<hbm>> -> memref<10400000xf32, #tpu.memory_space<hbm>>
    tpu.enqueue_indirect_dma source(%dma_start3A_1560 : memref<10400000xf32, #tpu.memory_space<hbm>>) target(%dma_start3A_1555 : memref<128xf32, #tpu.memory_space<vmem>>) offsets(%dma_start3A_1558 : memref<128xi32, #tpu.memory_space<vmem>>) semaphore(%arg12 : memref<!tpu.dma_semaphore, #tpu.memory_space<semaphore_mem>>)
    %dma_wait3A_1561 = arith.constant 91 : i32
    %dma_wait3A_1562 = arith.constant 11648 : i32
    %dma_wait3A_1563 = tpu.memref_slice %arg9[%dma_wait3A_1562] : memref<13312xf32, #tpu.memory_space<vmem>> -> memref<128xf32, #tpu.memory_space<vmem>>
    %dma_wait3A_1564 = arith.constant 0 : i32
    %dma_wait3A_1565 = tpu.memref_slice %arg8[%dma_wait3A_1561, %dma_wait3A_1564] : memref<104x128xi32, #tpu.memory_space<vmem>> -> memref<1x128xi32, #tpu.memory_space<vmem>>
    %dma_wait3A_1566 = tpu.memref_squeeze %dma_wait3A_1565 : memref<1x128xi32, #tpu.memory_space<vmem>> -> memref<128xi32, #tpu.memory_space<vmem>>
    %dma_wait3A_1567 = arith.constant 0 : i32
    %dma_wait3A_1568 = tpu.memref_slice %arg2[%dma_wait3A_1567] : memref<10400000xf32, #tpu.memory_space<hbm>> -> memref<10400000xf32, #tpu.memory_space<hbm>>
    tpu.wait_indirect_dma semaphore(%arg12 : memref<!tpu.dma_semaphore, #tpu.memory_space<semaphore_mem>>) src(%dma_wait3A_1568 : memref<10400000xf32, #tpu.memory_space<hbm>>) dst(%dma_wait3A_1563 : memref<128xf32, #tpu.memory_space<vmem>>)
    %dma_wait3A_1569 = arith.constant 92 : i32
    %dma_wait3A_1570 = arith.constant 11776 : i32
    %dma_wait3A_1571 = tpu.memref_slice %arg9[%dma_wait3A_1570] : memref<13312xf32, #tpu.memory_space<vmem>> -> memref<128xf32, #tpu.memory_space<vmem>>
    %dma_wait3A_1572 = arith.constant 0 : i32
    %dma_wait3A_1573 = tpu.memref_slice %arg8[%dma_wait3A_1569, %dma_wait3A_1572] : memref<104x128xi32, #tpu.memory_space<vmem>> -> memref<1x128xi32, #tpu.memory_space<vmem>>
    %dma_wait3A_1574 = tpu.memref_squeeze %dma_wait3A_1573 : memref<1x128xi32, #tpu.memory_space<vmem>> -> memref<128xi32, #tpu.memory_space<vmem>>
    %dma_wait3A_1575 = arith.constant 0 : i32
    %dma_wait3A_1576 = tpu.memref_slice %arg2[%dma_wait3A_1575] : memref<10400000xf32, #tpu.memory_space<hbm>> -> memref<10400000xf32, #tpu.memory_space<hbm>>
    tpu.wait_indirect_dma semaphore(%arg12 : memref<!tpu.dma_semaphore, #tpu.memory_space<semaphore_mem>>) src(%dma_wait3A_1576 : memref<10400000xf32, #tpu.memory_space<hbm>>) dst(%dma_wait3A_1571 : memref<128xf32, #tpu.memory_space<vmem>>)
    %dma_wait3A_1577 = arith.constant 93 : i32
    %dma_wait3A_1578 = arith.constant 11904 : i32
    %dma_wait3A_1579 = tpu.memref_slice %arg9[%dma_wait3A_1578] : memref<13312xf32, #tpu.memory_space<vmem>> -> memref<128xf32, #tpu.memory_space<vmem>>
    %dma_wait3A_1580 = arith.constant 0 : i32
    %dma_wait3A_1581 = tpu.memref_slice %arg8[%dma_wait3A_1577, %dma_wait3A_1580] : memref<104x128xi32, #tpu.memory_space<vmem>> -> memref<1x128xi32, #tpu.memory_space<vmem>>
    %dma_wait3A_1582 = tpu.memref_squeeze %dma_wait3A_1581 : memref<1x128xi32, #tpu.memory_space<vmem>> -> memref<128xi32, #tpu.memory_space<vmem>>
    %dma_wait3A_1583 = arith.constant 0 : i32
    %dma_wait3A_1584 = tpu.memref_slice %arg2[%dma_wait3A_1583] : memref<10400000xf32, #tpu.memory_space<hbm>> -> memref<10400000xf32, #tpu.memory_space<hbm>>
    tpu.wait_indirect_dma semaphore(%arg12 : memref<!tpu.dma_semaphore, #tpu.memory_space<semaphore_mem>>) src(%dma_wait3A_1584 : memref<10400000xf32, #tpu.memory_space<hbm>>) dst(%dma_wait3A_1579 : memref<128xf32, #tpu.memory_space<vmem>>)
    %dma_wait3A_1585 = arith.constant 94 : i32
    %dma_wait3A_1586 = arith.constant 12032 : i32
    %dma_wait3A_1587 = tpu.memref_slice %arg9[%dma_wait3A_1586] : memref<13312xf32, #tpu.memory_space<vmem>> -> memref<128xf32, #tpu.memory_space<vmem>>
    %dma_wait3A_1588 = arith.constant 0 : i32
    %dma_wait3A_1589 = tpu.memref_slice %arg8[%dma_wait3A_1585, %dma_wait3A_1588] : memref<104x128xi32, #tpu.memory_space<vmem>> -> memref<1x128xi32, #tpu.memory_space<vmem>>
    %dma_wait3A_1590 = tpu.memref_squeeze %dma_wait3A_1589 : memref<1x128xi32, #tpu.memory_space<vmem>> -> memref<128xi32, #tpu.memory_space<vmem>>
    %dma_wait3A_1591 = arith.constant 0 : i32
    %dma_wait3A_1592 = tpu.memref_slice %arg2[%dma_wait3A_1591] : memref<10400000xf32, #tpu.memory_space<hbm>> -> memref<10400000xf32, #tpu.memory_space<hbm>>
    tpu.wait_indirect_dma semaphore(%arg12 : memref<!tpu.dma_semaphore, #tpu.memory_space<semaphore_mem>>) src(%dma_wait3A_1592 : memref<10400000xf32, #tpu.memory_space<hbm>>) dst(%dma_wait3A_1587 : memref<128xf32, #tpu.memory_space<vmem>>)
    %dma_wait3A_1593 = arith.constant 95 : i32
    %dma_wait3A_1594 = arith.constant 12160 : i32
    %dma_wait3A_1595 = tpu.memref_slice %arg9[%dma_wait3A_1594] : memref<13312xf32, #tpu.memory_space<vmem>> -> memref<128xf32, #tpu.memory_space<vmem>>
    %dma_wait3A_1596 = arith.constant 0 : i32
    %dma_wait3A_1597 = tpu.memref_slice %arg8[%dma_wait3A_1593, %dma_wait3A_1596] : memref<104x128xi32, #tpu.memory_space<vmem>> -> memref<1x128xi32, #tpu.memory_space<vmem>>
    %dma_wait3A_1598 = tpu.memref_squeeze %dma_wait3A_1597 : memref<1x128xi32, #tpu.memory_space<vmem>> -> memref<128xi32, #tpu.memory_space<vmem>>
    %dma_wait3A_1599 = arith.constant 0 : i32
    %dma_wait3A_1600 = tpu.memref_slice %arg2[%dma_wait3A_1599] : memref<10400000xf32, #tpu.memory_space<hbm>> -> memref<10400000xf32, #tpu.memory_space<hbm>>
    tpu.wait_indirect_dma semaphore(%arg12 : memref<!tpu.dma_semaphore, #tpu.memory_space<semaphore_mem>>) src(%dma_wait3A_1600 : memref<10400000xf32, #tpu.memory_space<hbm>>) dst(%dma_wait3A_1595 : memref<128xf32, #tpu.memory_space<vmem>>)
    %dma_wait3A_1601 = arith.constant 96 : i32
    %dma_wait3A_1602 = arith.constant 12288 : i32
    %dma_wait3A_1603 = tpu.memref_slice %arg9[%dma_wait3A_1602] : memref<13312xf32, #tpu.memory_space<vmem>> -> memref<128xf32, #tpu.memory_space<vmem>>
    %dma_wait3A_1604 = arith.constant 0 : i32
    %dma_wait3A_1605 = tpu.memref_slice %arg8[%dma_wait3A_1601, %dma_wait3A_1604] : memref<104x128xi32, #tpu.memory_space<vmem>> -> memref<1x128xi32, #tpu.memory_space<vmem>>
    %dma_wait3A_1606 = tpu.memref_squeeze %dma_wait3A_1605 : memref<1x128xi32, #tpu.memory_space<vmem>> -> memref<128xi32, #tpu.memory_space<vmem>>
    %dma_wait3A_1607 = arith.constant 0 : i32
    %dma_wait3A_1608 = tpu.memref_slice %arg2[%dma_wait3A_1607] : memref<10400000xf32, #tpu.memory_space<hbm>> -> memref<10400000xf32, #tpu.memory_space<hbm>>
    tpu.wait_indirect_dma semaphore(%arg12 : memref<!tpu.dma_semaphore, #tpu.memory_space<semaphore_mem>>) src(%dma_wait3A_1608 : memref<10400000xf32, #tpu.memory_space<hbm>>) dst(%dma_wait3A_1603 : memref<128xf32, #tpu.memory_space<vmem>>)
    %dma_wait3A_1609 = arith.constant 97 : i32
    %dma_wait3A_1610 = arith.constant 12416 : i32
    %dma_wait3A_1611 = tpu.memref_slice %arg9[%dma_wait3A_1610] : memref<13312xf32, #tpu.memory_space<vmem>> -> memref<128xf32, #tpu.memory_space<vmem>>
    %dma_wait3A_1612 = arith.constant 0 : i32
    %dma_wait3A_1613 = tpu.memref_slice %arg8[%dma_wait3A_1609, %dma_wait3A_1612] : memref<104x128xi32, #tpu.memory_space<vmem>> -> memref<1x128xi32, #tpu.memory_space<vmem>>
    %dma_wait3A_1614 = tpu.memref_squeeze %dma_wait3A_1613 : memref<1x128xi32, #tpu.memory_space<vmem>> -> memref<128xi32, #tpu.memory_space<vmem>>
    %dma_wait3A_1615 = arith.constant 0 : i32
    %dma_wait3A_1616 = tpu.memref_slice %arg2[%dma_wait3A_1615] : memref<10400000xf32, #tpu.memory_space<hbm>> -> memref<10400000xf32, #tpu.memory_space<hbm>>
    tpu.wait_indirect_dma semaphore(%arg12 : memref<!tpu.dma_semaphore, #tpu.memory_space<semaphore_mem>>) src(%dma_wait3A_1616 : memref<10400000xf32, #tpu.memory_space<hbm>>) dst(%dma_wait3A_1611 : memref<128xf32, #tpu.memory_space<vmem>>)
    %dma_wait3A_1617 = arith.constant 98 : i32
    %dma_wait3A_1618 = arith.constant 12544 : i32
    %dma_wait3A_1619 = tpu.memref_slice %arg9[%dma_wait3A_1618] : memref<13312xf32, #tpu.memory_space<vmem>> -> memref<128xf32, #tpu.memory_space<vmem>>
    %dma_wait3A_1620 = arith.constant 0 : i32
    %dma_wait3A_1621 = tpu.memref_slice %arg8[%dma_wait3A_1617, %dma_wait3A_1620] : memref<104x128xi32, #tpu.memory_space<vmem>> -> memref<1x128xi32, #tpu.memory_space<vmem>>
    %dma_wait3A_1622 = tpu.memref_squeeze %dma_wait3A_1621 : memref<1x128xi32, #tpu.memory_space<vmem>> -> memref<128xi32, #tpu.memory_space<vmem>>
    %dma_wait3A_1623 = arith.constant 0 : i32
    %dma_wait3A_1624 = tpu.memref_slice %arg2[%dma_wait3A_1623] : memref<10400000xf32, #tpu.memory_space<hbm>> -> memref<10400000xf32, #tpu.memory_space<hbm>>
    tpu.wait_indirect_dma semaphore(%arg12 : memref<!tpu.dma_semaphore, #tpu.memory_space<semaphore_mem>>) src(%dma_wait3A_1624 : memref<10400000xf32, #tpu.memory_space<hbm>>) dst(%dma_wait3A_1619 : memref<128xf32, #tpu.memory_space<vmem>>)
    %dma_wait3A_1625 = arith.constant 99 : i32
    %dma_wait3A_1626 = arith.constant 12672 : i32
    %dma_wait3A_1627 = tpu.memref_slice %arg9[%dma_wait3A_1626] : memref<13312xf32, #tpu.memory_space<vmem>> -> memref<128xf32, #tpu.memory_space<vmem>>
    %dma_wait3A_1628 = arith.constant 0 : i32
    %dma_wait3A_1629 = tpu.memref_slice %arg8[%dma_wait3A_1625, %dma_wait3A_1628] : memref<104x128xi32, #tpu.memory_space<vmem>> -> memref<1x128xi32, #tpu.memory_space<vmem>>
    %dma_wait3A_1630 = tpu.memref_squeeze %dma_wait3A_1629 : memref<1x128xi32, #tpu.memory_space<vmem>> -> memref<128xi32, #tpu.memory_space<vmem>>
    %dma_wait3A_1631 = arith.constant 0 : i32
    %dma_wait3A_1632 = tpu.memref_slice %arg2[%dma_wait3A_1631] : memref<10400000xf32, #tpu.memory_space<hbm>> -> memref<10400000xf32, #tpu.memory_space<hbm>>
    tpu.wait_indirect_dma semaphore(%arg12 : memref<!tpu.dma_semaphore, #tpu.memory_space<semaphore_mem>>) src(%dma_wait3A_1632 : memref<10400000xf32, #tpu.memory_space<hbm>>) dst(%dma_wait3A_1627 : memref<128xf32, #tpu.memory_space<vmem>>)
    %dma_wait3A_1633 = arith.constant 100 : i32
    %dma_wait3A_1634 = arith.constant 12800 : i32
    %dma_wait3A_1635 = tpu.memref_slice %arg9[%dma_wait3A_1634] : memref<13312xf32, #tpu.memory_space<vmem>> -> memref<128xf32, #tpu.memory_space<vmem>>
    %dma_wait3A_1636 = arith.constant 0 : i32
    %dma_wait3A_1637 = tpu.memref_slice %arg8[%dma_wait3A_1633, %dma_wait3A_1636] : memref<104x128xi32, #tpu.memory_space<vmem>> -> memref<1x128xi32, #tpu.memory_space<vmem>>
    %dma_wait3A_1638 = tpu.memref_squeeze %dma_wait3A_1637 : memref<1x128xi32, #tpu.memory_space<vmem>> -> memref<128xi32, #tpu.memory_space<vmem>>
    %dma_wait3A_1639 = arith.constant 0 : i32
    %dma_wait3A_1640 = tpu.memref_slice %arg2[%dma_wait3A_1639] : memref<10400000xf32, #tpu.memory_space<hbm>> -> memref<10400000xf32, #tpu.memory_space<hbm>>
    tpu.wait_indirect_dma semaphore(%arg12 : memref<!tpu.dma_semaphore, #tpu.memory_space<semaphore_mem>>) src(%dma_wait3A_1640 : memref<10400000xf32, #tpu.memory_space<hbm>>) dst(%dma_wait3A_1635 : memref<128xf32, #tpu.memory_space<vmem>>)
    %dma_wait3A_1641 = arith.constant 101 : i32
    %dma_wait3A_1642 = arith.constant 12928 : i32
    %dma_wait3A_1643 = tpu.memref_slice %arg9[%dma_wait3A_1642] : memref<13312xf32, #tpu.memory_space<vmem>> -> memref<128xf32, #tpu.memory_space<vmem>>
    %dma_wait3A_1644 = arith.constant 0 : i32
    %dma_wait3A_1645 = tpu.memref_slice %arg8[%dma_wait3A_1641, %dma_wait3A_1644] : memref<104x128xi32, #tpu.memory_space<vmem>> -> memref<1x128xi32, #tpu.memory_space<vmem>>
    %dma_wait3A_1646 = tpu.memref_squeeze %dma_wait3A_1645 : memref<1x128xi32, #tpu.memory_space<vmem>> -> memref<128xi32, #tpu.memory_space<vmem>>
    %dma_wait3A_1647 = arith.constant 0 : i32
    %dma_wait3A_1648 = tpu.memref_slice %arg2[%dma_wait3A_1647] : memref<10400000xf32, #tpu.memory_space<hbm>> -> memref<10400000xf32, #tpu.memory_space<hbm>>
    tpu.wait_indirect_dma semaphore(%arg12 : memref<!tpu.dma_semaphore, #tpu.memory_space<semaphore_mem>>) src(%dma_wait3A_1648 : memref<10400000xf32, #tpu.memory_space<hbm>>) dst(%dma_wait3A_1643 : memref<128xf32, #tpu.memory_space<vmem>>)
    %dma_wait3A_1649 = arith.constant 102 : i32
    %dma_wait3A_1650 = arith.constant 13056 : i32
    %dma_wait3A_1651 = tpu.memref_slice %arg9[%dma_wait3A_1650] : memref<13312xf32, #tpu.memory_space<vmem>> -> memref<128xf32, #tpu.memory_space<vmem>>
    %dma_wait3A_1652 = arith.constant 0 : i32
    %dma_wait3A_1653 = tpu.memref_slice %arg8[%dma_wait3A_1649, %dma_wait3A_1652] : memref<104x128xi32, #tpu.memory_space<vmem>> -> memref<1x128xi32, #tpu.memory_space<vmem>>
    %dma_wait3A_1654 = tpu.memref_squeeze %dma_wait3A_1653 : memref<1x128xi32, #tpu.memory_space<vmem>> -> memref<128xi32, #tpu.memory_space<vmem>>
    %dma_wait3A_1655 = arith.constant 0 : i32
    %dma_wait3A_1656 = tpu.memref_slice %arg2[%dma_wait3A_1655] : memref<10400000xf32, #tpu.memory_space<hbm>> -> memref<10400000xf32, #tpu.memory_space<hbm>>
    tpu.wait_indirect_dma semaphore(%arg12 : memref<!tpu.dma_semaphore, #tpu.memory_space<semaphore_mem>>) src(%dma_wait3A_1656 : memref<10400000xf32, #tpu.memory_space<hbm>>) dst(%dma_wait3A_1651 : memref<128xf32, #tpu.memory_space<vmem>>)
    %dma_wait3A_1657 = arith.constant 103 : i32
    %dma_wait3A_1658 = arith.constant 13184 : i32
    %dma_wait3A_1659 = tpu.memref_slice %arg9[%dma_wait3A_1658] : memref<13312xf32, #tpu.memory_space<vmem>> -> memref<128xf32, #tpu.memory_space<vmem>>
    %dma_wait3A_1660 = arith.constant 0 : i32
    %dma_wait3A_1661 = tpu.memref_slice %arg8[%dma_wait3A_1657, %dma_wait3A_1660] : memref<104x128xi32, #tpu.memory_space<vmem>> -> memref<1x128xi32, #tpu.memory_space<vmem>>
    %dma_wait3A_1662 = tpu.memref_squeeze %dma_wait3A_1661 : memref<1x128xi32, #tpu.memory_space<vmem>> -> memref<128xi32, #tpu.memory_space<vmem>>
    %dma_wait3A_1663 = arith.constant 0 : i32
    %dma_wait3A_1664 = tpu.memref_slice %arg2[%dma_wait3A_1663] : memref<10400000xf32, #tpu.memory_space<hbm>> -> memref<10400000xf32, #tpu.memory_space<hbm>>
    tpu.wait_indirect_dma semaphore(%arg12 : memref<!tpu.dma_semaphore, #tpu.memory_space<semaphore_mem>>) src(%dma_wait3A_1664 : memref<10400000xf32, #tpu.memory_space<hbm>>) dst(%dma_wait3A_1659 : memref<128xf32, #tpu.memory_space<vmem>>)
    %mul3A_1665 = arith.constant 13312 : i32
    %mul3A_1666 = arith.muli %add3A, %mul3A_1665 : i32
    "tpu.region"() ({
      %run_scoped3A = tpu.sem_alloc : memref<!tpu.dma_semaphore, #tpu.memory_space<semaphore_mem>>
      %dma_start3A_1667 = tpu.memref_slice %arg6[%mul3A_1666] : memref<425984xf32, #tpu.memory_space<hbm>> -> memref<13312xf32, #tpu.memory_space<hbm>>
      %dma_start3A_1668 = tpu.memref_slice %arg6[%mul3A_1666] : memref<425984xf32, #tpu.memory_space<hbm>> -> memref<13312xf32, #tpu.memory_space<hbm>>
      tpu.enqueue_dma source(%arg9 : memref<13312xf32, #tpu.memory_space<vmem>>) target(%dma_start3A_1668 : memref<13312xf32, #tpu.memory_space<hbm>>) target_semaphore(%run_scoped3A : memref<!tpu.dma_semaphore, #tpu.memory_space<semaphore_mem>>)
      %dma_wait3A_1669 = tpu.memref_slice %arg6[%mul3A_1666] : memref<425984xf32, #tpu.memory_space<hbm>> -> memref<13312xf32, #tpu.memory_space<hbm>>
      %dma_wait3A_1670 = tpu.memref_slice %arg6[%mul3A_1666] : memref<425984xf32, #tpu.memory_space<hbm>> -> memref<13312xf32, #tpu.memory_space<hbm>>
      tpu.wait_dma2 semaphore(%run_scoped3A : memref<!tpu.dma_semaphore, #tpu.memory_space<semaphore_mem>>) src(%arg9 : memref<13312xf32, #tpu.memory_space<vmem>>) dst(%dma_wait3A_1670 : memref<13312xf32, #tpu.memory_space<hbm>>)
      tpu.yield
    }) : () -> ()
    return
  }
}

module attributes {stable_mosaic.version = 14 : i64} {
  func.func @_tc_body(%arg0: memref<4x26x4096xf32, #tpu.memory_space<vmem>>, %arg1: memref<13x4096xf32, #tpu.memory_space<vmem>>, %arg2: memref<13x1xf32, #tpu.memory_space<vmem>>, %arg3: memref<128x128xf32, #tpu.memory_space<vmem>>, %arg4: memref<1x4096xf32, #tpu.memory_space<vmem>>) attributes {dimension_semantics = [], scalar_prefetch = 0 : i64, scratch_operands = 0 : i64, tpu.core_type = #tpu.core_type<tc>} {
    %get3A = arith.constant 0 : index
    %get3A_0 = arith.constant 0 : index
    %get3A_1 = vector.load %arg1[%get3A, %get3A_0] : memref<13x4096xf32, #tpu.memory_space<vmem>>, vector<13x4096xf32>
    %get3A_2 = arith.constant 0 : index
    %get3A_3 = arith.constant 0 : index
    %get3A_4 = vector.load %arg2[%get3A_2, %get3A_3] : memref<13x1xf32, #tpu.memory_space<vmem>>, vector<13x1xf32>
    %mul3A = vector.broadcast %get3A_4 : vector<13x1xf32> to vector<13x4096xf32>
    %mul3A_5 = arith.mulf %get3A_1, %mul3A : vector<13x4096xf32>
    %broadcast_in_dim3A = arith.constant 0.000000e+00 : f32
    %broadcast_in_dim3A_6 = vector.broadcast %broadcast_in_dim3A : f32 to vector<89x4096xf32>
    %get3A_7 = arith.constant 0 : index
    %get3A_8 = arith.constant 0 : index
    %get3A_9 = arith.constant 0 : index
    %get3A_10 = vector.load %arg0[%get3A_7, %get3A_8, %get3A_9] : memref<4x26x4096xf32, #tpu.memory_space<vmem>>, vector<1x26x4096xf32>
    %get3A_11 = vector.shape_cast %get3A_10 : vector<1x26x4096xf32> to vector<26x4096xf32>
    %concatenate3A = tpu.concatenate %get3A_11, %mul3A_5, %broadcast_in_dim3A_6 in 0 : vector<26x4096xf32>, vector<13x4096xf32>, vector<89x4096xf32> -> vector<128x4096xf32>
    %get3A_12 = arith.constant 1 : index
    %get3A_13 = arith.constant 0 : index
    %get3A_14 = arith.constant 0 : index
    %get3A_15 = vector.load %arg0[%get3A_12, %get3A_13, %get3A_14] : memref<4x26x4096xf32, #tpu.memory_space<vmem>>, vector<1x26x4096xf32>
    %get3A_16 = vector.shape_cast %get3A_15 : vector<1x26x4096xf32> to vector<26x4096xf32>
    %concatenate3A_17 = tpu.concatenate %get3A_16, %mul3A_5, %broadcast_in_dim3A_6 in 0 : vector<26x4096xf32>, vector<13x4096xf32>, vector<89x4096xf32> -> vector<128x4096xf32>
    %get3A_18 = arith.constant 2 : index
    %get3A_19 = arith.constant 0 : index
    %get3A_20 = arith.constant 0 : index
    %get3A_21 = vector.load %arg0[%get3A_18, %get3A_19, %get3A_20] : memref<4x26x4096xf32, #tpu.memory_space<vmem>>, vector<1x26x4096xf32>
    %get3A_22 = vector.shape_cast %get3A_21 : vector<1x26x4096xf32> to vector<26x4096xf32>
    %concatenate3A_23 = tpu.concatenate %get3A_22, %mul3A_5, %broadcast_in_dim3A_6 in 0 : vector<26x4096xf32>, vector<13x4096xf32>, vector<89x4096xf32> -> vector<128x4096xf32>
    %get3A_24 = arith.constant 3 : index
    %get3A_25 = arith.constant 0 : index
    %get3A_26 = arith.constant 0 : index
    %get3A_27 = vector.load %arg0[%get3A_24, %get3A_25, %get3A_26] : memref<4x26x4096xf32, #tpu.memory_space<vmem>>, vector<1x26x4096xf32>
    %get3A_28 = vector.shape_cast %get3A_27 : vector<1x26x4096xf32> to vector<26x4096xf32>
    %concatenate3A_29 = tpu.concatenate %get3A_28, %mul3A_5, %broadcast_in_dim3A_6 in 0 : vector<26x4096xf32>, vector<13x4096xf32>, vector<89x4096xf32> -> vector<128x4096xf32>
    %dot_general3A = arith.constant dense<0.000000e+00> : vector<128x128xf32>
    %dot_general3A_30 = tpu.matmul %concatenate3A, %concatenate3A, %dot_general3A {dimension_numbers = #tpu.dot_dimension_numbers<[1], [1], [0], [0], [0, 0, 1, 0], [], []>, precision = #tpu.contract_precision<fp32>, transpose_lhs_hint = false} : vector<128x4096xf32>, vector<128x4096xf32>, vector<128x128xf32> -> vector<128x128xf32>
    %dot_general3A_31 = arith.constant dense<0.000000e+00> : vector<128x128xf32>
    %dot_general3A_32 = tpu.matmul %concatenate3A_17, %concatenate3A_17, %dot_general3A_31 {dimension_numbers = #tpu.dot_dimension_numbers<[1], [1], [0], [0], [0, 0, 1, 0], [], []>, precision = #tpu.contract_precision<fp32>, transpose_lhs_hint = false} : vector<128x4096xf32>, vector<128x4096xf32>, vector<128x128xf32> -> vector<128x128xf32>
    %add3A = arith.addf %dot_general3A_30, %dot_general3A_32 : vector<128x128xf32>
    %dot_general3A_33 = arith.constant dense<0.000000e+00> : vector<128x128xf32>
    %dot_general3A_34 = tpu.matmul %concatenate3A_23, %concatenate3A_23, %dot_general3A_33 {dimension_numbers = #tpu.dot_dimension_numbers<[1], [1], [0], [0], [0, 0, 1, 0], [], []>, precision = #tpu.contract_precision<fp32>, transpose_lhs_hint = false} : vector<128x4096xf32>, vector<128x4096xf32>, vector<128x128xf32> -> vector<128x128xf32>
    %add3A_35 = arith.addf %add3A, %dot_general3A_34 : vector<128x128xf32>
    %dot_general3A_36 = arith.constant dense<0.000000e+00> : vector<128x128xf32>
    %dot_general3A_37 = tpu.matmul %concatenate3A_29, %concatenate3A_29, %dot_general3A_36 {dimension_numbers = #tpu.dot_dimension_numbers<[1], [1], [0], [0], [0, 0, 1, 0], [], []>, precision = #tpu.contract_precision<fp32>, transpose_lhs_hint = false} : vector<128x4096xf32>, vector<128x4096xf32>, vector<128x128xf32> -> vector<128x128xf32>
    %add3A_38 = arith.addf %add3A_35, %dot_general3A_37 : vector<128x128xf32>
    %mul3A_39 = arith.constant 2.44140625E-4 : f32
    %mul3A_40 = vector.broadcast %mul3A_39 : f32 to vector<128x128xf32>
    %mul3A_41 = arith.mulf %add3A_38, %mul3A_40 : vector<128x128xf32>
    %mul3A_42 = arith.mulf %concatenate3A, %concatenate3A : vector<128x4096xf32>
    %dot_general3A_43 = arith.constant dense<0.000000e+00> : vector<128x128xf32>
    %dot_general3A_44 = tpu.matmul %mul3A_42, %mul3A_42, %dot_general3A_43 {dimension_numbers = #tpu.dot_dimension_numbers<[1], [1], [0], [0], [0, 0, 1, 0], [], []>, precision = #tpu.contract_precision<fp32>, transpose_lhs_hint = false} : vector<128x4096xf32>, vector<128x4096xf32>, vector<128x128xf32> -> vector<128x128xf32>
    %mul3A_45 = arith.mulf %concatenate3A, %concatenate3A_17 : vector<128x4096xf32>
    %dot_general3A_46 = arith.constant dense<0.000000e+00> : vector<128x128xf32>
    %dot_general3A_47 = tpu.matmul %mul3A_45, %mul3A_45, %dot_general3A_46 {dimension_numbers = #tpu.dot_dimension_numbers<[1], [1], [0], [0], [0, 0, 1, 0], [], []>, precision = #tpu.contract_precision<fp32>, transpose_lhs_hint = false} : vector<128x4096xf32>, vector<128x4096xf32>, vector<128x128xf32> -> vector<128x128xf32>
    %mul3A_48 = arith.constant 2.000000e+00 : f32
    %mul3A_49 = vector.broadcast %mul3A_48 : f32 to vector<128x128xf32>
    %mul3A_50 = arith.mulf %dot_general3A_47, %mul3A_49 : vector<128x128xf32>
    %add3A_51 = arith.addf %dot_general3A_44, %mul3A_50 : vector<128x128xf32>
    %mul3A_52 = arith.mulf %concatenate3A, %concatenate3A_23 : vector<128x4096xf32>
    %dot_general3A_53 = arith.constant dense<0.000000e+00> : vector<128x128xf32>
    %dot_general3A_54 = tpu.matmul %mul3A_52, %mul3A_52, %dot_general3A_53 {dimension_numbers = #tpu.dot_dimension_numbers<[1], [1], [0], [0], [0, 0, 1, 0], [], []>, precision = #tpu.contract_precision<fp32>, transpose_lhs_hint = false} : vector<128x4096xf32>, vector<128x4096xf32>, vector<128x128xf32> -> vector<128x128xf32>
    %mul3A_55 = arith.constant 2.000000e+00 : f32
    %mul3A_56 = vector.broadcast %mul3A_55 : f32 to vector<128x128xf32>
    %mul3A_57 = arith.mulf %dot_general3A_54, %mul3A_56 : vector<128x128xf32>
    %add3A_58 = arith.addf %add3A_51, %mul3A_57 : vector<128x128xf32>
    %mul3A_59 = arith.mulf %concatenate3A, %concatenate3A_29 : vector<128x4096xf32>
    %dot_general3A_60 = arith.constant dense<0.000000e+00> : vector<128x128xf32>
    %dot_general3A_61 = tpu.matmul %mul3A_59, %mul3A_59, %dot_general3A_60 {dimension_numbers = #tpu.dot_dimension_numbers<[1], [1], [0], [0], [0, 0, 1, 0], [], []>, precision = #tpu.contract_precision<fp32>, transpose_lhs_hint = false} : vector<128x4096xf32>, vector<128x4096xf32>, vector<128x128xf32> -> vector<128x128xf32>
    %mul3A_62 = arith.constant 2.000000e+00 : f32
    %mul3A_63 = vector.broadcast %mul3A_62 : f32 to vector<128x128xf32>
    %mul3A_64 = arith.mulf %dot_general3A_61, %mul3A_63 : vector<128x128xf32>
    %add3A_65 = arith.addf %add3A_58, %mul3A_64 : vector<128x128xf32>
    %mul3A_66 = arith.mulf %concatenate3A_17, %concatenate3A_17 : vector<128x4096xf32>
    %dot_general3A_67 = arith.constant dense<0.000000e+00> : vector<128x128xf32>
    %dot_general3A_68 = tpu.matmul %mul3A_66, %mul3A_66, %dot_general3A_67 {dimension_numbers = #tpu.dot_dimension_numbers<[1], [1], [0], [0], [0, 0, 1, 0], [], []>, precision = #tpu.contract_precision<fp32>, transpose_lhs_hint = false} : vector<128x4096xf32>, vector<128x4096xf32>, vector<128x128xf32> -> vector<128x128xf32>
    %add3A_69 = arith.addf %add3A_65, %dot_general3A_68 : vector<128x128xf32>
    %mul3A_70 = arith.mulf %concatenate3A_17, %concatenate3A_23 : vector<128x4096xf32>
    %dot_general3A_71 = arith.constant dense<0.000000e+00> : vector<128x128xf32>
    %dot_general3A_72 = tpu.matmul %mul3A_70, %mul3A_70, %dot_general3A_71 {dimension_numbers = #tpu.dot_dimension_numbers<[1], [1], [0], [0], [0, 0, 1, 0], [], []>, precision = #tpu.contract_precision<fp32>, transpose_lhs_hint = false} : vector<128x4096xf32>, vector<128x4096xf32>, vector<128x128xf32> -> vector<128x128xf32>
    %mul3A_73 = arith.constant 2.000000e+00 : f32
    %mul3A_74 = vector.broadcast %mul3A_73 : f32 to vector<128x128xf32>
    %mul3A_75 = arith.mulf %dot_general3A_72, %mul3A_74 : vector<128x128xf32>
    %add3A_76 = arith.addf %add3A_69, %mul3A_75 : vector<128x128xf32>
    %mul3A_77 = arith.mulf %concatenate3A_17, %concatenate3A_29 : vector<128x4096xf32>
    %dot_general3A_78 = arith.constant dense<0.000000e+00> : vector<128x128xf32>
    %dot_general3A_79 = tpu.matmul %mul3A_77, %mul3A_77, %dot_general3A_78 {dimension_numbers = #tpu.dot_dimension_numbers<[1], [1], [0], [0], [0, 0, 1, 0], [], []>, precision = #tpu.contract_precision<fp32>, transpose_lhs_hint = false} : vector<128x4096xf32>, vector<128x4096xf32>, vector<128x128xf32> -> vector<128x128xf32>
    %mul3A_80 = arith.constant 2.000000e+00 : f32
    %mul3A_81 = vector.broadcast %mul3A_80 : f32 to vector<128x128xf32>
    %mul3A_82 = arith.mulf %dot_general3A_79, %mul3A_81 : vector<128x128xf32>
    %add3A_83 = arith.addf %add3A_76, %mul3A_82 : vector<128x128xf32>
    %mul3A_84 = arith.mulf %concatenate3A_23, %concatenate3A_23 : vector<128x4096xf32>
    %dot_general3A_85 = arith.constant dense<0.000000e+00> : vector<128x128xf32>
    %dot_general3A_86 = tpu.matmul %mul3A_84, %mul3A_84, %dot_general3A_85 {dimension_numbers = #tpu.dot_dimension_numbers<[1], [1], [0], [0], [0, 0, 1, 0], [], []>, precision = #tpu.contract_precision<fp32>, transpose_lhs_hint = false} : vector<128x4096xf32>, vector<128x4096xf32>, vector<128x128xf32> -> vector<128x128xf32>
    %add3A_87 = arith.addf %add3A_83, %dot_general3A_86 : vector<128x128xf32>
    %mul3A_88 = arith.mulf %concatenate3A_23, %concatenate3A_29 : vector<128x4096xf32>
    %dot_general3A_89 = arith.constant dense<0.000000e+00> : vector<128x128xf32>
    %dot_general3A_90 = tpu.matmul %mul3A_88, %mul3A_88, %dot_general3A_89 {dimension_numbers = #tpu.dot_dimension_numbers<[1], [1], [0], [0], [0, 0, 1, 0], [], []>, precision = #tpu.contract_precision<fp32>, transpose_lhs_hint = false} : vector<128x4096xf32>, vector<128x4096xf32>, vector<128x128xf32> -> vector<128x128xf32>
    %mul3A_91 = arith.constant 2.000000e+00 : f32
    %mul3A_92 = vector.broadcast %mul3A_91 : f32 to vector<128x128xf32>
    %mul3A_93 = arith.mulf %dot_general3A_90, %mul3A_92 : vector<128x128xf32>
    %add3A_94 = arith.addf %add3A_87, %mul3A_93 : vector<128x128xf32>
    %mul3A_95 = arith.mulf %concatenate3A_29, %concatenate3A_29 : vector<128x4096xf32>
    %dot_general3A_96 = arith.constant dense<0.000000e+00> : vector<128x128xf32>
    %dot_general3A_97 = tpu.matmul %mul3A_95, %mul3A_95, %dot_general3A_96 {dimension_numbers = #tpu.dot_dimension_numbers<[1], [1], [0], [0], [0, 0, 1, 0], [], []>, precision = #tpu.contract_precision<fp32>, transpose_lhs_hint = false} : vector<128x4096xf32>, vector<128x4096xf32>, vector<128x128xf32> -> vector<128x128xf32>
    %add3A_98 = arith.addf %add3A_94, %dot_general3A_97 : vector<128x128xf32>
    %mul3A_99 = arith.constant 2.44140625E-4 : f32
    %mul3A_100 = vector.broadcast %mul3A_99 : f32 to vector<128x128xf32>
    %mul3A_101 = arith.mulf %add3A_98, %mul3A_100 : vector<128x128xf32>
    %mul3A_102 = arith.mulf %mul3A_41, %mul3A_41 : vector<128x128xf32>
    %sub3A = arith.subf %mul3A_101, %mul3A_102 : vector<128x128xf32>
    %iota3A = tpu.iota {dimensions = array<i32: 0>} : vector<128x128xi32>
    %iota3A_103 = tpu.iota {dimensions = array<i32: 1>} : vector<128x128xi32>
    %lt3A = arith.cmpi slt, %iota3A, %iota3A_103 : vector<128x128xi32>
    %lt3A_104 = arith.constant 39 : i32
    %lt3A_105 = vector.broadcast %lt3A_104 : i32 to vector<128x128xi32>
    %lt3A_106 = arith.cmpi slt, %iota3A_103, %lt3A_105 : vector<128x128xi32>
    %and3A = arith.andi %lt3A, %lt3A_106 : vector<128x128xi1>
    %get3A_107 = arith.constant 0 : index
    %get3A_108 = arith.constant 0 : index
    %get3A_109 = vector.load %arg3[%get3A_107, %get3A_108] : memref<128x128xf32, #tpu.memory_space<vmem>>, vector<128x128xf32>
    %jit3A = arith.constant 0.000000e+00 : f32
    %broadcast_in_dim3A_110 = vector.broadcast %jit3A : f32 to vector<128x128xf32>
    %select_n3A = arith.select %and3A, %get3A_109, %broadcast_in_dim3A_110 : vector<128x128xi1>, vector<128x128xf32>
    %tanh3A = math.tanh %select_n3A : vector<128x128xf32>
    %add3A_111 = arith.constant 1.000000e-03 : f32
    %add3A_112 = vector.broadcast %add3A_111 : f32 to vector<128x128xf32>
    %add3A_113 = arith.addf %sub3A, %add3A_112 : vector<128x128xf32>
    %rsqrt3A = math.rsqrt %add3A_113 : vector<128x128xf32>
    %mul3A_114 = arith.mulf %tanh3A, %rsqrt3A : vector<128x128xf32>
    %mul3A_115 = arith.mulf %mul3A_114, %mul3A_41 : vector<128x128xf32>
    %reduce_sum3A = vector.shape_cast %mul3A_115 : vector<128x128xf32> to vector<1x128x128xf32>
    %reduce_sum3A_116 = arith.constant dense<0.000000e+00> : vector<1xf32>
    %reduce_sum3A_117 = vector.multi_reduction <add>, %reduce_sum3A, %reduce_sum3A_116 [1, 2] : vector<1x128x128xf32> to vector<1xf32>
    %reduce_sum3A_118 = vector.shape_cast %reduce_sum3A_117 : vector<1xf32> to vector<1x1x1xf32>
    %reduce_sum3A_119 = vector.extract %reduce_sum3A_118[0, 0, 0] : f32 from vector<1x1x1xf32>
    %dot_general3A_120 = arith.constant dense<0.000000e+00> : vector<128x4096xf32>
    %dot_general3A_121 = tpu.matmul %mul3A_114, %concatenate3A, %dot_general3A_120 {dimension_numbers = #tpu.dot_dimension_numbers<[0], [0], [1], [1], [0, 1, 1, 1], [], []>, precision = #tpu.contract_precision<fp32>, transpose_lhs_hint = false} : vector<128x128xf32>, vector<128x4096xf32>, vector<128x4096xf32> -> vector<128x4096xf32>
    %mul3A_122 = arith.mulf %dot_general3A_121, %concatenate3A : vector<128x4096xf32>
    %dot_general3A_123 = arith.constant dense<0.000000e+00> : vector<128x4096xf32>
    %dot_general3A_124 = tpu.matmul %mul3A_114, %concatenate3A_17, %dot_general3A_123 {dimension_numbers = #tpu.dot_dimension_numbers<[0], [0], [1], [1], [0, 1, 1, 1], [], []>, precision = #tpu.contract_precision<fp32>, transpose_lhs_hint = false} : vector<128x128xf32>, vector<128x4096xf32>, vector<128x4096xf32> -> vector<128x4096xf32>
    %mul3A_125 = arith.mulf %dot_general3A_124, %concatenate3A_17 : vector<128x4096xf32>
    %add3A_126 = arith.addf %mul3A_122, %mul3A_125 : vector<128x4096xf32>
    %dot_general3A_127 = arith.constant dense<0.000000e+00> : vector<128x4096xf32>
    %dot_general3A_128 = tpu.matmul %mul3A_114, %concatenate3A_23, %dot_general3A_127 {dimension_numbers = #tpu.dot_dimension_numbers<[0], [0], [1], [1], [0, 1, 1, 1], [], []>, precision = #tpu.contract_precision<fp32>, transpose_lhs_hint = false} : vector<128x128xf32>, vector<128x4096xf32>, vector<128x4096xf32> -> vector<128x4096xf32>
    %mul3A_129 = arith.mulf %dot_general3A_128, %concatenate3A_23 : vector<128x4096xf32>
    %add3A_130 = arith.addf %add3A_126, %mul3A_129 : vector<128x4096xf32>
    %dot_general3A_131 = arith.constant dense<0.000000e+00> : vector<128x4096xf32>
    %dot_general3A_132 = tpu.matmul %mul3A_114, %concatenate3A_29, %dot_general3A_131 {dimension_numbers = #tpu.dot_dimension_numbers<[0], [0], [1], [1], [0, 1, 1, 1], [], []>, precision = #tpu.contract_precision<fp32>, transpose_lhs_hint = false} : vector<128x128xf32>, vector<128x4096xf32>, vector<128x4096xf32> -> vector<128x4096xf32>
    %mul3A_133 = arith.mulf %dot_general3A_132, %concatenate3A_29 : vector<128x4096xf32>
    %add3A_134 = arith.addf %add3A_130, %mul3A_133 : vector<128x4096xf32>
    %reduce_sum3A_135 = arith.constant dense<0.000000e+00> : vector<4096xf32>
    %reduce_sum3A_136 = vector.multi_reduction <add>, %add3A_134, %reduce_sum3A_135 [0] : vector<128x4096xf32> to vector<4096xf32>
    %broadcast_in_dim3A_137 = vector.shape_cast %reduce_sum3A_136 : vector<4096xf32> to vector<1x4096xf32>
    %sub3A_138 = vector.broadcast %reduce_sum3A_119 : f32 to vector<1x4096xf32>
    %sub3A_139 = arith.subf %broadcast_in_dim3A_137, %sub3A_138 : vector<1x4096xf32>
    %swap3A = arith.constant 0 : index
    %swap3A_140 = arith.constant 0 : index
    %swap3A_141 = vector.load %arg4[%swap3A, %swap3A_140] : memref<1x4096xf32, #tpu.memory_space<vmem>>, vector<1x4096xf32>
    tpu.vector_store %arg4[%swap3A, %swap3A_140], %sub3A_139 {strides = array<i32>} : memref<1x4096xf32, #tpu.memory_space<vmem>>, vector<1x4096xf32>,
    return
  }
}

</mosaic_0001>

<sc_bundles>
// kernel: kernel.4.cloned.1.call-start
scs
__scs_entry_jumppad:
0x0: {  	(pc) =	sbr.rel $0x88, $3  }
0x1: {  	(tag) =	ssettag $0x0;
	lr =	simm.s32 $0x1  }
0x2: {  	[smem:$0x3F9D] =	sst lr;
	_ =	strace $0xD0000000  }
0x3: {  	_ = 	snop  }
0x4: {  	_ = 	snop  }
0x5: {  	_ = 	snop  }
0x6: {  	_ = 	snop  }
0x7: {  	_ = 	snop  }
__scs_overlays_trampoline_lowered:
0x8: {  	[smem:$0x3FAC] =	sst s0  }
0x9: {  	[smem:$0x3FAD] =	sst s1  }
0xa: {  	[smem:$0x3FAE] =	sst s2  }
0xb: {  	[smem:$0x3FAF] =	sst s3  }
0xc: {  	[smem:$0x3FB0] =	sst s4  }
0xd: {  	[smem:$0x3FB1] =	sst s5  }
0xe: {  	[smem:$0x3FB2] =	sst s6  }
0xf: {  	[smem:$0x3FB3] =	sst s7  }
0x10: {  	[smem:$0x3FB4] =	sst s8  }
0x11: {  	[smem:$0x3FB5] =	sst s9;
	s0 =	simm.s32 @!p0 $0x0  }
0x12: {  	s1 =	sld [smem:$0x3F9B];
	s0 =	simm.s32 @p0 $0x1  }
0x13: {  	[smem:$0x3FB6] =	sst s0;
	s0 =	simm.s32 @!p1 $0x0  }
0x14: {  	s2 =	sld [smem:$0x3F9A];
	s0 =	simm.s32 @p1 $0x1  }
0x15: {  	[smem:$0x3FB7] =	sst s0;
	s0 =	simm.s32 @!p2 $0x0  }
0x16: {  	s3 =	sld [smem:$0x3FDB];
	s0 =	simm.s32 @p2 $0x1  }
0x17: {  	s4 =	simm.s32 $0x1BF5;
	[smem:$0x3FB9] =	sst s0  }
0x18: {  	s0 =	sld [smem:$0x3F9C];
	_ =	swait.ge [sflag:s4], $0x0  }
0x19: {  	s7 =	sld [smem:$0x3F9D]  }
0x1a: {  	s8 =	sadd.s32 $0xFFFFE003, lr  }
0x1b: {  	s9 =	sadd.s32 $0xFFFFFEF7, lr;
	s5 =	simm.s32 $0xFFFFFFFF;
	p2 =	slt.u32 s8, $0xFFFFF086  }
0x1c: {  	p1 =	slt.u32 s9, $0xF7A;
	s5 =	simm.s32 @!p2 $0x0  }
0x1d: {  	s5 =	simm.s32 @p1 $0x1;
	p0 =	seq.s32 s7, s2  }
0x1e: {  	s7 =	smul.u32 @!p0 $0xF7A, s2;
	p2 =	seq.s32 @!p0 s5, $0x0  }
0x1f: {  	s9 =	smul.u32 $0xF7A, s1;
	s8 =	simm.s32 @!p0 $0x1BF5;
	p2 =	por !p2, p0  }
0x20: {  	[sflag:s8] =	ssyncset.s32 @!p0 $0xFFFFF086;
	s6 =	sadd.s32 @!p0 s3, s7;
	s7 =	simm.s32 @!p0 $0x108  }
0x21: {  	s3 =	sadd.s32 s3, s9;
	s6 =	sadd.s32 @!p0 $0x88, s6;
	s7 =	simm.s32 @p2 $0x1082  }
0x22: {  	[simem:s7], [sflag:s8] =	dma.local @!p0 [hbm:s6], $0xF7A  }
0x23: {  	s9 =	sor.u32 $0xD0000000, s2;
	s6 =	simm.s32 $0x108;
	_ =	swait.ge @!p0 [sflag:s8], $0x0  }
0x24: {  	s3 =	sadd.s32 $0x88, s3;
	s6 =	simm.s32 @!p1 $0x1082;
	[sflag:s4] =	ssyncset.s32 $0xFFFFF086  }
0x25: {  	[simem:s6], [sflag:s4] =	dma.local [hbm:s3], $0xF7A  }
0x26: {  	[smem:$0x3F9D] =	sst s1;
	(tag) =	ssettag s2;
	_ =	strace s9  }
0x27: {  	s1 =	sld [smem:$0x3FAD]  }
0x28: {  	s2 =	sld [smem:$0x3FAE]  }
0x29: {  	s4 =	sld [smem:$0x3FB0]  }
0x2a: {  	p0 =	seq.s32 s5, $0x0;
	s5 =	sld [smem:$0x3FB1]  }
0x2b: {  	s6 =	sld [smem:$0x3FB2]  }
0x2c: {  	s7 =	sld [smem:$0x3FB3]  }
0x2d: {  	s3 =	simm.s32 $0x108;
	s8 =	sld [smem:$0x3FB4]  }
0x2e: {  	s3 =	simm.s32 @!p0 $0x1082;
	s9 =	sld [smem:$0x3FB5]  }
0x2f: {  	lr =	sadd.s32 s0, s3;
	s0 =	sld [smem:$0x3FAC]  }
0x30: {  	s3 =	sld [smem:$0x3FAF]  }
0x31: {  	[smem:$0x3FB8] =	sst s10  }
0x32: {  	s10 =	sld [smem:$0x3FB6];
	_ =	sdelay $0x3  }
0x33: {  	p0 =	seq.s32 s10, $0x1;
	s10 =	sld [smem:$0x3FB8];
	_ =	sdelay $0x3  }
0x34: {  	[smem:$0x3FB8] =	sst s10  }
0x35: {  	s10 =	sld [smem:$0x3FB7];
	_ =	sdelay $0x3  }
0x36: {  	p1 =	seq.s32 s10, $0x1;
	s10 =	sld [smem:$0x3FB8];
	_ =	sdelay $0x3  }
0x37: {  	[smem:$0x3FB8] =	sst s10  }
0x38: {  	s10 =	sld [smem:$0x3FB9]  }
0x39: {  	_ = 	snop;
	(pc) =	sbr.ind lr, $3  }
0x3a: {  	_ = 	snop  }
0x3b: {  	_ = 	snop  }
0x3c: {  	p2 =	seq.s32 s10, $0x1;
	s10 =	sld [smem:$0x3FB8]  }
0x3d: {  	_ =	shalt  }
0x3e: {  	_ =	shalt  }
0x3f: {  	_ =	shalt  }
0x40: {  	_ =	shalt  }
0x41: {  	_ =	shalt  }
0x42: {  	_ =	shalt  }
0x43: {  	_ =	shalt  }
0x44: {  	_ =	shalt  }
0x45: {  	_ =	shalt  }
0x46: {  	_ =	shalt  }
0x47: {  	_ =	shalt  }
0x48: {  	_ =	shalt  }
0x49: {  	_ =	shalt  }
0x4a: {  	_ =	shalt  }
0x4b: {  	_ =	shalt  }
0x4c: {  	_ =	shalt  }
0x4d: {  	_ =	shalt  }
0x4e: {  	_ =	shalt  }
0x4f: {  	_ =	shalt  }
0x50: {  	_ =	shalt  }
0x51: {  	_ =	shalt  }
0x52: {  	_ =	shalt  }
0x53: {  	_ =	shalt  }
0x54: {  	_ =	shalt  }
0x55: {  	_ =	shalt  }
0x56: {  	_ =	shalt  }
0x57: {  	_ =	shalt  }
0x58: {  	_ =	shalt  }
0x59: {  	_ =	shalt  }
0x5a: {  	_ =	shalt  }
0x5b: {  	_ =	shalt  }
0x5c: {  	_ =	shalt  }
0x5d: {  	_ =	shalt  }
0x5e: {  	_ =	shalt  }
0x5f: {  	_ =	shalt  }
0x60: {  	_ =	shalt  }
0x61: {  	_ =	shalt  }
0x62: {  	_ =	shalt  }
0x63: {  	_ =	shalt  }
0x64: {  	_ =	shalt  }
0x65: {  	_ =	shalt  }
0x66: {  	_ =	shalt  }
0x67: {  	_ =	shalt  }
0x68: {  	_ =	shalt  }
0x69: {  	_ =	shalt  }
0x6a: {  	_ =	shalt  }
0x6b: {  	_ =	shalt  }
0x6c: {  	_ =	shalt  }
0x6d: {  	_ =	shalt  }
0x6e: {  	_ =	shalt  }
0x6f: {  	_ =	shalt  }
0x70: {  	_ =	shalt  }
0x71: {  	_ =	shalt  }
0x72: {  	_ =	shalt  }
0x73: {  	_ =	shalt  }
0x74: {  	_ =	shalt  }
0x75: {  	_ =	shalt  }
0x76: {  	_ =	shalt  }
0x77: {  	_ =	shalt  }
0x78: {  	_ =	shalt  }
0x79: {  	_ =	shalt  }
0x7a: {  	_ =	shalt  }
0x7b: {  	_ =	shalt  }
0x7c: {  	_ =	shalt  }
0x7d: {  	_ =	shalt  }
0x7e: {  	_ =	shalt  }
0x7f: {  	_ =	shalt  }
0x80: {  	_ =	shalt  }
0x81: {  	_ =	shalt  }
0x82: {  	_ =	shalt  }
0x83: {  	_ =	shalt  }
0x84: {  	_ =	shalt  }
0x85: {  	_ =	shalt  }
0x86: {  	_ =	shalt  }
0x87: {  	_ =	shalt  }
.Lfunc_end0:
.L_simem_size_0:
called_computation_lowered:
.L_overlay_start_0:
0x88: {  	s2 =	sld [smem:$0x3FD9]  }
0x89: {  	s3 =	sld [smem:$0x3FFE];
	_ =	sdelay $0x1  }
0x8a: {  	s1 =	srdreg.scid  }
0x8b: {  	s0 =	sand.u32 $0x1, s1  }
0x8c: {  	s17 =	sshll.u32 s0, $0xA;
	s2 =	sadd.s32 s3, s2  }
0x8d: {  	s2 =	sadd.s32 s2, s17  }
0x8e: {  	[smem:$0x3FC4] =	sst s2  }
0x8f: {  	_ = 	snop  }
0x90: {  	s2 =	sld [smem:$0x3FD0];
	(tm) =	ssettm $0x1  }
0x91: {  	s18 =	sld [smem:$0x3FFB];
	_ =	sdelay $0x3  }
0x92: {  	_ =	strace s18  }
0x93: {  	s3 =	sld [smem:$0x3FFC];
	_ =	sdelay $0x3  }
0x94: {  	_ =	strace s3  }
0x95: {  	s3 =	sld [smem:$0x3FFD];
	_ =	sdelay $0x3  }
0x96: {  	_ =	strace s3  }
0x97: {  	_ =	strace $0x8FFFFFFF  }
0x98: {  	s19 =	sld [smem:$0x3FDB];
	_ =	sdelay $0x1  }
0x99: {  	s4 =	simm.s32 $_scs_section_size  }
0x9a: {  	s5 =	simm.s32 $_size__tile_overlayer_lowered;
	s6 =	simm.s32 $_tile_overlayer_lowered  }
0x9b: {  	s22 =	simm.s32 $0x1BFF;
	s21 =	sshll.u32 s6, $0x1;
	s3 =	sadd.s32 s4, s19  }
0x9c: {  	s7 =	simm.s32 $0x0;
	s20 =	sshll.u32 s5, $0x1;
	s5 =	sadd.s32 s21, s3  }
0x9d: {  	[timem:s7], [sflag:s22] =	dma.local [hbm:s5], s20  }
0x9e: {  	_ =	swait.ge [sflag:s22], s20  }
0x9f: {  	s4 =	ssub.s32 $0x0, s20;
	[sflag:s22] =	ssyncset.done $0x0  }
0xa0: {  	[sflag:s22] =	ssyncadd.s32 s4;
	_ =	sdelay $0x1  }
0xa1: {  	s23 =	simm.s32 $0x1B8B  }
0xa2: {  	_ =	swait.ge [sflag:s23], $0x1  }
0xa3: {  	[sflag:s23] =	ssyncset.done $0x0  }
0xa4: {  	s25 =	simm.s32 $0x1B8E;
	s24 =	sld [smem:$0x3FFE];
	[sflag:s23] =	ssyncadd.s32 $0xFFFFFFFF  }
0xa5: {  	s26 =	simm.s32 $execute0_lowered;
	[smem:$0x3FD2] =	sst s25  }
0xa6: {  	s5 =	sshll.u32 s26, $0x1;
	_ =	strace $0x80000046;
	[dreg:$0x1] =	wrdreg $0xFFFFFFFF  }
0xa7: {  	s28 =	simm.s32 $_size_execute0_lowered;
	s3 =	sadd.s32 s3, s5;
	[dreg:$0x0] =	wrdreg $0x0  }
0xa8: {  	s5 =	sshll.u32 s28, $0x1;
	[dreg:$0x2] =	wrdreg s3  }
0xa9: {  	[dreg:$0x3] =	wrdreg s5  }
0xaa: {  	[dreg:$0x4] =	wrdreg $0xC0  }
0xab: {  	_ =	task [dreg:s7], $0x5FFFF  }
0xac: {  	[dreg:$0x1] =	wrdreg $0xFFFFFFFF  }
0xad: {  	[dreg:$0x0] =	wrdreg $0x60  }
0xae: {  	[dreg:$0x2] =	wrdreg s24  }
0xaf: {  	[dreg:$0x3] =	wrdreg s2  }
0xb0: {  	[dreg:$0x4] =	wrdreg $0x9  }
0xb1: {  	_ =	task.clear_ibuf [dreg:s7], $0x5FFFF;
	_ =	strace $0x90000046  }
0xb2: {  	s29 =	simm.s32 $0x9;
	_ =	strace $0x80000048  }
0xb3: {  	_ =	swait.ge [sflag:s29], $0x1  }
0xb4: {  	[sflag:s29] =	ssyncadd.s32 $0xFFFFFFFF  }
0xb5: {  	_ =	strace $0x90000048  }
0xb6: {  	_ =	sfence  }
0xb7: {  	s30 =	sld [smem:$0x0];
	_ =	sdelay $0x2  }
0xb8: {  	s31 =	sshll.u32 s1, $0xD;
	s1 =	sshrl.u32 s1, $0x2  }
0xb9: {  	s3 =	sand.u32 $0x4000, s31;
	s1 =	sadd.s32 s1, s30  }
0xba: {  	s0 =	sor.u32 s3, s0;
	s1 =	sshll.u32 s1, $0x11  }
0xbb: {  	s0 =	sor.u32 s1, s0  }
0xbc: {  	s0 =	sadd.s32 $0x8F2B, s0  }
0xbd: {  	[sflag:s0] =	ssyncadd.remote.s32 $0x1  }
0xbe: {  	_ =	sfence.sel $0xFFFF  }
0xbf: {  	[dreg:$0x0] =	wrdreg $0xFFFFFFFF;
	(pc) =	sbr.abs _section_cstart, $3  }
0xc0: {  	[dreg:$0x1] =	wrdreg $0xFFFFFFFF  }
0xc1: {  	_ =	task.clear_ibuf [dreg:s7], $0x2FFFF;
	_ =	strace $0x9FFFFFFF  }
0xc2: {  	(tm) =	ssettm $0x7FFFFFFF  }
0xc3: {  	_ =	shalt  }
tec
execute0_lowered:
.L_overlay_start_1:
0x0: {  	(tag) =	ssettag $0x1  }
0x1: {  	s4 =	rddreg [dreg:$0x0]  }
0x2: {  	s2 =	rddreg [dreg:$0x1]  }
0x3: {  	s1 =	srdreg.scid;
	[dreg:$0x3] =	wrdreg s2  }
0x4: {  	s5 =	sand.u32 $0x1, s1;
	s1 =	rddreg [dreg:$0x2];
	s2 =	simm.s32 $0x0  }
0x5: {  	s7 =	sadd.s32 $0x14B600, s4;
	[smem:$0x7FF] =	sst s2  }
0x6: {  	s29 =	simm.s32 $0x3480;
	_ =	strace $0x80000047;
	[dreg:$0x4] =	wrdreg s7  }
0x7: {  	s30 =	simm.s32 $0x100;
	[dreg:$0x7] =	wrdreg s29  }
0x8: {  	s31 =	simm.s32 $0x3500;
	[dreg:$0x8] =	wrdreg s30  }
0x9: {  	s8 =	simm.s32 $0x3580;
	[dreg:$0x9] =	wrdreg s31  }
0xa: {  	s9 =	simm.s32 $0x200;
	[dreg:$0xb] =	wrdreg s8  }
0xb: {  	s10 =	simm.s32 $0x3600;
	[dreg:$0xc] =	wrdreg s9  }
0xc: {  	s11 =	simm.s32 $0x280;
	[dreg:$0xd] =	wrdreg s10  }
0xd: {  	s12 =	simm.s32 $0x3680;
	[dreg:$0xe] =	wrdreg s11  }
0xe: {  	s13 =	simm.s32 $0x300;
	[dreg:$0xf] =	wrdreg s12  }
0xf: {  	s14 =	simm.s32 $0x3700;
	[dreg:$0x10] =	wrdreg s13  }
0x10: {  	s15 =	simm.s32 $0x380;
	[dreg:$0x11] =	wrdreg s14  }
0x11: {  	s16 =	simm.s32 $0x3780;
	[dreg:$0x12] =	wrdreg s15  }
0x12: {  	s17 =	simm.s32 $0x400;
	[dreg:$0x13] =	wrdreg s16  }
0x13: {  	s18 =	simm.s32 $0x3800;
	[dreg:$0x14] =	wrdreg s17  }
0x14: {  	s19 =	simm.s32 $0x480;
	[dreg:$0x15] =	wrdreg s18  }
0x15: {  	s20 =	simm.s32 $0x3880;
	[dreg:$0x16] =	wrdreg s19  }
0x16: {  	s21 =	simm.s32 $0x500;
	[dreg:$0x17] =	wrdreg s20  }
0x17: {  	s22 =	simm.s32 $0x3900;
	[dreg:$0x18] =	wrdreg s21  }
0x18: {  	s23 =	simm.s32 $0x580;
	[dreg:$0x19] =	wrdreg s22  }
0x19: {  	s0 =	stileid.u32;
	s24 =	simm.s32 $0x3980;
	[dreg:$0x1a] =	wrdreg s23  }
0x1a: {  	s25 =	simm.s32 $0x600;
	s26 =	sshll.u32 s0, $0x1;
	[dreg:$0x1b] =	wrdreg s24  }
0x1b: {  	s6 =	sor.u32 s5, s26;
	s26 =	simm.s32 $0x3A00;
	[dreg:$0x1c] =	wrdreg s25  }
0x1c: {  	s7 =	simm.s32 $0x180;
	[dreg:$0x1d] =	wrdreg s26  }
0x1d: {  	s29 =	simm.s32 $0x3A80;
	[dreg:$0xa] =	wrdreg s7  }
0x1e: {  	s30 =	simm.s32 $0x700;
	[dreg:$0x1f] =	wrdreg s29  }
0x1f: {  	s31 =	simm.s32 $0x3B00;
	[smem:$0x753] =	sst s30  }
0x20: {  	s8 =	simm.s32 $0x3B80;
	[smem:$0x754] =	sst s31  }
0x21: {  	s9 =	simm.s32 $0x800;
	[smem:$0x756] =	sst s8  }
0x22: {  	s10 =	simm.s32 $0x3C00;
	[smem:$0x757] =	sst s9  }
0x23: {  	s11 =	simm.s32 $0x880;
	[smem:$0x758] =	sst s10  }
0x24: {  	s12 =	simm.s32 $0x3C80;
	[smem:$0x759] =	sst s11  }
0x25: {  	s13 =	simm.s32 $0x900;
	[smem:$0x75A] =	sst s12  }
0x26: {  	s14 =	simm.s32 $0x3D00;
	[smem:$0x75B] =	sst s13  }
0x27: {  	s15 =	simm.s32 $0x980;
	[smem:$0x75C] =	sst s14  }
0x28: {  	s16 =	simm.s32 $0x3D80;
	[smem:$0x75D] =	sst s15  }
0x29: {  	s17 =	simm.s32 $0xA00;
	[smem:$0x75E] =	sst s16  }
0x2a: {  	s18 =	simm.s32 $0x3E00;
	[smem:$0x75F] =	sst s17  }
0x2b: {  	s19 =	simm.s32 $0xA80;
	[smem:$0x760] =	sst s18  }
0x2c: {  	s20 =	simm.s32 $0x3E80;
	[smem:$0x761] =	sst s19  }
0x2d: {  	s21 =	simm.s32 $0xB00;
	[smem:$0x762] =	sst s20  }
0x2e: {  	s22 =	simm.s32 $0x3F00;
	[smem:$0x763] =	sst s21  }
0x2f: {  	s23 =	simm.s32 $0xB80;
	[smem:$0x764] =	sst s22  }
0x30: {  	s24 =	simm.s32 $0x3F80;
	[smem:$0x765] =	sst s23  }
0x31: {  	s25 =	simm.s32 $0xC00;
	[smem:$0x766] =	sst s24  }
0x32: {  	s26 =	simm.s32 $0x4000;
	[smem:$0x767] =	sst s25  }
0x33: {  	s7 =	simm.s32 $0x780;
	[smem:$0x768] =	sst s26  }
0x34: {  	s29 =	simm.s32 $0x4080;
	[smem:$0x755] =	sst s7  }
0x35: {  	s30 =	simm.s32 $0xD00;
	[smem:$0x76A] =	sst s29  }
0x36: {  	s31 =	simm.s32 $0x4100;
	[smem:$0x76B] =	sst s30  }
0x37: {  	s8 =	simm.s32 $0x4180;
	[smem:$0x76C] =	sst s31  }
0x38: {  	s9 =	simm.s32 $0xE00;
	[smem:$0x76E] =	sst s8  }
0x39: {  	s10 =	simm.s32 $0x4200;
	[smem:$0x76F] =	sst s9  }
0x3a: {  	s11 =	simm.s32 $0xE80;
	[smem:$0x770] =	sst s10  }
0x3b: {  	s12 =	simm.s32 $0x4280;
	[smem:$0x771] =	sst s11  }
0x3c: {  	s13 =	simm.s32 $0xF00;
	[smem:$0x772] =	sst s12  }
0x3d: {  	s14 =	simm.s32 $0x4300;
	[smem:$0x773] =	sst s13  }
0x3e: {  	s15 =	simm.s32 $0xF80;
	[smem:$0x774] =	sst s14  }
0x3f: {  	s16 =	simm.s32 $0x4380;
	[smem:$0x775] =	sst s15  }
0x40: {  	s17 =	simm.s32 $0x1000;
	[smem:$0x776] =	sst s16  }
0x41: {  	s18 =	simm.s32 $0x4400;
	[smem:$0x777] =	sst s17  }
0x42: {  	s19 =	simm.s32 $0x1080;
	[smem:$0x778] =	sst s18  }
0x43: {  	s20 =	simm.s32 $0x4480;
	[smem:$0x779] =	sst s19  }
0x44: {  	s21 =	simm.s32 $0x1100;
	[smem:$0x77A] =	sst s20  }
0x45: {  	s22 =	simm.s32 $0x4500;
	[smem:$0x77B] =	sst s21  }
0x46: {  	s23 =	simm.s32 $0x1180;
	[smem:$0x77C] =	sst s22  }
0x47: {  	s24 =	simm.s32 $0x4580;
	[smem:$0x77D] =	sst s23  }
0x48: {  	s25 =	simm.s32 $0x1200;
	[smem:$0x77E] =	sst s24  }
0x49: {  	s26 =	simm.s32 $0x4600;
	[smem:$0x77F] =	sst s25  }
0x4a: {  	s7 =	simm.s32 $0xD80;
	[smem:$0x780] =	sst s26  }
0x4b: {  	s29 =	simm.s32 $0x4680;
	[smem:$0x76D] =	sst s7  }
0x4c: {  	s30 =	simm.s32 $0x1300;
	[smem:$0x782] =	sst s29  }
0x4d: {  	s31 =	simm.s32 $0x4700;
	[smem:$0x783] =	sst s30  }
0x4e: {  	s8 =	simm.s32 $0x4780;
	[smem:$0x784] =	sst s31  }
0x4f: {  	s9 =	simm.s32 $0x1400;
	[smem:$0x786] =	sst s8  }
0x50: {  	s10 =	simm.s32 $0x4800;
	[smem:$0x787] =	sst s9  }
0x51: {  	s11 =	simm.s32 $0x1480;
	[smem:$0x788] =	sst s10  }
0x52: {  	s12 =	simm.s32 $0x4880;
	[smem:$0x789] =	sst s11  }
0x53: {  	s13 =	simm.s32 $0x1500;
	[smem:$0x78A] =	sst s12  }
0x54: {  	s14 =	simm.s32 $0x4900;
	[smem:$0x78B] =	sst s13  }
0x55: {  	s15 =	simm.s32 $0x1580;
	[smem:$0x78C] =	sst s14  }
0x56: {  	s16 =	simm.s32 $0x4980;
	[smem:$0x78D] =	sst s15  }
0x57: {  	s17 =	simm.s32 $0x1600;
	[smem:$0x78E] =	sst s16  }
0x58: {  	s18 =	simm.s32 $0x4A00;
	[smem:$0x78F] =	sst s17  }
0x59: {  	s19 =	simm.s32 $0x1680;
	[smem:$0x790] =	sst s18  }
0x5a: {  	s20 =	simm.s32 $0x4A80;
	[smem:$0x791] =	sst s19  }
0x5b: {  	s21 =	simm.s32 $0x1700;
	[smem:$0x792] =	sst s20  }
0x5c: {  	s22 =	simm.s32 $0x4B00;
	[smem:$0x793] =	sst s21  }
0x5d: {  	s23 =	simm.s32 $0x1780;
	[smem:$0x794] =	sst s22  }
0x5e: {  	s3 =	smul.u32 $0x680, s6;
	s24 =	simm.s32 $0x4B80;
	[smem:$0x795] =	sst s23  }
0x5f: {  	s25 =	simm.s32 $0x1800;
	[smem:$0x796] =	sst s24  }
0x60: {  	s3 =	sadd.s32 s3, s4;
	s26 =	simm.s32 $0x4C00;
	[smem:$0x797] =	sst s25  }
0x61: {  	s28 =	sadd.s32 $0xE00, s3;
	[smem:$0x798] =	sst s26  }
0x62: {  	s3 =	sadd.s32 $0x14B800, s3;
	[dreg:$0x5] =	wrdreg s28  }
0x63: {  	s7 =	simm.s32 $0x1380;
	[dreg:$0x6] =	wrdreg s3  }
0x64: {  	s29 =	simm.s32 $0x4C80;
	[smem:$0x785] =	sst s7  }
0x65: {  	s30 =	simm.s32 $0x1900;
	[smem:$0x79A] =	sst s29  }
0x66: {  	s31 =	simm.s32 $0x4D00;
	[smem:$0x79B] =	sst s30  }
0x67: {  	s8 =	simm.s32 $0x4D80;
	[smem:$0x79C] =	sst s31  }
0x68: {  	s9 =	simm.s32 $0x1A00;
	[smem:$0x79E] =	sst s8  }
0x69: {  	s10 =	simm.s32 $0x4E00;
	[smem:$0x79F] =	sst s9  }
0x6a: {  	s11 =	simm.s32 $0x1A80;
	[smem:$0x7A0] =	sst s10  }
0x6b: {  	s12 =	simm.s32 $0x4E80;
	[smem:$0x7A1] =	sst s11  }
0x6c: {  	s13 =	simm.s32 $0x1B00;
	[smem:$0x7A2] =	sst s12  }
0x6d: {  	s14 =	simm.s32 $0x4F00;
	[smem:$0x7A3] =	sst s13  }
0x6e: {  	s15 =	simm.s32 $0x1B80;
	[smem:$0x7A4] =	sst s14  }
0x6f: {  	s16 =	simm.s32 $0x4F80;
	[smem:$0x7A5] =	sst s15  }
0x70: {  	s17 =	simm.s32 $0x1C00;
	[smem:$0x7A6] =	sst s16  }
0x71: {  	s18 =	simm.s32 $0x5000;
	[smem:$0x7A7] =	sst s17  }
0x72: {  	s19 =	simm.s32 $0x1C80;
	[smem:$0x7A8] =	sst s18  }
0x73: {  	s20 =	simm.s32 $0x5080;
	[smem:$0x7A9] =	sst s19  }
0x74: {  	s21 =	simm.s32 $0x1D00;
	[smem:$0x7AA] =	sst s20  }
0x75: {  	s22 =	simm.s32 $0x5100;
	[smem:$0x7AB] =	sst s21  }
0x76: {  	s23 =	simm.s32 $0x1D80;
	[smem:$0x7AC] =	sst s22  }
0x77: {  	s24 =	simm.s32 $0x5180;
	[smem:$0x7AD] =	sst s23  }
0x78: {  	s25 =	simm.s32 $0x1E00;
	[smem:$0x7AE] =	sst s24  }
0x79: {  	s26 =	simm.s32 $0x5200;
	[smem:$0x7AF] =	sst s25  }
0x7a: {  	s28 =	simm.s32 $0x680;
	[smem:$0x7B0] =	sst s26  }
0x7b: {  	s7 =	simm.s32 $0x1980;
	[dreg:$0x1e] =	wrdreg s28  }
0x7c: {  	s29 =	simm.s32 $0x5280;
	[smem:$0x79D] =	sst s7  }
0x7d: {  	s30 =	simm.s32 $0x1F00;
	[smem:$0x7B2] =	sst s29  }
0x7e: {  	s31 =	simm.s32 $0x5300;
	[smem:$0x7B3] =	sst s30  }
0x7f: {  	s8 =	simm.s32 $0x5380;
	[smem:$0x7B4] =	sst s31  }
0x80: {  	s9 =	simm.s32 $0x2000;
	[smem:$0x7B6] =	sst s8  }
0x81: {  	s10 =	simm.s32 $0x5400;
	[smem:$0x7B7] =	sst s9  }
0x82: {  	s11 =	simm.s32 $0x2080;
	[smem:$0x7B8] =	sst s10  }
0x83: {  	s12 =	simm.s32 $0x5480;
	[smem:$0x7B9] =	sst s11  }
0x84: {  	s13 =	simm.s32 $0x2100;
	[smem:$0x7BA] =	sst s12  }
0x85: {  	s14 =	simm.s32 $0x5500;
	[smem:$0x7BB] =	sst s13  }
0x86: {  	s15 =	simm.s32 $0x2180;
	[smem:$0x7BC] =	sst s14  }
0x87: {  	s16 =	simm.s32 $0x5580;
	[smem:$0x7BD] =	sst s15  }
0x88: {  	s17 =	simm.s32 $0x2200;
	[smem:$0x7BE] =	sst s16  }
0x89: {  	s18 =	simm.s32 $0x5600;
	[smem:$0x7BF] =	sst s17  }
0x8a: {  	s19 =	simm.s32 $0x2280;
	[smem:$0x7C0] =	sst s18  }
0x8b: {  	s20 =	simm.s32 $0x5680;
	[smem:$0x7C1] =	sst s19  }
0x8c: {  	s21 =	simm.s32 $0x2300;
	[smem:$0x7C2] =	sst s20  }
0x8d: {  	s22 =	simm.s32 $0x5700;
	[smem:$0x7C3] =	sst s21  }
0x8e: {  	s23 =	simm.s32 $0x2380;
	[smem:$0x7C4] =	sst s22  }
0x8f: {  	s24 =	simm.s32 $0x5780;
	[smem:$0x7C5] =	sst s23  }
0x90: {  	s25 =	simm.s32 $0x2400;
	[smem:$0x7C6] =	sst s24  }
0x91: {  	s26 =	simm.s32 $0x5800;
	[smem:$0x7C7] =	sst s25  }
0x92: {  	s28 =	simm.s32 $0xC80;
	[smem:$0x7C8] =	sst s26  }
0x93: {  	s7 =	simm.s32 $0x1F80;
	[smem:$0x769] =	sst s28  }
0x94: {  	s29 =	simm.s32 $0x5880;
	[smem:$0x7B5] =	sst s7  }
0x95: {  	s30 =	simm.s32 $0x2500;
	[smem:$0x7CA] =	sst s29  }
0x96: {  	s31 =	simm.s32 $0x5900;
	[smem:$0x7CB] =	sst s30  }
0x97: {  	s8 =	simm.s32 $0x5980;
	[smem:$0x7CC] =	sst s31  }
0x98: {  	s9 =	simm.s32 $0x2600;
	[smem:$0x7CE] =	sst s8  }
0x99: {  	s10 =	simm.s32 $0x5A00;
	[smem:$0x7CF] =	sst s9  }
0x9a: {  	s11 =	simm.s32 $0x2680;
	[smem:$0x7D0] =	sst s10  }
0x9b: {  	s12 =	simm.s32 $0x5A80;
	[smem:$0x7D1] =	sst s11  }
0x9c: {  	s13 =	simm.s32 $0x2700;
	[smem:$0x7D2] =	sst s12  }
0x9d: {  	s14 =	simm.s32 $0x5B00;
	[smem:$0x7D3] =	sst s13  }
0x9e: {  	s15 =	simm.s32 $0x2780;
	[smem:$0x7D4] =	sst s14  }
0x9f: {  	s16 =	simm.s32 $0x5B80;
	[smem:$0x7D5] =	sst s15  }
0xa0: {  	s17 =	simm.s32 $0x2800;
	[smem:$0x7D6] =	sst s16  }
0xa1: {  	s18 =	simm.s32 $0x5C00;
	[smem:$0x7D7] =	sst s17  }
0xa2: {  	s19 =	simm.s32 $0x2880;
	[smem:$0x7D8] =	sst s18  }
0xa3: {  	s20 =	simm.s32 $0x5C80;
	[smem:$0x7D9] =	sst s19  }
0xa4: {  	s21 =	simm.s32 $0x2900;
	[smem:$0x7DA] =	sst s20  }
0xa5: {  	s22 =	simm.s32 $0x5D00;
	[smem:$0x7DB] =	sst s21  }
0xa6: {  	s23 =	simm.s32 $0x2980;
	[smem:$0x7DC] =	sst s22  }
0xa7: {  	s24 =	simm.s32 $0x5D80;
	[smem:$0x7DD] =	sst s23  }
0xa8: {  	s25 =	simm.s32 $0x2A00;
	[smem:$0x7DE] =	sst s24  }
0xa9: {  	s26 =	simm.s32 $0x5E00;
	[smem:$0x7DF] =	sst s25  }
0xaa: {  	s28 =	simm.s32 $0x1280;
	[smem:$0x7E0] =	sst s26  }
0xab: {  	s7 =	simm.s32 $0x2580;
	[smem:$0x781] =	sst s28  }
0xac: {  	s29 =	simm.s32 $0x5E80;
	[smem:$0x7CD] =	sst s7  }
0xad: {  	s30 =	simm.s32 $0x2B00;
	[smem:$0x7E2] =	sst s29  }
0xae: {  	s31 =	simm.s32 $0x5F00;
	[smem:$0x7E3] =	sst s30  }
0xaf: {  	s8 =	simm.s32 $0x5F80;
	[smem:$0x7E4] =	sst s31  }
0xb0: {  	s9 =	simm.s32 $0x2C00;
	[smem:$0x7E6] =	sst s8  }
0xb1: {  	s10 =	simm.s32 $0x6000;
	[smem:$0x7E7] =	sst s9  }
0xb2: {  	s11 =	simm.s32 $0x2C80;
	[smem:$0x7E8] =	sst s10  }
0xb3: {  	s12 =	simm.s32 $0x6080;
	[smem:$0x7E9] =	sst s11  }
0xb4: {  	s13 =	simm.s32 $0x2D00;
	[smem:$0x7EA] =	sst s12  }
0xb5: {  	s14 =	simm.s32 $0x6100;
	[smem:$0x7EB] =	sst s13  }
0xb6: {  	s15 =	simm.s32 $0x2D80;
	[smem:$0x7EC] =	sst s14  }
0xb7: {  	s16 =	simm.s32 $0x6180;
	[smem:$0x7ED] =	sst s15  }
0xb8: {  	s17 =	simm.s32 $0x2E00;
	[smem:$0x7EE] =	sst s16  }
0xb9: {  	s18 =	simm.s32 $0x6200;
	[smem:$0x7EF] =	sst s17  }
0xba: {  	s5 =	ssub.s32 $0x2, s5;
	s19 =	simm.s32 $0x2E80;
	[smem:$0x7F0] =	sst s18  }
0xbb: {  	p0 =	sne.s32 s6, $0x0;
	s20 =	simm.s32 $0x6280;
	[smem:$0x7F1] =	sst s19  }
0xbc: {  	s6 =	simm.s32 $0x2;
	s21 =	simm.s32 $0x2F00;
	[smem:$0x7F2] =	sst s20  }
0xbd: {  	s3 =	sadd.s32 $0xDE00, s4;
	s22 =	simm.s32 $0x6300;
	[smem:$0x7F3] =	sst s21  }
0xbe: {  	s4 =	sadd.s32 $0x158800, s4;
	s23 =	simm.s32 $0x2F80;
	[smem:$0x7F4] =	sst s22  }
0xbf: {  	s24 =	simm.s32 $0x6380;
	s25 =	simm.s32 $0x3000;
	[smem:$0x7F5] =	sst s23  }
0xc0: {  	s26 =	simm.s32 $0x6400;
	s28 =	simm.s32 $0x1880;
	[smem:$0x7F6] =	sst s24  }
0xc1: {  	s7 =	simm.s32 $0x2B80;
	s8 =	sshrl.u32 s5, $0x1;
	[smem:$0x7F7] =	sst s25  }
0xc2: {  	[smem:$0x7F8] =	sst s26;
	s29 =	simm.s32 $0x6480;
	s30 =	simm.s32 $0x3100  }
0xc3: {  	s31 =	simm.s32 $0x6500;
	s10 =	simm.s32 $0x3180;
	[smem:$0x799] =	sst s28  }
0xc4: {  	s9 =	simm.s32 $0x1;
	s11 =	simm.s32 $0x3200;
	[smem:$0x7E5] =	sst s7  }
0xc5: {  	s12 =	simm.s32 $0x6600;
	s13 =	simm.s32 $0x3280;
	[smem:$0x7FA] =	sst s29  }
0xc6: {  	s14 =	simm.s32 $0x6680;
	s15 =	simm.s32 $0x3300;
	[smem:$0x7FB] =	sst s30  }
0xc7: {  	s16 =	simm.s32 $0x6700;
	s17 =	simm.s32 $0x3380;
	[smem:$0x7FC] =	sst s31  }
0xc8: {  	s18 =	simm.s32 $0x6780;
	s28 =	simm.s32 $0x1E80;
	[smem:$0x7FD] =	sst s10  }
0xc9: {  	s5 =	ssub.s32 s5, s8;
	[smem:$0x7B1] =	sst s28;
	s28 =	simm.s32 $0x2480  }
0xca: {  	s7 =	simm.s32 $0x80;
	[smem:$0x7C9] =	sst s28;
	s28 =	simm.s32 $0x2A80  }
0xcb: {  	s8 =	simm.s32 $0x3400;
	[smem:$0x7E1] =	sst s28;
	s28 =	simm.s32 $0x3080  }
0xcc: {  	s10 =	simm.s32 $0x6580;
	s5 =	smax.u32 s5, $0x1;
	[smem:$0x7F9] =	sst s28  }
.LBB2_1:
0xcd: {  	s19 =	rddreg [dreg:$0x5]  }
0xce: {  	[tilespmem:s2], [sflag:$0x2] =	stream.linear.gather [hbm4b:s19+s2], $0x3400, $0x38;
	[tilespmem:$0x6E00] =	vst v63  }
0xcf: {  	_ =	swait.ge [sflag:s6], $0x3400  }
0xd0: {  	s20 =	simm.s32 @!p0 $0x0;
	[sflag:s6] =	ssyncset.done $0x0  }
0xd1: {  	s21 =	simm.s32 @!p0 $0x6800;
	s19 =	rddreg [dreg:$0x3];
	[sflag:s6] =	ssyncadd.s32 $0xFFFFCC00  }
0xd2: {  	[tilespmem:s21], [sflag:$0x2] =	stream.linear.gather @!p0 [hbm4b:s19+s20], $0x300, $0x38;
	[tilespmem:$0x6E00] =	vst v63  }
0xd3: {  	s19 =	simm.s32 @!p0 $0x2  }
0xd4: {  	_ =	swait.ge @!p0 [sflag:s19], $0x300  }
0xd5: {  	[sflag:s19] =	ssyncset.done @!p0 $0x0  }
0xd6: {  	s23 =	simm.s32 @!p0 $0x6B00;
	s22 =	rddreg [dreg:$0x4];
	[sflag:s19] =	ssyncadd.s32 @!p0 $0xFFFFFD00  }
0xd7: {  	[tilespmem:s23], [sflag:$0x2] =	stream.linear.gather @!p0 [hbm4b:s22+s20], $0x300, $0x38;
	[tilespmem:$0x6E00] =	vst v63  }
0xd8: {  	_ =	swait.ge @!p0 [sflag:s19], $0x300  }
0xd9: {  	[sflag:s19] =	ssyncset.done @!p0 $0x0  }
0xda: {  	[sflag:s19] =	ssyncadd.s32 @!p0 $0xFFFFFD00;
	s19 =	simm.s32 @!p0 $0x80  }
0xdb: {  	[hbm4b:s4+s19] =	stream.indirect.scatter @!p0 [tilespmem:s21], [sflag:$0x1], $0x1, s23, s19, $0xb8;
	[tilespmem:$0x6E00] =	vst v63  }
0xdc: {  	s20 =	simm.s32 @!p0 $0x6B80;
	s21 =	simm.s32 @!p0 $0x6880  }
0xdd: {  	[hbm4b:s4+s19] =	stream.indirect.scatter @!p0 [tilespmem:s21], [sflag:$0x1], $0x1, s20, s19, $0xb8;
	[tilespmem:$0x6E00] =	vst v63  }
0xde: {  	s20 =	simm.s32 @!p0 $0x6C00;
	s21 =	simm.s32 @!p0 $0x6900  }
0xdf: {  	[hbm4b:s4+s19] =	stream.indirect.scatter @!p0 [tilespmem:s21], [sflag:$0x1], $0x1, s20, s19, $0xb8;
	[tilespmem:$0x6E00] =	vst v63  }
0xe0: {  	s20 =	simm.s32 @!p0 $0x6C80;
	s21 =	simm.s32 @!p0 $0x6980  }
0xe1: {  	[hbm4b:s4+s19] =	stream.indirect.scatter @!p0 [tilespmem:s21], [sflag:$0x1], $0x1, s20, s19, $0xb8;
	[tilespmem:$0x6E00] =	vst v63  }
0xe2: {  	s20 =	simm.s32 @!p0 $0x6D00;
	s21 =	simm.s32 @!p0 $0x6A00  }
0xe3: {  	[hbm4b:s4+s19] =	stream.indirect.scatter @!p0 [tilespmem:s21], [sflag:$0x1], $0x1, s20, s19, $0xb8;
	[tilespmem:$0x6E00] =	vst v63  }
0xe4: {  	s20 =	simm.s32 @!p0 $0x6D80;
	s21 =	simm.s32 @!p0 $0x6A80  }
0xe5: {  	[hbm4b:s4+s19] =	stream.indirect.scatter @!p0 [tilespmem:s21], [sflag:$0x1], $0x1, s20, s19, $0xb8;
	[tilespmem:$0x6E00] =	vst v63  }
0xe6: {  	s19 =	simm.s32 @!p0 $0x1  }
0xe7: {  	_ =	swait.ge @!p0 [sflag:s19], $0x80  }
0xe8: {  	[sflag:s19] =	ssyncset.done @!p0 $0x0  }
0xe9: {  	[sflag:s19] =	ssyncadd.s32 @!p0 $0xFFFFFF80  }
0xea: {  	_ =	swait.ge @!p0 [sflag:s19], $0x80  }
0xeb: {  	[sflag:s19] =	ssyncset.done @!p0 $0x0  }
0xec: {  	[sflag:s19] =	ssyncadd.s32 @!p0 $0xFFFFFF80  }
0xed: {  	_ =	swait.ge @!p0 [sflag:s19], $0x80  }
0xee: {  	[sflag:s19] =	ssyncset.done @!p0 $0x0  }
0xef: {  	[sflag:s19] =	ssyncadd.s32 @!p0 $0xFFFFFF80  }
0xf0: {  	_ =	swait.ge @!p0 [sflag:s19], $0x80  }
0xf1: {  	[sflag:s19] =	ssyncset.done @!p0 $0x0  }
0xf2: {  	[sflag:s19] =	ssyncadd.s32 @!p0 $0xFFFFFF80  }
0xf3: {  	_ =	swait.ge @!p0 [sflag:s19], $0x80  }
0xf4: {  	[sflag:s19] =	ssyncset.done @!p0 $0x0  }
0xf5: {  	[sflag:s19] =	ssyncadd.s32 @!p0 $0xFFFFFF80  }
0xf6: {  	_ =	swait.ge @!p0 [sflag:s19], $0x80  }
0xf7: {  	s29 =	rddreg [dreg:$0x7]  }
0xf8: {  	[sflag:s19] =	ssyncset.done @!p0 $0x0;
	s30 =	rddreg [dreg:$0x8]  }
0xf9: {  	s31 =	rddreg [dreg:$0x9];
	[sflag:s19] =	ssyncadd.s32 @!p0 $0xFFFFFF80  }
0xfa: {  	[tilespmem:s8], [sflag:$0x1] =	stream.indirect.gather [hbm4b:s3+s7], $0x1, s2, s7, $0xb8;
	[tilespmem:$0x6E00] =	vst v63  }
0xfb: {  	s20 =	rddreg [dreg:$0xa]  }
0xfc: {  	[tilespmem:s29], [sflag:$0x1] =	stream.indirect.gather [hbm4b:s3+s7], $0x1, s7, s7, $0xb8;
	[tilespmem:$0x6E00] =	vst v63  }
0xfd: {  	s21 =	rddreg [dreg:$0xb]  }
0xfe: {  	[tilespmem:s31], [sflag:$0x1] =	stream.indirect.gather [hbm4b:s3+s7], $0x1, s30, s7, $0xb8;
	[tilespmem:$0x6E00] =	vst v63  }
0xff: {  	s22 =	rddreg [dreg:$0xc]  }
0x100: {  	[tilespmem:s21], [sflag:$0x1] =	stream.indirect.gather [hbm4b:s3+s7], $0x1, s20, s7, $0xb8;
	[tilespmem:$0x6E00] =	vst v63  }
0x101: {  	s23 =	rddreg [dreg:$0xd]  }
0x102: {  	[tilespmem:s23], [sflag:$0x1] =	stream.indirect.gather [hbm4b:s3+s7], $0x1, s22, s7, $0xb8;
	[tilespmem:$0x6E00] =	vst v63  }
0x103: {  	s19 =	rddreg [dreg:$0xe]  }
0x104: {  	s24 =	rddreg [dreg:$0xf]  }
0x105: {  	s25 =	rddreg [dreg:$0x10]  }
0x106: {  	s26 =	rddreg [dreg:$0x11]  }
0x107: {  	s28 =	rddreg [dreg:$0x12]  }
0x108: {  	s29 =	rddreg [dreg:$0x13]  }
0x109: {  	s30 =	rddreg [dreg:$0x14]  }
0x10a: {  	s31 =	rddreg [dreg:$0x15]  }
0x10b: {  	s23 =	rddreg [dreg:$0x16]  }
0x10c: {  	[tilespmem:s24], [sflag:$0x1] =	stream.indirect.gather [hbm4b:s3+s7], $0x1, s19, s7, $0xb8;
	[tilespmem:$0x6E00] =	vst v63  }
0x10d: {  	s24 =	rddreg [dreg:$0x17]  }
0x10e: {  	[tilespmem:s26], [sflag:$0x1] =	stream.indirect.gather [hbm4b:s3+s7], $0x1, s25, s7, $0xb8;
	[tilespmem:$0x6E00] =	vst v63  }
0x10f: {  	s25 =	rddreg [dreg:$0x18]  }
0x110: {  	[tilespmem:s29], [sflag:$0x1] =	stream.indirect.gather [hbm4b:s3+s7], $0x1, s28, s7, $0xb8;
	[tilespmem:$0x6E00] =	vst v63  }
0x111: {  	s26 =	rddreg [dreg:$0x19]  }
0x112: {  	[tilespmem:s31], [sflag:$0x1] =	stream.indirect.gather [hbm4b:s3+s7], $0x1, s30, s7, $0xb8;
	[tilespmem:$0x6E00] =	vst v63  }
0x113: {  	s28 =	rddreg [dreg:$0x1a]  }
0x114: {  	[tilespmem:s24], [sflag:$0x1] =	stream.indirect.gather [hbm4b:s3+s7], $0x1, s23, s7, $0xb8;
	[tilespmem:$0x6E00] =	vst v63  }
0x115: {  	s29 =	rddreg [dreg:$0x1b]  }
0x116: {  	[tilespmem:s26], [sflag:$0x1] =	stream.indirect.gather [hbm4b:s3+s7], $0x1, s25, s7, $0xb8;
	[tilespmem:$0x6E00] =	vst v63  }
0x117: {  	s30 =	rddreg [dreg:$0x1c]  }
0x118: {  	[tilespmem:s29], [sflag:$0x1] =	stream.indirect.gather [hbm4b:s3+s7], $0x1, s28, s7, $0xb8;
	[tilespmem:$0x6E00] =	vst v63  }
0x119: {  	s31 =	rddreg [dreg:$0x1d]  }
0x11a: {  	[tilespmem:s31], [sflag:$0x1] =	stream.indirect.gather [hbm4b:s3+s7], $0x1, s30, s7, $0xb8;
	[tilespmem:$0x6E00] =	vst v63  }
0x11b: {  	_ =	swait.ge [sflag:s9], $0x80  }
0x11c: {  	[sflag:s9] =	ssyncset.done $0x0  }
0x11d: {  	[sflag:s9] =	ssyncadd.s32 $0xFFFFFF80  }
0x11e: {  	_ =	swait.ge [sflag:s9], $0x80  }
0x11f: {  	[sflag:s9] =	ssyncset.done $0x0  }
0x120: {  	[sflag:s9] =	ssyncadd.s32 $0xFFFFFF80  }
0x121: {  	_ =	swait.ge [sflag:s9], $0x80  }
0x122: {  	[sflag:s9] =	ssyncset.done $0x0  }
0x123: {  	[sflag:s9] =	ssyncadd.s32 $0xFFFFFF80  }
0x124: {  	_ =	swait.ge [sflag:s9], $0x80  }
0x125: {  	[sflag:s9] =	ssyncset.done $0x0  }
0x126: {  	[sflag:s9] =	ssyncadd.s32 $0xFFFFFF80  }
0x127: {  	_ =	swait.ge [sflag:s9], $0x80  }
0x128: {  	[sflag:s9] =	ssyncset.done $0x0  }
0x129: {  	[sflag:s9] =	ssyncadd.s32 $0xFFFFFF80  }
0x12a: {  	_ =	swait.ge [sflag:s9], $0x80  }
0x12b: {  	[sflag:s9] =	ssyncset.done $0x0  }
0x12c: {  	[sflag:s9] =	ssyncadd.s32 $0xFFFFFF80  }
0x12d: {  	_ =	swait.ge [sflag:s9], $0x80  }
0x12e: {  	[sflag:s9] =	ssyncset.done $0x0  }
0x12f: {  	[sflag:s9] =	ssyncadd.s32 $0xFFFFFF80  }
0x130: {  	_ =	swait.ge [sflag:s9], $0x80  }
0x131: {  	[sflag:s9] =	ssyncset.done $0x0  }
0x132: {  	[sflag:s9] =	ssyncadd.s32 $0xFFFFFF80  }
0x133: {  	_ =	swait.ge [sflag:s9], $0x80  }
0x134: {  	[sflag:s9] =	ssyncset.done $0x0  }
0x135: {  	[sflag:s9] =	ssyncadd.s32 $0xFFFFFF80  }
0x136: {  	_ =	swait.ge [sflag:s9], $0x80  }
0x137: {  	[sflag:s9] =	ssyncset.done $0x0  }
0x138: {  	[sflag:s9] =	ssyncadd.s32 $0xFFFFFF80  }
0x139: {  	_ =	swait.ge [sflag:s9], $0x80  }
0x13a: {  	[sflag:s9] =	ssyncset.done $0x0  }
0x13b: {  	[sflag:s9] =	ssyncadd.s32 $0xFFFFFF80  }
0x13c: {  	_ =	swait.ge [sflag:s9], $0x80  }
0x13d: {  	[sflag:s9] =	ssyncset.done $0x0  }
0x13e: {  	[sflag:s9] =	ssyncadd.s32 $0xFFFFFF80  }
0x13f: {  	_ =	swait.ge [sflag:s9], $0x80  }
0x140: {  	s21 =	rddreg [dreg:$0x1e]  }
0x141: {  	s22 =	rddreg [dreg:$0x1f]  }
0x142: {  	s23 =	sld [smem:$0x753]  }
0x143: {  	s24 =	sld [smem:$0x754]  }
0x144: {  	s25 =	sld [smem:$0x755]  }
0x145: {  	s26 =	sld [smem:$0x756]  }
0x146: {  	s28 =	sld [smem:$0x757]  }
0x147: {  	[sflag:s9] =	ssyncset.done $0x0;
	s29 =	sld [smem:$0x758]  }
0x148: {  	s30 =	sld [smem:$0x759];
	[sflag:s9] =	ssyncadd.s32 $0xFFFFFF80  }
0x149: {  	[tilespmem:s22], [sflag:$0x1] =	stream.indirect.gather [hbm4b:s3+s7], $0x1, s21, s7, $0xb8;
	[tilespmem:$0x6E00] =	vst v63  }
0x14a: {  	s31 =	sld [smem:$0x75A]  }
0x14b: {  	[tilespmem:s24], [sflag:$0x1] =	stream.indirect.gather [hbm4b:s3+s7], $0x1, s23, s7, $0xb8;
	[tilespmem:$0x6E00] =	vst v63  }
0x14c: {  	s23 =	sld [smem:$0x75B]  }
0x14d: {  	s24 =	sld [smem:$0x75C]  }
0x14e: {  	[tilespmem:s26], [sflag:$0x1] =	stream.indirect.gather [hbm4b:s3+s7], $0x1, s25, s7, $0xb8;
	[tilespmem:$0x6E00] =	vst v63  }
0x14f: {  	s25 =	sld [smem:$0x75D]  }
0x150: {  	s26 =	sld [smem:$0x75E]  }
0x151: {  	[tilespmem:s29], [sflag:$0x1] =	stream.indirect.gather [hbm4b:s3+s7], $0x1, s28, s7, $0xb8;
	[tilespmem:$0x6E00] =	vst v63  }
0x152: {  	s28 =	sld [smem:$0x75F]  }
0x153: {  	s29 =	sld [smem:$0x760]  }
0x154: {  	[tilespmem:s31], [sflag:$0x1] =	stream.indirect.gather [hbm4b:s3+s7], $0x1, s30, s7, $0xb8;
	[tilespmem:$0x6E00] =	vst v63  }
0x155: {  	s30 =	sld [smem:$0x761]  }
0x156: {  	s31 =	sld [smem:$0x762]  }
0x157: {  	[tilespmem:s24], [sflag:$0x1] =	stream.indirect.gather [hbm4b:s3+s7], $0x1, s23, s7, $0xb8;
	[tilespmem:$0x6E00] =	vst v63  }
0x158: {  	s23 =	sld [smem:$0x763]  }
0x159: {  	s24 =	sld [smem:$0x764]  }
0x15a: {  	[tilespmem:s26], [sflag:$0x1] =	stream.indirect.gather [hbm4b:s3+s7], $0x1, s25, s7, $0xb8;
	[tilespmem:$0x6E00] =	vst v63  }
0x15b: {  	s25 =	sld [smem:$0x765]  }
0x15c: {  	s26 =	sld [smem:$0x766]  }
0x15d: {  	[tilespmem:s29], [sflag:$0x1] =	stream.indirect.gather [hbm4b:s3+s7], $0x1, s28, s7, $0xb8;
	[tilespmem:$0x6E00] =	vst v63  }
0x15e: {  	s28 =	sld [smem:$0x767]  }
0x15f: {  	[tilespmem:s31], [sflag:$0x1] =	stream.indirect.gather [hbm4b:s3+s7], $0x1, s30, s7, $0xb8;
	[tilespmem:$0x6E00] =	vst v63  }
0x160: {  	s29 =	sld [smem:$0x768]  }
0x161: {  	[tilespmem:s24], [sflag:$0x1] =	stream.indirect.gather [hbm4b:s3+s7], $0x1, s23, s7, $0xb8;
	[tilespmem:$0x6E00] =	vst v63  }
0x162: {  	s30 =	sld [smem:$0x769]  }
0x163: {  	[tilespmem:s26], [sflag:$0x1] =	stream.indirect.gather [hbm4b:s3+s7], $0x1, s25, s7, $0xb8;
	[tilespmem:$0x6E00] =	vst v63  }
0x164: {  	s31 =	sld [smem:$0x76A]  }
0x165: {  	[tilespmem:s29], [sflag:$0x1] =	stream.indirect.gather [hbm4b:s3+s7], $0x1, s28, s7, $0xb8;
	[tilespmem:$0x6E00] =	vst v63  }
0x166: {  	_ = 	snop  }
0x167: {  	[tilespmem:s31], [sflag:$0x1] =	stream.indirect.gather [hbm4b:s3+s7], $0x1, s30, s7, $0xb8;
	[tilespmem:$0x6E00] =	vst v63  }
0x168: {  	_ =	swait.ge [sflag:s9], $0x80  }
0x169: {  	[sflag:s9] =	ssyncset.done $0x0  }
0x16a: {  	[sflag:s9] =	ssyncadd.s32 $0xFFFFFF80  }
0x16b: {  	_ =	swait.ge [sflag:s9], $0x80  }
0x16c: {  	[sflag:s9] =	ssyncset.done $0x0  }
0x16d: {  	[sflag:s9] =	ssyncadd.s32 $0xFFFFFF80  }
0x16e: {  	_ =	swait.ge [sflag:s9], $0x80  }
0x16f: {  	[sflag:s9] =	ssyncset.done $0x0  }
0x170: {  	[sflag:s9] =	ssyncadd.s32 $0xFFFFFF80  }
0x171: {  	_ =	swait.ge [sflag:s9], $0x80  }
0x172: {  	[sflag:s9] =	ssyncset.done $0x0  }
0x173: {  	[sflag:s9] =	ssyncadd.s32 $0xFFFFFF80  }
0x174: {  	_ =	swait.ge [sflag:s9], $0x80  }
0x175: {  	[sflag:s9] =	ssyncset.done $0x0  }
0x176: {  	[sflag:s9] =	ssyncadd.s32 $0xFFFFFF80  }
0x177: {  	_ =	swait.ge [sflag:s9], $0x80  }
0x178: {  	[sflag:s9] =	ssyncset.done $0x0  }
0x179: {  	[sflag:s9] =	ssyncadd.s32 $0xFFFFFF80  }
0x17a: {  	_ =	swait.ge [sflag:s9], $0x80  }
0x17b: {  	[sflag:s9] =	ssyncset.done $0x0  }
0x17c: {  	[sflag:s9] =	ssyncadd.s32 $0xFFFFFF80  }
0x17d: {  	_ =	swait.ge [sflag:s9], $0x80  }
0x17e: {  	[sflag:s9] =	ssyncset.done $0x0  }
0x17f: {  	[sflag:s9] =	ssyncadd.s32 $0xFFFFFF80  }
0x180: {  	_ =	swait.ge [sflag:s9], $0x80  }
0x181: {  	[sflag:s9] =	ssyncset.done $0x0  }
0x182: {  	[sflag:s9] =	ssyncadd.s32 $0xFFFFFF80  }
0x183: {  	_ =	swait.ge [sflag:s9], $0x80  }
0x184: {  	[sflag:s9] =	ssyncset.done $0x0  }
0x185: {  	[sflag:s9] =	ssyncadd.s32 $0xFFFFFF80  }
0x186: {  	_ =	swait.ge [sflag:s9], $0x80  }
0x187: {  	[sflag:s9] =	ssyncset.done $0x0  }
0x188: {  	[sflag:s9] =	ssyncadd.s32 $0xFFFFFF80  }
0x189: {  	_ =	swait.ge [sflag:s9], $0x80  }
0x18a: {  	[sflag:s9] =	ssyncset.done $0x0  }
0x18b: {  	[sflag:s9] =	ssyncadd.s32 $0xFFFFFF80  }
0x18c: {  	_ =	swait.ge [sflag:s9], $0x80  }
0x18d: {  	s21 =	sld [smem:$0x76B]  }
0x18e: {  	s22 =	sld [smem:$0x76C]  }
0x18f: {  	s23 =	sld [smem:$0x76D]  }
0x190: {  	s24 =	sld [smem:$0x76E]  }
0x191: {  	s25 =	sld [smem:$0x76F]  }
0x192: {  	s26 =	sld [smem:$0x770]  }
0x193: {  	s28 =	sld [smem:$0x771]  }
0x194: {  	[sflag:s9] =	ssyncset.done $0x0;
	s29 =	sld [smem:$0x772]  }
0x195: {  	s30 =	sld [smem:$0x773];
	[sflag:s9] =	ssyncadd.s32 $0xFFFFFF80  }
0x196: {  	[tilespmem:s22], [sflag:$0x1] =	stream.indirect.gather [hbm4b:s3+s7], $0x1, s21, s7, $0xb8;
	[tilespmem:$0x6E00] =	vst v63  }
0x197: {  	s31 =	sld [smem:$0x774]  }
0x198: {  	[tilespmem:s24], [sflag:$0x1] =	stream.indirect.gather [hbm4b:s3+s7], $0x1, s23, s7, $0xb8;
	[tilespmem:$0x6E00] =	vst v63  }
0x199: {  	s23 =	sld [smem:$0x775]  }
0x19a: {  	s24 =	sld [smem:$0x776]  }
0x19b: {  	[tilespmem:s26], [sflag:$0x1] =	stream.indirect.gather [hbm4b:s3+s7], $0x1, s25, s7, $0xb8;
	[tilespmem:$0x6E00] =	vst v63  }
0x19c: {  	s25 =	sld [smem:$0x777]  }
0x19d: {  	s26 =	sld [smem:$0x778]  }
0x19e: {  	[tilespmem:s29], [sflag:$0x1] =	stream.indirect.gather [hbm4b:s3+s7], $0x1, s28, s7, $0xb8;
	[tilespmem:$0x6E00] =	vst v63  }
0x19f: {  	s28 =	sld [smem:$0x779]  }
0x1a0: {  	s29 =	sld [smem:$0x77A]  }
0x1a1: {  	[tilespmem:s31], [sflag:$0x1] =	stream.indirect.gather [hbm4b:s3+s7], $0x1, s30, s7, $0xb8;
	[tilespmem:$0x6E00] =	vst v63  }
0x1a2: {  	s30 =	sld [smem:$0x77B]  }
0x1a3: {  	s31 =	sld [smem:$0x77C]  }
0x1a4: {  	[tilespmem:s24], [sflag:$0x1] =	stream.indirect.gather [hbm4b:s3+s7], $0x1, s23, s7, $0xb8;
	[tilespmem:$0x6E00] =	vst v63  }
0x1a5: {  	s23 =	sld [smem:$0x77D]  }
0x1a6: {  	s24 =	sld [smem:$0x77E]  }
0x1a7: {  	[tilespmem:s26], [sflag:$0x1] =	stream.indirect.gather [hbm4b:s3+s7], $0x1, s25, s7, $0xb8;
	[tilespmem:$0x6E00] =	vst v63  }
0x1a8: {  	s25 =	sld [smem:$0x77F]  }
0x1a9: {  	s26 =	sld [smem:$0x780]  }
0x1aa: {  	[tilespmem:s29], [sflag:$0x1] =	stream.indirect.gather [hbm4b:s3+s7], $0x1, s28, s7, $0xb8;
	[tilespmem:$0x6E00] =	vst v63  }
0x1ab: {  	s28 =	sld [smem:$0x781]  }
0x1ac: {  	[tilespmem:s31], [sflag:$0x1] =	stream.indirect.gather [hbm4b:s3+s7], $0x1, s30, s7, $0xb8;
	[tilespmem:$0x6E00] =	vst v63  }
0x1ad: {  	s29 =	sld [smem:$0x782]  }
0x1ae: {  	[tilespmem:s24], [sflag:$0x1] =	stream.indirect.gather [hbm4b:s3+s7], $0x1, s23, s7, $0xb8;
	[tilespmem:$0x6E00] =	vst v63  }
0x1af: {  	s30 =	sld [smem:$0x783]  }
0x1b0: {  	[tilespmem:s26], [sflag:$0x1] =	stream.indirect.gather [hbm4b:s3+s7], $0x1, s25, s7, $0xb8;
	[tilespmem:$0x6E00] =	vst v63  }
0x1b1: {  	s31 =	sld [smem:$0x784]  }
0x1b2: {  	[tilespmem:s29], [sflag:$0x1] =	stream.indirect.gather [hbm4b:s3+s7], $0x1, s28, s7, $0xb8;
	[tilespmem:$0x6E00] =	vst v63  }
0x1b3: {  	_ = 	snop  }
0x1b4: {  	[tilespmem:s31], [sflag:$0x1] =	stream.indirect.gather [hbm4b:s3+s7], $0x1, s30, s7, $0xb8;
	[tilespmem:$0x6E00] =	vst v63  }
0x1b5: {  	_ =	swait.ge [sflag:s9], $0x80  }
0x1b6: {  	[sflag:s9] =	ssyncset.done $0x0  }
0x1b7: {  	[sflag:s9] =	ssyncadd.s32 $0xFFFFFF80  }
0x1b8: {  	_ =	swait.ge [sflag:s9], $0x80  }
0x1b9: {  	[sflag:s9] =	ssyncset.done $0x0  }
0x1ba: {  	[sflag:s9] =	ssyncadd.s32 $0xFFFFFF80  }
0x1bb: {  	_ =	swait.ge [sflag:s9], $0x80  }
0x1bc: {  	[sflag:s9] =	ssyncset.done $0x0  }
0x1bd: {  	[sflag:s9] =	ssyncadd.s32 $0xFFFFFF80  }
0x1be: {  	_ =	swait.ge [sflag:s9], $0x80  }
0x1bf: {  	[sflag:s9] =	ssyncset.done $0x0  }
0x1c0: {  	[sflag:s9] =	ssyncadd.s32 $0xFFFFFF80  }
0x1c1: {  	_ =	swait.ge [sflag:s9], $0x80  }
0x1c2: {  	[sflag:s9] =	ssyncset.done $0x0  }
0x1c3: {  	[sflag:s9] =	ssyncadd.s32 $0xFFFFFF80  }
0x1c4: {  	_ =	swait.ge [sflag:s9], $0x80  }
0x1c5: {  	[sflag:s9] =	ssyncset.done $0x0  }
0x1c6: {  	[sflag:s9] =	ssyncadd.s32 $0xFFFFFF80  }
0x1c7: {  	_ =	swait.ge [sflag:s9], $0x80  }
0x1c8: {  	[sflag:s9] =	ssyncset.done $0x0  }
0x1c9: {  	[sflag:s9] =	ssyncadd.s32 $0xFFFFFF80  }
0x1ca: {  	_ =	swait.ge [sflag:s9], $0x80  }
0x1cb: {  	[sflag:s9] =	ssyncset.done $0x0  }
0x1cc: {  	[sflag:s9] =	ssyncadd.s32 $0xFFFFFF80  }
0x1cd: {  	_ =	swait.ge [sflag:s9], $0x80  }
0x1ce: {  	[sflag:s9] =	ssyncset.done $0x0  }
0x1cf: {  	[sflag:s9] =	ssyncadd.s32 $0xFFFFFF80  }
0x1d0: {  	_ =	swait.ge [sflag:s9], $0x80  }
0x1d1: {  	[sflag:s9] =	ssyncset.done $0x0  }
0x1d2: {  	[sflag:s9] =	ssyncadd.s32 $0xFFFFFF80  }
0x1d3: {  	_ =	swait.ge [sflag:s9], $0x80  }
0x1d4: {  	[sflag:s9] =	ssyncset.done $0x0  }
0x1d5: {  	[sflag:s9] =	ssyncadd.s32 $0xFFFFFF80  }
0x1d6: {  	_ =	swait.ge [sflag:s9], $0x80  }
0x1d7: {  	[sflag:s9] =	ssyncset.done $0x0  }
0x1d8: {  	[sflag:s9] =	ssyncadd.s32 $0xFFFFFF80  }
0x1d9: {  	_ =	swait.ge [sflag:s9], $0x80  }
0x1da: {  	s21 =	sld [smem:$0x785]  }
0x1db: {  	s22 =	sld [smem:$0x786]  }
0x1dc: {  	s23 =	sld [smem:$0x787]  }
0x1dd: {  	s24 =	sld [smem:$0x788]  }
0x1de: {  	s25 =	sld [smem:$0x789]  }
0x1df: {  	s26 =	sld [smem:$0x78A]  }
0x1e0: {  	s28 =	sld [smem:$0x78B]  }
0x1e1: {  	[sflag:s9] =	ssyncset.done $0x0;
	s29 =	sld [smem:$0x78C]  }
0x1e2: {  	s30 =	sld [smem:$0x78D];
	[sflag:s9] =	ssyncadd.s32 $0xFFFFFF80  }
0x1e3: {  	[tilespmem:s22], [sflag:$0x1] =	stream.indirect.gather [hbm4b:s3+s7], $0x1, s21, s7, $0xb8;
	[tilespmem:$0x6E00] =	vst v63  }
0x1e4: {  	s31 =	sld [smem:$0x78E]  }
0x1e5: {  	[tilespmem:s24], [sflag:$0x1] =	stream.indirect.gather [hbm4b:s3+s7], $0x1, s23, s7, $0xb8;
	[tilespmem:$0x6E00] =	vst v63  }
0x1e6: {  	s23 =	sld [smem:$0x78F]  }
0x1e7: {  	s24 =	sld [smem:$0x790]  }
0x1e8: {  	[tilespmem:s26], [sflag:$0x1] =	stream.indirect.gather [hbm4b:s3+s7], $0x1, s25, s7, $0xb8;
	[tilespmem:$0x6E00] =	vst v63  }
0x1e9: {  	s25 =	sld [smem:$0x791]  }
0x1ea: {  	s26 =	sld [smem:$0x792]  }
0x1eb: {  	[tilespmem:s29], [sflag:$0x1] =	stream.indirect.gather [hbm4b:s3+s7], $0x1, s28, s7, $0xb8;
	[tilespmem:$0x6E00] =	vst v63  }
0x1ec: {  	s28 =	sld [smem:$0x793]  }
0x1ed: {  	s29 =	sld [smem:$0x794]  }
0x1ee: {  	[tilespmem:s31], [sflag:$0x1] =	stream.indirect.gather [hbm4b:s3+s7], $0x1, s30, s7, $0xb8;
	[tilespmem:$0x6E00] =	vst v63  }
0x1ef: {  	s30 =	sld [smem:$0x795]  }
0x1f0: {  	s31 =	sld [smem:$0x796]  }
0x1f1: {  	[tilespmem:s24], [sflag:$0x1] =	stream.indirect.gather [hbm4b:s3+s7], $0x1, s23, s7, $0xb8;
	[tilespmem:$0x6E00] =	vst v63  }
0x1f2: {  	s23 =	sld [smem:$0x797]  }
0x1f3: {  	s24 =	sld [smem:$0x798]  }
0x1f4: {  	[tilespmem:s26], [sflag:$0x1] =	stream.indirect.gather [hbm4b:s3+s7], $0x1, s25, s7, $0xb8;
	[tilespmem:$0x6E00] =	vst v63  }
0x1f5: {  	s25 =	sld [smem:$0x799]  }
0x1f6: {  	s26 =	sld [smem:$0x79A]  }
0x1f7: {  	[tilespmem:s29], [sflag:$0x1] =	stream.indirect.gather [hbm4b:s3+s7], $0x1, s28, s7, $0xb8;
	[tilespmem:$0x6E00] =	vst v63  }
0x1f8: {  	s28 =	sld [smem:$0x79B]  }
0x1f9: {  	[tilespmem:s31], [sflag:$0x1] =	stream.indirect.gather [hbm4b:s3+s7], $0x1, s30, s7, $0xb8;
	[tilespmem:$0x6E00] =	vst v63  }
0x1fa: {  	s29 =	sld [smem:$0x79C]  }
0x1fb: {  	[tilespmem:s24], [sflag:$0x1] =	stream.indirect.gather [hbm4b:s3+s7], $0x1, s23, s7, $0xb8;
	[tilespmem:$0x6E00] =	vst v63  }
0x1fc: {  	s30 =	sld [smem:$0x79D]  }
0x1fd: {  	[tilespmem:s26], [sflag:$0x1] =	stream.indirect.gather [hbm4b:s3+s7], $0x1, s25, s7, $0xb8;
	[tilespmem:$0x6E00] =	vst v63  }
0x1fe: {  	s31 =	sld [smem:$0x79E]  }
0x1ff: {  	[tilespmem:s29], [sflag:$0x1] =	stream.indirect.gather [hbm4b:s3+s7], $0x1, s28, s7, $0xb8;
	[tilespmem:$0x6E00] =	vst v63  }
0x200: {  	_ = 	snop  }
0x201: {  	[tilespmem:s31], [sflag:$0x1] =	stream.indirect.gather [hbm4b:s3+s7], $0x1, s30, s7, $0xb8;
	[tilespmem:$0x6E00] =	vst v63  }
0x202: {  	_ =	swait.ge [sflag:s9], $0x80  }
0x203: {  	[sflag:s9] =	ssyncset.done $0x0  }
0x204: {  	[sflag:s9] =	ssyncadd.s32 $0xFFFFFF80  }
0x205: {  	_ =	swait.ge [sflag:s9], $0x80  }
0x206: {  	[sflag:s9] =	ssyncset.done $0x0  }
0x207: {  	[sflag:s9] =	ssyncadd.s32 $0xFFFFFF80  }
0x208: {  	_ =	swait.ge [sflag:s9], $0x80  }
0x209: {  	[sflag:s9] =	ssyncset.done $0x0  }
0x20a: {  	[sflag:s9] =	ssyncadd.s32 $0xFFFFFF80  }
0x20b: {  	_ =	swait.ge [sflag:s9], $0x80  }
0x20c: {  	[sflag:s9] =	ssyncset.done $0x0  }
0x20d: {  	[sflag:s9] =	ssyncadd.s32 $0xFFFFFF80  }
0x20e: {  	_ =	swait.ge [sflag:s9], $0x80  }
0x20f: {  	[sflag:s9] =	ssyncset.done $0x0  }
0x210: {  	[sflag:s9] =	ssyncadd.s32 $0xFFFFFF80  }
0x211: {  	_ =	swait.ge [sflag:s9], $0x80  }
0x212: {  	[sflag:s9] =	ssyncset.done $0x0  }
0x213: {  	[sflag:s9] =	ssyncadd.s32 $0xFFFFFF80  }
0x214: {  	_ =	swait.ge [sflag:s9], $0x80  }
0x215: {  	[sflag:s9] =	ssyncset.done $0x0  }
0x216: {  	[sflag:s9] =	ssyncadd.s32 $0xFFFFFF80  }
0x217: {  	_ =	swait.ge [sflag:s9], $0x80  }
0x218: {  	[sflag:s9] =	ssyncset.done $0x0  }
0x219: {  	[sflag:s9] =	ssyncadd.s32 $0xFFFFFF80  }
0x21a: {  	_ =	swait.ge [sflag:s9], $0x80  }
0x21b: {  	[sflag:s9] =	ssyncset.done $0x0  }
0x21c: {  	[sflag:s9] =	ssyncadd.s32 $0xFFFFFF80  }
0x21d: {  	_ =	swait.ge [sflag:s9], $0x80  }
0x21e: {  	[sflag:s9] =	ssyncset.done $0x0  }
0x21f: {  	[sflag:s9] =	ssyncadd.s32 $0xFFFFFF80  }
0x220: {  	_ =	swait.ge [sflag:s9], $0x80  }
0x221: {  	[sflag:s9] =	ssyncset.done $0x0  }
0x222: {  	[sflag:s9] =	ssyncadd.s32 $0xFFFFFF80  }
0x223: {  	_ =	swait.ge [sflag:s9], $0x80  }
0x224: {  	[sflag:s9] =	ssyncset.done $0x0  }
0x225: {  	[sflag:s9] =	ssyncadd.s32 $0xFFFFFF80  }
0x226: {  	_ =	swait.ge [sflag:s9], $0x80  }
0x227: {  	s21 =	sld [smem:$0x79F]  }
0x228: {  	s22 =	sld [smem:$0x7A0]  }
0x229: {  	s23 =	sld [smem:$0x7A1]  }
0x22a: {  	s24 =	sld [smem:$0x7A2]  }
0x22b: {  	s25 =	sld [smem:$0x7A3]  }
0x22c: {  	s26 =	sld [smem:$0x7A4]  }
0x22d: {  	s28 =	sld [smem:$0x7A5]  }
0x22e: {  	[sflag:s9] =	ssyncset.done $0x0;
	s29 =	sld [smem:$0x7A6]  }
0x22f: {  	s30 =	sld [smem:$0x7A7];
	[sflag:s9] =	ssyncadd.s32 $0xFFFFFF80  }
0x230: {  	[tilespmem:s22], [sflag:$0x1] =	stream.indirect.gather [hbm4b:s3+s7], $0x1, s21, s7, $0xb8;
	[tilespmem:$0x6E00] =	vst v63  }
0x231: {  	s31 =	sld [smem:$0x7A8]  }
0x232: {  	[tilespmem:s24], [sflag:$0x1] =	stream.indirect.gather [hbm4b:s3+s7], $0x1, s23, s7, $0xb8;
	[tilespmem:$0x6E00] =	vst v63  }
0x233: {  	s23 =	sld [smem:$0x7A9]  }
0x234: {  	s24 =	sld [smem:$0x7AA]  }
0x235: {  	[tilespmem:s26], [sflag:$0x1] =	stream.indirect.gather [hbm4b:s3+s7], $0x1, s25, s7, $0xb8;
	[tilespmem:$0x6E00] =	vst v63  }
0x236: {  	s25 =	sld [smem:$0x7AB]  }
0x237: {  	s26 =	sld [smem:$0x7AC]  }
0x238: {  	[tilespmem:s29], [sflag:$0x1] =	stream.indirect.gather [hbm4b:s3+s7], $0x1, s28, s7, $0xb8;
	[tilespmem:$0x6E00] =	vst v63  }
0x239: {  	s28 =	sld [smem:$0x7AD]  }
0x23a: {  	s29 =	sld [smem:$0x7AE]  }
0x23b: {  	[tilespmem:s31], [sflag:$0x1] =	stream.indirect.gather [hbm4b:s3+s7], $0x1, s30, s7, $0xb8;
	[tilespmem:$0x6E00] =	vst v63  }
0x23c: {  	s30 =	sld [smem:$0x7AF]  }
0x23d: {  	s31 =	sld [smem:$0x7B0]  }
0x23e: {  	[tilespmem:s24], [sflag:$0x1] =	stream.indirect.gather [hbm4b:s3+s7], $0x1, s23, s7, $0xb8;
	[tilespmem:$0x6E00] =	vst v63  }
0x23f: {  	s23 =	sld [smem:$0x7B1]  }
0x240: {  	s24 =	sld [smem:$0x7B2]  }
0x241: {  	[tilespmem:s26], [sflag:$0x1] =	stream.indirect.gather [hbm4b:s3+s7], $0x1, s25, s7, $0xb8;
	[tilespmem:$0x6E00] =	vst v63  }
0x242: {  	s25 =	sld [smem:$0x7B3]  }
0x243: {  	s26 =	sld [smem:$0x7B4]  }
0x244: {  	[tilespmem:s29], [sflag:$0x1] =	stream.indirect.gather [hbm4b:s3+s7], $0x1, s28, s7, $0xb8;
	[tilespmem:$0x6E00] =	vst v63  }
0x245: {  	s28 =	sld [smem:$0x7B5]  }
0x246: {  	[tilespmem:s31], [sflag:$0x1] =	stream.indirect.gather [hbm4b:s3+s7], $0x1, s30, s7, $0xb8;
	[tilespmem:$0x6E00] =	vst v63  }
0x247: {  	s29 =	sld [smem:$0x7B6]  }
0x248: {  	[tilespmem:s24], [sflag:$0x1] =	stream.indirect.gather [hbm4b:s3+s7], $0x1, s23, s7, $0xb8;
	[tilespmem:$0x6E00] =	vst v63  }
0x249: {  	s30 =	sld [smem:$0x7B7]  }
0x24a: {  	[tilespmem:s26], [sflag:$0x1] =	stream.indirect.gather [hbm4b:s3+s7], $0x1, s25, s7, $0xb8;
	[tilespmem:$0x6E00] =	vst v63  }
0x24b: {  	s31 =	sld [smem:$0x7B8]  }
0x24c: {  	[tilespmem:s29], [sflag:$0x1] =	stream.indirect.gather [hbm4b:s3+s7], $0x1, s28, s7, $0xb8;
	[tilespmem:$0x6E00] =	vst v63  }
0x24d: {  	_ = 	snop  }
0x24e: {  	[tilespmem:s31], [sflag:$0x1] =	stream.indirect.gather [hbm4b:s3+s7], $0x1, s30, s7, $0xb8;
	[tilespmem:$0x6E00] =	vst v63  }
0x24f: {  	_ =	swait.ge [sflag:s9], $0x80  }
0x250: {  	[sflag:s9] =	ssyncset.done $0x0  }
0x251: {  	[sflag:s9] =	ssyncadd.s32 $0xFFFFFF80  }
0x252: {  	_ =	swait.ge [sflag:s9], $0x80  }
0x253: {  	[sflag:s9] =	ssyncset.done $0x0  }
0x254: {  	[sflag:s9] =	ssyncadd.s32 $0xFFFFFF80  }
0x255: {  	_ =	swait.ge [sflag:s9], $0x80  }
0x256: {  	[sflag:s9] =	ssyncset.done $0x0  }
0x257: {  	[sflag:s9] =	ssyncadd.s32 $0xFFFFFF80  }
0x258: {  	_ =	swait.ge [sflag:s9], $0x80  }
0x259: {  	[sflag:s9] =	ssyncset.done $0x0  }
0x25a: {  	[sflag:s9] =	ssyncadd.s32 $0xFFFFFF80  }
0x25b: {  	_ =	swait.ge [sflag:s9], $0x80  }
0x25c: {  	[sflag:s9] =	ssyncset.done $0x0  }
0x25d: {  	[sflag:s9] =	ssyncadd.s32 $0xFFFFFF80  }
0x25e: {  	_ =	swait.ge [sflag:s9], $0x80  }
0x25f: {  	[sflag:s9] =	ssyncset.done $0x0  }
0x260: {  	[sflag:s9] =	ssyncadd.s32 $0xFFFFFF80  }
0x261: {  	_ =	swait.ge [sflag:s9], $0x80  }
0x262: {  	[sflag:s9] =	ssyncset.done $0x0  }
0x263: {  	[sflag:s9] =	ssyncadd.s32 $0xFFFFFF80  }
0x264: {  	_ =	swait.ge [sflag:s9], $0x80  }
0x265: {  	[sflag:s9] =	ssyncset.done $0x0  }
0x266: {  	[sflag:s9] =	ssyncadd.s32 $0xFFFFFF80  }
0x267: {  	_ =	swait.ge [sflag:s9], $0x80  }
0x268: {  	[sflag:s9] =	ssyncset.done $0x0  }
0x269: {  	[sflag:s9] =	ssyncadd.s32 $0xFFFFFF80  }
0x26a: {  	_ =	swait.ge [sflag:s9], $0x80  }
0x26b: {  	[sflag:s9] =	ssyncset.done $0x0  }
0x26c: {  	[sflag:s9] =	ssyncadd.s32 $0xFFFFFF80  }
0x26d: {  	_ =	swait.ge [sflag:s9], $0x80  }
0x26e: {  	[sflag:s9] =	ssyncset.done $0x0  }
0x26f: {  	[sflag:s9] =	ssyncadd.s32 $0xFFFFFF80  }
0x270: {  	_ =	swait.ge [sflag:s9], $0x80  }
0x271: {  	[sflag:s9] =	ssyncset.done $0x0  }
0x272: {  	[sflag:s9] =	ssyncadd.s32 $0xFFFFFF80  }
0x273: {  	_ =	swait.ge [sflag:s9], $0x80  }
0x274: {  	s21 =	sld [smem:$0x7B9]  }
0x275: {  	s22 =	sld [smem:$0x7BA]  }
0x276: {  	s23 =	sld [smem:$0x7BB]  }
0x277: {  	s24 =	sld [smem:$0x7BC]  }
0x278: {  	s25 =	sld [smem:$0x7BD]  }
0x279: {  	s26 =	sld [smem:$0x7BE]  }
0x27a: {  	s28 =	sld [smem:$0x7BF]  }
0x27b: {  	[sflag:s9] =	ssyncset.done $0x0;
	s29 =	sld [smem:$0x7C0]  }
0x27c: {  	s30 =	sld [smem:$0x7C1];
	[sflag:s9] =	ssyncadd.s32 $0xFFFFFF80  }
0x27d: {  	[tilespmem:s22], [sflag:$0x1] =	stream.indirect.gather [hbm4b:s3+s7], $0x1, s21, s7, $0xb8;
	[tilespmem:$0x6E00] =	vst v63  }
0x27e: {  	s31 =	sld [smem:$0x7C2]  }
0x27f: {  	[tilespmem:s24], [sflag:$0x1] =	stream.indirect.gather [hbm4b:s3+s7], $0x1, s23, s7, $0xb8;
	[tilespmem:$0x6E00] =	vst v63  }
0x280: {  	s23 =	sld [smem:$0x7C3]  }
0x281: {  	s24 =	sld [smem:$0x7C4]  }
0x282: {  	[tilespmem:s26], [sflag:$0x1] =	stream.indirect.gather [hbm4b:s3+s7], $0x1, s25, s7, $0xb8;
	[tilespmem:$0x6E00] =	vst v63  }
0x283: {  	s25 =	sld [smem:$0x7C5]  }
0x284: {  	s26 =	sld [smem:$0x7C6]  }
0x285: {  	[tilespmem:s29], [sflag:$0x1] =	stream.indirect.gather [hbm4b:s3+s7], $0x1, s28, s7, $0xb8;
	[tilespmem:$0x6E00] =	vst v63  }
0x286: {  	s28 =	sld [smem:$0x7C7]  }
0x287: {  	s29 =	sld [smem:$0x7C8]  }
0x288: {  	[tilespmem:s31], [sflag:$0x1] =	stream.indirect.gather [hbm4b:s3+s7], $0x1, s30, s7, $0xb8;
	[tilespmem:$0x6E00] =	vst v63  }
0x289: {  	s30 =	sld [smem:$0x7C9]  }
0x28a: {  	s31 =	sld [smem:$0x7CA]  }
0x28b: {  	[tilespmem:s24], [sflag:$0x1] =	stream.indirect.gather [hbm4b:s3+s7], $0x1, s23, s7, $0xb8;
	[tilespmem:$0x6E00] =	vst v63  }
0x28c: {  	s23 =	sld [smem:$0x7CB]  }
0x28d: {  	s24 =	sld [smem:$0x7CC]  }
0x28e: {  	[tilespmem:s26], [sflag:$0x1] =	stream.indirect.gather [hbm4b:s3+s7], $0x1, s25, s7, $0xb8;
	[tilespmem:$0x6E00] =	vst v63  }
0x28f: {  	s25 =	sld [smem:$0x7CD]  }
0x290: {  	s26 =	sld [smem:$0x7CE]  }
0x291: {  	[tilespmem:s29], [sflag:$0x1] =	stream.indirect.gather [hbm4b:s3+s7], $0x1, s28, s7, $0xb8;
	[tilespmem:$0x6E00] =	vst v63  }
0x292: {  	s28 =	sld [smem:$0x7CF]  }
0x293: {  	[tilespmem:s31], [sflag:$0x1] =	stream.indirect.gather [hbm4b:s3+s7], $0x1, s30, s7, $0xb8;
	[tilespmem:$0x6E00] =	vst v63  }
0x294: {  	s29 =	sld [smem:$0x7D0]  }
0x295: {  	[tilespmem:s24], [sflag:$0x1] =	stream.indirect.gather [hbm4b:s3+s7], $0x1, s23, s7, $0xb8;
	[tilespmem:$0x6E00] =	vst v63  }
0x296: {  	s30 =	sld [smem:$0x7D1]  }
0x297: {  	[tilespmem:s26], [sflag:$0x1] =	stream.indirect.gather [hbm4b:s3+s7], $0x1, s25, s7, $0xb8;
	[tilespmem:$0x6E00] =	vst v63  }
0x298: {  	s31 =	sld [smem:$0x7D2]  }
0x299: {  	[tilespmem:s29], [sflag:$0x1] =	stream.indirect.gather [hbm4b:s3+s7], $0x1, s28, s7, $0xb8;
	[tilespmem:$0x6E00] =	vst v63  }
0x29a: {  	_ = 	snop  }
0x29b: {  	[tilespmem:s31], [sflag:$0x1] =	stream.indirect.gather [hbm4b:s3+s7], $0x1, s30, s7, $0xb8;
	[tilespmem:$0x6E00] =	vst v63  }
0x29c: {  	_ =	swait.ge [sflag:s9], $0x80  }
0x29d: {  	[sflag:s9] =	ssyncset.done $0x0  }
0x29e: {  	[sflag:s9] =	ssyncadd.s32 $0xFFFFFF80  }
0x29f: {  	_ =	swait.ge [sflag:s9], $0x80  }
0x2a0: {  	[sflag:s9] =	ssyncset.done $0x0  }
0x2a1: {  	[sflag:s9] =	ssyncadd.s32 $0xFFFFFF80  }
0x2a2: {  	_ =	swait.ge [sflag:s9], $0x80  }
0x2a3: {  	[sflag:s9] =	ssyncset.done $0x0  }
0x2a4: {  	[sflag:s9] =	ssyncadd.s32 $0xFFFFFF80  }
0x2a5: {  	_ =	swait.ge [sflag:s9], $0x80  }
0x2a6: {  	[sflag:s9] =	ssyncset.done $0x0  }
0x2a7: {  	[sflag:s9] =	ssyncadd.s32 $0xFFFFFF80  }
0x2a8: {  	_ =	swait.ge [sflag:s9], $0x80  }
0x2a9: {  	[sflag:s9] =	ssyncset.done $0x0  }
0x2aa: {  	[sflag:s9] =	ssyncadd.s32 $0xFFFFFF80  }
0x2ab: {  	_ =	swait.ge [sflag:s9], $0x80  }
0x2ac: {  	[sflag:s9] =	ssyncset.done $0x0  }
0x2ad: {  	[sflag:s9] =	ssyncadd.s32 $0xFFFFFF80  }
0x2ae: {  	_ =	swait.ge [sflag:s9], $0x80  }
0x2af: {  	[sflag:s9] =	ssyncset.done $0x0  }
0x2b0: {  	[sflag:s9] =	ssyncadd.s32 $0xFFFFFF80  }
0x2b1: {  	_ =	swait.ge [sflag:s9], $0x80  }
0x2b2: {  	[sflag:s9] =	ssyncset.done $0x0  }
0x2b3: {  	[sflag:s9] =	ssyncadd.s32 $0xFFFFFF80  }
0x2b4: {  	_ =	swait.ge [sflag:s9], $0x80  }
0x2b5: {  	[sflag:s9] =	ssyncset.done $0x0  }
0x2b6: {  	[sflag:s9] =	ssyncadd.s32 $0xFFFFFF80  }
0x2b7: {  	_ =	swait.ge [sflag:s9], $0x80  }
0x2b8: {  	[sflag:s9] =	ssyncset.done $0x0  }
0x2b9: {  	[sflag:s9] =	ssyncadd.s32 $0xFFFFFF80  }
0x2ba: {  	_ =	swait.ge [sflag:s9], $0x80  }
0x2bb: {  	[sflag:s9] =	ssyncset.done $0x0  }
0x2bc: {  	[sflag:s9] =	ssyncadd.s32 $0xFFFFFF80  }
0x2bd: {  	_ =	swait.ge [sflag:s9], $0x80  }
0x2be: {  	[sflag:s9] =	ssyncset.done $0x0  }
0x2bf: {  	[sflag:s9] =	ssyncadd.s32 $0xFFFFFF80  }
0x2c0: {  	_ =	swait.ge [sflag:s9], $0x80  }
0x2c1: {  	s21 =	sld [smem:$0x7D3]  }
0x2c2: {  	s22 =	sld [smem:$0x7D4]  }
0x2c3: {  	s23 =	sld [smem:$0x7D5]  }
0x2c4: {  	s24 =	sld [smem:$0x7D6]  }
0x2c5: {  	s25 =	sld [smem:$0x7D7]  }
0x2c6: {  	s26 =	sld [smem:$0x7D8]  }
0x2c7: {  	s28 =	sld [smem:$0x7D9]  }
0x2c8: {  	[sflag:s9] =	ssyncset.done $0x0;
	s29 =	sld [smem:$0x7DA]  }
0x2c9: {  	s30 =	sld [smem:$0x7DB];
	[sflag:s9] =	ssyncadd.s32 $0xFFFFFF80  }
0x2ca: {  	[tilespmem:s22], [sflag:$0x1] =	stream.indirect.gather [hbm4b:s3+s7], $0x1, s21, s7, $0xb8;
	[tilespmem:$0x6E00] =	vst v63  }
0x2cb: {  	s31 =	sld [smem:$0x7DC]  }
0x2cc: {  	[tilespmem:s24], [sflag:$0x1] =	stream.indirect.gather [hbm4b:s3+s7], $0x1, s23, s7, $0xb8;
	[tilespmem:$0x6E00] =	vst v63  }
0x2cd: {  	s23 =	sld [smem:$0x7DD]  }
0x2ce: {  	s24 =	sld [smem:$0x7DE]  }
0x2cf: {  	[tilespmem:s26], [sflag:$0x1] =	stream.indirect.gather [hbm4b:s3+s7], $0x1, s25, s7, $0xb8;
	[tilespmem:$0x6E00] =	vst v63  }
0x2d0: {  	s25 =	sld [smem:$0x7DF]  }
0x2d1: {  	s26 =	sld [smem:$0x7E0]  }
0x2d2: {  	[tilespmem:s29], [sflag:$0x1] =	stream.indirect.gather [hbm4b:s3+s7], $0x1, s28, s7, $0xb8;
	[tilespmem:$0x6E00] =	vst v63  }
0x2d3: {  	s28 =	sld [smem:$0x7E1]  }
0x2d4: {  	s29 =	sld [smem:$0x7E2]  }
0x2d5: {  	[tilespmem:s31], [sflag:$0x1] =	stream.indirect.gather [hbm4b:s3+s7], $0x1, s30, s7, $0xb8;
	[tilespmem:$0x6E00] =	vst v63  }
0x2d6: {  	s30 =	sld [smem:$0x7E3]  }
0x2d7: {  	s31 =	sld [smem:$0x7E4]  }
0x2d8: {  	[tilespmem:s24], [sflag:$0x1] =	stream.indirect.gather [hbm4b:s3+s7], $0x1, s23, s7, $0xb8;
	[tilespmem:$0x6E00] =	vst v63  }
0x2d9: {  	s23 =	sld [smem:$0x7E5]  }
0x2da: {  	s24 =	sld [smem:$0x7E6]  }
0x2db: {  	[tilespmem:s26], [sflag:$0x1] =	stream.indirect.gather [hbm4b:s3+s7], $0x1, s25, s7, $0xb8;
	[tilespmem:$0x6E00] =	vst v63  }
0x2dc: {  	s25 =	sld [smem:$0x7E7]  }
0x2dd: {  	s26 =	sld [smem:$0x7E8]  }
0x2de: {  	[tilespmem:s29], [sflag:$0x1] =	stream.indirect.gather [hbm4b:s3+s7], $0x1, s28, s7, $0xb8;
	[tilespmem:$0x6E00] =	vst v63  }
0x2df: {  	s28 =	sld [smem:$0x7E9]  }
0x2e0: {  	[tilespmem:s31], [sflag:$0x1] =	stream.indirect.gather [hbm4b:s3+s7], $0x1, s30, s7, $0xb8;
	[tilespmem:$0x6E00] =	vst v63  }
0x2e1: {  	s29 =	sld [smem:$0x7EA]  }
0x2e2: {  	[tilespmem:s24], [sflag:$0x1] =	stream.indirect.gather [hbm4b:s3+s7], $0x1, s23, s7, $0xb8;
	[tilespmem:$0x6E00] =	vst v63  }
0x2e3: {  	s30 =	sld [smem:$0x7EB]  }
0x2e4: {  	[tilespmem:s26], [sflag:$0x1] =	stream.indirect.gather [hbm4b:s3+s7], $0x1, s25, s7, $0xb8;
	[tilespmem:$0x6E00] =	vst v63  }
0x2e5: {  	s31 =	sld [smem:$0x7EC]  }
0x2e6: {  	[tilespmem:s29], [sflag:$0x1] =	stream.indirect.gather [hbm4b:s3+s7], $0x1, s28, s7, $0xb8;
	[tilespmem:$0x6E00] =	vst v63  }
0x2e7: {  	_ = 	snop  }
0x2e8: {  	[tilespmem:s31], [sflag:$0x1] =	stream.indirect.gather [hbm4b:s3+s7], $0x1, s30, s7, $0xb8;
	[tilespmem:$0x6E00] =	vst v63  }
0x2e9: {  	_ =	swait.ge [sflag:s9], $0x80  }
0x2ea: {  	[sflag:s9] =	ssyncset.done $0x0  }
0x2eb: {  	[sflag:s9] =	ssyncadd.s32 $0xFFFFFF80  }
0x2ec: {  	_ =	swait.ge [sflag:s9], $0x80  }
0x2ed: {  	[sflag:s9] =	ssyncset.done $0x0  }
0x2ee: {  	[sflag:s9] =	ssyncadd.s32 $0xFFFFFF80  }
0x2ef: {  	_ =	swait.ge [sflag:s9], $0x80  }
0x2f0: {  	[sflag:s9] =	ssyncset.done $0x0  }
0x2f1: {  	[sflag:s9] =	ssyncadd.s32 $0xFFFFFF80  }
0x2f2: {  	_ =	swait.ge [sflag:s9], $0x80  }
0x2f3: {  	[sflag:s9] =	ssyncset.done $0x0  }
0x2f4: {  	[sflag:s9] =	ssyncadd.s32 $0xFFFFFF80  }
0x2f5: {  	_ =	swait.ge [sflag:s9], $0x80  }
0x2f6: {  	[sflag:s9] =	ssyncset.done $0x0  }
0x2f7: {  	[sflag:s9] =	ssyncadd.s32 $0xFFFFFF80  }
0x2f8: {  	_ =	swait.ge [sflag:s9], $0x80  }
0x2f9: {  	[sflag:s9] =	ssyncset.done $0x0  }
0x2fa: {  	[sflag:s9] =	ssyncadd.s32 $0xFFFFFF80  }
0x2fb: {  	_ =	swait.ge [sflag:s9], $0x80  }
0x2fc: {  	[sflag:s9] =	ssyncset.done $0x0  }
0x2fd: {  	[sflag:s9] =	ssyncadd.s32 $0xFFFFFF80  }
0x2fe: {  	_ =	swait.ge [sflag:s9], $0x80  }
0x2ff: {  	[sflag:s9] =	ssyncset.done $0x0  }
0x300: {  	[sflag:s9] =	ssyncadd.s32 $0xFFFFFF80  }
0x301: {  	_ =	swait.ge [sflag:s9], $0x80  }
0x302: {  	[sflag:s9] =	ssyncset.done $0x0  }
0x303: {  	[sflag:s9] =	ssyncadd.s32 $0xFFFFFF80  }
0x304: {  	_ =	swait.ge [sflag:s9], $0x80  }
0x305: {  	[sflag:s9] =	ssyncset.done $0x0  }
0x306: {  	[sflag:s9] =	ssyncadd.s32 $0xFFFFFF80  }
0x307: {  	_ =	swait.ge [sflag:s9], $0x80  }
0x308: {  	[sflag:s9] =	ssyncset.done $0x0  }
0x309: {  	[sflag:s9] =	ssyncadd.s32 $0xFFFFFF80  }
0x30a: {  	_ =	swait.ge [sflag:s9], $0x80  }
0x30b: {  	[sflag:s9] =	ssyncset.done $0x0  }
0x30c: {  	[sflag:s9] =	ssyncadd.s32 $0xFFFFFF80  }
0x30d: {  	_ =	swait.ge [sflag:s9], $0x80  }
0x30e: {  	s23 =	sld [smem:$0x7ED]  }
0x30f: {  	s24 =	sld [smem:$0x7EE]  }
0x310: {  	s25 =	sld [smem:$0x7EF]  }
0x311: {  	s26 =	sld [smem:$0x7F0]  }
0x312: {  	s28 =	sld [smem:$0x7F1]  }
0x313: {  	s29 =	sld [smem:$0x7F2]  }
0x314: {  	s30 =	sld [smem:$0x7F3]  }
0x315: {  	s31 =	sld [smem:$0x7F4]  }
0x316: {  	[sflag:s9] =	ssyncset.done $0x0;
	s21 =	sld [smem:$0x7F5]  }
0x317: {  	s22 =	sld [smem:$0x7F6];
	[sflag:s9] =	ssyncadd.s32 $0xFFFFFF80  }
0x318: {  	[tilespmem:s24], [sflag:$0x1] =	stream.indirect.gather [hbm4b:s3+s7], $0x1, s23, s7, $0xb8;
	[tilespmem:$0x6E00] =	vst v63  }
0x319: {  	s23 =	sld [smem:$0x7F7]  }
0x31a: {  	[tilespmem:s26], [sflag:$0x1] =	stream.indirect.gather [hbm4b:s3+s7], $0x1, s25, s7, $0xb8;
	[tilespmem:$0x6E00] =	vst v63  }
0x31b: {  	s24 =	sld [smem:$0x7F8]  }
0x31c: {  	[tilespmem:s29], [sflag:$0x1] =	stream.indirect.gather [hbm4b:s3+s7], $0x1, s28, s7, $0xb8;
	[tilespmem:$0x6E00] =	vst v63  }
0x31d: {  	s25 =	sld [smem:$0x7F9]  }
0x31e: {  	[tilespmem:s31], [sflag:$0x1] =	stream.indirect.gather [hbm4b:s3+s7], $0x1, s30, s7, $0xb8;
	[tilespmem:$0x6E00] =	vst v63  }
0x31f: {  	s26 =	sld [smem:$0x7FA]  }
0x320: {  	[tilespmem:s22], [sflag:$0x1] =	stream.indirect.gather [hbm4b:s3+s7], $0x1, s21, s7, $0xb8;
	[tilespmem:$0x6E00] =	vst v63  }
0x321: {  	s28 =	sld [smem:$0x7FB]  }
0x322: {  	[tilespmem:s24], [sflag:$0x1] =	stream.indirect.gather [hbm4b:s3+s7], $0x1, s23, s7, $0xb8;
	[tilespmem:$0x6E00] =	vst v63  }
0x323: {  	s29 =	sld [smem:$0x7FC]  }
0x324: {  	[tilespmem:s26], [sflag:$0x1] =	stream.indirect.gather [hbm4b:s3+s7], $0x1, s25, s7, $0xb8;
	[tilespmem:$0x6E00] =	vst v63  }
0x325: {  	s30 =	sld [smem:$0x7FD]  }
0x326: {  	[tilespmem:s29], [sflag:$0x1] =	stream.indirect.gather [hbm4b:s3+s7], $0x1, s28, s7, $0xb8;
	[tilespmem:$0x6E00] =	vst v63  }
0x327: {  	_ = 	snop  }
0x328: {  	[tilespmem:s10], [sflag:$0x1] =	stream.indirect.gather [hbm4b:s3+s7], $0x1, s30, s7, $0xb8;
	[tilespmem:$0x6E00] =	vst v63  }
0x329: {  	_ = 	snop  }
0x32a: {  	[tilespmem:s12], [sflag:$0x1] =	stream.indirect.gather [hbm4b:s3+s7], $0x1, s11, s7, $0xb8;
	[tilespmem:$0x6E00] =	vst v63  }
0x32b: {  	_ = 	snop  }
0x32c: {  	[tilespmem:s14], [sflag:$0x1] =	stream.indirect.gather [hbm4b:s3+s7], $0x1, s13, s7, $0xb8;
	[tilespmem:$0x6E00] =	vst v63  }
0x32d: {  	_ = 	snop  }
0x32e: {  	[tilespmem:s16], [sflag:$0x1] =	stream.indirect.gather [hbm4b:s3+s7], $0x1, s15, s7, $0xb8;
	[tilespmem:$0x6E00] =	vst v63  }
0x32f: {  	_ = 	snop  }
0x330: {  	[tilespmem:s18], [sflag:$0x1] =	stream.indirect.gather [hbm4b:s3+s7], $0x1, s17, s7, $0xb8;
	[tilespmem:$0x6E00] =	vst v63  }
0x331: {  	_ =	swait.ge [sflag:s9], $0x80  }
0x332: {  	[sflag:s9] =	ssyncset.done $0x0  }
0x333: {  	[sflag:s9] =	ssyncadd.s32 $0xFFFFFF80  }
0x334: {  	_ =	swait.ge [sflag:s9], $0x80  }
0x335: {  	[sflag:s9] =	ssyncset.done $0x0  }
0x336: {  	[sflag:s9] =	ssyncadd.s32 $0xFFFFFF80  }
0x337: {  	_ =	swait.ge [sflag:s9], $0x80  }
0x338: {  	[sflag:s9] =	ssyncset.done $0x0  }
0x339: {  	[sflag:s9] =	ssyncadd.s32 $0xFFFFFF80  }
0x33a: {  	_ =	swait.ge [sflag:s9], $0x80  }
0x33b: {  	[sflag:s9] =	ssyncset.done $0x0  }
0x33c: {  	[sflag:s9] =	ssyncadd.s32 $0xFFFFFF80  }
0x33d: {  	_ =	swait.ge [sflag:s9], $0x80  }
0x33e: {  	[sflag:s9] =	ssyncset.done $0x0  }
0x33f: {  	[sflag:s9] =	ssyncadd.s32 $0xFFFFFF80  }
0x340: {  	_ =	swait.ge [sflag:s9], $0x80  }
0x341: {  	[sflag:s9] =	ssyncset.done $0x0  }
0x342: {  	[sflag:s9] =	ssyncadd.s32 $0xFFFFFF80  }
0x343: {  	_ =	swait.ge [sflag:s9], $0x80  }
0x344: {  	[sflag:s9] =	ssyncset.done $0x0  }
0x345: {  	[sflag:s9] =	ssyncadd.s32 $0xFFFFFF80  }
0x346: {  	_ =	swait.ge [sflag:s9], $0x80  }
0x347: {  	[sflag:s9] =	ssyncset.done $0x0  }
0x348: {  	[sflag:s9] =	ssyncadd.s32 $0xFFFFFF80  }
0x349: {  	_ =	swait.ge [sflag:s9], $0x80  }
0x34a: {  	[sflag:s9] =	ssyncset.done $0x0  }
0x34b: {  	[sflag:s9] =	ssyncadd.s32 $0xFFFFFF80  }
0x34c: {  	_ =	swait.ge [sflag:s9], $0x80  }
0x34d: {  	[sflag:s9] =	ssyncset.done $0x0  }
0x34e: {  	[sflag:s9] =	ssyncadd.s32 $0xFFFFFF80  }
0x34f: {  	_ =	swait.ge [sflag:s9], $0x80  }
0x350: {  	[sflag:s9] =	ssyncset.done $0x0  }
0x351: {  	[sflag:s9] =	ssyncadd.s32 $0xFFFFFF80  }
0x352: {  	_ =	swait.ge [sflag:s9], $0x80  }
0x353: {  	[sflag:s9] =	ssyncset.done $0x0  }
0x354: {  	[sflag:s9] =	ssyncadd.s32 $0xFFFFFF80  }
0x355: {  	s5 =	sadd.s32 $0xFFFFFFFF, s5;
	_ =	swait.ge [sflag:s9], $0x80  }
0x356: {  	p1 =	sne.s32 s5, $0x0;
	[sflag:s9] =	ssyncset.done $0x0  }
.Ltmp0:
0x357: {  	s31 =	rddreg [dreg:$0x6];
	[sflag:s9] =	ssyncadd.s32 $0xFFFFFF80;
	(pc) =	sbr.rel @p1 .LBB2_1-.Ltmp0, $4  }
0x358: {  	[hbm4b:s31+s2] =	stream.linear.scatter [tilespmem:s8], [sflag:$0x2], $0x3400, $0x38;
	[tilespmem:$0x6E00] =	vst v63  }
0x359: {  	_ =	swait.ge [sflag:s6], $0x3400  }
0x35a: {  	[sflag:s6] =	ssyncset.done $0x0  }
0x35b: {  	[sflag:s6] =	ssyncadd.s32 $0xFFFFCC00  }
0x35c: {  	_ =	sfence.sel $0x180000  }
0x35d: {  	[bflag:$0x0] =	sbarrier.arrive $0xFFFF  }
0x35e: {  	p0 =	sne.s32 s0, $0x0;
	_ =	strace $0x90000047  }
0x35f: {  	s0 =	sadd.s32 @!p0 $0x100000, s1;
	[bflag:$0x2] =	sbarrier.arrive $0xFFFF  }
0x360: {  	[sflag:s0] =	ssyncadd.tile.s32 @!p0 $0x1;
	_ =	shalt  }
.Lfunc_end2:
_tile_overlayer_lowered:
.L_overlay_start_2:
0x361: {  	(tag) =	ssettag $0x2  }
0x362: {  	s0 =	rddreg [dreg:$0x0];
	s2 =	stileid.u32  }
0x363: {  	s1 =	rddreg [dreg:$0x1];
	p0 =	sne.s32 s2, $0x0  }
0x364: {  	s3 =	rddreg [dreg:$0x2];
	[bflag:$0x3] =	sbarrier.arrive $0xFFFF;
	s2 =	simm.s32 @!p0 $0x1C02  }
0x365: {  	[timem:s3], [sflag:s2] =	dma.local @!p0 [hbm:s0], s1  }
0x366: {  	s0 =	simm.s32 @!p0 $0x2  }
0x367: {  	_ =	swait.ge @!p0 [sflag:s0], s1  }
0x368: {  	s1 =	ssub.s32 @!p0 $0x0, s1;
	[sflag:s0] =	ssyncset.done @!p0 $0x0  }
0x369: {  	[sflag:s0] =	ssyncadd.s32 @!p0 s1  }
0x36a: {  	[bflag:$0x3] =	sbarrier.arrive $0xFFFF  }
0x36b: {  	_ =	shalt  }

</sc_bundles>
